<compile_context>
chip_gen: v7x
topology: tpu7x:2x2x1
jax: 0.10.2.dev20260603
libtpu: 0.0.44.dev20260713+nightly
codegen_flags: <defaults>
</compile_context>

<pallas_src>
import functools
import math

import jax
import jax.numpy as jnp
from jax import lax
from jax.experimental import pallas as pl
from jax.experimental.pallas import tpu as pltpu
from jax.experimental.pallas import tpu_sc as plsc

MAX_DIST = 10.0
GRID_RESOLUTION = 1.0
BOX = int(math.ceil(2 * MAX_DIST / GRID_RESOLUTION + 1))
NCELL = BOX * BOX * BOX
NROW = 9344
DUMMY = NCELL
CHUNK = 256
NPG = 8
NSLAB = 4
FS = 8
MAGIC = 12582912.0


def _sc_scatter(xs, ys, zs, ftf, n, f):
  nfull = n // CHUNK
  tail = n - nfull * CHUNK
  assert tail % 16 == 0 and CHUNK % 16 == 0
  tail_pg = nfull % NPG
  max_m = (nfull + NPG - 1) // NPG
  npair = (max_m + 1) // 2
  mesh = plsc.VectorSubcoreMesh(core_axis_name="c", subcore_axis_name="s")

  @functools.partial(
      pl.kernel,
      out_type=jax.ShapeDtypeStruct((NPG, f, NROW), jnp.float32),
      mesh=mesh,
      scratch_types=[
          pltpu.VMEM((CHUNK,), jnp.float32),
          pltpu.VMEM((CHUNK,), jnp.float32),
          pltpu.VMEM((CHUNK,), jnp.float32),
          pltpu.VMEM((FS * CHUNK,), jnp.float32),
          pltpu.VMEM((CHUNK,), jnp.float32),
          pltpu.VMEM((CHUNK,), jnp.float32),
          pltpu.VMEM((CHUNK,), jnp.float32),
          pltpu.VMEM((FS * CHUNK,), jnp.float32),
          pltpu.VMEM((FS, NROW), jnp.float32),
          pltpu.SemaphoreType.DMA,
          pltpu.SemaphoreType.DMA,
      ],
      compiler_params=pltpu.CompilerParams(needs_layout_passes=False),
  )
  def k(xs_h, ys_h, zs_h, ftf_h, out_h, xb0, yb0, zb0, fb0, xb1, yb1, zb1,
        fb1, slab, sem0, sem1):
    cid = lax.axis_index("c")
    sid = lax.axis_index("s")
    wid = cid * 16 + sid
    s = wid // NPG
    pg = wid % NPG
    col0 = s * FS

    kkvecs = [jnp.full((16,), kk, jnp.int32) for kk in range(FS)]
    bufs = ((xb0, yb0, zb0, fb0, sem0), (xb1, yb1, zb1, fb1, sem1))
    m = (nfull - pg + NPG - 1) // NPG

    def start(kc, b):
      xb, yb, zb, fb, sem = bufs[b]
      base = (pg + kc * NPG) * CHUNK
      pltpu.async_copy(xs_h.at[pl.ds(base, CHUNK)], xb, sem)
      pltpu.async_copy(ys_h.at[pl.ds(base, CHUNK)], yb, sem)
      pltpu.async_copy(zs_h.at[pl.ds(base, CHUNK)], zb, sem)
      for kk in range(FS):
        pltpu.async_copy(ftf_h.at[pl.ds((col0 + kk) * n + base, CHUNK)],
                         fb.at[pl.ds(kk * CHUNK, CHUNK)], sem)

    def wait(b):
      xb, yb, zb, fb, sem = bufs[b]
      pltpu.make_async_copy(xs_h.at[pl.ds(0, CHUNK)], xb, sem).wait()
      pltpu.make_async_copy(ys_h.at[pl.ds(0, CHUNK)], yb, sem).wait()
      pltpu.make_async_copy(zs_h.at[pl.ds(0, CHUNK)], zb, sem).wait()
      for kk in range(FS):
        pltpu.make_async_copy(ftf_h.at[pl.ds(0, CHUNK)],
                              fb.at[pl.ds(kk * CHUNK, CHUNK)], sem).wait()

    def step(b, j):
      xb, yb, zb, fb, _ = bufs[b]
      x = xb[pl.ds(j * 16, 16)]
      y = yb[pl.ds(j * 16, 16)]
      z = zb[pl.ds(j * 16, 16)]
      rx = ((x + MAX_DIST) + MAGIC) - MAGIC
      ry = ((y + MAX_DIST) + MAGIC) - MAGIC
      rz = ((z + MAX_DIST) + MAGIC) - MAGIC
      cx = jnp.minimum(jnp.maximum(rx, 0.0), float(BOX - 1))
      cy = jnp.minimum(jnp.maximum(ry, 0.0), float(BOX - 1))
      cz = jnp.minimum(jnp.maximum(rz, 0.0), float(BOX - 1))
      ok = (rx == cx) & (ry == cy) & (rz == cz)
      cell = (cx * float(BOX * BOX) + cy * float(BOX) + cz).astype(jnp.int32)
      sidx = jnp.where(ok, cell, DUMMY)
      for kk in range(FS):
        val = fb[pl.ds(kk * CHUNK + j * 16, 16)]
        plsc.addupdate_scatter(slab, [kkvecs[kk], sidx], val)

    def compute(b):
      for j in range(CHUNK // 16):
        step(b, j)

    start(jnp.int32(0), 0)

    zeros16 = jnp.zeros((16,), jnp.float32)

    def zrow(i, carry):
      for kk in range(FS):
        slab[kk, pl.ds(i * 16, 16)] = zeros16
      return carry

    lax.fori_loop(0, NROW // 16, zrow, 0)

    def body(g, carry):
      k0 = g * 2
      k1 = k0 + 1

      @pl.when(k1 < m)
      def _():
        start(k1, 1)

      @pl.when(k0 < m)
      def _():
        wait(0)
        compute(0)

      @pl.when(k0 + 2 < m)
      def _():
        start(k0 + 2, 0)

      @pl.when(k1 < m)
      def _():
        wait(1)
        compute(1)

      return carry

    lax.fori_loop(0, npair, body, 0)

    if tail:
      base = n - CHUNK

      @pl.when(pg == tail_pg)
      def _():
        xb, yb, zb, fb, _ = bufs[0]
        pltpu.sync_copy(xs_h.at[pl.ds(base, CHUNK)], xb)
        pltpu.sync_copy(ys_h.at[pl.ds(base, CHUNK)], yb)
        pltpu.sync_copy(zs_h.at[pl.ds(base, CHUNK)], zb)
        for kk in range(FS):
          pltpu.sync_copy(ftf_h.at[pl.ds((col0 + kk) * n + base, CHUNK)],
                          fb.at[pl.ds(kk * CHUNK, CHUNK)])
        for j in range((CHUNK - tail) // 16, CHUNK // 16):
          step(0, j)

    pltpu.sync_copy(slab, out_h.at[pg, pl.ds(col0, FS), :])

  return k(xs, ys, zs, ftf)


def _combine_body(p_ref, o_ref):
  a = p_ref[0]
  for pg in range(1, NPG):
    a = a + p_ref[pg]
  o_ref[...] = a.T


def kernel(coords, features):
  b, n, _ = coords.shape
  f = features.shape[2]
  xs = coords[0, :, 0]
  ys = coords[0, :, 1]
  zs = coords[0, :, 2]
  ftf = features[0].T.reshape(f * n)
  partials = _sc_scatter(xs, ys, zs, ftf, n, f)
  summed = pl.pallas_call(
      _combine_body,
      out_shape=jax.ShapeDtypeStruct((NROW, f), jnp.float32),
  )(partials)
  return summed[:NCELL].reshape(b, BOX, BOX, BOX, f)

# --- scband reference (transcript-rebuilt; emitter-appended) ---
"""Pipeline reference for scband-make-grid-23063974379611 (READ-ONLY COPY).

The authoritative reference and input builder live on the scoring server;
editing this copy changes nothing except your own understanding.
"""

import jax, jax.numpy as jnp
import numpy as np
import math

MAX_DIST = 10.0
GRID_RESOLUTION = 1.0
BOX_SIZE = int(math.ceil(2 * MAX_DIST / GRID_RESOLUTION + 1))  # 21


def setup_inputs(seed: int = 0) -> dict:
    key = jax.random.key(seed)
    k1, k2 = jax.random.split(key)
    # coords ~ randn scaled so most points land in the [-10, 10] box but some fall outside
    coords = jax.random.normal(k1, (1, 1000000, 3), dtype=jnp.float32) * 4.0
    features = jax.random.normal(k2, (1, 1000000, 32), dtype=jnp.float32)
    return {"coords": coords, "features": features}


def reference(coords, features):
    B = features.shape[0]
    F = features.shape[2]
    grid_coords = (coords + MAX_DIST) / GRID_RESOLUTION
    grid_coords = jnp.round(grid_coords).astype(jnp.int32)  # [B, N, 3]
    # in-box mask; original squeezes over batch (batch must be 1)
    in_box = jnp.all((grid_coords >= 0) & (grid_coords < BOX_SIZE), axis=2)  # [B, N]
    in_box_sq = jnp.squeeze(in_box, axis=0)  # [N]
    mask = in_box_sq[None, :, None]
    # boolean_mask + scatter_nd (additive) == zero-out masked updates and route
    # their indices to a safe slot (adding zeros leaves the grid unchanged)
    feats_masked = jnp.where(mask, features, jnp.zeros_like(features))
    gc = jnp.clip(grid_coords, 0, BOX_SIZE - 1)
    gc = jnp.where(mask, gc, jnp.zeros_like(gc))
    b_idx = jnp.zeros(gc.shape[:2], dtype=jnp.int32)  # original hardcodes batch index 0
    grid = jnp.zeros((B, BOX_SIZE, BOX_SIZE, BOX_SIZE, F), dtype=features.dtype)
    grid = grid.at[b_idx, gc[..., 0], gc[..., 1], gc[..., 2]].add(feats_masked)
    return grid

if __name__ == "__main__":
    import jax
    _d = setup_inputs()
    print(jax.jit(kernel)(*tuple(_d.values())))

</pallas_src>

<mosaic_0001>
#map = affine_map<(d0, d1) -> (0)>
#map1 = affine_map<(d0, d1) -> (0, 0, 0)>
module attributes {stable_mosaic.version = 14 : i64} {
  func.func @k(%arg0: i32, %arg1: i32, %arg2: memref<1000000xf32, #tpu.memory_space<hbm>>, %arg3: memref<1000000xf32, #tpu.memory_space<hbm>>, %arg4: memref<1000000xf32, #tpu.memory_space<hbm>>, %arg5: memref<32000000xf32, #tpu.memory_space<hbm>>, %arg6: memref<8x32x9344xf32, #tpu.memory_space<hbm>>, %arg7: memref<256xf32, #tpu.memory_space<vmem>>, %arg8: memref<256xf32, #tpu.memory_space<vmem>>, %arg9: memref<256xf32, #tpu.memory_space<vmem>>, %arg10: memref<2048xf32, #tpu.memory_space<vmem>>, %arg11: memref<256xf32, #tpu.memory_space<vmem>>, %arg12: memref<256xf32, #tpu.memory_space<vmem>>, %arg13: memref<256xf32, #tpu.memory_space<vmem>>, %arg14: memref<2048xf32, #tpu.memory_space<vmem>>, %arg15: memref<8x9344xf32, #tpu.memory_space<vmem>>, %arg16: memref<!tpu.dma_semaphore, #tpu.memory_space<semaphore_mem>>, %arg17: memref<!tpu.dma_semaphore, #tpu.memory_space<semaphore_mem>>) attributes {dimension_semantics = [#tpu.dimension_semantics<core_parallel>, #tpu.dimension_semantics<subcore_parallel>], iteration_bounds = array<i64: 2, 16>, scalar_prefetch = 0 : i64, scratch_operands = 11 : i64, tpu.core_type = #tpu.core_type<sc_vector_subcore>, window_params = [{transform_indices = #map}, {transform_indices = #map}, {transform_indices = #map}, {transform_indices = #map}, {transform_indices = #map1}]} {
    %mul3A = arith.constant 16 : i32
    %mul3A_0 = arith.muli %arg0, %mul3A : i32
    %add3A = arith.addi %mul3A_0, %arg1 : i32
    %jit3A = arith.constant 8 : i32
    %div3A = arith.divsi %add3A, %jit3A : i32
    %sign3A = arith.constant 0 : i32
    %sign3A_1 = arith.cmpi sgt, %add3A, %sign3A : i32
    %sign3A_2 = arith.extui %sign3A_1 : i1 to i32
    %sign3A_3 = arith.constant 0 : i32
    %sign3A_4 = arith.cmpi slt, %add3A, %sign3A_3 : i32
    %sign3A_5 = arith.extui %sign3A_4 : i1 to i32
    %sign3A_6 = arith.subi %sign3A_2, %sign3A_5 : i32
    %sign3A_7 = arith.constant 0 : i32
    %sign3A_8 = arith.cmpi sgt, %jit3A, %sign3A_7 : i32
    %sign3A_9 = arith.extui %sign3A_8 : i1 to i32
    %sign3A_10 = arith.constant 0 : i32
    %sign3A_11 = arith.cmpi slt, %jit3A, %sign3A_10 : i32
    %sign3A_12 = arith.extui %sign3A_11 : i1 to i32
    %sign3A_13 = arith.subi %sign3A_9, %sign3A_12 : i32
    %ne3A = arith.cmpi ne, %sign3A_6, %sign3A_13 : i32
    %rem3A = arith.remsi %add3A, %jit3A : i32
    %ne3A_14 = arith.constant 0 : i32
    %ne3A_15 = arith.cmpi ne, %rem3A, %ne3A_14 : i32
    %and3A = arith.andi %ne3A, %ne3A_15 : i1
    %sub3A = arith.constant 1 : i32
    %sub3A_16 = arith.subi %div3A, %sub3A : i32
    %select_n3A = arith.select %and3A, %sub3A_16, %div3A : i32
    %jit3A_17 = arith.constant 8 : i32
    %eq3A = arith.constant 0 : i32
    %eq3A_18 = arith.cmpi eq, %jit3A_17, %eq3A : i32
    %jit3A_19 = arith.constant 1 : i32
    %select_n3A_20 = arith.select %eq3A_18, %jit3A_19, %jit3A_17 : i32
    %rem3A_21 = arith.remsi %add3A, %select_n3A_20 : i32
    %ne3A_22 = arith.constant 0 : i32
    %ne3A_23 = arith.cmpi ne, %rem3A_21, %ne3A_22 : i32
    %lt3A = arith.constant 0 : i32
    %lt3A_24 = arith.cmpi slt, %rem3A_21, %lt3A : i32
    %lt3A_25 = arith.constant 0 : i32
    %lt3A_26 = arith.cmpi slt, %select_n3A_20, %lt3A_25 : i32
    %ne3A_27 = arith.xori %lt3A_24, %lt3A_26 : i1
    %and3A_28 = arith.andi %ne3A_27, %ne3A_23 : i1
    %add3A_29 = arith.addi %rem3A_21, %select_n3A_20 : i32
    %select_n3A_30 = arith.select %and3A_28, %add3A_29, %rem3A_21 : i32
    %mul3A_31 = arith.constant 8 : i32
    %mul3A_32 = arith.muli %select_n3A, %mul3A_31 : i32
    %broadcast_in_dim3A = arith.constant 0 : i32
    %broadcast_in_dim3A_33 = vector.broadcast %broadcast_in_dim3A : i32 to vector<16xi32>
    %broadcast_in_dim3A_34 = arith.constant 1 : i32
    %broadcast_in_dim3A_35 = vector.broadcast %broadcast_in_dim3A_34 : i32 to vector<16xi32>
    %broadcast_in_dim3A_36 = arith.constant 2 : i32
    %broadcast_in_dim3A_37 = vector.broadcast %broadcast_in_dim3A_36 : i32 to vector<16xi32>
    %broadcast_in_dim3A_38 = arith.constant 3 : i32
    %broadcast_in_dim3A_39 = vector.broadcast %broadcast_in_dim3A_38 : i32 to vector<16xi32>
    %broadcast_in_dim3A_40 = arith.constant 4 : i32
    %broadcast_in_dim3A_41 = vector.broadcast %broadcast_in_dim3A_40 : i32 to vector<16xi32>
    %broadcast_in_dim3A_42 = arith.constant 5 : i32
    %broadcast_in_dim3A_43 = vector.broadcast %broadcast_in_dim3A_42 : i32 to vector<16xi32>
    %broadcast_in_dim3A_44 = arith.constant 6 : i32
    %broadcast_in_dim3A_45 = vector.broadcast %broadcast_in_dim3A_44 : i32 to vector<16xi32>
    %broadcast_in_dim3A_46 = arith.constant 7 : i32
    %broadcast_in_dim3A_47 = vector.broadcast %broadcast_in_dim3A_46 : i32 to vector<16xi32>
    %sub3A_48 = arith.constant 3906 : i32
    %sub3A_49 = arith.subi %sub3A_48, %select_n3A_30 : i32
    %add3A_50 = arith.constant 8 : i32
    %add3A_51 = arith.addi %sub3A_49, %add3A_50 : i32
    %sub3A_52 = arith.constant 1 : i32
    %sub3A_53 = arith.subi %add3A_51, %sub3A_52 : i32
    %jit3A_54 = arith.constant 8 : i32
    %div3A_55 = arith.divsi %sub3A_53, %jit3A_54 : i32
    %sign3A_56 = arith.constant 0 : i32
    %sign3A_57 = arith.cmpi sgt, %sub3A_53, %sign3A_56 : i32
    %sign3A_58 = arith.extui %sign3A_57 : i1 to i32
    %sign3A_59 = arith.constant 0 : i32
    %sign3A_60 = arith.cmpi slt, %sub3A_53, %sign3A_59 : i32
    %sign3A_61 = arith.extui %sign3A_60 : i1 to i32
    %sign3A_62 = arith.subi %sign3A_58, %sign3A_61 : i32
    %sign3A_63 = arith.constant 0 : i32
    %sign3A_64 = arith.cmpi sgt, %jit3A_54, %sign3A_63 : i32
    %sign3A_65 = arith.extui %sign3A_64 : i1 to i32
    %sign3A_66 = arith.constant 0 : i32
    %sign3A_67 = arith.cmpi slt, %jit3A_54, %sign3A_66 : i32
    %sign3A_68 = arith.extui %sign3A_67 : i1 to i32
    %sign3A_69 = arith.subi %sign3A_65, %sign3A_68 : i32
    %ne3A_70 = arith.cmpi ne, %sign3A_62, %sign3A_69 : i32
    %rem3A_71 = arith.remsi %sub3A_53, %jit3A_54 : i32
    %ne3A_72 = arith.constant 0 : i32
    %ne3A_73 = arith.cmpi ne, %rem3A_71, %ne3A_72 : i32
    %and3A_74 = arith.andi %ne3A_70, %ne3A_73 : i1
    %sub3A_75 = arith.constant 1 : i32
    %sub3A_76 = arith.subi %div3A_55, %sub3A_75 : i32
    %select_n3A_77 = arith.select %and3A_74, %sub3A_76, %div3A_55 : i32
    %mul3A_78 = arith.constant 0 : i32
    %mul3A_79 = arith.constant 8 : i32
    %mul3A_80 = arith.muli %mul3A_78, %mul3A_79 : i32
    %add3A_81 = arith.addi %select_n3A_30, %mul3A_80 : i32
    %mul3A_82 = arith.constant 256 : i32
    %mul3A_83 = arith.muli %add3A_81, %mul3A_82 : i32
    %dma_start3A = tpu.memref_slice %arg2[%mul3A_83] : memref<1000000xf32, #tpu.memory_space<hbm>> -> memref<256xf32, #tpu.memory_space<hbm>>
    %dma_start3A_84 = tpu.memref_slice %arg2[%mul3A_83] : memref<1000000xf32, #tpu.memory_space<hbm>> -> memref<256xf32, #tpu.memory_space<hbm>>
    tpu.enqueue_dma source(%dma_start3A_84 : memref<256xf32, #tpu.memory_space<hbm>>) target(%arg7 : memref<256xf32, #tpu.memory_space<vmem>>) target_semaphore(%arg16 : memref<!tpu.dma_semaphore, #tpu.memory_space<semaphore_mem>>)
    %dma_start3A_85 = tpu.memref_slice %arg3[%mul3A_83] : memref<1000000xf32, #tpu.memory_space<hbm>> -> memref<256xf32, #tpu.memory_space<hbm>>
    %dma_start3A_86 = tpu.memref_slice %arg3[%mul3A_83] : memref<1000000xf32, #tpu.memory_space<hbm>> -> memref<256xf32, #tpu.memory_space<hbm>>
    tpu.enqueue_dma source(%dma_start3A_86 : memref<256xf32, #tpu.memory_space<hbm>>) target(%arg8 : memref<256xf32, #tpu.memory_space<vmem>>) target_semaphore(%arg16 : memref<!tpu.dma_semaphore, #tpu.memory_space<semaphore_mem>>)
    %dma_start3A_87 = tpu.memref_slice %arg4[%mul3A_83] : memref<1000000xf32, #tpu.memory_space<hbm>> -> memref<256xf32, #tpu.memory_space<hbm>>
    %dma_start3A_88 = tpu.memref_slice %arg4[%mul3A_83] : memref<1000000xf32, #tpu.memory_space<hbm>> -> memref<256xf32, #tpu.memory_space<hbm>>
    tpu.enqueue_dma source(%dma_start3A_88 : memref<256xf32, #tpu.memory_space<hbm>>) target(%arg9 : memref<256xf32, #tpu.memory_space<vmem>>) target_semaphore(%arg16 : memref<!tpu.dma_semaphore, #tpu.memory_space<semaphore_mem>>)
    %add3A_89 = arith.constant 0 : i32
    %add3A_90 = arith.addi %mul3A_32, %add3A_89 : i32
    %mul3A_91 = arith.constant 1000000 : i32
    %mul3A_92 = arith.muli %add3A_90, %mul3A_91 : i32
    %add3A_93 = arith.addi %mul3A_92, %mul3A_83 : i32
    %dma_start3A_94 = arith.constant 0 : i32
    %dma_start3A_95 = tpu.memref_slice %arg10[%dma_start3A_94] : memref<2048xf32, #tpu.memory_space<vmem>> -> memref<256xf32, #tpu.memory_space<vmem>>
    %dma_start3A_96 = tpu.memref_slice %arg5[%add3A_93] : memref<32000000xf32, #tpu.memory_space<hbm>> -> memref<256xf32, #tpu.memory_space<hbm>>
    %dma_start3A_97 = arith.constant 0 : i32
    %dma_start3A_98 = tpu.memref_slice %arg10[%dma_start3A_97] : memref<2048xf32, #tpu.memory_space<vmem>> -> memref<256xf32, #tpu.memory_space<vmem>>
    %dma_start3A_99 = tpu.memref_slice %arg5[%add3A_93] : memref<32000000xf32, #tpu.memory_space<hbm>> -> memref<256xf32, #tpu.memory_space<hbm>>
    tpu.enqueue_dma source(%dma_start3A_99 : memref<256xf32, #tpu.memory_space<hbm>>) target(%dma_start3A_98 : memref<256xf32, #tpu.memory_space<vmem>>) target_semaphore(%arg16 : memref<!tpu.dma_semaphore, #tpu.memory_space<semaphore_mem>>)
    %add3A_100 = arith.constant 1 : i32
    %add3A_101 = arith.addi %mul3A_32, %add3A_100 : i32
    %mul3A_102 = arith.constant 1000000 : i32
    %mul3A_103 = arith.muli %add3A_101, %mul3A_102 : i32
    %add3A_104 = arith.addi %mul3A_103, %mul3A_83 : i32
    %dma_start3A_105 = arith.constant 256 : i32
    %dma_start3A_106 = tpu.memref_slice %arg10[%dma_start3A_105] : memref<2048xf32, #tpu.memory_space<vmem>> -> memref<256xf32, #tpu.memory_space<vmem>>
    %dma_start3A_107 = tpu.memref_slice %arg5[%add3A_104] : memref<32000000xf32, #tpu.memory_space<hbm>> -> memref<256xf32, #tpu.memory_space<hbm>>
    %dma_start3A_108 = arith.constant 256 : i32
    %dma_start3A_109 = tpu.memref_slice %arg10[%dma_start3A_108] : memref<2048xf32, #tpu.memory_space<vmem>> -> memref<256xf32, #tpu.memory_space<vmem>>
    %dma_start3A_110 = tpu.memref_slice %arg5[%add3A_104] : memref<32000000xf32, #tpu.memory_space<hbm>> -> memref<256xf32, #tpu.memory_space<hbm>>
    tpu.enqueue_dma source(%dma_start3A_110 : memref<256xf32, #tpu.memory_space<hbm>>) target(%dma_start3A_109 : memref<256xf32, #tpu.memory_space<vmem>>) target_semaphore(%arg16 : memref<!tpu.dma_semaphore, #tpu.memory_space<semaphore_mem>>)
    %add3A_111 = arith.constant 2 : i32
    %add3A_112 = arith.addi %mul3A_32, %add3A_111 : i32
    %mul3A_113 = arith.constant 1000000 : i32
    %mul3A_114 = arith.muli %add3A_112, %mul3A_113 : i32
    %add3A_115 = arith.addi %mul3A_114, %mul3A_83 : i32
    %dma_start3A_116 = arith.constant 512 : i32
    %dma_start3A_117 = tpu.memref_slice %arg10[%dma_start3A_116] : memref<2048xf32, #tpu.memory_space<vmem>> -> memref<256xf32, #tpu.memory_space<vmem>>
    %dma_start3A_118 = tpu.memref_slice %arg5[%add3A_115] : memref<32000000xf32, #tpu.memory_space<hbm>> -> memref<256xf32, #tpu.memory_space<hbm>>
    %dma_start3A_119 = arith.constant 512 : i32
    %dma_start3A_120 = tpu.memref_slice %arg10[%dma_start3A_119] : memref<2048xf32, #tpu.memory_space<vmem>> -> memref<256xf32, #tpu.memory_space<vmem>>
    %dma_start3A_121 = tpu.memref_slice %arg5[%add3A_115] : memref<32000000xf32, #tpu.memory_space<hbm>> -> memref<256xf32, #tpu.memory_space<hbm>>
    tpu.enqueue_dma source(%dma_start3A_121 : memref<256xf32, #tpu.memory_space<hbm>>) target(%dma_start3A_120 : memref<256xf32, #tpu.memory_space<vmem>>) target_semaphore(%arg16 : memref<!tpu.dma_semaphore, #tpu.memory_space<semaphore_mem>>)
    %add3A_122 = arith.constant 3 : i32
    %add3A_123 = arith.addi %mul3A_32, %add3A_122 : i32
    %mul3A_124 = arith.constant 1000000 : i32
    %mul3A_125 = arith.muli %add3A_123, %mul3A_124 : i32
    %add3A_126 = arith.addi %mul3A_125, %mul3A_83 : i32
    %dma_start3A_127 = arith.constant 768 : i32
    %dma_start3A_128 = tpu.memref_slice %arg10[%dma_start3A_127] : memref<2048xf32, #tpu.memory_space<vmem>> -> memref<256xf32, #tpu.memory_space<vmem>>
    %dma_start3A_129 = tpu.memref_slice %arg5[%add3A_126] : memref<32000000xf32, #tpu.memory_space<hbm>> -> memref<256xf32, #tpu.memory_space<hbm>>
    %dma_start3A_130 = arith.constant 768 : i32
    %dma_start3A_131 = tpu.memref_slice %arg10[%dma_start3A_130] : memref<2048xf32, #tpu.memory_space<vmem>> -> memref<256xf32, #tpu.memory_space<vmem>>
    %dma_start3A_132 = tpu.memref_slice %arg5[%add3A_126] : memref<32000000xf32, #tpu.memory_space<hbm>> -> memref<256xf32, #tpu.memory_space<hbm>>
    tpu.enqueue_dma source(%dma_start3A_132 : memref<256xf32, #tpu.memory_space<hbm>>) target(%dma_start3A_131 : memref<256xf32, #tpu.memory_space<vmem>>) target_semaphore(%arg16 : memref<!tpu.dma_semaphore, #tpu.memory_space<semaphore_mem>>)
    %add3A_133 = arith.constant 4 : i32
    %add3A_134 = arith.addi %mul3A_32, %add3A_133 : i32
    %mul3A_135 = arith.constant 1000000 : i32
    %mul3A_136 = arith.muli %add3A_134, %mul3A_135 : i32
    %add3A_137 = arith.addi %mul3A_136, %mul3A_83 : i32
    %dma_start3A_138 = arith.constant 1024 : i32
    %dma_start3A_139 = tpu.memref_slice %arg10[%dma_start3A_138] : memref<2048xf32, #tpu.memory_space<vmem>> -> memref<256xf32, #tpu.memory_space<vmem>>
    %dma_start3A_140 = tpu.memref_slice %arg5[%add3A_137] : memref<32000000xf32, #tpu.memory_space<hbm>> -> memref<256xf32, #tpu.memory_space<hbm>>
    %dma_start3A_141 = arith.constant 1024 : i32
    %dma_start3A_142 = tpu.memref_slice %arg10[%dma_start3A_141] : memref<2048xf32, #tpu.memory_space<vmem>> -> memref<256xf32, #tpu.memory_space<vmem>>
    %dma_start3A_143 = tpu.memref_slice %arg5[%add3A_137] : memref<32000000xf32, #tpu.memory_space<hbm>> -> memref<256xf32, #tpu.memory_space<hbm>>
    tpu.enqueue_dma source(%dma_start3A_143 : memref<256xf32, #tpu.memory_space<hbm>>) target(%dma_start3A_142 : memref<256xf32, #tpu.memory_space<vmem>>) target_semaphore(%arg16 : memref<!tpu.dma_semaphore, #tpu.memory_space<semaphore_mem>>)
    %add3A_144 = arith.constant 5 : i32
    %add3A_145 = arith.addi %mul3A_32, %add3A_144 : i32
    %mul3A_146 = arith.constant 1000000 : i32
    %mul3A_147 = arith.muli %add3A_145, %mul3A_146 : i32
    %add3A_148 = arith.addi %mul3A_147, %mul3A_83 : i32
    %dma_start3A_149 = arith.constant 1280 : i32
    %dma_start3A_150 = tpu.memref_slice %arg10[%dma_start3A_149] : memref<2048xf32, #tpu.memory_space<vmem>> -> memref<256xf32, #tpu.memory_space<vmem>>
    %dma_start3A_151 = tpu.memref_slice %arg5[%add3A_148] : memref<32000000xf32, #tpu.memory_space<hbm>> -> memref<256xf32, #tpu.memory_space<hbm>>
    %dma_start3A_152 = arith.constant 1280 : i32
    %dma_start3A_153 = tpu.memref_slice %arg10[%dma_start3A_152] : memref<2048xf32, #tpu.memory_space<vmem>> -> memref<256xf32, #tpu.memory_space<vmem>>
    %dma_start3A_154 = tpu.memref_slice %arg5[%add3A_148] : memref<32000000xf32, #tpu.memory_space<hbm>> -> memref<256xf32, #tpu.memory_space<hbm>>
    tpu.enqueue_dma source(%dma_start3A_154 : memref<256xf32, #tpu.memory_space<hbm>>) target(%dma_start3A_153 : memref<256xf32, #tpu.memory_space<vmem>>) target_semaphore(%arg16 : memref<!tpu.dma_semaphore, #tpu.memory_space<semaphore_mem>>)
    %add3A_155 = arith.constant 6 : i32
    %add3A_156 = arith.addi %mul3A_32, %add3A_155 : i32
    %mul3A_157 = arith.constant 1000000 : i32
    %mul3A_158 = arith.muli %add3A_156, %mul3A_157 : i32
    %add3A_159 = arith.addi %mul3A_158, %mul3A_83 : i32
    %dma_start3A_160 = arith.constant 1536 : i32
    %dma_start3A_161 = tpu.memref_slice %arg10[%dma_start3A_160] : memref<2048xf32, #tpu.memory_space<vmem>> -> memref<256xf32, #tpu.memory_space<vmem>>
    %dma_start3A_162 = tpu.memref_slice %arg5[%add3A_159] : memref<32000000xf32, #tpu.memory_space<hbm>> -> memref<256xf32, #tpu.memory_space<hbm>>
    %dma_start3A_163 = arith.constant 1536 : i32
    %dma_start3A_164 = tpu.memref_slice %arg10[%dma_start3A_163] : memref<2048xf32, #tpu.memory_space<vmem>> -> memref<256xf32, #tpu.memory_space<vmem>>
    %dma_start3A_165 = tpu.memref_slice %arg5[%add3A_159] : memref<32000000xf32, #tpu.memory_space<hbm>> -> memref<256xf32, #tpu.memory_space<hbm>>
    tpu.enqueue_dma source(%dma_start3A_165 : memref<256xf32, #tpu.memory_space<hbm>>) target(%dma_start3A_164 : memref<256xf32, #tpu.memory_space<vmem>>) target_semaphore(%arg16 : memref<!tpu.dma_semaphore, #tpu.memory_space<semaphore_mem>>)
    %add3A_166 = arith.constant 7 : i32
    %add3A_167 = arith.addi %mul3A_32, %add3A_166 : i32
    %mul3A_168 = arith.constant 1000000 : i32
    %mul3A_169 = arith.muli %add3A_167, %mul3A_168 : i32
    %add3A_170 = arith.addi %mul3A_169, %mul3A_83 : i32
    %dma_start3A_171 = arith.constant 1792 : i32
    %dma_start3A_172 = tpu.memref_slice %arg10[%dma_start3A_171] : memref<2048xf32, #tpu.memory_space<vmem>> -> memref<256xf32, #tpu.memory_space<vmem>>
    %dma_start3A_173 = tpu.memref_slice %arg5[%add3A_170] : memref<32000000xf32, #tpu.memory_space<hbm>> -> memref<256xf32, #tpu.memory_space<hbm>>
    %dma_start3A_174 = arith.constant 1792 : i32
    %dma_start3A_175 = tpu.memref_slice %arg10[%dma_start3A_174] : memref<2048xf32, #tpu.memory_space<vmem>> -> memref<256xf32, #tpu.memory_space<vmem>>
    %dma_start3A_176 = tpu.memref_slice %arg5[%add3A_170] : memref<32000000xf32, #tpu.memory_space<hbm>> -> memref<256xf32, #tpu.memory_space<hbm>>
    tpu.enqueue_dma source(%dma_start3A_176 : memref<256xf32, #tpu.memory_space<hbm>>) target(%dma_start3A_175 : memref<256xf32, #tpu.memory_space<vmem>>) target_semaphore(%arg16 : memref<!tpu.dma_semaphore, #tpu.memory_space<semaphore_mem>>)
    %broadcast_in_dim3A_177 = arith.constant 0.000000e+00 : f32
    %broadcast_in_dim3A_178 = vector.broadcast %broadcast_in_dim3A_177 : f32 to vector<16xf32>
    %scan3A = arith.constant 0 : i32
    %scan3A_179 = arith.constant 0 : i32
    %scan3A_180 = arith.constant 584 : i32
    %scan3A_181 = arith.addi %scan3A_179, %scan3A_180 : i32
    %scan3A_182 = arith.constant 1 : i32
    scf.for %scan3A_193 = %scan3A_179 to %scan3A_181 step %scan3A_182  : i32 {
      %mul3A_194 = arith.constant 16 : i32
      %mul3A_195 = arith.muli %scan3A_193, %mul3A_194 : i32
      %swap3A = arith.constant 0 : i32
      %swap3A_196 = arith.index_cast %swap3A : i32 to index
      %swap3A_197 = arith.index_cast %mul3A_195 : i32 to index
      %swap3A_198 = tpu.vector_load %arg15[%swap3A_196, %swap3A_197] {strides = array<i32>} : memref<8x9344xf32, #tpu.memory_space<vmem>>, vector<16xf32>,
      tpu.vector_store %arg15[%swap3A_196, %swap3A_197], %broadcast_in_dim3A_178 {strides = array<i32>} : memref<8x9344xf32, #tpu.memory_space<vmem>>, vector<16xf32>,
      %mul3A_199 = arith.constant 16 : i32
      %mul3A_200 = arith.muli %scan3A_193, %mul3A_199 : i32
      %swap3A_201 = arith.constant 1 : i32
      %swap3A_202 = arith.index_cast %swap3A_201 : i32 to index
      %swap3A_203 = arith.index_cast %mul3A_200 : i32 to index
      %swap3A_204 = tpu.vector_load %arg15[%swap3A_202, %swap3A_203] {strides = array<i32>} : memref<8x9344xf32, #tpu.memory_space<vmem>>, vector<16xf32>,
      tpu.vector_store %arg15[%swap3A_202, %swap3A_203], %broadcast_in_dim3A_178 {strides = array<i32>} : memref<8x9344xf32, #tpu.memory_space<vmem>>, vector<16xf32>,
      %mul3A_205 = arith.constant 16 : i32
      %mul3A_206 = arith.muli %scan3A_193, %mul3A_205 : i32
      %swap3A_207 = arith.constant 2 : i32
      %swap3A_208 = arith.index_cast %swap3A_207 : i32 to index
      %swap3A_209 = arith.index_cast %mul3A_206 : i32 to index
      %swap3A_210 = tpu.vector_load %arg15[%swap3A_208, %swap3A_209] {strides = array<i32>} : memref<8x9344xf32, #tpu.memory_space<vmem>>, vector<16xf32>,
      tpu.vector_store %arg15[%swap3A_208, %swap3A_209], %broadcast_in_dim3A_178 {strides = array<i32>} : memref<8x9344xf32, #tpu.memory_space<vmem>>, vector<16xf32>,
      %mul3A_211 = arith.constant 16 : i32
      %mul3A_212 = arith.muli %scan3A_193, %mul3A_211 : i32
      %swap3A_213 = arith.constant 3 : i32
      %swap3A_214 = arith.index_cast %swap3A_213 : i32 to index
      %swap3A_215 = arith.index_cast %mul3A_212 : i32 to index
      %swap3A_216 = tpu.vector_load %arg15[%swap3A_214, %swap3A_215] {strides = array<i32>} : memref<8x9344xf32, #tpu.memory_space<vmem>>, vector<16xf32>,
      tpu.vector_store %arg15[%swap3A_214, %swap3A_215], %broadcast_in_dim3A_178 {strides = array<i32>} : memref<8x9344xf32, #tpu.memory_space<vmem>>, vector<16xf32>,
      %mul3A_217 = arith.constant 16 : i32
      %mul3A_218 = arith.muli %scan3A_193, %mul3A_217 : i32
      %swap3A_219 = arith.constant 4 : i32
      %swap3A_220 = arith.index_cast %swap3A_219 : i32 to index
      %swap3A_221 = arith.index_cast %mul3A_218 : i32 to index
      %swap3A_222 = tpu.vector_load %arg15[%swap3A_220, %swap3A_221] {strides = array<i32>} : memref<8x9344xf32, #tpu.memory_space<vmem>>, vector<16xf32>,
      tpu.vector_store %arg15[%swap3A_220, %swap3A_221], %broadcast_in_dim3A_178 {strides = array<i32>} : memref<8x9344xf32, #tpu.memory_space<vmem>>, vector<16xf32>,
      %mul3A_223 = arith.constant 16 : i32
      %mul3A_224 = arith.muli %scan3A_193, %mul3A_223 : i32
      %swap3A_225 = arith.constant 5 : i32
      %swap3A_226 = arith.index_cast %swap3A_225 : i32 to index
      %swap3A_227 = arith.index_cast %mul3A_224 : i32 to index
      %swap3A_228 = tpu.vector_load %arg15[%swap3A_226, %swap3A_227] {strides = array<i32>} : memref<8x9344xf32, #tpu.memory_space<vmem>>, vector<16xf32>,
      tpu.vector_store %arg15[%swap3A_226, %swap3A_227], %broadcast_in_dim3A_178 {strides = array<i32>} : memref<8x9344xf32, #tpu.memory_space<vmem>>, vector<16xf32>,
      %mul3A_229 = arith.constant 16 : i32
      %mul3A_230 = arith.muli %scan3A_193, %mul3A_229 : i32
      %swap3A_231 = arith.constant 6 : i32
      %swap3A_232 = arith.index_cast %swap3A_231 : i32 to index
      %swap3A_233 = arith.index_cast %mul3A_230 : i32 to index
      %swap3A_234 = tpu.vector_load %arg15[%swap3A_232, %swap3A_233] {strides = array<i32>} : memref<8x9344xf32, #tpu.memory_space<vmem>>, vector<16xf32>,
      tpu.vector_store %arg15[%swap3A_232, %swap3A_233], %broadcast_in_dim3A_178 {strides = array<i32>} : memref<8x9344xf32, #tpu.memory_space<vmem>>, vector<16xf32>,
      %mul3A_235 = arith.constant 16 : i32
      %mul3A_236 = arith.muli %scan3A_193, %mul3A_235 : i32
      %swap3A_237 = arith.constant 7 : i32
      %swap3A_238 = arith.index_cast %swap3A_237 : i32 to index
      %swap3A_239 = arith.index_cast %mul3A_236 : i32 to index
      %swap3A_240 = tpu.vector_load %arg15[%swap3A_238, %swap3A_239] {strides = array<i32>} : memref<8x9344xf32, #tpu.memory_space<vmem>>, vector<16xf32>,
      tpu.vector_store %arg15[%swap3A_238, %swap3A_239], %broadcast_in_dim3A_178 {strides = array<i32>} : memref<8x9344xf32, #tpu.memory_space<vmem>>, vector<16xf32>,
    }
    %scan3A_183 = arith.constant 584 : i32
    %scan3A_184 = arith.constant 0 : i32
    %scan3A_185 = arith.constant 0 : i32
    %scan3A_186 = arith.constant 245 : i32
    %scan3A_187 = arith.addi %scan3A_185, %scan3A_186 : i32
    %scan3A_188 = arith.constant 1 : i32
    scf.for %scan3A_193 = %scan3A_185 to %scan3A_187 step %scan3A_188  : i32 {
      %mul3A_194 = arith.constant 2 : i32
      %mul3A_195 = arith.muli %scan3A_193, %mul3A_194 : i32
      %add3A_196 = arith.constant 1 : i32
      %add3A_197 = arith.addi %mul3A_195, %add3A_196 : i32
      %lt3A_198 = arith.cmpi slt, %add3A_197, %select_n3A_77 : i32
      %convert_element_type3A_199 = arith.extui %lt3A_198 : i1 to i32
      %cond3A_200 = arith.constant 0 : i32
      %cond3A_201 = arith.cmpi ne, %convert_element_type3A_199, %cond3A_200 : i32
      scf.if %cond3A_201 {
        %mul3A_216 = arith.constant 8 : i32
        %mul3A_217 = arith.muli %add3A_197, %mul3A_216 : i32
        %add3A_218 = arith.addi %select_n3A_30, %mul3A_217 : i32
        %mul3A_219 = arith.constant 256 : i32
        %mul3A_220 = arith.muli %add3A_218, %mul3A_219 : i32
        %dma_start3A_221 = tpu.memref_slice %arg2[%mul3A_220] : memref<1000000xf32, #tpu.memory_space<hbm>> -> memref<256xf32, #tpu.memory_space<hbm>>
        %dma_start3A_222 = tpu.memref_slice %arg2[%mul3A_220] : memref<1000000xf32, #tpu.memory_space<hbm>> -> memref<256xf32, #tpu.memory_space<hbm>>
        tpu.enqueue_dma source(%dma_start3A_222 : memref<256xf32, #tpu.memory_space<hbm>>) target(%arg11 : memref<256xf32, #tpu.memory_space<vmem>>) target_semaphore(%arg17 : memref<!tpu.dma_semaphore, #tpu.memory_space<semaphore_mem>>)
        %dma_start3A_223 = tpu.memref_slice %arg3[%mul3A_220] : memref<1000000xf32, #tpu.memory_space<hbm>> -> memref<256xf32, #tpu.memory_space<hbm>>
        %dma_start3A_224 = tpu.memref_slice %arg3[%mul3A_220] : memref<1000000xf32, #tpu.memory_space<hbm>> -> memref<256xf32, #tpu.memory_space<hbm>>
        tpu.enqueue_dma source(%dma_start3A_224 : memref<256xf32, #tpu.memory_space<hbm>>) target(%arg12 : memref<256xf32, #tpu.memory_space<vmem>>) target_semaphore(%arg17 : memref<!tpu.dma_semaphore, #tpu.memory_space<semaphore_mem>>)
        %dma_start3A_225 = tpu.memref_slice %arg4[%mul3A_220] : memref<1000000xf32, #tpu.memory_space<hbm>> -> memref<256xf32, #tpu.memory_space<hbm>>
        %dma_start3A_226 = tpu.memref_slice %arg4[%mul3A_220] : memref<1000000xf32, #tpu.memory_space<hbm>> -> memref<256xf32, #tpu.memory_space<hbm>>
        tpu.enqueue_dma source(%dma_start3A_226 : memref<256xf32, #tpu.memory_space<hbm>>) target(%arg13 : memref<256xf32, #tpu.memory_space<vmem>>) target_semaphore(%arg17 : memref<!tpu.dma_semaphore, #tpu.memory_space<semaphore_mem>>)
        %add3A_227 = arith.constant 0 : i32
        %add3A_228 = arith.addi %mul3A_32, %add3A_227 : i32
        %mul3A_229 = arith.constant 1000000 : i32
        %mul3A_230 = arith.muli %add3A_228, %mul3A_229 : i32
        %add3A_231 = arith.addi %mul3A_230, %mul3A_220 : i32
        %dma_start3A_232 = arith.constant 0 : i32
        %dma_start3A_233 = tpu.memref_slice %arg14[%dma_start3A_232] : memref<2048xf32, #tpu.memory_space<vmem>> -> memref<256xf32, #tpu.memory_space<vmem>>
        %dma_start3A_234 = tpu.memref_slice %arg5[%add3A_231] : memref<32000000xf32, #tpu.memory_space<hbm>> -> memref<256xf32, #tpu.memory_space<hbm>>
        %dma_start3A_235 = arith.constant 0 : i32
        %dma_start3A_236 = tpu.memref_slice %arg14[%dma_start3A_235] : memref<2048xf32, #tpu.memory_space<vmem>> -> memref<256xf32, #tpu.memory_space<vmem>>
        %dma_start3A_237 = tpu.memref_slice %arg5[%add3A_231] : memref<32000000xf32, #tpu.memory_space<hbm>> -> memref<256xf32, #tpu.memory_space<hbm>>
        tpu.enqueue_dma source(%dma_start3A_237 : memref<256xf32, #tpu.memory_space<hbm>>) target(%dma_start3A_236 : memref<256xf32, #tpu.memory_space<vmem>>) target_semaphore(%arg17 : memref<!tpu.dma_semaphore, #tpu.memory_space<semaphore_mem>>)
        %add3A_238 = arith.constant 1 : i32
        %add3A_239 = arith.addi %mul3A_32, %add3A_238 : i32
        %mul3A_240 = arith.constant 1000000 : i32
        %mul3A_241 = arith.muli %add3A_239, %mul3A_240 : i32
        %add3A_242 = arith.addi %mul3A_241, %mul3A_220 : i32
        %dma_start3A_243 = arith.constant 256 : i32
        %dma_start3A_244 = tpu.memref_slice %arg14[%dma_start3A_243] : memref<2048xf32, #tpu.memory_space<vmem>> -> memref<256xf32, #tpu.memory_space<vmem>>
        %dma_start3A_245 = tpu.memref_slice %arg5[%add3A_242] : memref<32000000xf32, #tpu.memory_space<hbm>> -> memref<256xf32, #tpu.memory_space<hbm>>
        %dma_start3A_246 = arith.constant 256 : i32
        %dma_start3A_247 = tpu.memref_slice %arg14[%dma_start3A_246] : memref<2048xf32, #tpu.memory_space<vmem>> -> memref<256xf32, #tpu.memory_space<vmem>>
        %dma_start3A_248 = tpu.memref_slice %arg5[%add3A_242] : memref<32000000xf32, #tpu.memory_space<hbm>> -> memref<256xf32, #tpu.memory_space<hbm>>
        tpu.enqueue_dma source(%dma_start3A_248 : memref<256xf32, #tpu.memory_space<hbm>>) target(%dma_start3A_247 : memref<256xf32, #tpu.memory_space<vmem>>) target_semaphore(%arg17 : memref<!tpu.dma_semaphore, #tpu.memory_space<semaphore_mem>>)
        %add3A_249 = arith.constant 2 : i32
        %add3A_250 = arith.addi %mul3A_32, %add3A_249 : i32
        %mul3A_251 = arith.constant 1000000 : i32
        %mul3A_252 = arith.muli %add3A_250, %mul3A_251 : i32
        %add3A_253 = arith.addi %mul3A_252, %mul3A_220 : i32
        %dma_start3A_254 = arith.constant 512 : i32
        %dma_start3A_255 = tpu.memref_slice %arg14[%dma_start3A_254] : memref<2048xf32, #tpu.memory_space<vmem>> -> memref<256xf32, #tpu.memory_space<vmem>>
        %dma_start3A_256 = tpu.memref_slice %arg5[%add3A_253] : memref<32000000xf32, #tpu.memory_space<hbm>> -> memref<256xf32, #tpu.memory_space<hbm>>
        %dma_start3A_257 = arith.constant 512 : i32
        %dma_start3A_258 = tpu.memref_slice %arg14[%dma_start3A_257] : memref<2048xf32, #tpu.memory_space<vmem>> -> memref<256xf32, #tpu.memory_space<vmem>>
        %dma_start3A_259 = tpu.memref_slice %arg5[%add3A_253] : memref<32000000xf32, #tpu.memory_space<hbm>> -> memref<256xf32, #tpu.memory_space<hbm>>
        tpu.enqueue_dma source(%dma_start3A_259 : memref<256xf32, #tpu.memory_space<hbm>>) target(%dma_start3A_258 : memref<256xf32, #tpu.memory_space<vmem>>) target_semaphore(%arg17 : memref<!tpu.dma_semaphore, #tpu.memory_space<semaphore_mem>>)
        %add3A_260 = arith.constant 3 : i32
        %add3A_261 = arith.addi %mul3A_32, %add3A_260 : i32
        %mul3A_262 = arith.constant 1000000 : i32
        %mul3A_263 = arith.muli %add3A_261, %mul3A_262 : i32
        %add3A_264 = arith.addi %mul3A_263, %mul3A_220 : i32
        %dma_start3A_265 = arith.constant 768 : i32
        %dma_start3A_266 = tpu.memref_slice %arg14[%dma_start3A_265] : memref<2048xf32, #tpu.memory_space<vmem>> -> memref<256xf32, #tpu.memory_space<vmem>>
        %dma_start3A_267 = tpu.memref_slice %arg5[%add3A_264] : memref<32000000xf32, #tpu.memory_space<hbm>> -> memref<256xf32, #tpu.memory_space<hbm>>
        %dma_start3A_268 = arith.constant 768 : i32
        %dma_start3A_269 = tpu.memref_slice %arg14[%dma_start3A_268] : memref<2048xf32, #tpu.memory_space<vmem>> -> memref<256xf32, #tpu.memory_space<vmem>>
        %dma_start3A_270 = tpu.memref_slice %arg5[%add3A_264] : memref<32000000xf32, #tpu.memory_space<hbm>> -> memref<256xf32, #tpu.memory_space<hbm>>
        tpu.enqueue_dma source(%dma_start3A_270 : memref<256xf32, #tpu.memory_space<hbm>>) target(%dma_start3A_269 : memref<256xf32, #tpu.memory_space<vmem>>) target_semaphore(%arg17 : memref<!tpu.dma_semaphore, #tpu.memory_space<semaphore_mem>>)
        %add3A_271 = arith.constant 4 : i32
        %add3A_272 = arith.addi %mul3A_32, %add3A_271 : i32
        %mul3A_273 = arith.constant 1000000 : i32
        %mul3A_274 = arith.muli %add3A_272, %mul3A_273 : i32
        %add3A_275 = arith.addi %mul3A_274, %mul3A_220 : i32
        %dma_start3A_276 = arith.constant 1024 : i32
        %dma_start3A_277 = tpu.memref_slice %arg14[%dma_start3A_276] : memref<2048xf32, #tpu.memory_space<vmem>> -> memref<256xf32, #tpu.memory_space<vmem>>
        %dma_start3A_278 = tpu.memref_slice %arg5[%add3A_275] : memref<32000000xf32, #tpu.memory_space<hbm>> -> memref<256xf32, #tpu.memory_space<hbm>>
        %dma_start3A_279 = arith.constant 1024 : i32
        %dma_start3A_280 = tpu.memref_slice %arg14[%dma_start3A_279] : memref<2048xf32, #tpu.memory_space<vmem>> -> memref<256xf32, #tpu.memory_space<vmem>>
        %dma_start3A_281 = tpu.memref_slice %arg5[%add3A_275] : memref<32000000xf32, #tpu.memory_space<hbm>> -> memref<256xf32, #tpu.memory_space<hbm>>
        tpu.enqueue_dma source(%dma_start3A_281 : memref<256xf32, #tpu.memory_space<hbm>>) target(%dma_start3A_280 : memref<256xf32, #tpu.memory_space<vmem>>) target_semaphore(%arg17 : memref<!tpu.dma_semaphore, #tpu.memory_space<semaphore_mem>>)
        %add3A_282 = arith.constant 5 : i32
        %add3A_283 = arith.addi %mul3A_32, %add3A_282 : i32
        %mul3A_284 = arith.constant 1000000 : i32
        %mul3A_285 = arith.muli %add3A_283, %mul3A_284 : i32
        %add3A_286 = arith.addi %mul3A_285, %mul3A_220 : i32
        %dma_start3A_287 = arith.constant 1280 : i32
        %dma_start3A_288 = tpu.memref_slice %arg14[%dma_start3A_287] : memref<2048xf32, #tpu.memory_space<vmem>> -> memref<256xf32, #tpu.memory_space<vmem>>
        %dma_start3A_289 = tpu.memref_slice %arg5[%add3A_286] : memref<32000000xf32, #tpu.memory_space<hbm>> -> memref<256xf32, #tpu.memory_space<hbm>>
        %dma_start3A_290 = arith.constant 1280 : i32
        %dma_start3A_291 = tpu.memref_slice %arg14[%dma_start3A_290] : memref<2048xf32, #tpu.memory_space<vmem>> -> memref<256xf32, #tpu.memory_space<vmem>>
        %dma_start3A_292 = tpu.memref_slice %arg5[%add3A_286] : memref<32000000xf32, #tpu.memory_space<hbm>> -> memref<256xf32, #tpu.memory_space<hbm>>
        tpu.enqueue_dma source(%dma_start3A_292 : memref<256xf32, #tpu.memory_space<hbm>>) target(%dma_start3A_291 : memref<256xf32, #tpu.memory_space<vmem>>) target_semaphore(%arg17 : memref<!tpu.dma_semaphore, #tpu.memory_space<semaphore_mem>>)
        %add3A_293 = arith.constant 6 : i32
        %add3A_294 = arith.addi %mul3A_32, %add3A_293 : i32
        %mul3A_295 = arith.constant 1000000 : i32
        %mul3A_296 = arith.muli %add3A_294, %mul3A_295 : i32
        %add3A_297 = arith.addi %mul3A_296, %mul3A_220 : i32
        %dma_start3A_298 = arith.constant 1536 : i32
        %dma_start3A_299 = tpu.memref_slice %arg14[%dma_start3A_298] : memref<2048xf32, #tpu.memory_space<vmem>> -> memref<256xf32, #tpu.memory_space<vmem>>
        %dma_start3A_300 = tpu.memref_slice %arg5[%add3A_297] : memref<32000000xf32, #tpu.memory_space<hbm>> -> memref<256xf32, #tpu.memory_space<hbm>>
        %dma_start3A_301 = arith.constant 1536 : i32
        %dma_start3A_302 = tpu.memref_slice %arg14[%dma_start3A_301] : memref<2048xf32, #tpu.memory_space<vmem>> -> memref<256xf32, #tpu.memory_space<vmem>>
        %dma_start3A_303 = tpu.memref_slice %arg5[%add3A_297] : memref<32000000xf32, #tpu.memory_space<hbm>> -> memref<256xf32, #tpu.memory_space<hbm>>
        tpu.enqueue_dma source(%dma_start3A_303 : memref<256xf32, #tpu.memory_space<hbm>>) target(%dma_start3A_302 : memref<256xf32, #tpu.memory_space<vmem>>) target_semaphore(%arg17 : memref<!tpu.dma_semaphore, #tpu.memory_space<semaphore_mem>>)
        %add3A_304 = arith.constant 7 : i32
        %add3A_305 = arith.addi %mul3A_32, %add3A_304 : i32
        %mul3A_306 = arith.constant 1000000 : i32
        %mul3A_307 = arith.muli %add3A_305, %mul3A_306 : i32
        %add3A_308 = arith.addi %mul3A_307, %mul3A_220 : i32
        %dma_start3A_309 = arith.constant 1792 : i32
        %dma_start3A_310 = tpu.memref_slice %arg14[%dma_start3A_309] : memref<2048xf32, #tpu.memory_space<vmem>> -> memref<256xf32, #tpu.memory_space<vmem>>
        %dma_start3A_311 = tpu.memref_slice %arg5[%add3A_308] : memref<32000000xf32, #tpu.memory_space<hbm>> -> memref<256xf32, #tpu.memory_space<hbm>>
        %dma_start3A_312 = arith.constant 1792 : i32
        %dma_start3A_313 = tpu.memref_slice %arg14[%dma_start3A_312] : memref<2048xf32, #tpu.memory_space<vmem>> -> memref<256xf32, #tpu.memory_space<vmem>>
        %dma_start3A_314 = tpu.memref_slice %arg5[%add3A_308] : memref<32000000xf32, #tpu.memory_space<hbm>> -> memref<256xf32, #tpu.memory_space<hbm>>
        tpu.enqueue_dma source(%dma_start3A_314 : memref<256xf32, #tpu.memory_space<hbm>>) target(%dma_start3A_313 : memref<256xf32, #tpu.memory_space<vmem>>) target_semaphore(%arg17 : memref<!tpu.dma_semaphore, #tpu.memory_space<semaphore_mem>>)
      } else {
      }
      %lt3A_202 = arith.cmpi slt, %mul3A_195, %select_n3A_77 : i32
      %convert_element_type3A_203 = arith.extui %lt3A_202 : i1 to i32
      %cond3A_204 = arith.constant 0 : i32
      %cond3A_205 = arith.cmpi ne, %convert_element_type3A_203, %cond3A_204 : i32
      scf.if %cond3A_205 {
        %dma_wait3A = arith.constant 0 : i32
        %dma_wait3A_216 = tpu.memref_slice %arg2[%dma_wait3A] : memref<1000000xf32, #tpu.memory_space<hbm>> -> memref<256xf32, #tpu.memory_space<hbm>>
        %dma_wait3A_217 = arith.constant 0 : i32
        %dma_wait3A_218 = tpu.memref_slice %arg2[%dma_wait3A_217] : memref<1000000xf32, #tpu.memory_space<hbm>> -> memref<256xf32, #tpu.memory_space<hbm>>
        tpu.wait_dma2 semaphore(%arg16 : memref<!tpu.dma_semaphore, #tpu.memory_space<semaphore_mem>>) src(%dma_wait3A_218 : memref<256xf32, #tpu.memory_space<hbm>>) dst(%arg7 : memref<256xf32, #tpu.memory_space<vmem>>)
        %dma_wait3A_219 = arith.constant 0 : i32
        %dma_wait3A_220 = tpu.memref_slice %arg3[%dma_wait3A_219] : memref<1000000xf32, #tpu.memory_space<hbm>> -> memref<256xf32, #tpu.memory_space<hbm>>
        %dma_wait3A_221 = arith.constant 0 : i32
        %dma_wait3A_222 = tpu.memref_slice %arg3[%dma_wait3A_221] : memref<1000000xf32, #tpu.memory_space<hbm>> -> memref<256xf32, #tpu.memory_space<hbm>>
        tpu.wait_dma2 semaphore(%arg16 : memref<!tpu.dma_semaphore, #tpu.memory_space<semaphore_mem>>) src(%dma_wait3A_222 : memref<256xf32, #tpu.memory_space<hbm>>) dst(%arg8 : memref<256xf32, #tpu.memory_space<vmem>>)
        %dma_wait3A_223 = arith.constant 0 : i32
        %dma_wait3A_224 = tpu.memref_slice %arg4[%dma_wait3A_223] : memref<1000000xf32, #tpu.memory_space<hbm>> -> memref<256xf32, #tpu.memory_space<hbm>>
        %dma_wait3A_225 = arith.constant 0 : i32
        %dma_wait3A_226 = tpu.memref_slice %arg4[%dma_wait3A_225] : memref<1000000xf32, #tpu.memory_space<hbm>> -> memref<256xf32, #tpu.memory_space<hbm>>
        tpu.wait_dma2 semaphore(%arg16 : memref<!tpu.dma_semaphore, #tpu.memory_space<semaphore_mem>>) src(%dma_wait3A_226 : memref<256xf32, #tpu.memory_space<hbm>>) dst(%arg9 : memref<256xf32, #tpu.memory_space<vmem>>)
        %dma_wait3A_227 = arith.constant 0 : i32
        %dma_wait3A_228 = tpu.memref_slice %arg10[%dma_wait3A_227] : memref<2048xf32, #tpu.memory_space<vmem>> -> memref<256xf32, #tpu.memory_space<vmem>>
        %dma_wait3A_229 = arith.constant 0 : i32
        %dma_wait3A_230 = tpu.memref_slice %arg5[%dma_wait3A_229] : memref<32000000xf32, #tpu.memory_space<hbm>> -> memref<256xf32, #tpu.memory_space<hbm>>
        %dma_wait3A_231 = arith.constant 0 : i32
        %dma_wait3A_232 = tpu.memref_slice %arg10[%dma_wait3A_231] : memref<2048xf32, #tpu.memory_space<vmem>> -> memref<256xf32, #tpu.memory_space<vmem>>
        %dma_wait3A_233 = arith.constant 0 : i32
        %dma_wait3A_234 = tpu.memref_slice %arg5[%dma_wait3A_233] : memref<32000000xf32, #tpu.memory_space<hbm>> -> memref<256xf32, #tpu.memory_space<hbm>>
        tpu.wait_dma2 semaphore(%arg16 : memref<!tpu.dma_semaphore, #tpu.memory_space<semaphore_mem>>) src(%dma_wait3A_234 : memref<256xf32, #tpu.memory_space<hbm>>) dst(%dma_wait3A_232 : memref<256xf32, #tpu.memory_space<vmem>>)
        %dma_wait3A_235 = arith.constant 256 : i32
        %dma_wait3A_236 = tpu.memref_slice %arg10[%dma_wait3A_235] : memref<2048xf32, #tpu.memory_space<vmem>> -> memref<256xf32, #tpu.memory_space<vmem>>
        %dma_wait3A_237 = arith.constant 0 : i32
        %dma_wait3A_238 = tpu.memref_slice %arg5[%dma_wait3A_237] : memref<32000000xf32, #tpu.memory_space<hbm>> -> memref<256xf32, #tpu.memory_space<hbm>>
        %dma_wait3A_239 = arith.constant 256 : i32
        %dma_wait3A_240 = tpu.memref_slice %arg10[%dma_wait3A_239] : memref<2048xf32, #tpu.memory_space<vmem>> -> memref<256xf32, #tpu.memory_space<vmem>>
        %dma_wait3A_241 = arith.constant 0 : i32
        %dma_wait3A_242 = tpu.memref_slice %arg5[%dma_wait3A_241] : memref<32000000xf32, #tpu.memory_space<hbm>> -> memref<256xf32, #tpu.memory_space<hbm>>
        tpu.wait_dma2 semaphore(%arg16 : memref<!tpu.dma_semaphore, #tpu.memory_space<semaphore_mem>>) src(%dma_wait3A_242 : memref<256xf32, #tpu.memory_space<hbm>>) dst(%dma_wait3A_240 : memref<256xf32, #tpu.memory_space<vmem>>)
        %dma_wait3A_243 = arith.constant 512 : i32
        %dma_wait3A_244 = tpu.memref_slice %arg10[%dma_wait3A_243] : memref<2048xf32, #tpu.memory_space<vmem>> -> memref<256xf32, #tpu.memory_space<vmem>>
        %dma_wait3A_245 = arith.constant 0 : i32
        %dma_wait3A_246 = tpu.memref_slice %arg5[%dma_wait3A_245] : memref<32000000xf32, #tpu.memory_space<hbm>> -> memref<256xf32, #tpu.memory_space<hbm>>
        %dma_wait3A_247 = arith.constant 512 : i32
        %dma_wait3A_248 = tpu.memref_slice %arg10[%dma_wait3A_247] : memref<2048xf32, #tpu.memory_space<vmem>> -> memref<256xf32, #tpu.memory_space<vmem>>
        %dma_wait3A_249 = arith.constant 0 : i32
        %dma_wait3A_250 = tpu.memref_slice %arg5[%dma_wait3A_249] : memref<32000000xf32, #tpu.memory_space<hbm>> -> memref<256xf32, #tpu.memory_space<hbm>>
        tpu.wait_dma2 semaphore(%arg16 : memref<!tpu.dma_semaphore, #tpu.memory_space<semaphore_mem>>) src(%dma_wait3A_250 : memref<256xf32, #tpu.memory_space<hbm>>) dst(%dma_wait3A_248 : memref<256xf32, #tpu.memory_space<vmem>>)
        %dma_wait3A_251 = arith.constant 768 : i32
        %dma_wait3A_252 = tpu.memref_slice %arg10[%dma_wait3A_251] : memref<2048xf32, #tpu.memory_space<vmem>> -> memref<256xf32, #tpu.memory_space<vmem>>
        %dma_wait3A_253 = arith.constant 0 : i32
        %dma_wait3A_254 = tpu.memref_slice %arg5[%dma_wait3A_253] : memref<32000000xf32, #tpu.memory_space<hbm>> -> memref<256xf32, #tpu.memory_space<hbm>>
        %dma_wait3A_255 = arith.constant 768 : i32
        %dma_wait3A_256 = tpu.memref_slice %arg10[%dma_wait3A_255] : memref<2048xf32, #tpu.memory_space<vmem>> -> memref<256xf32, #tpu.memory_space<vmem>>
        %dma_wait3A_257 = arith.constant 0 : i32
        %dma_wait3A_258 = tpu.memref_slice %arg5[%dma_wait3A_257] : memref<32000000xf32, #tpu.memory_space<hbm>> -> memref<256xf32, #tpu.memory_space<hbm>>
        tpu.wait_dma2 semaphore(%arg16 : memref<!tpu.dma_semaphore, #tpu.memory_space<semaphore_mem>>) src(%dma_wait3A_258 : memref<256xf32, #tpu.memory_space<hbm>>) dst(%dma_wait3A_256 : memref<256xf32, #tpu.memory_space<vmem>>)
        %dma_wait3A_259 = arith.constant 1024 : i32
        %dma_wait3A_260 = tpu.memref_slice %arg10[%dma_wait3A_259] : memref<2048xf32, #tpu.memory_space<vmem>> -> memref<256xf32, #tpu.memory_space<vmem>>
        %dma_wait3A_261 = arith.constant 0 : i32
        %dma_wait3A_262 = tpu.memref_slice %arg5[%dma_wait3A_261] : memref<32000000xf32, #tpu.memory_space<hbm>> -> memref<256xf32, #tpu.memory_space<hbm>>
        %dma_wait3A_263 = arith.constant 1024 : i32
        %dma_wait3A_264 = tpu.memref_slice %arg10[%dma_wait3A_263] : memref<2048xf32, #tpu.memory_space<vmem>> -> memref<256xf32, #tpu.memory_space<vmem>>
        %dma_wait3A_265 = arith.constant 0 : i32
        %dma_wait3A_266 = tpu.memref_slice %arg5[%dma_wait3A_265] : memref<32000000xf32, #tpu.memory_space<hbm>> -> memref<256xf32, #tpu.memory_space<hbm>>
        tpu.wait_dma2 semaphore(%arg16 : memref<!tpu.dma_semaphore, #tpu.memory_space<semaphore_mem>>) src(%dma_wait3A_266 : memref<256xf32, #tpu.memory_space<hbm>>) dst(%dma_wait3A_264 : memref<256xf32, #tpu.memory_space<vmem>>)
        %dma_wait3A_267 = arith.constant 1280 : i32
        %dma_wait3A_268 = tpu.memref_slice %arg10[%dma_wait3A_267] : memref<2048xf32, #tpu.memory_space<vmem>> -> memref<256xf32, #tpu.memory_space<vmem>>
        %dma_wait3A_269 = arith.constant 0 : i32
        %dma_wait3A_270 = tpu.memref_slice %arg5[%dma_wait3A_269] : memref<32000000xf32, #tpu.memory_space<hbm>> -> memref<256xf32, #tpu.memory_space<hbm>>
        %dma_wait3A_271 = arith.constant 1280 : i32
        %dma_wait3A_272 = tpu.memref_slice %arg10[%dma_wait3A_271] : memref<2048xf32, #tpu.memory_space<vmem>> -> memref<256xf32, #tpu.memory_space<vmem>>
        %dma_wait3A_273 = arith.constant 0 : i32
        %dma_wait3A_274 = tpu.memref_slice %arg5[%dma_wait3A_273] : memref<32000000xf32, #tpu.memory_space<hbm>> -> memref<256xf32, #tpu.memory_space<hbm>>
        tpu.wait_dma2 semaphore(%arg16 : memref<!tpu.dma_semaphore, #tpu.memory_space<semaphore_mem>>) src(%dma_wait3A_274 : memref<256xf32, #tpu.memory_space<hbm>>) dst(%dma_wait3A_272 : memref<256xf32, #tpu.memory_space<vmem>>)
        %dma_wait3A_275 = arith.constant 1536 : i32
        %dma_wait3A_276 = tpu.memref_slice %arg10[%dma_wait3A_275] : memref<2048xf32, #tpu.memory_space<vmem>> -> memref<256xf32, #tpu.memory_space<vmem>>
        %dma_wait3A_277 = arith.constant 0 : i32
        %dma_wait3A_278 = tpu.memref_slice %arg5[%dma_wait3A_277] : memref<32000000xf32, #tpu.memory_space<hbm>> -> memref<256xf32, #tpu.memory_space<hbm>>
        %dma_wait3A_279 = arith.constant 1536 : i32
        %dma_wait3A_280 = tpu.memref_slice %arg10[%dma_wait3A_279] : memref<2048xf32, #tpu.memory_space<vmem>> -> memref<256xf32, #tpu.memory_space<vmem>>
        %dma_wait3A_281 = arith.constant 0 : i32
        %dma_wait3A_282 = tpu.memref_slice %arg5[%dma_wait3A_281] : memref<32000000xf32, #tpu.memory_space<hbm>> -> memref<256xf32, #tpu.memory_space<hbm>>
        tpu.wait_dma2 semaphore(%arg16 : memref<!tpu.dma_semaphore, #tpu.memory_space<semaphore_mem>>) src(%dma_wait3A_282 : memref<256xf32, #tpu.memory_space<hbm>>) dst(%dma_wait3A_280 : memref<256xf32, #tpu.memory_space<vmem>>)
        %dma_wait3A_283 = arith.constant 1792 : i32
        %dma_wait3A_284 = tpu.memref_slice %arg10[%dma_wait3A_283] : memref<2048xf32, #tpu.memory_space<vmem>> -> memref<256xf32, #tpu.memory_space<vmem>>
        %dma_wait3A_285 = arith.constant 0 : i32
        %dma_wait3A_286 = tpu.memref_slice %arg5[%dma_wait3A_285] : memref<32000000xf32, #tpu.memory_space<hbm>> -> memref<256xf32, #tpu.memory_space<hbm>>
        %dma_wait3A_287 = arith.constant 1792 : i32
        %dma_wait3A_288 = tpu.memref_slice %arg10[%dma_wait3A_287] : memref<2048xf32, #tpu.memory_space<vmem>> -> memref<256xf32, #tpu.memory_space<vmem>>
        %dma_wait3A_289 = arith.constant 0 : i32
        %dma_wait3A_290 = tpu.memref_slice %arg5[%dma_wait3A_289] : memref<32000000xf32, #tpu.memory_space<hbm>> -> memref<256xf32, #tpu.memory_space<hbm>>
        tpu.wait_dma2 semaphore(%arg16 : memref<!tpu.dma_semaphore, #tpu.memory_space<semaphore_mem>>) src(%dma_wait3A_290 : memref<256xf32, #tpu.memory_space<hbm>>) dst(%dma_wait3A_288 : memref<256xf32, #tpu.memory_space<vmem>>)
        %get3A = arith.constant 0 : index
        %get3A_291 = tpu.vector_load %arg7[%get3A] {strides = array<i32>} : memref<256xf32, #tpu.memory_space<vmem>>, vector<16xf32>,
        %get3A_292 = arith.constant 0 : index
        %get3A_293 = tpu.vector_load %arg8[%get3A_292] {strides = array<i32>} : memref<256xf32, #tpu.memory_space<vmem>>, vector<16xf32>,
        %get3A_294 = arith.constant 0 : index
        %get3A_295 = tpu.vector_load %arg9[%get3A_294] {strides = array<i32>} : memref<256xf32, #tpu.memory_space<vmem>>, vector<16xf32>,
        %add3A_296 = arith.constant 1.000000e+01 : f32
        %add3A_297 = vector.broadcast %add3A_296 : f32 to vector<16xf32>
        %add3A_298 = arith.addf %get3A_291, %add3A_297 : vector<16xf32>
        %add3A_299 = arith.constant 0x4B400000 : f32
        %add3A_300 = vector.broadcast %add3A_299 : f32 to vector<16xf32>
        %add3A_301 = arith.addf %add3A_298, %add3A_300 : vector<16xf32>
        %sub3A_302 = arith.constant 0x4B400000 : f32
        %sub3A_303 = vector.broadcast %sub3A_302 : f32 to vector<16xf32>
        %sub3A_304 = arith.subf %add3A_301, %sub3A_303 : vector<16xf32>
        %add3A_305 = arith.constant 1.000000e+01 : f32
        %add3A_306 = vector.broadcast %add3A_305 : f32 to vector<16xf32>
        %add3A_307 = arith.addf %get3A_293, %add3A_306 : vector<16xf32>
        %add3A_308 = arith.constant 0x4B400000 : f32
        %add3A_309 = vector.broadcast %add3A_308 : f32 to vector<16xf32>
        %add3A_310 = arith.addf %add3A_307, %add3A_309 : vector<16xf32>
        %sub3A_311 = arith.constant 0x4B400000 : f32
        %sub3A_312 = vector.broadcast %sub3A_311 : f32 to vector<16xf32>
        %sub3A_313 = arith.subf %add3A_310, %sub3A_312 : vector<16xf32>
        %add3A_314 = arith.constant 1.000000e+01 : f32
        %add3A_315 = vector.broadcast %add3A_314 : f32 to vector<16xf32>
        %add3A_316 = arith.addf %get3A_295, %add3A_315 : vector<16xf32>
        %add3A_317 = arith.constant 0x4B400000 : f32
        %add3A_318 = vector.broadcast %add3A_317 : f32 to vector<16xf32>
        %add3A_319 = arith.addf %add3A_316, %add3A_318 : vector<16xf32>
        %sub3A_320 = arith.constant 0x4B400000 : f32
        %sub3A_321 = vector.broadcast %sub3A_320 : f32 to vector<16xf32>
        %sub3A_322 = arith.subf %add3A_319, %sub3A_321 : vector<16xf32>
        %max3A = arith.constant 0.000000e+00 : f32
        %max3A_323 = vector.broadcast %max3A : f32 to vector<16xf32>
        %max3A_324 = arith.maximumf %sub3A_304, %max3A_323 : vector<16xf32>
        %min3A = arith.constant 2.000000e+01 : f32
        %min3A_325 = vector.broadcast %min3A : f32 to vector<16xf32>
        %min3A_326 = arith.minimumf %max3A_324, %min3A_325 : vector<16xf32>
        %max3A_327 = arith.constant 0.000000e+00 : f32
        %max3A_328 = vector.broadcast %max3A_327 : f32 to vector<16xf32>
        %max3A_329 = arith.maximumf %sub3A_313, %max3A_328 : vector<16xf32>
        %min3A_330 = arith.constant 2.000000e+01 : f32
        %min3A_331 = vector.broadcast %min3A_330 : f32 to vector<16xf32>
        %min3A_332 = arith.minimumf %max3A_329, %min3A_331 : vector<16xf32>
        %max3A_333 = arith.constant 0.000000e+00 : f32
        %max3A_334 = vector.broadcast %max3A_333 : f32 to vector<16xf32>
        %max3A_335 = arith.maximumf %sub3A_322, %max3A_334 : vector<16xf32>
        %min3A_336 = arith.constant 2.000000e+01 : f32
        %min3A_337 = vector.broadcast %min3A_336 : f32 to vector<16xf32>
        %min3A_338 = arith.minimumf %max3A_335, %min3A_337 : vector<16xf32>
        %eq3A_339 = arith.cmpf oeq, %sub3A_304, %min3A_326 : vector<16xf32>
        %eq3A_340 = arith.cmpf oeq, %sub3A_313, %min3A_332 : vector<16xf32>
        %and3A_341 = arith.andi %eq3A_339, %eq3A_340 : vector<16xi1>
        %eq3A_342 = arith.cmpf oeq, %sub3A_322, %min3A_338 : vector<16xf32>
        %and3A_343 = arith.andi %and3A_341, %eq3A_342 : vector<16xi1>
        %mul3A_344 = arith.constant 4.410000e+02 : f32
        %mul3A_345 = vector.broadcast %mul3A_344 : f32 to vector<16xf32>
        %mul3A_346 = arith.mulf %min3A_326, %mul3A_345 : vector<16xf32>
        %mul3A_347 = arith.constant 2.100000e+01 : f32
        %mul3A_348 = vector.broadcast %mul3A_347 : f32 to vector<16xf32>
        %mul3A_349 = arith.mulf %min3A_332, %mul3A_348 : vector<16xf32>
        %add3A_350 = arith.addf %mul3A_346, %mul3A_349 : vector<16xf32>
        %add3A_351 = arith.addf %add3A_350, %min3A_338 : vector<16xf32>
        %convert_element_type3A_352 = arith.fptosi %add3A_351 : vector<16xf32> to vector<16xi32>
        %jit3A_353 = arith.constant 9261 : i32
        %broadcast_in_dim3A_354 = vector.broadcast %jit3A_353 : i32 to vector<16xi32>
        %select_n3A_355 = arith.select %and3A_343, %convert_element_type3A_352, %broadcast_in_dim3A_354 : vector<16xi1>, vector<16xi32>
        %get3A_356 = arith.constant 0 : index
        %get3A_357 = tpu.vector_load %arg10[%get3A_356] {strides = array<i32>} : memref<2048xf32, #tpu.memory_space<vmem>>, vector<16xf32>,
        tpu.vector_store_idx %arg15[%broadcast_in_dim3A_33, %select_n3A_355], %get3A_357 {add = true} : memref<8x9344xf32, #tpu.memory_space<vmem>>[vector<16xi32>, vector<16xi32>], vector<16xf32>,
        %get3A_358 = arith.constant 256 : index
        %get3A_359 = tpu.vector_load %arg10[%get3A_358] {strides = array<i32>} : memref<2048xf32, #tpu.memory_space<vmem>>, vector<16xf32>,
        tpu.vector_store_idx %arg15[%broadcast_in_dim3A_35, %select_n3A_355], %get3A_359 {add = true} : memref<8x9344xf32, #tpu.memory_space<vmem>>[vector<16xi32>, vector<16xi32>], vector<16xf32>,
        %get3A_360 = arith.constant 512 : index
        %get3A_361 = tpu.vector_load %arg10[%get3A_360] {strides = array<i32>} : memref<2048xf32, #tpu.memory_space<vmem>>, vector<16xf32>,
        tpu.vector_store_idx %arg15[%broadcast_in_dim3A_37, %select_n3A_355], %get3A_361 {add = true} : memref<8x9344xf32, #tpu.memory_space<vmem>>[vector<16xi32>, vector<16xi32>], vector<16xf32>,
        %get3A_362 = arith.constant 768 : index
        %get3A_363 = tpu.vector_load %arg10[%get3A_362] {strides = array<i32>} : memref<2048xf32, #tpu.memory_space<vmem>>, vector<16xf32>,
        tpu.vector_store_idx %arg15[%broadcast_in_dim3A_39, %select_n3A_355], %get3A_363 {add = true} : memref<8x9344xf32, #tpu.memory_space<vmem>>[vector<16xi32>, vector<16xi32>], vector<16xf32>,
        %get3A_364 = arith.constant 1024 : index
        %get3A_365 = tpu.vector_load %arg10[%get3A_364] {strides = array<i32>} : memref<2048xf32, #tpu.memory_space<vmem>>, vector<16xf32>,
        tpu.vector_store_idx %arg15[%broadcast_in_dim3A_41, %select_n3A_355], %get3A_365 {add = true} : memref<8x9344xf32, #tpu.memory_space<vmem>>[vector<16xi32>, vector<16xi32>], vector<16xf32>,
        %get3A_366 = arith.constant 1280 : index
        %get3A_367 = tpu.vector_load %arg10[%get3A_366] {strides = array<i32>} : memref<2048xf32, #tpu.memory_space<vmem>>, vector<16xf32>,
        tpu.vector_store_idx %arg15[%broadcast_in_dim3A_43, %select_n3A_355], %get3A_367 {add = true} : memref<8x9344xf32, #tpu.memory_space<vmem>>[vector<16xi32>, vector<16xi32>], vector<16xf32>,
        %get3A_368 = arith.constant 1536 : index
        %get3A_369 = tpu.vector_load %arg10[%get3A_368] {strides = array<i32>} : memref<2048xf32, #tpu.memory_space<vmem>>, vector<16xf32>,
        tpu.vector_store_idx %arg15[%broadcast_in_dim3A_45, %select_n3A_355], %get3A_369 {add = true} : memref<8x9344xf32, #tpu.memory_space<vmem>>[vector<16xi32>, vector<16xi32>], vector<16xf32>,
        %get3A_370 = arith.constant 1792 : index
        %get3A_371 = tpu.vector_load %arg10[%get3A_370] {strides = array<i32>} : memref<2048xf32, #tpu.memory_space<vmem>>, vector<16xf32>,
        tpu.vector_store_idx %arg15[%broadcast_in_dim3A_47, %select_n3A_355], %get3A_371 {add = true} : memref<8x9344xf32, #tpu.memory_space<vmem>>[vector<16xi32>, vector<16xi32>], vector<16xf32>,
        %get3A_372 = arith.constant 16 : index
        %get3A_373 = tpu.vector_load %arg7[%get3A_372] {strides = array<i32>} : memref<256xf32, #tpu.memory_space<vmem>>, vector<16xf32>,
        %get3A_374 = arith.constant 16 : index
        %get3A_375 = tpu.vector_load %arg8[%get3A_374] {strides = array<i32>} : memref<256xf32, #tpu.memory_space<vmem>>, vector<16xf32>,
        %get3A_376 = arith.constant 16 : index
        %get3A_377 = tpu.vector_load %arg9[%get3A_376] {strides = array<i32>} : memref<256xf32, #tpu.memory_space<vmem>>, vector<16xf32>,
        %add3A_378 = arith.constant 1.000000e+01 : f32
        %add3A_379 = vector.broadcast %add3A_378 : f32 to vector<16xf32>
        %add3A_380 = arith.addf %get3A_373, %add3A_379 : vector<16xf32>
        %add3A_381 = arith.constant 0x4B400000 : f32
        %add3A_382 = vector.broadcast %add3A_381 : f32 to vector<16xf32>
        %add3A_383 = arith.addf %add3A_380, %add3A_382 : vector<16xf32>
        %sub3A_384 = arith.constant 0x4B400000 : f32
        %sub3A_385 = vector.broadcast %sub3A_384 : f32 to vector<16xf32>
        %sub3A_386 = arith.subf %add3A_383, %sub3A_385 : vector<16xf32>
        %add3A_387 = arith.constant 1.000000e+01 : f32
        %add3A_388 = vector.broadcast %add3A_387 : f32 to vector<16xf32>
        %add3A_389 = arith.addf %get3A_375, %add3A_388 : vector<16xf32>
        %add3A_390 = arith.constant 0x4B400000 : f32
        %add3A_391 = vector.broadcast %add3A_390 : f32 to vector<16xf32>
        %add3A_392 = arith.addf %add3A_389, %add3A_391 : vector<16xf32>
        %sub3A_393 = arith.constant 0x4B400000 : f32
        %sub3A_394 = vector.broadcast %sub3A_393 : f32 to vector<16xf32>
        %sub3A_395 = arith.subf %add3A_392, %sub3A_394 : vector<16xf32>
        %add3A_396 = arith.constant 1.000000e+01 : f32
        %add3A_397 = vector.broadcast %add3A_396 : f32 to vector<16xf32>
        %add3A_398 = arith.addf %get3A_377, %add3A_397 : vector<16xf32>
        %add3A_399 = arith.constant 0x4B400000 : f32
        %add3A_400 = vector.broadcast %add3A_399 : f32 to vector<16xf32>
        %add3A_401 = arith.addf %add3A_398, %add3A_400 : vector<16xf32>
        %sub3A_402 = arith.constant 0x4B400000 : f32
        %sub3A_403 = vector.broadcast %sub3A_402 : f32 to vector<16xf32>
        %sub3A_404 = arith.subf %add3A_401, %sub3A_403 : vector<16xf32>
        %max3A_405 = arith.constant 0.000000e+00 : f32
        %max3A_406 = vector.broadcast %max3A_405 : f32 to vector<16xf32>
        %max3A_407 = arith.maximumf %sub3A_386, %max3A_406 : vector<16xf32>
        %min3A_408 = arith.constant 2.000000e+01 : f32
        %min3A_409 = vector.broadcast %min3A_408 : f32 to vector<16xf32>
        %min3A_410 = arith.minimumf %max3A_407, %min3A_409 : vector<16xf32>
        %max3A_411 = arith.constant 0.000000e+00 : f32
        %max3A_412 = vector.broadcast %max3A_411 : f32 to vector<16xf32>
        %max3A_413 = arith.maximumf %sub3A_395, %max3A_412 : vector<16xf32>
        %min3A_414 = arith.constant 2.000000e+01 : f32
        %min3A_415 = vector.broadcast %min3A_414 : f32 to vector<16xf32>
        %min3A_416 = arith.minimumf %max3A_413, %min3A_415 : vector<16xf32>
        %max3A_417 = arith.constant 0.000000e+00 : f32
        %max3A_418 = vector.broadcast %max3A_417 : f32 to vector<16xf32>
        %max3A_419 = arith.maximumf %sub3A_404, %max3A_418 : vector<16xf32>
        %min3A_420 = arith.constant 2.000000e+01 : f32
        %min3A_421 = vector.broadcast %min3A_420 : f32 to vector<16xf32>
        %min3A_422 = arith.minimumf %max3A_419, %min3A_421 : vector<16xf32>
        %eq3A_423 = arith.cmpf oeq, %sub3A_386, %min3A_410 : vector<16xf32>
        %eq3A_424 = arith.cmpf oeq, %sub3A_395, %min3A_416 : vector<16xf32>
        %and3A_425 = arith.andi %eq3A_423, %eq3A_424 : vector<16xi1>
        %eq3A_426 = arith.cmpf oeq, %sub3A_404, %min3A_422 : vector<16xf32>
        %and3A_427 = arith.andi %and3A_425, %eq3A_426 : vector<16xi1>
        %mul3A_428 = arith.constant 4.410000e+02 : f32
        %mul3A_429 = vector.broadcast %mul3A_428 : f32 to vector<16xf32>
        %mul3A_430 = arith.mulf %min3A_410, %mul3A_429 : vector<16xf32>
        %mul3A_431 = arith.constant 2.100000e+01 : f32
        %mul3A_432 = vector.broadcast %mul3A_431 : f32 to vector<16xf32>
        %mul3A_433 = arith.mulf %min3A_416, %mul3A_432 : vector<16xf32>
        %add3A_434 = arith.addf %mul3A_430, %mul3A_433 : vector<16xf32>
        %add3A_435 = arith.addf %add3A_434, %min3A_422 : vector<16xf32>
        %convert_element_type3A_436 = arith.fptosi %add3A_435 : vector<16xf32> to vector<16xi32>
        %jit3A_437 = arith.constant 9261 : i32
        %broadcast_in_dim3A_438 = vector.broadcast %jit3A_437 : i32 to vector<16xi32>
        %select_n3A_439 = arith.select %and3A_427, %convert_element_type3A_436, %broadcast_in_dim3A_438 : vector<16xi1>, vector<16xi32>
        %get3A_440 = arith.constant 16 : index
        %get3A_441 = tpu.vector_load %arg10[%get3A_440] {strides = array<i32>} : memref<2048xf32, #tpu.memory_space<vmem>>, vector<16xf32>,
        tpu.vector_store_idx %arg15[%broadcast_in_dim3A_33, %select_n3A_439], %get3A_441 {add = true} : memref<8x9344xf32, #tpu.memory_space<vmem>>[vector<16xi32>, vector<16xi32>], vector<16xf32>,
        %get3A_442 = arith.constant 272 : index
        %get3A_443 = tpu.vector_load %arg10[%get3A_442] {strides = array<i32>} : memref<2048xf32, #tpu.memory_space<vmem>>, vector<16xf32>,
        tpu.vector_store_idx %arg15[%broadcast_in_dim3A_35, %select_n3A_439], %get3A_443 {add = true} : memref<8x9344xf32, #tpu.memory_space<vmem>>[vector<16xi32>, vector<16xi32>], vector<16xf32>,
        %get3A_444 = arith.constant 528 : index
        %get3A_445 = tpu.vector_load %arg10[%get3A_444] {strides = array<i32>} : memref<2048xf32, #tpu.memory_space<vmem>>, vector<16xf32>,
        tpu.vector_store_idx %arg15[%broadcast_in_dim3A_37, %select_n3A_439], %get3A_445 {add = true} : memref<8x9344xf32, #tpu.memory_space<vmem>>[vector<16xi32>, vector<16xi32>], vector<16xf32>,
        %get3A_446 = arith.constant 784 : index
        %get3A_447 = tpu.vector_load %arg10[%get3A_446] {strides = array<i32>} : memref<2048xf32, #tpu.memory_space<vmem>>, vector<16xf32>,
        tpu.vector_store_idx %arg15[%broadcast_in_dim3A_39, %select_n3A_439], %get3A_447 {add = true} : memref<8x9344xf32, #tpu.memory_space<vmem>>[vector<16xi32>, vector<16xi32>], vector<16xf32>,
        %get3A_448 = arith.constant 1040 : index
        %get3A_449 = tpu.vector_load %arg10[%get3A_448] {strides = array<i32>} : memref<2048xf32, #tpu.memory_space<vmem>>, vector<16xf32>,
        tpu.vector_store_idx %arg15[%broadcast_in_dim3A_41, %select_n3A_439], %get3A_449 {add = true} : memref<8x9344xf32, #tpu.memory_space<vmem>>[vector<16xi32>, vector<16xi32>], vector<16xf32>,
        %get3A_450 = arith.constant 1296 : index
        %get3A_451 = tpu.vector_load %arg10[%get3A_450] {strides = array<i32>} : memref<2048xf32, #tpu.memory_space<vmem>>, vector<16xf32>,
        tpu.vector_store_idx %arg15[%broadcast_in_dim3A_43, %select_n3A_439], %get3A_451 {add = true} : memref<8x9344xf32, #tpu.memory_space<vmem>>[vector<16xi32>, vector<16xi32>], vector<16xf32>,
        %get3A_452 = arith.constant 1552 : index
        %get3A_453 = tpu.vector_load %arg10[%get3A_452] {strides = array<i32>} : memref<2048xf32, #tpu.memory_space<vmem>>, vector<16xf32>,
        tpu.vector_store_idx %arg15[%broadcast_in_dim3A_45, %select_n3A_439], %get3A_453 {add = true} : memref<8x9344xf32, #tpu.memory_space<vmem>>[vector<16xi32>, vector<16xi32>], vector<16xf32>,
        %get3A_454 = arith.constant 1808 : index
        %get3A_455 = tpu.vector_load %arg10[%get3A_454] {strides = array<i32>} : memref<2048xf32, #tpu.memory_space<vmem>>, vector<16xf32>,
        tpu.vector_store_idx %arg15[%broadcast_in_dim3A_47, %select_n3A_439], %get3A_455 {add = true} : memref<8x9344xf32, #tpu.memory_space<vmem>>[vector<16xi32>, vector<16xi32>], vector<16xf32>,
        %get3A_456 = arith.constant 32 : index
        %get3A_457 = tpu.vector_load %arg7[%get3A_456] {strides = array<i32>} : memref<256xf32, #tpu.memory_space<vmem>>, vector<16xf32>,
        %get3A_458 = arith.constant 32 : index
        %get3A_459 = tpu.vector_load %arg8[%get3A_458] {strides = array<i32>} : memref<256xf32, #tpu.memory_space<vmem>>, vector<16xf32>,
        %get3A_460 = arith.constant 32 : index
        %get3A_461 = tpu.vector_load %arg9[%get3A_460] {strides = array<i32>} : memref<256xf32, #tpu.memory_space<vmem>>, vector<16xf32>,
        %add3A_462 = arith.constant 1.000000e+01 : f32
        %add3A_463 = vector.broadcast %add3A_462 : f32 to vector<16xf32>
        %add3A_464 = arith.addf %get3A_457, %add3A_463 : vector<16xf32>
        %add3A_465 = arith.constant 0x4B400000 : f32
        %add3A_466 = vector.broadcast %add3A_465 : f32 to vector<16xf32>
        %add3A_467 = arith.addf %add3A_464, %add3A_466 : vector<16xf32>
        %sub3A_468 = arith.constant 0x4B400000 : f32
        %sub3A_469 = vector.broadcast %sub3A_468 : f32 to vector<16xf32>
        %sub3A_470 = arith.subf %add3A_467, %sub3A_469 : vector<16xf32>
        %add3A_471 = arith.constant 1.000000e+01 : f32
        %add3A_472 = vector.broadcast %add3A_471 : f32 to vector<16xf32>
        %add3A_473 = arith.addf %get3A_459, %add3A_472 : vector<16xf32>
        %add3A_474 = arith.constant 0x4B400000 : f32
        %add3A_475 = vector.broadcast %add3A_474 : f32 to vector<16xf32>
        %add3A_476 = arith.addf %add3A_473, %add3A_475 : vector<16xf32>
        %sub3A_477 = arith.constant 0x4B400000 : f32
        %sub3A_478 = vector.broadcast %sub3A_477 : f32 to vector<16xf32>
        %sub3A_479 = arith.subf %add3A_476, %sub3A_478 : vector<16xf32>
        %add3A_480 = arith.constant 1.000000e+01 : f32
        %add3A_481 = vector.broadcast %add3A_480 : f32 to vector<16xf32>
        %add3A_482 = arith.addf %get3A_461, %add3A_481 : vector<16xf32>
        %add3A_483 = arith.constant 0x4B400000 : f32
        %add3A_484 = vector.broadcast %add3A_483 : f32 to vector<16xf32>
        %add3A_485 = arith.addf %add3A_482, %add3A_484 : vector<16xf32>
        %sub3A_486 = arith.constant 0x4B400000 : f32
        %sub3A_487 = vector.broadcast %sub3A_486 : f32 to vector<16xf32>
        %sub3A_488 = arith.subf %add3A_485, %sub3A_487 : vector<16xf32>
        %max3A_489 = arith.constant 0.000000e+00 : f32
        %max3A_490 = vector.broadcast %max3A_489 : f32 to vector<16xf32>
        %max3A_491 = arith.maximumf %sub3A_470, %max3A_490 : vector<16xf32>
        %min3A_492 = arith.constant 2.000000e+01 : f32
        %min3A_493 = vector.broadcast %min3A_492 : f32 to vector<16xf32>
        %min3A_494 = arith.minimumf %max3A_491, %min3A_493 : vector<16xf32>
        %max3A_495 = arith.constant 0.000000e+00 : f32
        %max3A_496 = vector.broadcast %max3A_495 : f32 to vector<16xf32>
        %max3A_497 = arith.maximumf %sub3A_479, %max3A_496 : vector<16xf32>
        %min3A_498 = arith.constant 2.000000e+01 : f32
        %min3A_499 = vector.broadcast %min3A_498 : f32 to vector<16xf32>
        %min3A_500 = arith.minimumf %max3A_497, %min3A_499 : vector<16xf32>
        %max3A_501 = arith.constant 0.000000e+00 : f32
        %max3A_502 = vector.broadcast %max3A_501 : f32 to vector<16xf32>
        %max3A_503 = arith.maximumf %sub3A_488, %max3A_502 : vector<16xf32>
        %min3A_504 = arith.constant 2.000000e+01 : f32
        %min3A_505 = vector.broadcast %min3A_504 : f32 to vector<16xf32>
        %min3A_506 = arith.minimumf %max3A_503, %min3A_505 : vector<16xf32>
        %eq3A_507 = arith.cmpf oeq, %sub3A_470, %min3A_494 : vector<16xf32>
        %eq3A_508 = arith.cmpf oeq, %sub3A_479, %min3A_500 : vector<16xf32>
        %and3A_509 = arith.andi %eq3A_507, %eq3A_508 : vector<16xi1>
        %eq3A_510 = arith.cmpf oeq, %sub3A_488, %min3A_506 : vector<16xf32>
        %and3A_511 = arith.andi %and3A_509, %eq3A_510 : vector<16xi1>
        %mul3A_512 = arith.constant 4.410000e+02 : f32
        %mul3A_513 = vector.broadcast %mul3A_512 : f32 to vector<16xf32>
        %mul3A_514 = arith.mulf %min3A_494, %mul3A_513 : vector<16xf32>
        %mul3A_515 = arith.constant 2.100000e+01 : f32
        %mul3A_516 = vector.broadcast %mul3A_515 : f32 to vector<16xf32>
        %mul3A_517 = arith.mulf %min3A_500, %mul3A_516 : vector<16xf32>
        %add3A_518 = arith.addf %mul3A_514, %mul3A_517 : vector<16xf32>
        %add3A_519 = arith.addf %add3A_518, %min3A_506 : vector<16xf32>
        %convert_element_type3A_520 = arith.fptosi %add3A_519 : vector<16xf32> to vector<16xi32>
        %jit3A_521 = arith.constant 9261 : i32
        %broadcast_in_dim3A_522 = vector.broadcast %jit3A_521 : i32 to vector<16xi32>
        %select_n3A_523 = arith.select %and3A_511, %convert_element_type3A_520, %broadcast_in_dim3A_522 : vector<16xi1>, vector<16xi32>
        %get3A_524 = arith.constant 32 : index
        %get3A_525 = tpu.vector_load %arg10[%get3A_524] {strides = array<i32>} : memref<2048xf32, #tpu.memory_space<vmem>>, vector<16xf32>,
        tpu.vector_store_idx %arg15[%broadcast_in_dim3A_33, %select_n3A_523], %get3A_525 {add = true} : memref<8x9344xf32, #tpu.memory_space<vmem>>[vector<16xi32>, vector<16xi32>], vector<16xf32>,
        %get3A_526 = arith.constant 288 : index
        %get3A_527 = tpu.vector_load %arg10[%get3A_526] {strides = array<i32>} : memref<2048xf32, #tpu.memory_space<vmem>>, vector<16xf32>,
        tpu.vector_store_idx %arg15[%broadcast_in_dim3A_35, %select_n3A_523], %get3A_527 {add = true} : memref<8x9344xf32, #tpu.memory_space<vmem>>[vector<16xi32>, vector<16xi32>], vector<16xf32>,
        %get3A_528 = arith.constant 544 : index
        %get3A_529 = tpu.vector_load %arg10[%get3A_528] {strides = array<i32>} : memref<2048xf32, #tpu.memory_space<vmem>>, vector<16xf32>,
        tpu.vector_store_idx %arg15[%broadcast_in_dim3A_37, %select_n3A_523], %get3A_529 {add = true} : memref<8x9344xf32, #tpu.memory_space<vmem>>[vector<16xi32>, vector<16xi32>], vector<16xf32>,
        %get3A_530 = arith.constant 800 : index
        %get3A_531 = tpu.vector_load %arg10[%get3A_530] {strides = array<i32>} : memref<2048xf32, #tpu.memory_space<vmem>>, vector<16xf32>,
        tpu.vector_store_idx %arg15[%broadcast_in_dim3A_39, %select_n3A_523], %get3A_531 {add = true} : memref<8x9344xf32, #tpu.memory_space<vmem>>[vector<16xi32>, vector<16xi32>], vector<16xf32>,
        %get3A_532 = arith.constant 1056 : index
        %get3A_533 = tpu.vector_load %arg10[%get3A_532] {strides = array<i32>} : memref<2048xf32, #tpu.memory_space<vmem>>, vector<16xf32>,
        tpu.vector_store_idx %arg15[%broadcast_in_dim3A_41, %select_n3A_523], %get3A_533 {add = true} : memref<8x9344xf32, #tpu.memory_space<vmem>>[vector<16xi32>, vector<16xi32>], vector<16xf32>,
        %get3A_534 = arith.constant 1312 : index
        %get3A_535 = tpu.vector_load %arg10[%get3A_534] {strides = array<i32>} : memref<2048xf32, #tpu.memory_space<vmem>>, vector<16xf32>,
        tpu.vector_store_idx %arg15[%broadcast_in_dim3A_43, %select_n3A_523], %get3A_535 {add = true} : memref<8x9344xf32, #tpu.memory_space<vmem>>[vector<16xi32>, vector<16xi32>], vector<16xf32>,
        %get3A_536 = arith.constant 1568 : index
        %get3A_537 = tpu.vector_load %arg10[%get3A_536] {strides = array<i32>} : memref<2048xf32, #tpu.memory_space<vmem>>, vector<16xf32>,
        tpu.vector_store_idx %arg15[%broadcast_in_dim3A_45, %select_n3A_523], %get3A_537 {add = true} : memref<8x9344xf32, #tpu.memory_space<vmem>>[vector<16xi32>, vector<16xi32>], vector<16xf32>,
        %get3A_538 = arith.constant 1824 : index
        %get3A_539 = tpu.vector_load %arg10[%get3A_538] {strides = array<i32>} : memref<2048xf32, #tpu.memory_space<vmem>>, vector<16xf32>,
        tpu.vector_store_idx %arg15[%broadcast_in_dim3A_47, %select_n3A_523], %get3A_539 {add = true} : memref<8x9344xf32, #tpu.memory_space<vmem>>[vector<16xi32>, vector<16xi32>], vector<16xf32>,
        %get3A_540 = arith.constant 48 : index
        %get3A_541 = tpu.vector_load %arg7[%get3A_540] {strides = array<i32>} : memref<256xf32, #tpu.memory_space<vmem>>, vector<16xf32>,
        %get3A_542 = arith.constant 48 : index
        %get3A_543 = tpu.vector_load %arg8[%get3A_542] {strides = array<i32>} : memref<256xf32, #tpu.memory_space<vmem>>, vector<16xf32>,
        %get3A_544 = arith.constant 48 : index
        %get3A_545 = tpu.vector_load %arg9[%get3A_544] {strides = array<i32>} : memref<256xf32, #tpu.memory_space<vmem>>, vector<16xf32>,
        %add3A_546 = arith.constant 1.000000e+01 : f32
        %add3A_547 = vector.broadcast %add3A_546 : f32 to vector<16xf32>
        %add3A_548 = arith.addf %get3A_541, %add3A_547 : vector<16xf32>
        %add3A_549 = arith.constant 0x4B400000 : f32
        %add3A_550 = vector.broadcast %add3A_549 : f32 to vector<16xf32>
        %add3A_551 = arith.addf %add3A_548, %add3A_550 : vector<16xf32>
        %sub3A_552 = arith.constant 0x4B400000 : f32
        %sub3A_553 = vector.broadcast %sub3A_552 : f32 to vector<16xf32>
        %sub3A_554 = arith.subf %add3A_551, %sub3A_553 : vector<16xf32>
        %add3A_555 = arith.constant 1.000000e+01 : f32
        %add3A_556 = vector.broadcast %add3A_555 : f32 to vector<16xf32>
        %add3A_557 = arith.addf %get3A_543, %add3A_556 : vector<16xf32>
        %add3A_558 = arith.constant 0x4B400000 : f32
        %add3A_559 = vector.broadcast %add3A_558 : f32 to vector<16xf32>
        %add3A_560 = arith.addf %add3A_557, %add3A_559 : vector<16xf32>
        %sub3A_561 = arith.constant 0x4B400000 : f32
        %sub3A_562 = vector.broadcast %sub3A_561 : f32 to vector<16xf32>
        %sub3A_563 = arith.subf %add3A_560, %sub3A_562 : vector<16xf32>
        %add3A_564 = arith.constant 1.000000e+01 : f32
        %add3A_565 = vector.broadcast %add3A_564 : f32 to vector<16xf32>
        %add3A_566 = arith.addf %get3A_545, %add3A_565 : vector<16xf32>
        %add3A_567 = arith.constant 0x4B400000 : f32
        %add3A_568 = vector.broadcast %add3A_567 : f32 to vector<16xf32>
        %add3A_569 = arith.addf %add3A_566, %add3A_568 : vector<16xf32>
        %sub3A_570 = arith.constant 0x4B400000 : f32
        %sub3A_571 = vector.broadcast %sub3A_570 : f32 to vector<16xf32>
        %sub3A_572 = arith.subf %add3A_569, %sub3A_571 : vector<16xf32>
        %max3A_573 = arith.constant 0.000000e+00 : f32
        %max3A_574 = vector.broadcast %max3A_573 : f32 to vector<16xf32>
        %max3A_575 = arith.maximumf %sub3A_554, %max3A_574 : vector<16xf32>
        %min3A_576 = arith.constant 2.000000e+01 : f32
        %min3A_577 = vector.broadcast %min3A_576 : f32 to vector<16xf32>
        %min3A_578 = arith.minimumf %max3A_575, %min3A_577 : vector<16xf32>
        %max3A_579 = arith.constant 0.000000e+00 : f32
        %max3A_580 = vector.broadcast %max3A_579 : f32 to vector<16xf32>
        %max3A_581 = arith.maximumf %sub3A_563, %max3A_580 : vector<16xf32>
        %min3A_582 = arith.constant 2.000000e+01 : f32
        %min3A_583 = vector.broadcast %min3A_582 : f32 to vector<16xf32>
        %min3A_584 = arith.minimumf %max3A_581, %min3A_583 : vector<16xf32>
        %max3A_585 = arith.constant 0.000000e+00 : f32
        %max3A_586 = vector.broadcast %max3A_585 : f32 to vector<16xf32>
        %max3A_587 = arith.maximumf %sub3A_572, %max3A_586 : vector<16xf32>
        %min3A_588 = arith.constant 2.000000e+01 : f32
        %min3A_589 = vector.broadcast %min3A_588 : f32 to vector<16xf32>
        %min3A_590 = arith.minimumf %max3A_587, %min3A_589 : vector<16xf32>
        %eq3A_591 = arith.cmpf oeq, %sub3A_554, %min3A_578 : vector<16xf32>
        %eq3A_592 = arith.cmpf oeq, %sub3A_563, %min3A_584 : vector<16xf32>
        %and3A_593 = arith.andi %eq3A_591, %eq3A_592 : vector<16xi1>
        %eq3A_594 = arith.cmpf oeq, %sub3A_572, %min3A_590 : vector<16xf32>
        %and3A_595 = arith.andi %and3A_593, %eq3A_594 : vector<16xi1>
        %mul3A_596 = arith.constant 4.410000e+02 : f32
        %mul3A_597 = vector.broadcast %mul3A_596 : f32 to vector<16xf32>
        %mul3A_598 = arith.mulf %min3A_578, %mul3A_597 : vector<16xf32>
        %mul3A_599 = arith.constant 2.100000e+01 : f32
        %mul3A_600 = vector.broadcast %mul3A_599 : f32 to vector<16xf32>
        %mul3A_601 = arith.mulf %min3A_584, %mul3A_600 : vector<16xf32>
        %add3A_602 = arith.addf %mul3A_598, %mul3A_601 : vector<16xf32>
        %add3A_603 = arith.addf %add3A_602, %min3A_590 : vector<16xf32>
        %convert_element_type3A_604 = arith.fptosi %add3A_603 : vector<16xf32> to vector<16xi32>
        %jit3A_605 = arith.constant 9261 : i32
        %broadcast_in_dim3A_606 = vector.broadcast %jit3A_605 : i32 to vector<16xi32>
        %select_n3A_607 = arith.select %and3A_595, %convert_element_type3A_604, %broadcast_in_dim3A_606 : vector<16xi1>, vector<16xi32>
        %get3A_608 = arith.constant 48 : index
        %get3A_609 = tpu.vector_load %arg10[%get3A_608] {strides = array<i32>} : memref<2048xf32, #tpu.memory_space<vmem>>, vector<16xf32>,
        tpu.vector_store_idx %arg15[%broadcast_in_dim3A_33, %select_n3A_607], %get3A_609 {add = true} : memref<8x9344xf32, #tpu.memory_space<vmem>>[vector<16xi32>, vector<16xi32>], vector<16xf32>,
        %get3A_610 = arith.constant 304 : index
        %get3A_611 = tpu.vector_load %arg10[%get3A_610] {strides = array<i32>} : memref<2048xf32, #tpu.memory_space<vmem>>, vector<16xf32>,
        tpu.vector_store_idx %arg15[%broadcast_in_dim3A_35, %select_n3A_607], %get3A_611 {add = true} : memref<8x9344xf32, #tpu.memory_space<vmem>>[vector<16xi32>, vector<16xi32>], vector<16xf32>,
        %get3A_612 = arith.constant 560 : index
        %get3A_613 = tpu.vector_load %arg10[%get3A_612] {strides = array<i32>} : memref<2048xf32, #tpu.memory_space<vmem>>, vector<16xf32>,
        tpu.vector_store_idx %arg15[%broadcast_in_dim3A_37, %select_n3A_607], %get3A_613 {add = true} : memref<8x9344xf32, #tpu.memory_space<vmem>>[vector<16xi32>, vector<16xi32>], vector<16xf32>,
        %get3A_614 = arith.constant 816 : index
        %get3A_615 = tpu.vector_load %arg10[%get3A_614] {strides = array<i32>} : memref<2048xf32, #tpu.memory_space<vmem>>, vector<16xf32>,
        tpu.vector_store_idx %arg15[%broadcast_in_dim3A_39, %select_n3A_607], %get3A_615 {add = true} : memref<8x9344xf32, #tpu.memory_space<vmem>>[vector<16xi32>, vector<16xi32>], vector<16xf32>,
        %get3A_616 = arith.constant 1072 : index
        %get3A_617 = tpu.vector_load %arg10[%get3A_616] {strides = array<i32>} : memref<2048xf32, #tpu.memory_space<vmem>>, vector<16xf32>,
        tpu.vector_store_idx %arg15[%broadcast_in_dim3A_41, %select_n3A_607], %get3A_617 {add = true} : memref<8x9344xf32, #tpu.memory_space<vmem>>[vector<16xi32>, vector<16xi32>], vector<16xf32>,
        %get3A_618 = arith.constant 1328 : index
        %get3A_619 = tpu.vector_load %arg10[%get3A_618] {strides = array<i32>} : memref<2048xf32, #tpu.memory_space<vmem>>, vector<16xf32>,
        tpu.vector_store_idx %arg15[%broadcast_in_dim3A_43, %select_n3A_607], %get3A_619 {add = true} : memref<8x9344xf32, #tpu.memory_space<vmem>>[vector<16xi32>, vector<16xi32>], vector<16xf32>,
        %get3A_620 = arith.constant 1584 : index
        %get3A_621 = tpu.vector_load %arg10[%get3A_620] {strides = array<i32>} : memref<2048xf32, #tpu.memory_space<vmem>>, vector<16xf32>,
        tpu.vector_store_idx %arg15[%broadcast_in_dim3A_45, %select_n3A_607], %get3A_621 {add = true} : memref<8x9344xf32, #tpu.memory_space<vmem>>[vector<16xi32>, vector<16xi32>], vector<16xf32>,
        %get3A_622 = arith.constant 1840 : index
        %get3A_623 = tpu.vector_load %arg10[%get3A_622] {strides = array<i32>} : memref<2048xf32, #tpu.memory_space<vmem>>, vector<16xf32>,
        tpu.vector_store_idx %arg15[%broadcast_in_dim3A_47, %select_n3A_607], %get3A_623 {add = true} : memref<8x9344xf32, #tpu.memory_space<vmem>>[vector<16xi32>, vector<16xi32>], vector<16xf32>,
        %get3A_624 = arith.constant 64 : index
        %get3A_625 = tpu.vector_load %arg7[%get3A_624] {strides = array<i32>} : memref<256xf32, #tpu.memory_space<vmem>>, vector<16xf32>,
        %get3A_626 = arith.constant 64 : index
        %get3A_627 = tpu.vector_load %arg8[%get3A_626] {strides = array<i32>} : memref<256xf32, #tpu.memory_space<vmem>>, vector<16xf32>,
        %get3A_628 = arith.constant 64 : index
        %get3A_629 = tpu.vector_load %arg9[%get3A_628] {strides = array<i32>} : memref<256xf32, #tpu.memory_space<vmem>>, vector<16xf32>,
        %add3A_630 = arith.constant 1.000000e+01 : f32
        %add3A_631 = vector.broadcast %add3A_630 : f32 to vector<16xf32>
        %add3A_632 = arith.addf %get3A_625, %add3A_631 : vector<16xf32>
        %add3A_633 = arith.constant 0x4B400000 : f32
        %add3A_634 = vector.broadcast %add3A_633 : f32 to vector<16xf32>
        %add3A_635 = arith.addf %add3A_632, %add3A_634 : vector<16xf32>
        %sub3A_636 = arith.constant 0x4B400000 : f32
        %sub3A_637 = vector.broadcast %sub3A_636 : f32 to vector<16xf32>
        %sub3A_638 = arith.subf %add3A_635, %sub3A_637 : vector<16xf32>
        %add3A_639 = arith.constant 1.000000e+01 : f32
        %add3A_640 = vector.broadcast %add3A_639 : f32 to vector<16xf32>
        %add3A_641 = arith.addf %get3A_627, %add3A_640 : vector<16xf32>
        %add3A_642 = arith.constant 0x4B400000 : f32
        %add3A_643 = vector.broadcast %add3A_642 : f32 to vector<16xf32>
        %add3A_644 = arith.addf %add3A_641, %add3A_643 : vector<16xf32>
        %sub3A_645 = arith.constant 0x4B400000 : f32
        %sub3A_646 = vector.broadcast %sub3A_645 : f32 to vector<16xf32>
        %sub3A_647 = arith.subf %add3A_644, %sub3A_646 : vector<16xf32>
        %add3A_648 = arith.constant 1.000000e+01 : f32
        %add3A_649 = vector.broadcast %add3A_648 : f32 to vector<16xf32>
        %add3A_650 = arith.addf %get3A_629, %add3A_649 : vector<16xf32>
        %add3A_651 = arith.constant 0x4B400000 : f32
        %add3A_652 = vector.broadcast %add3A_651 : f32 to vector<16xf32>
        %add3A_653 = arith.addf %add3A_650, %add3A_652 : vector<16xf32>
        %sub3A_654 = arith.constant 0x4B400000 : f32
        %sub3A_655 = vector.broadcast %sub3A_654 : f32 to vector<16xf32>
        %sub3A_656 = arith.subf %add3A_653, %sub3A_655 : vector<16xf32>
        %max3A_657 = arith.constant 0.000000e+00 : f32
        %max3A_658 = vector.broadcast %max3A_657 : f32 to vector<16xf32>
        %max3A_659 = arith.maximumf %sub3A_638, %max3A_658 : vector<16xf32>
        %min3A_660 = arith.constant 2.000000e+01 : f32
        %min3A_661 = vector.broadcast %min3A_660 : f32 to vector<16xf32>
        %min3A_662 = arith.minimumf %max3A_659, %min3A_661 : vector<16xf32>
        %max3A_663 = arith.constant 0.000000e+00 : f32
        %max3A_664 = vector.broadcast %max3A_663 : f32 to vector<16xf32>
        %max3A_665 = arith.maximumf %sub3A_647, %max3A_664 : vector<16xf32>
        %min3A_666 = arith.constant 2.000000e+01 : f32
        %min3A_667 = vector.broadcast %min3A_666 : f32 to vector<16xf32>
        %min3A_668 = arith.minimumf %max3A_665, %min3A_667 : vector<16xf32>
        %max3A_669 = arith.constant 0.000000e+00 : f32
        %max3A_670 = vector.broadcast %max3A_669 : f32 to vector<16xf32>
        %max3A_671 = arith.maximumf %sub3A_656, %max3A_670 : vector<16xf32>
        %min3A_672 = arith.constant 2.000000e+01 : f32
        %min3A_673 = vector.broadcast %min3A_672 : f32 to vector<16xf32>
        %min3A_674 = arith.minimumf %max3A_671, %min3A_673 : vector<16xf32>
        %eq3A_675 = arith.cmpf oeq, %sub3A_638, %min3A_662 : vector<16xf32>
        %eq3A_676 = arith.cmpf oeq, %sub3A_647, %min3A_668 : vector<16xf32>
        %and3A_677 = arith.andi %eq3A_675, %eq3A_676 : vector<16xi1>
        %eq3A_678 = arith.cmpf oeq, %sub3A_656, %min3A_674 : vector<16xf32>
        %and3A_679 = arith.andi %and3A_677, %eq3A_678 : vector<16xi1>
        %mul3A_680 = arith.constant 4.410000e+02 : f32
        %mul3A_681 = vector.broadcast %mul3A_680 : f32 to vector<16xf32>
        %mul3A_682 = arith.mulf %min3A_662, %mul3A_681 : vector<16xf32>
        %mul3A_683 = arith.constant 2.100000e+01 : f32
        %mul3A_684 = vector.broadcast %mul3A_683 : f32 to vector<16xf32>
        %mul3A_685 = arith.mulf %min3A_668, %mul3A_684 : vector<16xf32>
        %add3A_686 = arith.addf %mul3A_682, %mul3A_685 : vector<16xf32>
        %add3A_687 = arith.addf %add3A_686, %min3A_674 : vector<16xf32>
        %convert_element_type3A_688 = arith.fptosi %add3A_687 : vector<16xf32> to vector<16xi32>
        %jit3A_689 = arith.constant 9261 : i32
        %broadcast_in_dim3A_690 = vector.broadcast %jit3A_689 : i32 to vector<16xi32>
        %select_n3A_691 = arith.select %and3A_679, %convert_element_type3A_688, %broadcast_in_dim3A_690 : vector<16xi1>, vector<16xi32>
        %get3A_692 = arith.constant 64 : index
        %get3A_693 = tpu.vector_load %arg10[%get3A_692] {strides = array<i32>} : memref<2048xf32, #tpu.memory_space<vmem>>, vector<16xf32>,
        tpu.vector_store_idx %arg15[%broadcast_in_dim3A_33, %select_n3A_691], %get3A_693 {add = true} : memref<8x9344xf32, #tpu.memory_space<vmem>>[vector<16xi32>, vector<16xi32>], vector<16xf32>,
        %get3A_694 = arith.constant 320 : index
        %get3A_695 = tpu.vector_load %arg10[%get3A_694] {strides = array<i32>} : memref<2048xf32, #tpu.memory_space<vmem>>, vector<16xf32>,
        tpu.vector_store_idx %arg15[%broadcast_in_dim3A_35, %select_n3A_691], %get3A_695 {add = true} : memref<8x9344xf32, #tpu.memory_space<vmem>>[vector<16xi32>, vector<16xi32>], vector<16xf32>,
        %get3A_696 = arith.constant 576 : index
        %get3A_697 = tpu.vector_load %arg10[%get3A_696] {strides = array<i32>} : memref<2048xf32, #tpu.memory_space<vmem>>, vector<16xf32>,
        tpu.vector_store_idx %arg15[%broadcast_in_dim3A_37, %select_n3A_691], %get3A_697 {add = true} : memref<8x9344xf32, #tpu.memory_space<vmem>>[vector<16xi32>, vector<16xi32>], vector<16xf32>,
        %get3A_698 = arith.constant 832 : index
        %get3A_699 = tpu.vector_load %arg10[%get3A_698] {strides = array<i32>} : memref<2048xf32, #tpu.memory_space<vmem>>, vector<16xf32>,
        tpu.vector_store_idx %arg15[%broadcast_in_dim3A_39, %select_n3A_691], %get3A_699 {add = true} : memref<8x9344xf32, #tpu.memory_space<vmem>>[vector<16xi32>, vector<16xi32>], vector<16xf32>,
        %get3A_700 = arith.constant 1088 : index
        %get3A_701 = tpu.vector_load %arg10[%get3A_700] {strides = array<i32>} : memref<2048xf32, #tpu.memory_space<vmem>>, vector<16xf32>,
        tpu.vector_store_idx %arg15[%broadcast_in_dim3A_41, %select_n3A_691], %get3A_701 {add = true} : memref<8x9344xf32, #tpu.memory_space<vmem>>[vector<16xi32>, vector<16xi32>], vector<16xf32>,
        %get3A_702 = arith.constant 1344 : index
        %get3A_703 = tpu.vector_load %arg10[%get3A_702] {strides = array<i32>} : memref<2048xf32, #tpu.memory_space<vmem>>, vector<16xf32>,
        tpu.vector_store_idx %arg15[%broadcast_in_dim3A_43, %select_n3A_691], %get3A_703 {add = true} : memref<8x9344xf32, #tpu.memory_space<vmem>>[vector<16xi32>, vector<16xi32>], vector<16xf32>,
        %get3A_704 = arith.constant 1600 : index
        %get3A_705 = tpu.vector_load %arg10[%get3A_704] {strides = array<i32>} : memref<2048xf32, #tpu.memory_space<vmem>>, vector<16xf32>,
        tpu.vector_store_idx %arg15[%broadcast_in_dim3A_45, %select_n3A_691], %get3A_705 {add = true} : memref<8x9344xf32, #tpu.memory_space<vmem>>[vector<16xi32>, vector<16xi32>], vector<16xf32>,
        %get3A_706 = arith.constant 1856 : index
        %get3A_707 = tpu.vector_load %arg10[%get3A_706] {strides = array<i32>} : memref<2048xf32, #tpu.memory_space<vmem>>, vector<16xf32>,
        tpu.vector_store_idx %arg15[%broadcast_in_dim3A_47, %select_n3A_691], %get3A_707 {add = true} : memref<8x9344xf32, #tpu.memory_space<vmem>>[vector<16xi32>, vector<16xi32>], vector<16xf32>,
        %get3A_708 = arith.constant 80 : index
        %get3A_709 = tpu.vector_load %arg7[%get3A_708] {strides = array<i32>} : memref<256xf32, #tpu.memory_space<vmem>>, vector<16xf32>,
        %get3A_710 = arith.constant 80 : index
        %get3A_711 = tpu.vector_load %arg8[%get3A_710] {strides = array<i32>} : memref<256xf32, #tpu.memory_space<vmem>>, vector<16xf32>,
        %get3A_712 = arith.constant 80 : index
        %get3A_713 = tpu.vector_load %arg9[%get3A_712] {strides = array<i32>} : memref<256xf32, #tpu.memory_space<vmem>>, vector<16xf32>,
        %add3A_714 = arith.constant 1.000000e+01 : f32
        %add3A_715 = vector.broadcast %add3A_714 : f32 to vector<16xf32>
        %add3A_716 = arith.addf %get3A_709, %add3A_715 : vector<16xf32>
        %add3A_717 = arith.constant 0x4B400000 : f32
        %add3A_718 = vector.broadcast %add3A_717 : f32 to vector<16xf32>
        %add3A_719 = arith.addf %add3A_716, %add3A_718 : vector<16xf32>
        %sub3A_720 = arith.constant 0x4B400000 : f32
        %sub3A_721 = vector.broadcast %sub3A_720 : f32 to vector<16xf32>
        %sub3A_722 = arith.subf %add3A_719, %sub3A_721 : vector<16xf32>
        %add3A_723 = arith.constant 1.000000e+01 : f32
        %add3A_724 = vector.broadcast %add3A_723 : f32 to vector<16xf32>
        %add3A_725 = arith.addf %get3A_711, %add3A_724 : vector<16xf32>
        %add3A_726 = arith.constant 0x4B400000 : f32
        %add3A_727 = vector.broadcast %add3A_726 : f32 to vector<16xf32>
        %add3A_728 = arith.addf %add3A_725, %add3A_727 : vector<16xf32>
        %sub3A_729 = arith.constant 0x4B400000 : f32
        %sub3A_730 = vector.broadcast %sub3A_729 : f32 to vector<16xf32>
        %sub3A_731 = arith.subf %add3A_728, %sub3A_730 : vector<16xf32>
        %add3A_732 = arith.constant 1.000000e+01 : f32
        %add3A_733 = vector.broadcast %add3A_732 : f32 to vector<16xf32>
        %add3A_734 = arith.addf %get3A_713, %add3A_733 : vector<16xf32>
        %add3A_735 = arith.constant 0x4B400000 : f32
        %add3A_736 = vector.broadcast %add3A_735 : f32 to vector<16xf32>
        %add3A_737 = arith.addf %add3A_734, %add3A_736 : vector<16xf32>
        %sub3A_738 = arith.constant 0x4B400000 : f32
        %sub3A_739 = vector.broadcast %sub3A_738 : f32 to vector<16xf32>
        %sub3A_740 = arith.subf %add3A_737, %sub3A_739 : vector<16xf32>
        %max3A_741 = arith.constant 0.000000e+00 : f32
        %max3A_742 = vector.broadcast %max3A_741 : f32 to vector<16xf32>
        %max3A_743 = arith.maximumf %sub3A_722, %max3A_742 : vector<16xf32>
        %min3A_744 = arith.constant 2.000000e+01 : f32
        %min3A_745 = vector.broadcast %min3A_744 : f32 to vector<16xf32>
        %min3A_746 = arith.minimumf %max3A_743, %min3A_745 : vector<16xf32>
        %max3A_747 = arith.constant 0.000000e+00 : f32
        %max3A_748 = vector.broadcast %max3A_747 : f32 to vector<16xf32>
        %max3A_749 = arith.maximumf %sub3A_731, %max3A_748 : vector<16xf32>
        %min3A_750 = arith.constant 2.000000e+01 : f32
        %min3A_751 = vector.broadcast %min3A_750 : f32 to vector<16xf32>
        %min3A_752 = arith.minimumf %max3A_749, %min3A_751 : vector<16xf32>
        %max3A_753 = arith.constant 0.000000e+00 : f32
        %max3A_754 = vector.broadcast %max3A_753 : f32 to vector<16xf32>
        %max3A_755 = arith.maximumf %sub3A_740, %max3A_754 : vector<16xf32>
        %min3A_756 = arith.constant 2.000000e+01 : f32
        %min3A_757 = vector.broadcast %min3A_756 : f32 to vector<16xf32>
        %min3A_758 = arith.minimumf %max3A_755, %min3A_757 : vector<16xf32>
        %eq3A_759 = arith.cmpf oeq, %sub3A_722, %min3A_746 : vector<16xf32>
        %eq3A_760 = arith.cmpf oeq, %sub3A_731, %min3A_752 : vector<16xf32>
        %and3A_761 = arith.andi %eq3A_759, %eq3A_760 : vector<16xi1>
        %eq3A_762 = arith.cmpf oeq, %sub3A_740, %min3A_758 : vector<16xf32>
        %and3A_763 = arith.andi %and3A_761, %eq3A_762 : vector<16xi1>
        %mul3A_764 = arith.constant 4.410000e+02 : f32
        %mul3A_765 = vector.broadcast %mul3A_764 : f32 to vector<16xf32>
        %mul3A_766 = arith.mulf %min3A_746, %mul3A_765 : vector<16xf32>
        %mul3A_767 = arith.constant 2.100000e+01 : f32
        %mul3A_768 = vector.broadcast %mul3A_767 : f32 to vector<16xf32>
        %mul3A_769 = arith.mulf %min3A_752, %mul3A_768 : vector<16xf32>
        %add3A_770 = arith.addf %mul3A_766, %mul3A_769 : vector<16xf32>
        %add3A_771 = arith.addf %add3A_770, %min3A_758 : vector<16xf32>
        %convert_element_type3A_772 = arith.fptosi %add3A_771 : vector<16xf32> to vector<16xi32>
        %jit3A_773 = arith.constant 9261 : i32
        %broadcast_in_dim3A_774 = vector.broadcast %jit3A_773 : i32 to vector<16xi32>
        %select_n3A_775 = arith.select %and3A_763, %convert_element_type3A_772, %broadcast_in_dim3A_774 : vector<16xi1>, vector<16xi32>
        %get3A_776 = arith.constant 80 : index
        %get3A_777 = tpu.vector_load %arg10[%get3A_776] {strides = array<i32>} : memref<2048xf32, #tpu.memory_space<vmem>>, vector<16xf32>,
        tpu.vector_store_idx %arg15[%broadcast_in_dim3A_33, %select_n3A_775], %get3A_777 {add = true} : memref<8x9344xf32, #tpu.memory_space<vmem>>[vector<16xi32>, vector<16xi32>], vector<16xf32>,
        %get3A_778 = arith.constant 336 : index
        %get3A_779 = tpu.vector_load %arg10[%get3A_778] {strides = array<i32>} : memref<2048xf32, #tpu.memory_space<vmem>>, vector<16xf32>,
        tpu.vector_store_idx %arg15[%broadcast_in_dim3A_35, %select_n3A_775], %get3A_779 {add = true} : memref<8x9344xf32, #tpu.memory_space<vmem>>[vector<16xi32>, vector<16xi32>], vector<16xf32>,
        %get3A_780 = arith.constant 592 : index
        %get3A_781 = tpu.vector_load %arg10[%get3A_780] {strides = array<i32>} : memref<2048xf32, #tpu.memory_space<vmem>>, vector<16xf32>,
        tpu.vector_store_idx %arg15[%broadcast_in_dim3A_37, %select_n3A_775], %get3A_781 {add = true} : memref<8x9344xf32, #tpu.memory_space<vmem>>[vector<16xi32>, vector<16xi32>], vector<16xf32>,
        %get3A_782 = arith.constant 848 : index
        %get3A_783 = tpu.vector_load %arg10[%get3A_782] {strides = array<i32>} : memref<2048xf32, #tpu.memory_space<vmem>>, vector<16xf32>,
        tpu.vector_store_idx %arg15[%broadcast_in_dim3A_39, %select_n3A_775], %get3A_783 {add = true} : memref<8x9344xf32, #tpu.memory_space<vmem>>[vector<16xi32>, vector<16xi32>], vector<16xf32>,
        %get3A_784 = arith.constant 1104 : index
        %get3A_785 = tpu.vector_load %arg10[%get3A_784] {strides = array<i32>} : memref<2048xf32, #tpu.memory_space<vmem>>, vector<16xf32>,
        tpu.vector_store_idx %arg15[%broadcast_in_dim3A_41, %select_n3A_775], %get3A_785 {add = true} : memref<8x9344xf32, #tpu.memory_space<vmem>>[vector<16xi32>, vector<16xi32>], vector<16xf32>,
        %get3A_786 = arith.constant 1360 : index
        %get3A_787 = tpu.vector_load %arg10[%get3A_786] {strides = array<i32>} : memref<2048xf32, #tpu.memory_space<vmem>>, vector<16xf32>,
        tpu.vector_store_idx %arg15[%broadcast_in_dim3A_43, %select_n3A_775], %get3A_787 {add = true} : memref<8x9344xf32, #tpu.memory_space<vmem>>[vector<16xi32>, vector<16xi32>], vector<16xf32>,
        %get3A_788 = arith.constant 1616 : index
        %get3A_789 = tpu.vector_load %arg10[%get3A_788] {strides = array<i32>} : memref<2048xf32, #tpu.memory_space<vmem>>, vector<16xf32>,
        tpu.vector_store_idx %arg15[%broadcast_in_dim3A_45, %select_n3A_775], %get3A_789 {add = true} : memref<8x9344xf32, #tpu.memory_space<vmem>>[vector<16xi32>, vector<16xi32>], vector<16xf32>,
        %get3A_790 = arith.constant 1872 : index
        %get3A_791 = tpu.vector_load %arg10[%get3A_790] {strides = array<i32>} : memref<2048xf32, #tpu.memory_space<vmem>>, vector<16xf32>,
        tpu.vector_store_idx %arg15[%broadcast_in_dim3A_47, %select_n3A_775], %get3A_791 {add = true} : memref<8x9344xf32, #tpu.memory_space<vmem>>[vector<16xi32>, vector<16xi32>], vector<16xf32>,
        %get3A_792 = arith.constant 96 : index
        %get3A_793 = tpu.vector_load %arg7[%get3A_792] {strides = array<i32>} : memref<256xf32, #tpu.memory_space<vmem>>, vector<16xf32>,
        %get3A_794 = arith.constant 96 : index
        %get3A_795 = tpu.vector_load %arg8[%get3A_794] {strides = array<i32>} : memref<256xf32, #tpu.memory_space<vmem>>, vector<16xf32>,
        %get3A_796 = arith.constant 96 : index
        %get3A_797 = tpu.vector_load %arg9[%get3A_796] {strides = array<i32>} : memref<256xf32, #tpu.memory_space<vmem>>, vector<16xf32>,
        %add3A_798 = arith.constant 1.000000e+01 : f32
        %add3A_799 = vector.broadcast %add3A_798 : f32 to vector<16xf32>
        %add3A_800 = arith.addf %get3A_793, %add3A_799 : vector<16xf32>
        %add3A_801 = arith.constant 0x4B400000 : f32
        %add3A_802 = vector.broadcast %add3A_801 : f32 to vector<16xf32>
        %add3A_803 = arith.addf %add3A_800, %add3A_802 : vector<16xf32>
        %sub3A_804 = arith.constant 0x4B400000 : f32
        %sub3A_805 = vector.broadcast %sub3A_804 : f32 to vector<16xf32>
        %sub3A_806 = arith.subf %add3A_803, %sub3A_805 : vector<16xf32>
        %add3A_807 = arith.constant 1.000000e+01 : f32
        %add3A_808 = vector.broadcast %add3A_807 : f32 to vector<16xf32>
        %add3A_809 = arith.addf %get3A_795, %add3A_808 : vector<16xf32>
        %add3A_810 = arith.constant 0x4B400000 : f32
        %add3A_811 = vector.broadcast %add3A_810 : f32 to vector<16xf32>
        %add3A_812 = arith.addf %add3A_809, %add3A_811 : vector<16xf32>
        %sub3A_813 = arith.constant 0x4B400000 : f32
        %sub3A_814 = vector.broadcast %sub3A_813 : f32 to vector<16xf32>
        %sub3A_815 = arith.subf %add3A_812, %sub3A_814 : vector<16xf32>
        %add3A_816 = arith.constant 1.000000e+01 : f32
        %add3A_817 = vector.broadcast %add3A_816 : f32 to vector<16xf32>
        %add3A_818 = arith.addf %get3A_797, %add3A_817 : vector<16xf32>
        %add3A_819 = arith.constant 0x4B400000 : f32
        %add3A_820 = vector.broadcast %add3A_819 : f32 to vector<16xf32>
        %add3A_821 = arith.addf %add3A_818, %add3A_820 : vector<16xf32>
        %sub3A_822 = arith.constant 0x4B400000 : f32
        %sub3A_823 = vector.broadcast %sub3A_822 : f32 to vector<16xf32>
        %sub3A_824 = arith.subf %add3A_821, %sub3A_823 : vector<16xf32>
        %max3A_825 = arith.constant 0.000000e+00 : f32
        %max3A_826 = vector.broadcast %max3A_825 : f32 to vector<16xf32>
        %max3A_827 = arith.maximumf %sub3A_806, %max3A_826 : vector<16xf32>
        %min3A_828 = arith.constant 2.000000e+01 : f32
        %min3A_829 = vector.broadcast %min3A_828 : f32 to vector<16xf32>
        %min3A_830 = arith.minimumf %max3A_827, %min3A_829 : vector<16xf32>
        %max3A_831 = arith.constant 0.000000e+00 : f32
        %max3A_832 = vector.broadcast %max3A_831 : f32 to vector<16xf32>
        %max3A_833 = arith.maximumf %sub3A_815, %max3A_832 : vector<16xf32>
        %min3A_834 = arith.constant 2.000000e+01 : f32
        %min3A_835 = vector.broadcast %min3A_834 : f32 to vector<16xf32>
        %min3A_836 = arith.minimumf %max3A_833, %min3A_835 : vector<16xf32>
        %max3A_837 = arith.constant 0.000000e+00 : f32
        %max3A_838 = vector.broadcast %max3A_837 : f32 to vector<16xf32>
        %max3A_839 = arith.maximumf %sub3A_824, %max3A_838 : vector<16xf32>
        %min3A_840 = arith.constant 2.000000e+01 : f32
        %min3A_841 = vector.broadcast %min3A_840 : f32 to vector<16xf32>
        %min3A_842 = arith.minimumf %max3A_839, %min3A_841 : vector<16xf32>
        %eq3A_843 = arith.cmpf oeq, %sub3A_806, %min3A_830 : vector<16xf32>
        %eq3A_844 = arith.cmpf oeq, %sub3A_815, %min3A_836 : vector<16xf32>
        %and3A_845 = arith.andi %eq3A_843, %eq3A_844 : vector<16xi1>
        %eq3A_846 = arith.cmpf oeq, %sub3A_824, %min3A_842 : vector<16xf32>
        %and3A_847 = arith.andi %and3A_845, %eq3A_846 : vector<16xi1>
        %mul3A_848 = arith.constant 4.410000e+02 : f32
        %mul3A_849 = vector.broadcast %mul3A_848 : f32 to vector<16xf32>
        %mul3A_850 = arith.mulf %min3A_830, %mul3A_849 : vector<16xf32>
        %mul3A_851 = arith.constant 2.100000e+01 : f32
        %mul3A_852 = vector.broadcast %mul3A_851 : f32 to vector<16xf32>
        %mul3A_853 = arith.mulf %min3A_836, %mul3A_852 : vector<16xf32>
        %add3A_854 = arith.addf %mul3A_850, %mul3A_853 : vector<16xf32>
        %add3A_855 = arith.addf %add3A_854, %min3A_842 : vector<16xf32>
        %convert_element_type3A_856 = arith.fptosi %add3A_855 : vector<16xf32> to vector<16xi32>
        %jit3A_857 = arith.constant 9261 : i32
        %broadcast_in_dim3A_858 = vector.broadcast %jit3A_857 : i32 to vector<16xi32>
        %select_n3A_859 = arith.select %and3A_847, %convert_element_type3A_856, %broadcast_in_dim3A_858 : vector<16xi1>, vector<16xi32>
        %get3A_860 = arith.constant 96 : index
        %get3A_861 = tpu.vector_load %arg10[%get3A_860] {strides = array<i32>} : memref<2048xf32, #tpu.memory_space<vmem>>, vector<16xf32>,
        tpu.vector_store_idx %arg15[%broadcast_in_dim3A_33, %select_n3A_859], %get3A_861 {add = true} : memref<8x9344xf32, #tpu.memory_space<vmem>>[vector<16xi32>, vector<16xi32>], vector<16xf32>,
        %get3A_862 = arith.constant 352 : index
        %get3A_863 = tpu.vector_load %arg10[%get3A_862] {strides = array<i32>} : memref<2048xf32, #tpu.memory_space<vmem>>, vector<16xf32>,
        tpu.vector_store_idx %arg15[%broadcast_in_dim3A_35, %select_n3A_859], %get3A_863 {add = true} : memref<8x9344xf32, #tpu.memory_space<vmem>>[vector<16xi32>, vector<16xi32>], vector<16xf32>,
        %get3A_864 = arith.constant 608 : index
        %get3A_865 = tpu.vector_load %arg10[%get3A_864] {strides = array<i32>} : memref<2048xf32, #tpu.memory_space<vmem>>, vector<16xf32>,
        tpu.vector_store_idx %arg15[%broadcast_in_dim3A_37, %select_n3A_859], %get3A_865 {add = true} : memref<8x9344xf32, #tpu.memory_space<vmem>>[vector<16xi32>, vector<16xi32>], vector<16xf32>,
        %get3A_866 = arith.constant 864 : index
        %get3A_867 = tpu.vector_load %arg10[%get3A_866] {strides = array<i32>} : memref<2048xf32, #tpu.memory_space<vmem>>, vector<16xf32>,
        tpu.vector_store_idx %arg15[%broadcast_in_dim3A_39, %select_n3A_859], %get3A_867 {add = true} : memref<8x9344xf32, #tpu.memory_space<vmem>>[vector<16xi32>, vector<16xi32>], vector<16xf32>,
        %get3A_868 = arith.constant 1120 : index
        %get3A_869 = tpu.vector_load %arg10[%get3A_868] {strides = array<i32>} : memref<2048xf32, #tpu.memory_space<vmem>>, vector<16xf32>,
        tpu.vector_store_idx %arg15[%broadcast_in_dim3A_41, %select_n3A_859], %get3A_869 {add = true} : memref<8x9344xf32, #tpu.memory_space<vmem>>[vector<16xi32>, vector<16xi32>], vector<16xf32>,
        %get3A_870 = arith.constant 1376 : index
        %get3A_871 = tpu.vector_load %arg10[%get3A_870] {strides = array<i32>} : memref<2048xf32, #tpu.memory_space<vmem>>, vector<16xf32>,
        tpu.vector_store_idx %arg15[%broadcast_in_dim3A_43, %select_n3A_859], %get3A_871 {add = true} : memref<8x9344xf32, #tpu.memory_space<vmem>>[vector<16xi32>, vector<16xi32>], vector<16xf32>,
        %get3A_872 = arith.constant 1632 : index
        %get3A_873 = tpu.vector_load %arg10[%get3A_872] {strides = array<i32>} : memref<2048xf32, #tpu.memory_space<vmem>>, vector<16xf32>,
        tpu.vector_store_idx %arg15[%broadcast_in_dim3A_45, %select_n3A_859], %get3A_873 {add = true} : memref<8x9344xf32, #tpu.memory_space<vmem>>[vector<16xi32>, vector<16xi32>], vector<16xf32>,
        %get3A_874 = arith.constant 1888 : index
        %get3A_875 = tpu.vector_load %arg10[%get3A_874] {strides = array<i32>} : memref<2048xf32, #tpu.memory_space<vmem>>, vector<16xf32>,
        tpu.vector_store_idx %arg15[%broadcast_in_dim3A_47, %select_n3A_859], %get3A_875 {add = true} : memref<8x9344xf32, #tpu.memory_space<vmem>>[vector<16xi32>, vector<16xi32>], vector<16xf32>,
        %get3A_876 = arith.constant 112 : index
        %get3A_877 = tpu.vector_load %arg7[%get3A_876] {strides = array<i32>} : memref<256xf32, #tpu.memory_space<vmem>>, vector<16xf32>,
        %get3A_878 = arith.constant 112 : index
        %get3A_879 = tpu.vector_load %arg8[%get3A_878] {strides = array<i32>} : memref<256xf32, #tpu.memory_space<vmem>>, vector<16xf32>,
        %get3A_880 = arith.constant 112 : index
        %get3A_881 = tpu.vector_load %arg9[%get3A_880] {strides = array<i32>} : memref<256xf32, #tpu.memory_space<vmem>>, vector<16xf32>,
        %add3A_882 = arith.constant 1.000000e+01 : f32
        %add3A_883 = vector.broadcast %add3A_882 : f32 to vector<16xf32>
        %add3A_884 = arith.addf %get3A_877, %add3A_883 : vector<16xf32>
        %add3A_885 = arith.constant 0x4B400000 : f32
        %add3A_886 = vector.broadcast %add3A_885 : f32 to vector<16xf32>
        %add3A_887 = arith.addf %add3A_884, %add3A_886 : vector<16xf32>
        %sub3A_888 = arith.constant 0x4B400000 : f32
        %sub3A_889 = vector.broadcast %sub3A_888 : f32 to vector<16xf32>
        %sub3A_890 = arith.subf %add3A_887, %sub3A_889 : vector<16xf32>
        %add3A_891 = arith.constant 1.000000e+01 : f32
        %add3A_892 = vector.broadcast %add3A_891 : f32 to vector<16xf32>
        %add3A_893 = arith.addf %get3A_879, %add3A_892 : vector<16xf32>
        %add3A_894 = arith.constant 0x4B400000 : f32
        %add3A_895 = vector.broadcast %add3A_894 : f32 to vector<16xf32>
        %add3A_896 = arith.addf %add3A_893, %add3A_895 : vector<16xf32>
        %sub3A_897 = arith.constant 0x4B400000 : f32
        %sub3A_898 = vector.broadcast %sub3A_897 : f32 to vector<16xf32>
        %sub3A_899 = arith.subf %add3A_896, %sub3A_898 : vector<16xf32>
        %add3A_900 = arith.constant 1.000000e+01 : f32
        %add3A_901 = vector.broadcast %add3A_900 : f32 to vector<16xf32>
        %add3A_902 = arith.addf %get3A_881, %add3A_901 : vector<16xf32>
        %add3A_903 = arith.constant 0x4B400000 : f32
        %add3A_904 = vector.broadcast %add3A_903 : f32 to vector<16xf32>
        %add3A_905 = arith.addf %add3A_902, %add3A_904 : vector<16xf32>
        %sub3A_906 = arith.constant 0x4B400000 : f32
        %sub3A_907 = vector.broadcast %sub3A_906 : f32 to vector<16xf32>
        %sub3A_908 = arith.subf %add3A_905, %sub3A_907 : vector<16xf32>
        %max3A_909 = arith.constant 0.000000e+00 : f32
        %max3A_910 = vector.broadcast %max3A_909 : f32 to vector<16xf32>
        %max3A_911 = arith.maximumf %sub3A_890, %max3A_910 : vector<16xf32>
        %min3A_912 = arith.constant 2.000000e+01 : f32
        %min3A_913 = vector.broadcast %min3A_912 : f32 to vector<16xf32>
        %min3A_914 = arith.minimumf %max3A_911, %min3A_913 : vector<16xf32>
        %max3A_915 = arith.constant 0.000000e+00 : f32
        %max3A_916 = vector.broadcast %max3A_915 : f32 to vector<16xf32>
        %max3A_917 = arith.maximumf %sub3A_899, %max3A_916 : vector<16xf32>
        %min3A_918 = arith.constant 2.000000e+01 : f32
        %min3A_919 = vector.broadcast %min3A_918 : f32 to vector<16xf32>
        %min3A_920 = arith.minimumf %max3A_917, %min3A_919 : vector<16xf32>
        %max3A_921 = arith.constant 0.000000e+00 : f32
        %max3A_922 = vector.broadcast %max3A_921 : f32 to vector<16xf32>
        %max3A_923 = arith.maximumf %sub3A_908, %max3A_922 : vector<16xf32>
        %min3A_924 = arith.constant 2.000000e+01 : f32
        %min3A_925 = vector.broadcast %min3A_924 : f32 to vector<16xf32>
        %min3A_926 = arith.minimumf %max3A_923, %min3A_925 : vector<16xf32>
        %eq3A_927 = arith.cmpf oeq, %sub3A_890, %min3A_914 : vector<16xf32>
        %eq3A_928 = arith.cmpf oeq, %sub3A_899, %min3A_920 : vector<16xf32>
        %and3A_929 = arith.andi %eq3A_927, %eq3A_928 : vector<16xi1>
        %eq3A_930 = arith.cmpf oeq, %sub3A_908, %min3A_926 : vector<16xf32>
        %and3A_931 = arith.andi %and3A_929, %eq3A_930 : vector<16xi1>
        %mul3A_932 = arith.constant 4.410000e+02 : f32
        %mul3A_933 = vector.broadcast %mul3A_932 : f32 to vector<16xf32>
        %mul3A_934 = arith.mulf %min3A_914, %mul3A_933 : vector<16xf32>
        %mul3A_935 = arith.constant 2.100000e+01 : f32
        %mul3A_936 = vector.broadcast %mul3A_935 : f32 to vector<16xf32>
        %mul3A_937 = arith.mulf %min3A_920, %mul3A_936 : vector<16xf32>
        %add3A_938 = arith.addf %mul3A_934, %mul3A_937 : vector<16xf32>
        %add3A_939 = arith.addf %add3A_938, %min3A_926 : vector<16xf32>
        %convert_element_type3A_940 = arith.fptosi %add3A_939 : vector<16xf32> to vector<16xi32>
        %jit3A_941 = arith.constant 9261 : i32
        %broadcast_in_dim3A_942 = vector.broadcast %jit3A_941 : i32 to vector<16xi32>
        %select_n3A_943 = arith.select %and3A_931, %convert_element_type3A_940, %broadcast_in_dim3A_942 : vector<16xi1>, vector<16xi32>
        %get3A_944 = arith.constant 112 : index
        %get3A_945 = tpu.vector_load %arg10[%get3A_944] {strides = array<i32>} : memref<2048xf32, #tpu.memory_space<vmem>>, vector<16xf32>,
        tpu.vector_store_idx %arg15[%broadcast_in_dim3A_33, %select_n3A_943], %get3A_945 {add = true} : memref<8x9344xf32, #tpu.memory_space<vmem>>[vector<16xi32>, vector<16xi32>], vector<16xf32>,
        %get3A_946 = arith.constant 368 : index
        %get3A_947 = tpu.vector_load %arg10[%get3A_946] {strides = array<i32>} : memref<2048xf32, #tpu.memory_space<vmem>>, vector<16xf32>,
        tpu.vector_store_idx %arg15[%broadcast_in_dim3A_35, %select_n3A_943], %get3A_947 {add = true} : memref<8x9344xf32, #tpu.memory_space<vmem>>[vector<16xi32>, vector<16xi32>], vector<16xf32>,
        %get3A_948 = arith.constant 624 : index
        %get3A_949 = tpu.vector_load %arg10[%get3A_948] {strides = array<i32>} : memref<2048xf32, #tpu.memory_space<vmem>>, vector<16xf32>,
        tpu.vector_store_idx %arg15[%broadcast_in_dim3A_37, %select_n3A_943], %get3A_949 {add = true} : memref<8x9344xf32, #tpu.memory_space<vmem>>[vector<16xi32>, vector<16xi32>], vector<16xf32>,
        %get3A_950 = arith.constant 880 : index
        %get3A_951 = tpu.vector_load %arg10[%get3A_950] {strides = array<i32>} : memref<2048xf32, #tpu.memory_space<vmem>>, vector<16xf32>,
        tpu.vector_store_idx %arg15[%broadcast_in_dim3A_39, %select_n3A_943], %get3A_951 {add = true} : memref<8x9344xf32, #tpu.memory_space<vmem>>[vector<16xi32>, vector<16xi32>], vector<16xf32>,
        %get3A_952 = arith.constant 1136 : index
        %get3A_953 = tpu.vector_load %arg10[%get3A_952] {strides = array<i32>} : memref<2048xf32, #tpu.memory_space<vmem>>, vector<16xf32>,
        tpu.vector_store_idx %arg15[%broadcast_in_dim3A_41, %select_n3A_943], %get3A_953 {add = true} : memref<8x9344xf32, #tpu.memory_space<vmem>>[vector<16xi32>, vector<16xi32>], vector<16xf32>,
        %get3A_954 = arith.constant 1392 : index
        %get3A_955 = tpu.vector_load %arg10[%get3A_954] {strides = array<i32>} : memref<2048xf32, #tpu.memory_space<vmem>>, vector<16xf32>,
        tpu.vector_store_idx %arg15[%broadcast_in_dim3A_43, %select_n3A_943], %get3A_955 {add = true} : memref<8x9344xf32, #tpu.memory_space<vmem>>[vector<16xi32>, vector<16xi32>], vector<16xf32>,
        %get3A_956 = arith.constant 1648 : index
        %get3A_957 = tpu.vector_load %arg10[%get3A_956] {strides = array<i32>} : memref<2048xf32, #tpu.memory_space<vmem>>, vector<16xf32>,
        tpu.vector_store_idx %arg15[%broadcast_in_dim3A_45, %select_n3A_943], %get3A_957 {add = true} : memref<8x9344xf32, #tpu.memory_space<vmem>>[vector<16xi32>, vector<16xi32>], vector<16xf32>,
        %get3A_958 = arith.constant 1904 : index
        %get3A_959 = tpu.vector_load %arg10[%get3A_958] {strides = array<i32>} : memref<2048xf32, #tpu.memory_space<vmem>>, vector<16xf32>,
        tpu.vector_store_idx %arg15[%broadcast_in_dim3A_47, %select_n3A_943], %get3A_959 {add = true} : memref<8x9344xf32, #tpu.memory_space<vmem>>[vector<16xi32>, vector<16xi32>], vector<16xf32>,
        %get3A_960 = arith.constant 128 : index
        %get3A_961 = tpu.vector_load %arg7[%get3A_960] {strides = array<i32>} : memref<256xf32, #tpu.memory_space<vmem>>, vector<16xf32>,
        %get3A_962 = arith.constant 128 : index
        %get3A_963 = tpu.vector_load %arg8[%get3A_962] {strides = array<i32>} : memref<256xf32, #tpu.memory_space<vmem>>, vector<16xf32>,
        %get3A_964 = arith.constant 128 : index
        %get3A_965 = tpu.vector_load %arg9[%get3A_964] {strides = array<i32>} : memref<256xf32, #tpu.memory_space<vmem>>, vector<16xf32>,
        %add3A_966 = arith.constant 1.000000e+01 : f32
        %add3A_967 = vector.broadcast %add3A_966 : f32 to vector<16xf32>
        %add3A_968 = arith.addf %get3A_961, %add3A_967 : vector<16xf32>
        %add3A_969 = arith.constant 0x4B400000 : f32
        %add3A_970 = vector.broadcast %add3A_969 : f32 to vector<16xf32>
        %add3A_971 = arith.addf %add3A_968, %add3A_970 : vector<16xf32>
        %sub3A_972 = arith.constant 0x4B400000 : f32
        %sub3A_973 = vector.broadcast %sub3A_972 : f32 to vector<16xf32>
        %sub3A_974 = arith.subf %add3A_971, %sub3A_973 : vector<16xf32>
        %add3A_975 = arith.constant 1.000000e+01 : f32
        %add3A_976 = vector.broadcast %add3A_975 : f32 to vector<16xf32>
        %add3A_977 = arith.addf %get3A_963, %add3A_976 : vector<16xf32>
        %add3A_978 = arith.constant 0x4B400000 : f32
        %add3A_979 = vector.broadcast %add3A_978 : f32 to vector<16xf32>
        %add3A_980 = arith.addf %add3A_977, %add3A_979 : vector<16xf32>
        %sub3A_981 = arith.constant 0x4B400000 : f32
        %sub3A_982 = vector.broadcast %sub3A_981 : f32 to vector<16xf32>
        %sub3A_983 = arith.subf %add3A_980, %sub3A_982 : vector<16xf32>
        %add3A_984 = arith.constant 1.000000e+01 : f32
        %add3A_985 = vector.broadcast %add3A_984 : f32 to vector<16xf32>
        %add3A_986 = arith.addf %get3A_965, %add3A_985 : vector<16xf32>
        %add3A_987 = arith.constant 0x4B400000 : f32
        %add3A_988 = vector.broadcast %add3A_987 : f32 to vector<16xf32>
        %add3A_989 = arith.addf %add3A_986, %add3A_988 : vector<16xf32>
        %sub3A_990 = arith.constant 0x4B400000 : f32
        %sub3A_991 = vector.broadcast %sub3A_990 : f32 to vector<16xf32>
        %sub3A_992 = arith.subf %add3A_989, %sub3A_991 : vector<16xf32>
        %max3A_993 = arith.constant 0.000000e+00 : f32
        %max3A_994 = vector.broadcast %max3A_993 : f32 to vector<16xf32>
        %max3A_995 = arith.maximumf %sub3A_974, %max3A_994 : vector<16xf32>
        %min3A_996 = arith.constant 2.000000e+01 : f32
        %min3A_997 = vector.broadcast %min3A_996 : f32 to vector<16xf32>
        %min3A_998 = arith.minimumf %max3A_995, %min3A_997 : vector<16xf32>
        %max3A_999 = arith.constant 0.000000e+00 : f32
        %max3A_1000 = vector.broadcast %max3A_999 : f32 to vector<16xf32>
        %max3A_1001 = arith.maximumf %sub3A_983, %max3A_1000 : vector<16xf32>
        %min3A_1002 = arith.constant 2.000000e+01 : f32
        %min3A_1003 = vector.broadcast %min3A_1002 : f32 to vector<16xf32>
        %min3A_1004 = arith.minimumf %max3A_1001, %min3A_1003 : vector<16xf32>
        %max3A_1005 = arith.constant 0.000000e+00 : f32
        %max3A_1006 = vector.broadcast %max3A_1005 : f32 to vector<16xf32>
        %max3A_1007 = arith.maximumf %sub3A_992, %max3A_1006 : vector<16xf32>
        %min3A_1008 = arith.constant 2.000000e+01 : f32
        %min3A_1009 = vector.broadcast %min3A_1008 : f32 to vector<16xf32>
        %min3A_1010 = arith.minimumf %max3A_1007, %min3A_1009 : vector<16xf32>
        %eq3A_1011 = arith.cmpf oeq, %sub3A_974, %min3A_998 : vector<16xf32>
        %eq3A_1012 = arith.cmpf oeq, %sub3A_983, %min3A_1004 : vector<16xf32>
        %and3A_1013 = arith.andi %eq3A_1011, %eq3A_1012 : vector<16xi1>
        %eq3A_1014 = arith.cmpf oeq, %sub3A_992, %min3A_1010 : vector<16xf32>
        %and3A_1015 = arith.andi %and3A_1013, %eq3A_1014 : vector<16xi1>
        %mul3A_1016 = arith.constant 4.410000e+02 : f32
        %mul3A_1017 = vector.broadcast %mul3A_1016 : f32 to vector<16xf32>
        %mul3A_1018 = arith.mulf %min3A_998, %mul3A_1017 : vector<16xf32>
        %mul3A_1019 = arith.constant 2.100000e+01 : f32
        %mul3A_1020 = vector.broadcast %mul3A_1019 : f32 to vector<16xf32>
        %mul3A_1021 = arith.mulf %min3A_1004, %mul3A_1020 : vector<16xf32>
        %add3A_1022 = arith.addf %mul3A_1018, %mul3A_1021 : vector<16xf32>
        %add3A_1023 = arith.addf %add3A_1022, %min3A_1010 : vector<16xf32>
        %convert_element_type3A_1024 = arith.fptosi %add3A_1023 : vector<16xf32> to vector<16xi32>
        %jit3A_1025 = arith.constant 9261 : i32
        %broadcast_in_dim3A_1026 = vector.broadcast %jit3A_1025 : i32 to vector<16xi32>
        %select_n3A_1027 = arith.select %and3A_1015, %convert_element_type3A_1024, %broadcast_in_dim3A_1026 : vector<16xi1>, vector<16xi32>
        %get3A_1028 = arith.constant 128 : index
        %get3A_1029 = tpu.vector_load %arg10[%get3A_1028] {strides = array<i32>} : memref<2048xf32, #tpu.memory_space<vmem>>, vector<16xf32>,
        tpu.vector_store_idx %arg15[%broadcast_in_dim3A_33, %select_n3A_1027], %get3A_1029 {add = true} : memref<8x9344xf32, #tpu.memory_space<vmem>>[vector<16xi32>, vector<16xi32>], vector<16xf32>,
        %get3A_1030 = arith.constant 384 : index
        %get3A_1031 = tpu.vector_load %arg10[%get3A_1030] {strides = array<i32>} : memref<2048xf32, #tpu.memory_space<vmem>>, vector<16xf32>,
        tpu.vector_store_idx %arg15[%broadcast_in_dim3A_35, %select_n3A_1027], %get3A_1031 {add = true} : memref<8x9344xf32, #tpu.memory_space<vmem>>[vector<16xi32>, vector<16xi32>], vector<16xf32>,
        %get3A_1032 = arith.constant 640 : index
        %get3A_1033 = tpu.vector_load %arg10[%get3A_1032] {strides = array<i32>} : memref<2048xf32, #tpu.memory_space<vmem>>, vector<16xf32>,
        tpu.vector_store_idx %arg15[%broadcast_in_dim3A_37, %select_n3A_1027], %get3A_1033 {add = true} : memref<8x9344xf32, #tpu.memory_space<vmem>>[vector<16xi32>, vector<16xi32>], vector<16xf32>,
        %get3A_1034 = arith.constant 896 : index
        %get3A_1035 = tpu.vector_load %arg10[%get3A_1034] {strides = array<i32>} : memref<2048xf32, #tpu.memory_space<vmem>>, vector<16xf32>,
        tpu.vector_store_idx %arg15[%broadcast_in_dim3A_39, %select_n3A_1027], %get3A_1035 {add = true} : memref<8x9344xf32, #tpu.memory_space<vmem>>[vector<16xi32>, vector<16xi32>], vector<16xf32>,
        %get3A_1036 = arith.constant 1152 : index
        %get3A_1037 = tpu.vector_load %arg10[%get3A_1036] {strides = array<i32>} : memref<2048xf32, #tpu.memory_space<vmem>>, vector<16xf32>,
        tpu.vector_store_idx %arg15[%broadcast_in_dim3A_41, %select_n3A_1027], %get3A_1037 {add = true} : memref<8x9344xf32, #tpu.memory_space<vmem>>[vector<16xi32>, vector<16xi32>], vector<16xf32>,
        %get3A_1038 = arith.constant 1408 : index
        %get3A_1039 = tpu.vector_load %arg10[%get3A_1038] {strides = array<i32>} : memref<2048xf32, #tpu.memory_space<vmem>>, vector<16xf32>,
        tpu.vector_store_idx %arg15[%broadcast_in_dim3A_43, %select_n3A_1027], %get3A_1039 {add = true} : memref<8x9344xf32, #tpu.memory_space<vmem>>[vector<16xi32>, vector<16xi32>], vector<16xf32>,
        %get3A_1040 = arith.constant 1664 : index
        %get3A_1041 = tpu.vector_load %arg10[%get3A_1040] {strides = array<i32>} : memref<2048xf32, #tpu.memory_space<vmem>>, vector<16xf32>,
        tpu.vector_store_idx %arg15[%broadcast_in_dim3A_45, %select_n3A_1027], %get3A_1041 {add = true} : memref<8x9344xf32, #tpu.memory_space<vmem>>[vector<16xi32>, vector<16xi32>], vector<16xf32>,
        %get3A_1042 = arith.constant 1920 : index
        %get3A_1043 = tpu.vector_load %arg10[%get3A_1042] {strides = array<i32>} : memref<2048xf32, #tpu.memory_space<vmem>>, vector<16xf32>,
        tpu.vector_store_idx %arg15[%broadcast_in_dim3A_47, %select_n3A_1027], %get3A_1043 {add = true} : memref<8x9344xf32, #tpu.memory_space<vmem>>[vector<16xi32>, vector<16xi32>], vector<16xf32>,
        %get3A_1044 = arith.constant 144 : index
        %get3A_1045 = tpu.vector_load %arg7[%get3A_1044] {strides = array<i32>} : memref<256xf32, #tpu.memory_space<vmem>>, vector<16xf32>,
        %get3A_1046 = arith.constant 144 : index
        %get3A_1047 = tpu.vector_load %arg8[%get3A_1046] {strides = array<i32>} : memref<256xf32, #tpu.memory_space<vmem>>, vector<16xf32>,
        %get3A_1048 = arith.constant 144 : index
        %get3A_1049 = tpu.vector_load %arg9[%get3A_1048] {strides = array<i32>} : memref<256xf32, #tpu.memory_space<vmem>>, vector<16xf32>,
        %add3A_1050 = arith.constant 1.000000e+01 : f32
        %add3A_1051 = vector.broadcast %add3A_1050 : f32 to vector<16xf32>
        %add3A_1052 = arith.addf %get3A_1045, %add3A_1051 : vector<16xf32>
        %add3A_1053 = arith.constant 0x4B400000 : f32
        %add3A_1054 = vector.broadcast %add3A_1053 : f32 to vector<16xf32>
        %add3A_1055 = arith.addf %add3A_1052, %add3A_1054 : vector<16xf32>
        %sub3A_1056 = arith.constant 0x4B400000 : f32
        %sub3A_1057 = vector.broadcast %sub3A_1056 : f32 to vector<16xf32>
        %sub3A_1058 = arith.subf %add3A_1055, %sub3A_1057 : vector<16xf32>
        %add3A_1059 = arith.constant 1.000000e+01 : f32
        %add3A_1060 = vector.broadcast %add3A_1059 : f32 to vector<16xf32>
        %add3A_1061 = arith.addf %get3A_1047, %add3A_1060 : vector<16xf32>
        %add3A_1062 = arith.constant 0x4B400000 : f32
        %add3A_1063 = vector.broadcast %add3A_1062 : f32 to vector<16xf32>
        %add3A_1064 = arith.addf %add3A_1061, %add3A_1063 : vector<16xf32>
        %sub3A_1065 = arith.constant 0x4B400000 : f32
        %sub3A_1066 = vector.broadcast %sub3A_1065 : f32 to vector<16xf32>
        %sub3A_1067 = arith.subf %add3A_1064, %sub3A_1066 : vector<16xf32>
        %add3A_1068 = arith.constant 1.000000e+01 : f32
        %add3A_1069 = vector.broadcast %add3A_1068 : f32 to vector<16xf32>
        %add3A_1070 = arith.addf %get3A_1049, %add3A_1069 : vector<16xf32>
        %add3A_1071 = arith.constant 0x4B400000 : f32
        %add3A_1072 = vector.broadcast %add3A_1071 : f32 to vector<16xf32>
        %add3A_1073 = arith.addf %add3A_1070, %add3A_1072 : vector<16xf32>
        %sub3A_1074 = arith.constant 0x4B400000 : f32
        %sub3A_1075 = vector.broadcast %sub3A_1074 : f32 to vector<16xf32>
        %sub3A_1076 = arith.subf %add3A_1073, %sub3A_1075 : vector<16xf32>
        %max3A_1077 = arith.constant 0.000000e+00 : f32
        %max3A_1078 = vector.broadcast %max3A_1077 : f32 to vector<16xf32>
        %max3A_1079 = arith.maximumf %sub3A_1058, %max3A_1078 : vector<16xf32>
        %min3A_1080 = arith.constant 2.000000e+01 : f32
        %min3A_1081 = vector.broadcast %min3A_1080 : f32 to vector<16xf32>
        %min3A_1082 = arith.minimumf %max3A_1079, %min3A_1081 : vector<16xf32>
        %max3A_1083 = arith.constant 0.000000e+00 : f32
        %max3A_1084 = vector.broadcast %max3A_1083 : f32 to vector<16xf32>
        %max3A_1085 = arith.maximumf %sub3A_1067, %max3A_1084 : vector<16xf32>
        %min3A_1086 = arith.constant 2.000000e+01 : f32
        %min3A_1087 = vector.broadcast %min3A_1086 : f32 to vector<16xf32>
        %min3A_1088 = arith.minimumf %max3A_1085, %min3A_1087 : vector<16xf32>
        %max3A_1089 = arith.constant 0.000000e+00 : f32
        %max3A_1090 = vector.broadcast %max3A_1089 : f32 to vector<16xf32>
        %max3A_1091 = arith.maximumf %sub3A_1076, %max3A_1090 : vector<16xf32>
        %min3A_1092 = arith.constant 2.000000e+01 : f32
        %min3A_1093 = vector.broadcast %min3A_1092 : f32 to vector<16xf32>
        %min3A_1094 = arith.minimumf %max3A_1091, %min3A_1093 : vector<16xf32>
        %eq3A_1095 = arith.cmpf oeq, %sub3A_1058, %min3A_1082 : vector<16xf32>
        %eq3A_1096 = arith.cmpf oeq, %sub3A_1067, %min3A_1088 : vector<16xf32>
        %and3A_1097 = arith.andi %eq3A_1095, %eq3A_1096 : vector<16xi1>
        %eq3A_1098 = arith.cmpf oeq, %sub3A_1076, %min3A_1094 : vector<16xf32>
        %and3A_1099 = arith.andi %and3A_1097, %eq3A_1098 : vector<16xi1>
        %mul3A_1100 = arith.constant 4.410000e+02 : f32
        %mul3A_1101 = vector.broadcast %mul3A_1100 : f32 to vector<16xf32>
        %mul3A_1102 = arith.mulf %min3A_1082, %mul3A_1101 : vector<16xf32>
        %mul3A_1103 = arith.constant 2.100000e+01 : f32
        %mul3A_1104 = vector.broadcast %mul3A_1103 : f32 to vector<16xf32>
        %mul3A_1105 = arith.mulf %min3A_1088, %mul3A_1104 : vector<16xf32>
        %add3A_1106 = arith.addf %mul3A_1102, %mul3A_1105 : vector<16xf32>
        %add3A_1107 = arith.addf %add3A_1106, %min3A_1094 : vector<16xf32>
        %convert_element_type3A_1108 = arith.fptosi %add3A_1107 : vector<16xf32> to vector<16xi32>
        %jit3A_1109 = arith.constant 9261 : i32
        %broadcast_in_dim3A_1110 = vector.broadcast %jit3A_1109 : i32 to vector<16xi32>
        %select_n3A_1111 = arith.select %and3A_1099, %convert_element_type3A_1108, %broadcast_in_dim3A_1110 : vector<16xi1>, vector<16xi32>
        %get3A_1112 = arith.constant 144 : index
        %get3A_1113 = tpu.vector_load %arg10[%get3A_1112] {strides = array<i32>} : memref<2048xf32, #tpu.memory_space<vmem>>, vector<16xf32>,
        tpu.vector_store_idx %arg15[%broadcast_in_dim3A_33, %select_n3A_1111], %get3A_1113 {add = true} : memref<8x9344xf32, #tpu.memory_space<vmem>>[vector<16xi32>, vector<16xi32>], vector<16xf32>,
        %get3A_1114 = arith.constant 400 : index
        %get3A_1115 = tpu.vector_load %arg10[%get3A_1114] {strides = array<i32>} : memref<2048xf32, #tpu.memory_space<vmem>>, vector<16xf32>,
        tpu.vector_store_idx %arg15[%broadcast_in_dim3A_35, %select_n3A_1111], %get3A_1115 {add = true} : memref<8x9344xf32, #tpu.memory_space<vmem>>[vector<16xi32>, vector<16xi32>], vector<16xf32>,
        %get3A_1116 = arith.constant 656 : index
        %get3A_1117 = tpu.vector_load %arg10[%get3A_1116] {strides = array<i32>} : memref<2048xf32, #tpu.memory_space<vmem>>, vector<16xf32>,
        tpu.vector_store_idx %arg15[%broadcast_in_dim3A_37, %select_n3A_1111], %get3A_1117 {add = true} : memref<8x9344xf32, #tpu.memory_space<vmem>>[vector<16xi32>, vector<16xi32>], vector<16xf32>,
        %get3A_1118 = arith.constant 912 : index
        %get3A_1119 = tpu.vector_load %arg10[%get3A_1118] {strides = array<i32>} : memref<2048xf32, #tpu.memory_space<vmem>>, vector<16xf32>,
        tpu.vector_store_idx %arg15[%broadcast_in_dim3A_39, %select_n3A_1111], %get3A_1119 {add = true} : memref<8x9344xf32, #tpu.memory_space<vmem>>[vector<16xi32>, vector<16xi32>], vector<16xf32>,
        %get3A_1120 = arith.constant 1168 : index
        %get3A_1121 = tpu.vector_load %arg10[%get3A_1120] {strides = array<i32>} : memref<2048xf32, #tpu.memory_space<vmem>>, vector<16xf32>,
        tpu.vector_store_idx %arg15[%broadcast_in_dim3A_41, %select_n3A_1111], %get3A_1121 {add = true} : memref<8x9344xf32, #tpu.memory_space<vmem>>[vector<16xi32>, vector<16xi32>], vector<16xf32>,
        %get3A_1122 = arith.constant 1424 : index
        %get3A_1123 = tpu.vector_load %arg10[%get3A_1122] {strides = array<i32>} : memref<2048xf32, #tpu.memory_space<vmem>>, vector<16xf32>,
        tpu.vector_store_idx %arg15[%broadcast_in_dim3A_43, %select_n3A_1111], %get3A_1123 {add = true} : memref<8x9344xf32, #tpu.memory_space<vmem>>[vector<16xi32>, vector<16xi32>], vector<16xf32>,
        %get3A_1124 = arith.constant 1680 : index
        %get3A_1125 = tpu.vector_load %arg10[%get3A_1124] {strides = array<i32>} : memref<2048xf32, #tpu.memory_space<vmem>>, vector<16xf32>,
        tpu.vector_store_idx %arg15[%broadcast_in_dim3A_45, %select_n3A_1111], %get3A_1125 {add = true} : memref<8x9344xf32, #tpu.memory_space<vmem>>[vector<16xi32>, vector<16xi32>], vector<16xf32>,
        %get3A_1126 = arith.constant 1936 : index
        %get3A_1127 = tpu.vector_load %arg10[%get3A_1126] {strides = array<i32>} : memref<2048xf32, #tpu.memory_space<vmem>>, vector<16xf32>,
        tpu.vector_store_idx %arg15[%broadcast_in_dim3A_47, %select_n3A_1111], %get3A_1127 {add = true} : memref<8x9344xf32, #tpu.memory_space<vmem>>[vector<16xi32>, vector<16xi32>], vector<16xf32>,
        %get3A_1128 = arith.constant 160 : index
        %get3A_1129 = tpu.vector_load %arg7[%get3A_1128] {strides = array<i32>} : memref<256xf32, #tpu.memory_space<vmem>>, vector<16xf32>,
        %get3A_1130 = arith.constant 160 : index
        %get3A_1131 = tpu.vector_load %arg8[%get3A_1130] {strides = array<i32>} : memref<256xf32, #tpu.memory_space<vmem>>, vector<16xf32>,
        %get3A_1132 = arith.constant 160 : index
        %get3A_1133 = tpu.vector_load %arg9[%get3A_1132] {strides = array<i32>} : memref<256xf32, #tpu.memory_space<vmem>>, vector<16xf32>,
        %add3A_1134 = arith.constant 1.000000e+01 : f32
        %add3A_1135 = vector.broadcast %add3A_1134 : f32 to vector<16xf32>
        %add3A_1136 = arith.addf %get3A_1129, %add3A_1135 : vector<16xf32>
        %add3A_1137 = arith.constant 0x4B400000 : f32
        %add3A_1138 = vector.broadcast %add3A_1137 : f32 to vector<16xf32>
        %add3A_1139 = arith.addf %add3A_1136, %add3A_1138 : vector<16xf32>
        %sub3A_1140 = arith.constant 0x4B400000 : f32
        %sub3A_1141 = vector.broadcast %sub3A_1140 : f32 to vector<16xf32>
        %sub3A_1142 = arith.subf %add3A_1139, %sub3A_1141 : vector<16xf32>
        %add3A_1143 = arith.constant 1.000000e+01 : f32
        %add3A_1144 = vector.broadcast %add3A_1143 : f32 to vector<16xf32>
        %add3A_1145 = arith.addf %get3A_1131, %add3A_1144 : vector<16xf32>
        %add3A_1146 = arith.constant 0x4B400000 : f32
        %add3A_1147 = vector.broadcast %add3A_1146 : f32 to vector<16xf32>
        %add3A_1148 = arith.addf %add3A_1145, %add3A_1147 : vector<16xf32>
        %sub3A_1149 = arith.constant 0x4B400000 : f32
        %sub3A_1150 = vector.broadcast %sub3A_1149 : f32 to vector<16xf32>
        %sub3A_1151 = arith.subf %add3A_1148, %sub3A_1150 : vector<16xf32>
        %add3A_1152 = arith.constant 1.000000e+01 : f32
        %add3A_1153 = vector.broadcast %add3A_1152 : f32 to vector<16xf32>
        %add3A_1154 = arith.addf %get3A_1133, %add3A_1153 : vector<16xf32>
        %add3A_1155 = arith.constant 0x4B400000 : f32
        %add3A_1156 = vector.broadcast %add3A_1155 : f32 to vector<16xf32>
        %add3A_1157 = arith.addf %add3A_1154, %add3A_1156 : vector<16xf32>
        %sub3A_1158 = arith.constant 0x4B400000 : f32
        %sub3A_1159 = vector.broadcast %sub3A_1158 : f32 to vector<16xf32>
        %sub3A_1160 = arith.subf %add3A_1157, %sub3A_1159 : vector<16xf32>
        %max3A_1161 = arith.constant 0.000000e+00 : f32
        %max3A_1162 = vector.broadcast %max3A_1161 : f32 to vector<16xf32>
        %max3A_1163 = arith.maximumf %sub3A_1142, %max3A_1162 : vector<16xf32>
        %min3A_1164 = arith.constant 2.000000e+01 : f32
        %min3A_1165 = vector.broadcast %min3A_1164 : f32 to vector<16xf32>
        %min3A_1166 = arith.minimumf %max3A_1163, %min3A_1165 : vector<16xf32>
        %max3A_1167 = arith.constant 0.000000e+00 : f32
        %max3A_1168 = vector.broadcast %max3A_1167 : f32 to vector<16xf32>
        %max3A_1169 = arith.maximumf %sub3A_1151, %max3A_1168 : vector<16xf32>
        %min3A_1170 = arith.constant 2.000000e+01 : f32
        %min3A_1171 = vector.broadcast %min3A_1170 : f32 to vector<16xf32>
        %min3A_1172 = arith.minimumf %max3A_1169, %min3A_1171 : vector<16xf32>
        %max3A_1173 = arith.constant 0.000000e+00 : f32
        %max3A_1174 = vector.broadcast %max3A_1173 : f32 to vector<16xf32>
        %max3A_1175 = arith.maximumf %sub3A_1160, %max3A_1174 : vector<16xf32>
        %min3A_1176 = arith.constant 2.000000e+01 : f32
        %min3A_1177 = vector.broadcast %min3A_1176 : f32 to vector<16xf32>
        %min3A_1178 = arith.minimumf %max3A_1175, %min3A_1177 : vector<16xf32>
        %eq3A_1179 = arith.cmpf oeq, %sub3A_1142, %min3A_1166 : vector<16xf32>
        %eq3A_1180 = arith.cmpf oeq, %sub3A_1151, %min3A_1172 : vector<16xf32>
        %and3A_1181 = arith.andi %eq3A_1179, %eq3A_1180 : vector<16xi1>
        %eq3A_1182 = arith.cmpf oeq, %sub3A_1160, %min3A_1178 : vector<16xf32>
        %and3A_1183 = arith.andi %and3A_1181, %eq3A_1182 : vector<16xi1>
        %mul3A_1184 = arith.constant 4.410000e+02 : f32
        %mul3A_1185 = vector.broadcast %mul3A_1184 : f32 to vector<16xf32>
        %mul3A_1186 = arith.mulf %min3A_1166, %mul3A_1185 : vector<16xf32>
        %mul3A_1187 = arith.constant 2.100000e+01 : f32
        %mul3A_1188 = vector.broadcast %mul3A_1187 : f32 to vector<16xf32>
        %mul3A_1189 = arith.mulf %min3A_1172, %mul3A_1188 : vector<16xf32>
        %add3A_1190 = arith.addf %mul3A_1186, %mul3A_1189 : vector<16xf32>
        %add3A_1191 = arith.addf %add3A_1190, %min3A_1178 : vector<16xf32>
        %convert_element_type3A_1192 = arith.fptosi %add3A_1191 : vector<16xf32> to vector<16xi32>
        %jit3A_1193 = arith.constant 9261 : i32
        %broadcast_in_dim3A_1194 = vector.broadcast %jit3A_1193 : i32 to vector<16xi32>
        %select_n3A_1195 = arith.select %and3A_1183, %convert_element_type3A_1192, %broadcast_in_dim3A_1194 : vector<16xi1>, vector<16xi32>
        %get3A_1196 = arith.constant 160 : index
        %get3A_1197 = tpu.vector_load %arg10[%get3A_1196] {strides = array<i32>} : memref<2048xf32, #tpu.memory_space<vmem>>, vector<16xf32>,
        tpu.vector_store_idx %arg15[%broadcast_in_dim3A_33, %select_n3A_1195], %get3A_1197 {add = true} : memref<8x9344xf32, #tpu.memory_space<vmem>>[vector<16xi32>, vector<16xi32>], vector<16xf32>,
        %get3A_1198 = arith.constant 416 : index
        %get3A_1199 = tpu.vector_load %arg10[%get3A_1198] {strides = array<i32>} : memref<2048xf32, #tpu.memory_space<vmem>>, vector<16xf32>,
        tpu.vector_store_idx %arg15[%broadcast_in_dim3A_35, %select_n3A_1195], %get3A_1199 {add = true} : memref<8x9344xf32, #tpu.memory_space<vmem>>[vector<16xi32>, vector<16xi32>], vector<16xf32>,
        %get3A_1200 = arith.constant 672 : index
        %get3A_1201 = tpu.vector_load %arg10[%get3A_1200] {strides = array<i32>} : memref<2048xf32, #tpu.memory_space<vmem>>, vector<16xf32>,
        tpu.vector_store_idx %arg15[%broadcast_in_dim3A_37, %select_n3A_1195], %get3A_1201 {add = true} : memref<8x9344xf32, #tpu.memory_space<vmem>>[vector<16xi32>, vector<16xi32>], vector<16xf32>,
        %get3A_1202 = arith.constant 928 : index
        %get3A_1203 = tpu.vector_load %arg10[%get3A_1202] {strides = array<i32>} : memref<2048xf32, #tpu.memory_space<vmem>>, vector<16xf32>,
        tpu.vector_store_idx %arg15[%broadcast_in_dim3A_39, %select_n3A_1195], %get3A_1203 {add = true} : memref<8x9344xf32, #tpu.memory_space<vmem>>[vector<16xi32>, vector<16xi32>], vector<16xf32>,
        %get3A_1204 = arith.constant 1184 : index
        %get3A_1205 = tpu.vector_load %arg10[%get3A_1204] {strides = array<i32>} : memref<2048xf32, #tpu.memory_space<vmem>>, vector<16xf32>,
        tpu.vector_store_idx %arg15[%broadcast_in_dim3A_41, %select_n3A_1195], %get3A_1205 {add = true} : memref<8x9344xf32, #tpu.memory_space<vmem>>[vector<16xi32>, vector<16xi32>], vector<16xf32>,
        %get3A_1206 = arith.constant 1440 : index
        %get3A_1207 = tpu.vector_load %arg10[%get3A_1206] {strides = array<i32>} : memref<2048xf32, #tpu.memory_space<vmem>>, vector<16xf32>,
        tpu.vector_store_idx %arg15[%broadcast_in_dim3A_43, %select_n3A_1195], %get3A_1207 {add = true} : memref<8x9344xf32, #tpu.memory_space<vmem>>[vector<16xi32>, vector<16xi32>], vector<16xf32>,
        %get3A_1208 = arith.constant 1696 : index
        %get3A_1209 = tpu.vector_load %arg10[%get3A_1208] {strides = array<i32>} : memref<2048xf32, #tpu.memory_space<vmem>>, vector<16xf32>,
        tpu.vector_store_idx %arg15[%broadcast_in_dim3A_45, %select_n3A_1195], %get3A_1209 {add = true} : memref<8x9344xf32, #tpu.memory_space<vmem>>[vector<16xi32>, vector<16xi32>], vector<16xf32>,
        %get3A_1210 = arith.constant 1952 : index
        %get3A_1211 = tpu.vector_load %arg10[%get3A_1210] {strides = array<i32>} : memref<2048xf32, #tpu.memory_space<vmem>>, vector<16xf32>,
        tpu.vector_store_idx %arg15[%broadcast_in_dim3A_47, %select_n3A_1195], %get3A_1211 {add = true} : memref<8x9344xf32, #tpu.memory_space<vmem>>[vector<16xi32>, vector<16xi32>], vector<16xf32>,
        %get3A_1212 = arith.constant 176 : index
        %get3A_1213 = tpu.vector_load %arg7[%get3A_1212] {strides = array<i32>} : memref<256xf32, #tpu.memory_space<vmem>>, vector<16xf32>,
        %get3A_1214 = arith.constant 176 : index
        %get3A_1215 = tpu.vector_load %arg8[%get3A_1214] {strides = array<i32>} : memref<256xf32, #tpu.memory_space<vmem>>, vector<16xf32>,
        %get3A_1216 = arith.constant 176 : index
        %get3A_1217 = tpu.vector_load %arg9[%get3A_1216] {strides = array<i32>} : memref<256xf32, #tpu.memory_space<vmem>>, vector<16xf32>,
        %add3A_1218 = arith.constant 1.000000e+01 : f32
        %add3A_1219 = vector.broadcast %add3A_1218 : f32 to vector<16xf32>
        %add3A_1220 = arith.addf %get3A_1213, %add3A_1219 : vector<16xf32>
        %add3A_1221 = arith.constant 0x4B400000 : f32
        %add3A_1222 = vector.broadcast %add3A_1221 : f32 to vector<16xf32>
        %add3A_1223 = arith.addf %add3A_1220, %add3A_1222 : vector<16xf32>
        %sub3A_1224 = arith.constant 0x4B400000 : f32
        %sub3A_1225 = vector.broadcast %sub3A_1224 : f32 to vector<16xf32>
        %sub3A_1226 = arith.subf %add3A_1223, %sub3A_1225 : vector<16xf32>
        %add3A_1227 = arith.constant 1.000000e+01 : f32
        %add3A_1228 = vector.broadcast %add3A_1227 : f32 to vector<16xf32>
        %add3A_1229 = arith.addf %get3A_1215, %add3A_1228 : vector<16xf32>
        %add3A_1230 = arith.constant 0x4B400000 : f32
        %add3A_1231 = vector.broadcast %add3A_1230 : f32 to vector<16xf32>
        %add3A_1232 = arith.addf %add3A_1229, %add3A_1231 : vector<16xf32>
        %sub3A_1233 = arith.constant 0x4B400000 : f32
        %sub3A_1234 = vector.broadcast %sub3A_1233 : f32 to vector<16xf32>
        %sub3A_1235 = arith.subf %add3A_1232, %sub3A_1234 : vector<16xf32>
        %add3A_1236 = arith.constant 1.000000e+01 : f32
        %add3A_1237 = vector.broadcast %add3A_1236 : f32 to vector<16xf32>
        %add3A_1238 = arith.addf %get3A_1217, %add3A_1237 : vector<16xf32>
        %add3A_1239 = arith.constant 0x4B400000 : f32
        %add3A_1240 = vector.broadcast %add3A_1239 : f32 to vector<16xf32>
        %add3A_1241 = arith.addf %add3A_1238, %add3A_1240 : vector<16xf32>
        %sub3A_1242 = arith.constant 0x4B400000 : f32
        %sub3A_1243 = vector.broadcast %sub3A_1242 : f32 to vector<16xf32>
        %sub3A_1244 = arith.subf %add3A_1241, %sub3A_1243 : vector<16xf32>
        %max3A_1245 = arith.constant 0.000000e+00 : f32
        %max3A_1246 = vector.broadcast %max3A_1245 : f32 to vector<16xf32>
        %max3A_1247 = arith.maximumf %sub3A_1226, %max3A_1246 : vector<16xf32>
        %min3A_1248 = arith.constant 2.000000e+01 : f32
        %min3A_1249 = vector.broadcast %min3A_1248 : f32 to vector<16xf32>
        %min3A_1250 = arith.minimumf %max3A_1247, %min3A_1249 : vector<16xf32>
        %max3A_1251 = arith.constant 0.000000e+00 : f32
        %max3A_1252 = vector.broadcast %max3A_1251 : f32 to vector<16xf32>
        %max3A_1253 = arith.maximumf %sub3A_1235, %max3A_1252 : vector<16xf32>
        %min3A_1254 = arith.constant 2.000000e+01 : f32
        %min3A_1255 = vector.broadcast %min3A_1254 : f32 to vector<16xf32>
        %min3A_1256 = arith.minimumf %max3A_1253, %min3A_1255 : vector<16xf32>
        %max3A_1257 = arith.constant 0.000000e+00 : f32
        %max3A_1258 = vector.broadcast %max3A_1257 : f32 to vector<16xf32>
        %max3A_1259 = arith.maximumf %sub3A_1244, %max3A_1258 : vector<16xf32>
        %min3A_1260 = arith.constant 2.000000e+01 : f32
        %min3A_1261 = vector.broadcast %min3A_1260 : f32 to vector<16xf32>
        %min3A_1262 = arith.minimumf %max3A_1259, %min3A_1261 : vector<16xf32>
        %eq3A_1263 = arith.cmpf oeq, %sub3A_1226, %min3A_1250 : vector<16xf32>
        %eq3A_1264 = arith.cmpf oeq, %sub3A_1235, %min3A_1256 : vector<16xf32>
        %and3A_1265 = arith.andi %eq3A_1263, %eq3A_1264 : vector<16xi1>
        %eq3A_1266 = arith.cmpf oeq, %sub3A_1244, %min3A_1262 : vector<16xf32>
        %and3A_1267 = arith.andi %and3A_1265, %eq3A_1266 : vector<16xi1>
        %mul3A_1268 = arith.constant 4.410000e+02 : f32
        %mul3A_1269 = vector.broadcast %mul3A_1268 : f32 to vector<16xf32>
        %mul3A_1270 = arith.mulf %min3A_1250, %mul3A_1269 : vector<16xf32>
        %mul3A_1271 = arith.constant 2.100000e+01 : f32
        %mul3A_1272 = vector.broadcast %mul3A_1271 : f32 to vector<16xf32>
        %mul3A_1273 = arith.mulf %min3A_1256, %mul3A_1272 : vector<16xf32>
        %add3A_1274 = arith.addf %mul3A_1270, %mul3A_1273 : vector<16xf32>
        %add3A_1275 = arith.addf %add3A_1274, %min3A_1262 : vector<16xf32>
        %convert_element_type3A_1276 = arith.fptosi %add3A_1275 : vector<16xf32> to vector<16xi32>
        %jit3A_1277 = arith.constant 9261 : i32
        %broadcast_in_dim3A_1278 = vector.broadcast %jit3A_1277 : i32 to vector<16xi32>
        %select_n3A_1279 = arith.select %and3A_1267, %convert_element_type3A_1276, %broadcast_in_dim3A_1278 : vector<16xi1>, vector<16xi32>
        %get3A_1280 = arith.constant 176 : index
        %get3A_1281 = tpu.vector_load %arg10[%get3A_1280] {strides = array<i32>} : memref<2048xf32, #tpu.memory_space<vmem>>, vector<16xf32>,
        tpu.vector_store_idx %arg15[%broadcast_in_dim3A_33, %select_n3A_1279], %get3A_1281 {add = true} : memref<8x9344xf32, #tpu.memory_space<vmem>>[vector<16xi32>, vector<16xi32>], vector<16xf32>,
        %get3A_1282 = arith.constant 432 : index
        %get3A_1283 = tpu.vector_load %arg10[%get3A_1282] {strides = array<i32>} : memref<2048xf32, #tpu.memory_space<vmem>>, vector<16xf32>,
        tpu.vector_store_idx %arg15[%broadcast_in_dim3A_35, %select_n3A_1279], %get3A_1283 {add = true} : memref<8x9344xf32, #tpu.memory_space<vmem>>[vector<16xi32>, vector<16xi32>], vector<16xf32>,
        %get3A_1284 = arith.constant 688 : index
        %get3A_1285 = tpu.vector_load %arg10[%get3A_1284] {strides = array<i32>} : memref<2048xf32, #tpu.memory_space<vmem>>, vector<16xf32>,
        tpu.vector_store_idx %arg15[%broadcast_in_dim3A_37, %select_n3A_1279], %get3A_1285 {add = true} : memref<8x9344xf32, #tpu.memory_space<vmem>>[vector<16xi32>, vector<16xi32>], vector<16xf32>,
        %get3A_1286 = arith.constant 944 : index
        %get3A_1287 = tpu.vector_load %arg10[%get3A_1286] {strides = array<i32>} : memref<2048xf32, #tpu.memory_space<vmem>>, vector<16xf32>,
        tpu.vector_store_idx %arg15[%broadcast_in_dim3A_39, %select_n3A_1279], %get3A_1287 {add = true} : memref<8x9344xf32, #tpu.memory_space<vmem>>[vector<16xi32>, vector<16xi32>], vector<16xf32>,
        %get3A_1288 = arith.constant 1200 : index
        %get3A_1289 = tpu.vector_load %arg10[%get3A_1288] {strides = array<i32>} : memref<2048xf32, #tpu.memory_space<vmem>>, vector<16xf32>,
        tpu.vector_store_idx %arg15[%broadcast_in_dim3A_41, %select_n3A_1279], %get3A_1289 {add = true} : memref<8x9344xf32, #tpu.memory_space<vmem>>[vector<16xi32>, vector<16xi32>], vector<16xf32>,
        %get3A_1290 = arith.constant 1456 : index
        %get3A_1291 = tpu.vector_load %arg10[%get3A_1290] {strides = array<i32>} : memref<2048xf32, #tpu.memory_space<vmem>>, vector<16xf32>,
        tpu.vector_store_idx %arg15[%broadcast_in_dim3A_43, %select_n3A_1279], %get3A_1291 {add = true} : memref<8x9344xf32, #tpu.memory_space<vmem>>[vector<16xi32>, vector<16xi32>], vector<16xf32>,
        %get3A_1292 = arith.constant 1712 : index
        %get3A_1293 = tpu.vector_load %arg10[%get3A_1292] {strides = array<i32>} : memref<2048xf32, #tpu.memory_space<vmem>>, vector<16xf32>,
        tpu.vector_store_idx %arg15[%broadcast_in_dim3A_45, %select_n3A_1279], %get3A_1293 {add = true} : memref<8x9344xf32, #tpu.memory_space<vmem>>[vector<16xi32>, vector<16xi32>], vector<16xf32>,
        %get3A_1294 = arith.constant 1968 : index
        %get3A_1295 = tpu.vector_load %arg10[%get3A_1294] {strides = array<i32>} : memref<2048xf32, #tpu.memory_space<vmem>>, vector<16xf32>,
        tpu.vector_store_idx %arg15[%broadcast_in_dim3A_47, %select_n3A_1279], %get3A_1295 {add = true} : memref<8x9344xf32, #tpu.memory_space<vmem>>[vector<16xi32>, vector<16xi32>], vector<16xf32>,
        %get3A_1296 = arith.constant 192 : index
        %get3A_1297 = tpu.vector_load %arg7[%get3A_1296] {strides = array<i32>} : memref<256xf32, #tpu.memory_space<vmem>>, vector<16xf32>,
        %get3A_1298 = arith.constant 192 : index
        %get3A_1299 = tpu.vector_load %arg8[%get3A_1298] {strides = array<i32>} : memref<256xf32, #tpu.memory_space<vmem>>, vector<16xf32>,
        %get3A_1300 = arith.constant 192 : index
        %get3A_1301 = tpu.vector_load %arg9[%get3A_1300] {strides = array<i32>} : memref<256xf32, #tpu.memory_space<vmem>>, vector<16xf32>,
        %add3A_1302 = arith.constant 1.000000e+01 : f32
        %add3A_1303 = vector.broadcast %add3A_1302 : f32 to vector<16xf32>
        %add3A_1304 = arith.addf %get3A_1297, %add3A_1303 : vector<16xf32>
        %add3A_1305 = arith.constant 0x4B400000 : f32
        %add3A_1306 = vector.broadcast %add3A_1305 : f32 to vector<16xf32>
        %add3A_1307 = arith.addf %add3A_1304, %add3A_1306 : vector<16xf32>
        %sub3A_1308 = arith.constant 0x4B400000 : f32
        %sub3A_1309 = vector.broadcast %sub3A_1308 : f32 to vector<16xf32>
        %sub3A_1310 = arith.subf %add3A_1307, %sub3A_1309 : vector<16xf32>
        %add3A_1311 = arith.constant 1.000000e+01 : f32
        %add3A_1312 = vector.broadcast %add3A_1311 : f32 to vector<16xf32>
        %add3A_1313 = arith.addf %get3A_1299, %add3A_1312 : vector<16xf32>
        %add3A_1314 = arith.constant 0x4B400000 : f32
        %add3A_1315 = vector.broadcast %add3A_1314 : f32 to vector<16xf32>
        %add3A_1316 = arith.addf %add3A_1313, %add3A_1315 : vector<16xf32>
        %sub3A_1317 = arith.constant 0x4B400000 : f32
        %sub3A_1318 = vector.broadcast %sub3A_1317 : f32 to vector<16xf32>
        %sub3A_1319 = arith.subf %add3A_1316, %sub3A_1318 : vector<16xf32>
        %add3A_1320 = arith.constant 1.000000e+01 : f32
        %add3A_1321 = vector.broadcast %add3A_1320 : f32 to vector<16xf32>
        %add3A_1322 = arith.addf %get3A_1301, %add3A_1321 : vector<16xf32>
        %add3A_1323 = arith.constant 0x4B400000 : f32
        %add3A_1324 = vector.broadcast %add3A_1323 : f32 to vector<16xf32>
        %add3A_1325 = arith.addf %add3A_1322, %add3A_1324 : vector<16xf32>
        %sub3A_1326 = arith.constant 0x4B400000 : f32
        %sub3A_1327 = vector.broadcast %sub3A_1326 : f32 to vector<16xf32>
        %sub3A_1328 = arith.subf %add3A_1325, %sub3A_1327 : vector<16xf32>
        %max3A_1329 = arith.constant 0.000000e+00 : f32
        %max3A_1330 = vector.broadcast %max3A_1329 : f32 to vector<16xf32>
        %max3A_1331 = arith.maximumf %sub3A_1310, %max3A_1330 : vector<16xf32>
        %min3A_1332 = arith.constant 2.000000e+01 : f32
        %min3A_1333 = vector.broadcast %min3A_1332 : f32 to vector<16xf32>
        %min3A_1334 = arith.minimumf %max3A_1331, %min3A_1333 : vector<16xf32>
        %max3A_1335 = arith.constant 0.000000e+00 : f32
        %max3A_1336 = vector.broadcast %max3A_1335 : f32 to vector<16xf32>
        %max3A_1337 = arith.maximumf %sub3A_1319, %max3A_1336 : vector<16xf32>
        %min3A_1338 = arith.constant 2.000000e+01 : f32
        %min3A_1339 = vector.broadcast %min3A_1338 : f32 to vector<16xf32>
        %min3A_1340 = arith.minimumf %max3A_1337, %min3A_1339 : vector<16xf32>
        %max3A_1341 = arith.constant 0.000000e+00 : f32
        %max3A_1342 = vector.broadcast %max3A_1341 : f32 to vector<16xf32>
        %max3A_1343 = arith.maximumf %sub3A_1328, %max3A_1342 : vector<16xf32>
        %min3A_1344 = arith.constant 2.000000e+01 : f32
        %min3A_1345 = vector.broadcast %min3A_1344 : f32 to vector<16xf32>
        %min3A_1346 = arith.minimumf %max3A_1343, %min3A_1345 : vector<16xf32>
        %eq3A_1347 = arith.cmpf oeq, %sub3A_1310, %min3A_1334 : vector<16xf32>
        %eq3A_1348 = arith.cmpf oeq, %sub3A_1319, %min3A_1340 : vector<16xf32>
        %and3A_1349 = arith.andi %eq3A_1347, %eq3A_1348 : vector<16xi1>
        %eq3A_1350 = arith.cmpf oeq, %sub3A_1328, %min3A_1346 : vector<16xf32>
        %and3A_1351 = arith.andi %and3A_1349, %eq3A_1350 : vector<16xi1>
        %mul3A_1352 = arith.constant 4.410000e+02 : f32
        %mul3A_1353 = vector.broadcast %mul3A_1352 : f32 to vector<16xf32>
        %mul3A_1354 = arith.mulf %min3A_1334, %mul3A_1353 : vector<16xf32>
        %mul3A_1355 = arith.constant 2.100000e+01 : f32
        %mul3A_1356 = vector.broadcast %mul3A_1355 : f32 to vector<16xf32>
        %mul3A_1357 = arith.mulf %min3A_1340, %mul3A_1356 : vector<16xf32>
        %add3A_1358 = arith.addf %mul3A_1354, %mul3A_1357 : vector<16xf32>
        %add3A_1359 = arith.addf %add3A_1358, %min3A_1346 : vector<16xf32>
        %convert_element_type3A_1360 = arith.fptosi %add3A_1359 : vector<16xf32> to vector<16xi32>
        %jit3A_1361 = arith.constant 9261 : i32
        %broadcast_in_dim3A_1362 = vector.broadcast %jit3A_1361 : i32 to vector<16xi32>
        %select_n3A_1363 = arith.select %and3A_1351, %convert_element_type3A_1360, %broadcast_in_dim3A_1362 : vector<16xi1>, vector<16xi32>
        %get3A_1364 = arith.constant 192 : index
        %get3A_1365 = tpu.vector_load %arg10[%get3A_1364] {strides = array<i32>} : memref<2048xf32, #tpu.memory_space<vmem>>, vector<16xf32>,
        tpu.vector_store_idx %arg15[%broadcast_in_dim3A_33, %select_n3A_1363], %get3A_1365 {add = true} : memref<8x9344xf32, #tpu.memory_space<vmem>>[vector<16xi32>, vector<16xi32>], vector<16xf32>,
        %get3A_1366 = arith.constant 448 : index
        %get3A_1367 = tpu.vector_load %arg10[%get3A_1366] {strides = array<i32>} : memref<2048xf32, #tpu.memory_space<vmem>>, vector<16xf32>,
        tpu.vector_store_idx %arg15[%broadcast_in_dim3A_35, %select_n3A_1363], %get3A_1367 {add = true} : memref<8x9344xf32, #tpu.memory_space<vmem>>[vector<16xi32>, vector<16xi32>], vector<16xf32>,
        %get3A_1368 = arith.constant 704 : index
        %get3A_1369 = tpu.vector_load %arg10[%get3A_1368] {strides = array<i32>} : memref<2048xf32, #tpu.memory_space<vmem>>, vector<16xf32>,
        tpu.vector_store_idx %arg15[%broadcast_in_dim3A_37, %select_n3A_1363], %get3A_1369 {add = true} : memref<8x9344xf32, #tpu.memory_space<vmem>>[vector<16xi32>, vector<16xi32>], vector<16xf32>,
        %get3A_1370 = arith.constant 960 : index
        %get3A_1371 = tpu.vector_load %arg10[%get3A_1370] {strides = array<i32>} : memref<2048xf32, #tpu.memory_space<vmem>>, vector<16xf32>,
        tpu.vector_store_idx %arg15[%broadcast_in_dim3A_39, %select_n3A_1363], %get3A_1371 {add = true} : memref<8x9344xf32, #tpu.memory_space<vmem>>[vector<16xi32>, vector<16xi32>], vector<16xf32>,
        %get3A_1372 = arith.constant 1216 : index
        %get3A_1373 = tpu.vector_load %arg10[%get3A_1372] {strides = array<i32>} : memref<2048xf32, #tpu.memory_space<vmem>>, vector<16xf32>,
        tpu.vector_store_idx %arg15[%broadcast_in_dim3A_41, %select_n3A_1363], %get3A_1373 {add = true} : memref<8x9344xf32, #tpu.memory_space<vmem>>[vector<16xi32>, vector<16xi32>], vector<16xf32>,
        %get3A_1374 = arith.constant 1472 : index
        %get3A_1375 = tpu.vector_load %arg10[%get3A_1374] {strides = array<i32>} : memref<2048xf32, #tpu.memory_space<vmem>>, vector<16xf32>,
        tpu.vector_store_idx %arg15[%broadcast_in_dim3A_43, %select_n3A_1363], %get3A_1375 {add = true} : memref<8x9344xf32, #tpu.memory_space<vmem>>[vector<16xi32>, vector<16xi32>], vector<16xf32>,
        %get3A_1376 = arith.constant 1728 : index
        %get3A_1377 = tpu.vector_load %arg10[%get3A_1376] {strides = array<i32>} : memref<2048xf32, #tpu.memory_space<vmem>>, vector<16xf32>,
        tpu.vector_store_idx %arg15[%broadcast_in_dim3A_45, %select_n3A_1363], %get3A_1377 {add = true} : memref<8x9344xf32, #tpu.memory_space<vmem>>[vector<16xi32>, vector<16xi32>], vector<16xf32>,
        %get3A_1378 = arith.constant 1984 : index
        %get3A_1379 = tpu.vector_load %arg10[%get3A_1378] {strides = array<i32>} : memref<2048xf32, #tpu.memory_space<vmem>>, vector<16xf32>,
        tpu.vector_store_idx %arg15[%broadcast_in_dim3A_47, %select_n3A_1363], %get3A_1379 {add = true} : memref<8x9344xf32, #tpu.memory_space<vmem>>[vector<16xi32>, vector<16xi32>], vector<16xf32>,
        %get3A_1380 = arith.constant 208 : index
        %get3A_1381 = tpu.vector_load %arg7[%get3A_1380] {strides = array<i32>} : memref<256xf32, #tpu.memory_space<vmem>>, vector<16xf32>,
        %get3A_1382 = arith.constant 208 : index
        %get3A_1383 = tpu.vector_load %arg8[%get3A_1382] {strides = array<i32>} : memref<256xf32, #tpu.memory_space<vmem>>, vector<16xf32>,
        %get3A_1384 = arith.constant 208 : index
        %get3A_1385 = tpu.vector_load %arg9[%get3A_1384] {strides = array<i32>} : memref<256xf32, #tpu.memory_space<vmem>>, vector<16xf32>,
        %add3A_1386 = arith.constant 1.000000e+01 : f32
        %add3A_1387 = vector.broadcast %add3A_1386 : f32 to vector<16xf32>
        %add3A_1388 = arith.addf %get3A_1381, %add3A_1387 : vector<16xf32>
        %add3A_1389 = arith.constant 0x4B400000 : f32
        %add3A_1390 = vector.broadcast %add3A_1389 : f32 to vector<16xf32>
        %add3A_1391 = arith.addf %add3A_1388, %add3A_1390 : vector<16xf32>
        %sub3A_1392 = arith.constant 0x4B400000 : f32
        %sub3A_1393 = vector.broadcast %sub3A_1392 : f32 to vector<16xf32>
        %sub3A_1394 = arith.subf %add3A_1391, %sub3A_1393 : vector<16xf32>
        %add3A_1395 = arith.constant 1.000000e+01 : f32
        %add3A_1396 = vector.broadcast %add3A_1395 : f32 to vector<16xf32>
        %add3A_1397 = arith.addf %get3A_1383, %add3A_1396 : vector<16xf32>
        %add3A_1398 = arith.constant 0x4B400000 : f32
        %add3A_1399 = vector.broadcast %add3A_1398 : f32 to vector<16xf32>
        %add3A_1400 = arith.addf %add3A_1397, %add3A_1399 : vector<16xf32>
        %sub3A_1401 = arith.constant 0x4B400000 : f32
        %sub3A_1402 = vector.broadcast %sub3A_1401 : f32 to vector<16xf32>
        %sub3A_1403 = arith.subf %add3A_1400, %sub3A_1402 : vector<16xf32>
        %add3A_1404 = arith.constant 1.000000e+01 : f32
        %add3A_1405 = vector.broadcast %add3A_1404 : f32 to vector<16xf32>
        %add3A_1406 = arith.addf %get3A_1385, %add3A_1405 : vector<16xf32>
        %add3A_1407 = arith.constant 0x4B400000 : f32
        %add3A_1408 = vector.broadcast %add3A_1407 : f32 to vector<16xf32>
        %add3A_1409 = arith.addf %add3A_1406, %add3A_1408 : vector<16xf32>
        %sub3A_1410 = arith.constant 0x4B400000 : f32
        %sub3A_1411 = vector.broadcast %sub3A_1410 : f32 to vector<16xf32>
        %sub3A_1412 = arith.subf %add3A_1409, %sub3A_1411 : vector<16xf32>
        %max3A_1413 = arith.constant 0.000000e+00 : f32
        %max3A_1414 = vector.broadcast %max3A_1413 : f32 to vector<16xf32>
        %max3A_1415 = arith.maximumf %sub3A_1394, %max3A_1414 : vector<16xf32>
        %min3A_1416 = arith.constant 2.000000e+01 : f32
        %min3A_1417 = vector.broadcast %min3A_1416 : f32 to vector<16xf32>
        %min3A_1418 = arith.minimumf %max3A_1415, %min3A_1417 : vector<16xf32>
        %max3A_1419 = arith.constant 0.000000e+00 : f32
        %max3A_1420 = vector.broadcast %max3A_1419 : f32 to vector<16xf32>
        %max3A_1421 = arith.maximumf %sub3A_1403, %max3A_1420 : vector<16xf32>
        %min3A_1422 = arith.constant 2.000000e+01 : f32
        %min3A_1423 = vector.broadcast %min3A_1422 : f32 to vector<16xf32>
        %min3A_1424 = arith.minimumf %max3A_1421, %min3A_1423 : vector<16xf32>
        %max3A_1425 = arith.constant 0.000000e+00 : f32
        %max3A_1426 = vector.broadcast %max3A_1425 : f32 to vector<16xf32>
        %max3A_1427 = arith.maximumf %sub3A_1412, %max3A_1426 : vector<16xf32>
        %min3A_1428 = arith.constant 2.000000e+01 : f32
        %min3A_1429 = vector.broadcast %min3A_1428 : f32 to vector<16xf32>
        %min3A_1430 = arith.minimumf %max3A_1427, %min3A_1429 : vector<16xf32>
        %eq3A_1431 = arith.cmpf oeq, %sub3A_1394, %min3A_1418 : vector<16xf32>
        %eq3A_1432 = arith.cmpf oeq, %sub3A_1403, %min3A_1424 : vector<16xf32>
        %and3A_1433 = arith.andi %eq3A_1431, %eq3A_1432 : vector<16xi1>
        %eq3A_1434 = arith.cmpf oeq, %sub3A_1412, %min3A_1430 : vector<16xf32>
        %and3A_1435 = arith.andi %and3A_1433, %eq3A_1434 : vector<16xi1>
        %mul3A_1436 = arith.constant 4.410000e+02 : f32
        %mul3A_1437 = vector.broadcast %mul3A_1436 : f32 to vector<16xf32>
        %mul3A_1438 = arith.mulf %min3A_1418, %mul3A_1437 : vector<16xf32>
        %mul3A_1439 = arith.constant 2.100000e+01 : f32
        %mul3A_1440 = vector.broadcast %mul3A_1439 : f32 to vector<16xf32>
        %mul3A_1441 = arith.mulf %min3A_1424, %mul3A_1440 : vector<16xf32>
        %add3A_1442 = arith.addf %mul3A_1438, %mul3A_1441 : vector<16xf32>
        %add3A_1443 = arith.addf %add3A_1442, %min3A_1430 : vector<16xf32>
        %convert_element_type3A_1444 = arith.fptosi %add3A_1443 : vector<16xf32> to vector<16xi32>
        %jit3A_1445 = arith.constant 9261 : i32
        %broadcast_in_dim3A_1446 = vector.broadcast %jit3A_1445 : i32 to vector<16xi32>
        %select_n3A_1447 = arith.select %and3A_1435, %convert_element_type3A_1444, %broadcast_in_dim3A_1446 : vector<16xi1>, vector<16xi32>
        %get3A_1448 = arith.constant 208 : index
        %get3A_1449 = tpu.vector_load %arg10[%get3A_1448] {strides = array<i32>} : memref<2048xf32, #tpu.memory_space<vmem>>, vector<16xf32>,
        tpu.vector_store_idx %arg15[%broadcast_in_dim3A_33, %select_n3A_1447], %get3A_1449 {add = true} : memref<8x9344xf32, #tpu.memory_space<vmem>>[vector<16xi32>, vector<16xi32>], vector<16xf32>,
        %get3A_1450 = arith.constant 464 : index
        %get3A_1451 = tpu.vector_load %arg10[%get3A_1450] {strides = array<i32>} : memref<2048xf32, #tpu.memory_space<vmem>>, vector<16xf32>,
        tpu.vector_store_idx %arg15[%broadcast_in_dim3A_35, %select_n3A_1447], %get3A_1451 {add = true} : memref<8x9344xf32, #tpu.memory_space<vmem>>[vector<16xi32>, vector<16xi32>], vector<16xf32>,
        %get3A_1452 = arith.constant 720 : index
        %get3A_1453 = tpu.vector_load %arg10[%get3A_1452] {strides = array<i32>} : memref<2048xf32, #tpu.memory_space<vmem>>, vector<16xf32>,
        tpu.vector_store_idx %arg15[%broadcast_in_dim3A_37, %select_n3A_1447], %get3A_1453 {add = true} : memref<8x9344xf32, #tpu.memory_space<vmem>>[vector<16xi32>, vector<16xi32>], vector<16xf32>,
        %get3A_1454 = arith.constant 976 : index
        %get3A_1455 = tpu.vector_load %arg10[%get3A_1454] {strides = array<i32>} : memref<2048xf32, #tpu.memory_space<vmem>>, vector<16xf32>,
        tpu.vector_store_idx %arg15[%broadcast_in_dim3A_39, %select_n3A_1447], %get3A_1455 {add = true} : memref<8x9344xf32, #tpu.memory_space<vmem>>[vector<16xi32>, vector<16xi32>], vector<16xf32>,
        %get3A_1456 = arith.constant 1232 : index
        %get3A_1457 = tpu.vector_load %arg10[%get3A_1456] {strides = array<i32>} : memref<2048xf32, #tpu.memory_space<vmem>>, vector<16xf32>,
        tpu.vector_store_idx %arg15[%broadcast_in_dim3A_41, %select_n3A_1447], %get3A_1457 {add = true} : memref<8x9344xf32, #tpu.memory_space<vmem>>[vector<16xi32>, vector<16xi32>], vector<16xf32>,
        %get3A_1458 = arith.constant 1488 : index
        %get3A_1459 = tpu.vector_load %arg10[%get3A_1458] {strides = array<i32>} : memref<2048xf32, #tpu.memory_space<vmem>>, vector<16xf32>,
        tpu.vector_store_idx %arg15[%broadcast_in_dim3A_43, %select_n3A_1447], %get3A_1459 {add = true} : memref<8x9344xf32, #tpu.memory_space<vmem>>[vector<16xi32>, vector<16xi32>], vector<16xf32>,
        %get3A_1460 = arith.constant 1744 : index
        %get3A_1461 = tpu.vector_load %arg10[%get3A_1460] {strides = array<i32>} : memref<2048xf32, #tpu.memory_space<vmem>>, vector<16xf32>,
        tpu.vector_store_idx %arg15[%broadcast_in_dim3A_45, %select_n3A_1447], %get3A_1461 {add = true} : memref<8x9344xf32, #tpu.memory_space<vmem>>[vector<16xi32>, vector<16xi32>], vector<16xf32>,
        %get3A_1462 = arith.constant 2000 : index
        %get3A_1463 = tpu.vector_load %arg10[%get3A_1462] {strides = array<i32>} : memref<2048xf32, #tpu.memory_space<vmem>>, vector<16xf32>,
        tpu.vector_store_idx %arg15[%broadcast_in_dim3A_47, %select_n3A_1447], %get3A_1463 {add = true} : memref<8x9344xf32, #tpu.memory_space<vmem>>[vector<16xi32>, vector<16xi32>], vector<16xf32>,
        %get3A_1464 = arith.constant 224 : index
        %get3A_1465 = tpu.vector_load %arg7[%get3A_1464] {strides = array<i32>} : memref<256xf32, #tpu.memory_space<vmem>>, vector<16xf32>,
        %get3A_1466 = arith.constant 224 : index
        %get3A_1467 = tpu.vector_load %arg8[%get3A_1466] {strides = array<i32>} : memref<256xf32, #tpu.memory_space<vmem>>, vector<16xf32>,
        %get3A_1468 = arith.constant 224 : index
        %get3A_1469 = tpu.vector_load %arg9[%get3A_1468] {strides = array<i32>} : memref<256xf32, #tpu.memory_space<vmem>>, vector<16xf32>,
        %add3A_1470 = arith.constant 1.000000e+01 : f32
        %add3A_1471 = vector.broadcast %add3A_1470 : f32 to vector<16xf32>
        %add3A_1472 = arith.addf %get3A_1465, %add3A_1471 : vector<16xf32>
        %add3A_1473 = arith.constant 0x4B400000 : f32
        %add3A_1474 = vector.broadcast %add3A_1473 : f32 to vector<16xf32>
        %add3A_1475 = arith.addf %add3A_1472, %add3A_1474 : vector<16xf32>
        %sub3A_1476 = arith.constant 0x4B400000 : f32
        %sub3A_1477 = vector.broadcast %sub3A_1476 : f32 to vector<16xf32>
        %sub3A_1478 = arith.subf %add3A_1475, %sub3A_1477 : vector<16xf32>
        %add3A_1479 = arith.constant 1.000000e+01 : f32
        %add3A_1480 = vector.broadcast %add3A_1479 : f32 to vector<16xf32>
        %add3A_1481 = arith.addf %get3A_1467, %add3A_1480 : vector<16xf32>
        %add3A_1482 = arith.constant 0x4B400000 : f32
        %add3A_1483 = vector.broadcast %add3A_1482 : f32 to vector<16xf32>
        %add3A_1484 = arith.addf %add3A_1481, %add3A_1483 : vector<16xf32>
        %sub3A_1485 = arith.constant 0x4B400000 : f32
        %sub3A_1486 = vector.broadcast %sub3A_1485 : f32 to vector<16xf32>
        %sub3A_1487 = arith.subf %add3A_1484, %sub3A_1486 : vector<16xf32>
        %add3A_1488 = arith.constant 1.000000e+01 : f32
        %add3A_1489 = vector.broadcast %add3A_1488 : f32 to vector<16xf32>
        %add3A_1490 = arith.addf %get3A_1469, %add3A_1489 : vector<16xf32>
        %add3A_1491 = arith.constant 0x4B400000 : f32
        %add3A_1492 = vector.broadcast %add3A_1491 : f32 to vector<16xf32>
        %add3A_1493 = arith.addf %add3A_1490, %add3A_1492 : vector<16xf32>
        %sub3A_1494 = arith.constant 0x4B400000 : f32
        %sub3A_1495 = vector.broadcast %sub3A_1494 : f32 to vector<16xf32>
        %sub3A_1496 = arith.subf %add3A_1493, %sub3A_1495 : vector<16xf32>
        %max3A_1497 = arith.constant 0.000000e+00 : f32
        %max3A_1498 = vector.broadcast %max3A_1497 : f32 to vector<16xf32>
        %max3A_1499 = arith.maximumf %sub3A_1478, %max3A_1498 : vector<16xf32>
        %min3A_1500 = arith.constant 2.000000e+01 : f32
        %min3A_1501 = vector.broadcast %min3A_1500 : f32 to vector<16xf32>
        %min3A_1502 = arith.minimumf %max3A_1499, %min3A_1501 : vector<16xf32>
        %max3A_1503 = arith.constant 0.000000e+00 : f32
        %max3A_1504 = vector.broadcast %max3A_1503 : f32 to vector<16xf32>
        %max3A_1505 = arith.maximumf %sub3A_1487, %max3A_1504 : vector<16xf32>
        %min3A_1506 = arith.constant 2.000000e+01 : f32
        %min3A_1507 = vector.broadcast %min3A_1506 : f32 to vector<16xf32>
        %min3A_1508 = arith.minimumf %max3A_1505, %min3A_1507 : vector<16xf32>
        %max3A_1509 = arith.constant 0.000000e+00 : f32
        %max3A_1510 = vector.broadcast %max3A_1509 : f32 to vector<16xf32>
        %max3A_1511 = arith.maximumf %sub3A_1496, %max3A_1510 : vector<16xf32>
        %min3A_1512 = arith.constant 2.000000e+01 : f32
        %min3A_1513 = vector.broadcast %min3A_1512 : f32 to vector<16xf32>
        %min3A_1514 = arith.minimumf %max3A_1511, %min3A_1513 : vector<16xf32>
        %eq3A_1515 = arith.cmpf oeq, %sub3A_1478, %min3A_1502 : vector<16xf32>
        %eq3A_1516 = arith.cmpf oeq, %sub3A_1487, %min3A_1508 : vector<16xf32>
        %and3A_1517 = arith.andi %eq3A_1515, %eq3A_1516 : vector<16xi1>
        %eq3A_1518 = arith.cmpf oeq, %sub3A_1496, %min3A_1514 : vector<16xf32>
        %and3A_1519 = arith.andi %and3A_1517, %eq3A_1518 : vector<16xi1>
        %mul3A_1520 = arith.constant 4.410000e+02 : f32
        %mul3A_1521 = vector.broadcast %mul3A_1520 : f32 to vector<16xf32>
        %mul3A_1522 = arith.mulf %min3A_1502, %mul3A_1521 : vector<16xf32>
        %mul3A_1523 = arith.constant 2.100000e+01 : f32
        %mul3A_1524 = vector.broadcast %mul3A_1523 : f32 to vector<16xf32>
        %mul3A_1525 = arith.mulf %min3A_1508, %mul3A_1524 : vector<16xf32>
        %add3A_1526 = arith.addf %mul3A_1522, %mul3A_1525 : vector<16xf32>
        %add3A_1527 = arith.addf %add3A_1526, %min3A_1514 : vector<16xf32>
        %convert_element_type3A_1528 = arith.fptosi %add3A_1527 : vector<16xf32> to vector<16xi32>
        %jit3A_1529 = arith.constant 9261 : i32
        %broadcast_in_dim3A_1530 = vector.broadcast %jit3A_1529 : i32 to vector<16xi32>
        %select_n3A_1531 = arith.select %and3A_1519, %convert_element_type3A_1528, %broadcast_in_dim3A_1530 : vector<16xi1>, vector<16xi32>
        %get3A_1532 = arith.constant 224 : index
        %get3A_1533 = tpu.vector_load %arg10[%get3A_1532] {strides = array<i32>} : memref<2048xf32, #tpu.memory_space<vmem>>, vector<16xf32>,
        tpu.vector_store_idx %arg15[%broadcast_in_dim3A_33, %select_n3A_1531], %get3A_1533 {add = true} : memref<8x9344xf32, #tpu.memory_space<vmem>>[vector<16xi32>, vector<16xi32>], vector<16xf32>,
        %get3A_1534 = arith.constant 480 : index
        %get3A_1535 = tpu.vector_load %arg10[%get3A_1534] {strides = array<i32>} : memref<2048xf32, #tpu.memory_space<vmem>>, vector<16xf32>,
        tpu.vector_store_idx %arg15[%broadcast_in_dim3A_35, %select_n3A_1531], %get3A_1535 {add = true} : memref<8x9344xf32, #tpu.memory_space<vmem>>[vector<16xi32>, vector<16xi32>], vector<16xf32>,
        %get3A_1536 = arith.constant 736 : index
        %get3A_1537 = tpu.vector_load %arg10[%get3A_1536] {strides = array<i32>} : memref<2048xf32, #tpu.memory_space<vmem>>, vector<16xf32>,
        tpu.vector_store_idx %arg15[%broadcast_in_dim3A_37, %select_n3A_1531], %get3A_1537 {add = true} : memref<8x9344xf32, #tpu.memory_space<vmem>>[vector<16xi32>, vector<16xi32>], vector<16xf32>,
        %get3A_1538 = arith.constant 992 : index
        %get3A_1539 = tpu.vector_load %arg10[%get3A_1538] {strides = array<i32>} : memref<2048xf32, #tpu.memory_space<vmem>>, vector<16xf32>,
        tpu.vector_store_idx %arg15[%broadcast_in_dim3A_39, %select_n3A_1531], %get3A_1539 {add = true} : memref<8x9344xf32, #tpu.memory_space<vmem>>[vector<16xi32>, vector<16xi32>], vector<16xf32>,
        %get3A_1540 = arith.constant 1248 : index
        %get3A_1541 = tpu.vector_load %arg10[%get3A_1540] {strides = array<i32>} : memref<2048xf32, #tpu.memory_space<vmem>>, vector<16xf32>,
        tpu.vector_store_idx %arg15[%broadcast_in_dim3A_41, %select_n3A_1531], %get3A_1541 {add = true} : memref<8x9344xf32, #tpu.memory_space<vmem>>[vector<16xi32>, vector<16xi32>], vector<16xf32>,
        %get3A_1542 = arith.constant 1504 : index
        %get3A_1543 = tpu.vector_load %arg10[%get3A_1542] {strides = array<i32>} : memref<2048xf32, #tpu.memory_space<vmem>>, vector<16xf32>,
        tpu.vector_store_idx %arg15[%broadcast_in_dim3A_43, %select_n3A_1531], %get3A_1543 {add = true} : memref<8x9344xf32, #tpu.memory_space<vmem>>[vector<16xi32>, vector<16xi32>], vector<16xf32>,
        %get3A_1544 = arith.constant 1760 : index
        %get3A_1545 = tpu.vector_load %arg10[%get3A_1544] {strides = array<i32>} : memref<2048xf32, #tpu.memory_space<vmem>>, vector<16xf32>,
        tpu.vector_store_idx %arg15[%broadcast_in_dim3A_45, %select_n3A_1531], %get3A_1545 {add = true} : memref<8x9344xf32, #tpu.memory_space<vmem>>[vector<16xi32>, vector<16xi32>], vector<16xf32>,
        %get3A_1546 = arith.constant 2016 : index
        %get3A_1547 = tpu.vector_load %arg10[%get3A_1546] {strides = array<i32>} : memref<2048xf32, #tpu.memory_space<vmem>>, vector<16xf32>,
        tpu.vector_store_idx %arg15[%broadcast_in_dim3A_47, %select_n3A_1531], %get3A_1547 {add = true} : memref<8x9344xf32, #tpu.memory_space<vmem>>[vector<16xi32>, vector<16xi32>], vector<16xf32>,
        %get3A_1548 = arith.constant 240 : index
        %get3A_1549 = tpu.vector_load %arg7[%get3A_1548] {strides = array<i32>} : memref<256xf32, #tpu.memory_space<vmem>>, vector<16xf32>,
        %get3A_1550 = arith.constant 240 : index
        %get3A_1551 = tpu.vector_load %arg8[%get3A_1550] {strides = array<i32>} : memref<256xf32, #tpu.memory_space<vmem>>, vector<16xf32>,
        %get3A_1552 = arith.constant 240 : index
        %get3A_1553 = tpu.vector_load %arg9[%get3A_1552] {strides = array<i32>} : memref<256xf32, #tpu.memory_space<vmem>>, vector<16xf32>,
        %add3A_1554 = arith.constant 1.000000e+01 : f32
        %add3A_1555 = vector.broadcast %add3A_1554 : f32 to vector<16xf32>
        %add3A_1556 = arith.addf %get3A_1549, %add3A_1555 : vector<16xf32>
        %add3A_1557 = arith.constant 0x4B400000 : f32
        %add3A_1558 = vector.broadcast %add3A_1557 : f32 to vector<16xf32>
        %add3A_1559 = arith.addf %add3A_1556, %add3A_1558 : vector<16xf32>
        %sub3A_1560 = arith.constant 0x4B400000 : f32
        %sub3A_1561 = vector.broadcast %sub3A_1560 : f32 to vector<16xf32>
        %sub3A_1562 = arith.subf %add3A_1559, %sub3A_1561 : vector<16xf32>
        %add3A_1563 = arith.constant 1.000000e+01 : f32
        %add3A_1564 = vector.broadcast %add3A_1563 : f32 to vector<16xf32>
        %add3A_1565 = arith.addf %get3A_1551, %add3A_1564 : vector<16xf32>
        %add3A_1566 = arith.constant 0x4B400000 : f32
        %add3A_1567 = vector.broadcast %add3A_1566 : f32 to vector<16xf32>
        %add3A_1568 = arith.addf %add3A_1565, %add3A_1567 : vector<16xf32>
        %sub3A_1569 = arith.constant 0x4B400000 : f32
        %sub3A_1570 = vector.broadcast %sub3A_1569 : f32 to vector<16xf32>
        %sub3A_1571 = arith.subf %add3A_1568, %sub3A_1570 : vector<16xf32>
        %add3A_1572 = arith.constant 1.000000e+01 : f32
        %add3A_1573 = vector.broadcast %add3A_1572 : f32 to vector<16xf32>
        %add3A_1574 = arith.addf %get3A_1553, %add3A_1573 : vector<16xf32>
        %add3A_1575 = arith.constant 0x4B400000 : f32
        %add3A_1576 = vector.broadcast %add3A_1575 : f32 to vector<16xf32>
        %add3A_1577 = arith.addf %add3A_1574, %add3A_1576 : vector<16xf32>
        %sub3A_1578 = arith.constant 0x4B400000 : f32
        %sub3A_1579 = vector.broadcast %sub3A_1578 : f32 to vector<16xf32>
        %sub3A_1580 = arith.subf %add3A_1577, %sub3A_1579 : vector<16xf32>
        %max3A_1581 = arith.constant 0.000000e+00 : f32
        %max3A_1582 = vector.broadcast %max3A_1581 : f32 to vector<16xf32>
        %max3A_1583 = arith.maximumf %sub3A_1562, %max3A_1582 : vector<16xf32>
        %min3A_1584 = arith.constant 2.000000e+01 : f32
        %min3A_1585 = vector.broadcast %min3A_1584 : f32 to vector<16xf32>
        %min3A_1586 = arith.minimumf %max3A_1583, %min3A_1585 : vector<16xf32>
        %max3A_1587 = arith.constant 0.000000e+00 : f32
        %max3A_1588 = vector.broadcast %max3A_1587 : f32 to vector<16xf32>
        %max3A_1589 = arith.maximumf %sub3A_1571, %max3A_1588 : vector<16xf32>
        %min3A_1590 = arith.constant 2.000000e+01 : f32
        %min3A_1591 = vector.broadcast %min3A_1590 : f32 to vector<16xf32>
        %min3A_1592 = arith.minimumf %max3A_1589, %min3A_1591 : vector<16xf32>
        %max3A_1593 = arith.constant 0.000000e+00 : f32
        %max3A_1594 = vector.broadcast %max3A_1593 : f32 to vector<16xf32>
        %max3A_1595 = arith.maximumf %sub3A_1580, %max3A_1594 : vector<16xf32>
        %min3A_1596 = arith.constant 2.000000e+01 : f32
        %min3A_1597 = vector.broadcast %min3A_1596 : f32 to vector<16xf32>
        %min3A_1598 = arith.minimumf %max3A_1595, %min3A_1597 : vector<16xf32>
        %eq3A_1599 = arith.cmpf oeq, %sub3A_1562, %min3A_1586 : vector<16xf32>
        %eq3A_1600 = arith.cmpf oeq, %sub3A_1571, %min3A_1592 : vector<16xf32>
        %and3A_1601 = arith.andi %eq3A_1599, %eq3A_1600 : vector<16xi1>
        %eq3A_1602 = arith.cmpf oeq, %sub3A_1580, %min3A_1598 : vector<16xf32>
        %and3A_1603 = arith.andi %and3A_1601, %eq3A_1602 : vector<16xi1>
        %mul3A_1604 = arith.constant 4.410000e+02 : f32
        %mul3A_1605 = vector.broadcast %mul3A_1604 : f32 to vector<16xf32>
        %mul3A_1606 = arith.mulf %min3A_1586, %mul3A_1605 : vector<16xf32>
        %mul3A_1607 = arith.constant 2.100000e+01 : f32
        %mul3A_1608 = vector.broadcast %mul3A_1607 : f32 to vector<16xf32>
        %mul3A_1609 = arith.mulf %min3A_1592, %mul3A_1608 : vector<16xf32>
        %add3A_1610 = arith.addf %mul3A_1606, %mul3A_1609 : vector<16xf32>
        %add3A_1611 = arith.addf %add3A_1610, %min3A_1598 : vector<16xf32>
        %convert_element_type3A_1612 = arith.fptosi %add3A_1611 : vector<16xf32> to vector<16xi32>
        %jit3A_1613 = arith.constant 9261 : i32
        %broadcast_in_dim3A_1614 = vector.broadcast %jit3A_1613 : i32 to vector<16xi32>
        %select_n3A_1615 = arith.select %and3A_1603, %convert_element_type3A_1612, %broadcast_in_dim3A_1614 : vector<16xi1>, vector<16xi32>
        %get3A_1616 = arith.constant 240 : index
        %get3A_1617 = tpu.vector_load %arg10[%get3A_1616] {strides = array<i32>} : memref<2048xf32, #tpu.memory_space<vmem>>, vector<16xf32>,
        tpu.vector_store_idx %arg15[%broadcast_in_dim3A_33, %select_n3A_1615], %get3A_1617 {add = true} : memref<8x9344xf32, #tpu.memory_space<vmem>>[vector<16xi32>, vector<16xi32>], vector<16xf32>,
        %get3A_1618 = arith.constant 496 : index
        %get3A_1619 = tpu.vector_load %arg10[%get3A_1618] {strides = array<i32>} : memref<2048xf32, #tpu.memory_space<vmem>>, vector<16xf32>,
        tpu.vector_store_idx %arg15[%broadcast_in_dim3A_35, %select_n3A_1615], %get3A_1619 {add = true} : memref<8x9344xf32, #tpu.memory_space<vmem>>[vector<16xi32>, vector<16xi32>], vector<16xf32>,
        %get3A_1620 = arith.constant 752 : index
        %get3A_1621 = tpu.vector_load %arg10[%get3A_1620] {strides = array<i32>} : memref<2048xf32, #tpu.memory_space<vmem>>, vector<16xf32>,
        tpu.vector_store_idx %arg15[%broadcast_in_dim3A_37, %select_n3A_1615], %get3A_1621 {add = true} : memref<8x9344xf32, #tpu.memory_space<vmem>>[vector<16xi32>, vector<16xi32>], vector<16xf32>,
        %get3A_1622 = arith.constant 1008 : index
        %get3A_1623 = tpu.vector_load %arg10[%get3A_1622] {strides = array<i32>} : memref<2048xf32, #tpu.memory_space<vmem>>, vector<16xf32>,
        tpu.vector_store_idx %arg15[%broadcast_in_dim3A_39, %select_n3A_1615], %get3A_1623 {add = true} : memref<8x9344xf32, #tpu.memory_space<vmem>>[vector<16xi32>, vector<16xi32>], vector<16xf32>,
        %get3A_1624 = arith.constant 1264 : index
        %get3A_1625 = tpu.vector_load %arg10[%get3A_1624] {strides = array<i32>} : memref<2048xf32, #tpu.memory_space<vmem>>, vector<16xf32>,
        tpu.vector_store_idx %arg15[%broadcast_in_dim3A_41, %select_n3A_1615], %get3A_1625 {add = true} : memref<8x9344xf32, #tpu.memory_space<vmem>>[vector<16xi32>, vector<16xi32>], vector<16xf32>,
        %get3A_1626 = arith.constant 1520 : index
        %get3A_1627 = tpu.vector_load %arg10[%get3A_1626] {strides = array<i32>} : memref<2048xf32, #tpu.memory_space<vmem>>, vector<16xf32>,
        tpu.vector_store_idx %arg15[%broadcast_in_dim3A_43, %select_n3A_1615], %get3A_1627 {add = true} : memref<8x9344xf32, #tpu.memory_space<vmem>>[vector<16xi32>, vector<16xi32>], vector<16xf32>,
        %get3A_1628 = arith.constant 1776 : index
        %get3A_1629 = tpu.vector_load %arg10[%get3A_1628] {strides = array<i32>} : memref<2048xf32, #tpu.memory_space<vmem>>, vector<16xf32>,
        tpu.vector_store_idx %arg15[%broadcast_in_dim3A_45, %select_n3A_1615], %get3A_1629 {add = true} : memref<8x9344xf32, #tpu.memory_space<vmem>>[vector<16xi32>, vector<16xi32>], vector<16xf32>,
        %get3A_1630 = arith.constant 2032 : index
        %get3A_1631 = tpu.vector_load %arg10[%get3A_1630] {strides = array<i32>} : memref<2048xf32, #tpu.memory_space<vmem>>, vector<16xf32>,
        tpu.vector_store_idx %arg15[%broadcast_in_dim3A_47, %select_n3A_1615], %get3A_1631 {add = true} : memref<8x9344xf32, #tpu.memory_space<vmem>>[vector<16xi32>, vector<16xi32>], vector<16xf32>,
      } else {
      }
      %add3A_206 = arith.constant 2 : i32
      %add3A_207 = arith.addi %mul3A_195, %add3A_206 : i32
      %lt3A_208 = arith.cmpi slt, %add3A_207, %select_n3A_77 : i32
      %convert_element_type3A_209 = arith.extui %lt3A_208 : i1 to i32
      %cond3A_210 = arith.constant 0 : i32
      %cond3A_211 = arith.cmpi ne, %convert_element_type3A_209, %cond3A_210 : i32
      scf.if %cond3A_211 {
        %add3A_216 = arith.constant 2 : i32
        %add3A_217 = arith.addi %mul3A_195, %add3A_216 : i32
        %mul3A_218 = arith.constant 8 : i32
        %mul3A_219 = arith.muli %add3A_217, %mul3A_218 : i32
        %add3A_220 = arith.addi %select_n3A_30, %mul3A_219 : i32
        %mul3A_221 = arith.constant 256 : i32
        %mul3A_222 = arith.muli %add3A_220, %mul3A_221 : i32
        %dma_start3A_223 = tpu.memref_slice %arg2[%mul3A_222] : memref<1000000xf32, #tpu.memory_space<hbm>> -> memref<256xf32, #tpu.memory_space<hbm>>
        %dma_start3A_224 = tpu.memref_slice %arg2[%mul3A_222] : memref<1000000xf32, #tpu.memory_space<hbm>> -> memref<256xf32, #tpu.memory_space<hbm>>
        tpu.enqueue_dma source(%dma_start3A_224 : memref<256xf32, #tpu.memory_space<hbm>>) target(%arg7 : memref<256xf32, #tpu.memory_space<vmem>>) target_semaphore(%arg16 : memref<!tpu.dma_semaphore, #tpu.memory_space<semaphore_mem>>)
        %dma_start3A_225 = tpu.memref_slice %arg3[%mul3A_222] : memref<1000000xf32, #tpu.memory_space<hbm>> -> memref<256xf32, #tpu.memory_space<hbm>>
        %dma_start3A_226 = tpu.memref_slice %arg3[%mul3A_222] : memref<1000000xf32, #tpu.memory_space<hbm>> -> memref<256xf32, #tpu.memory_space<hbm>>
        tpu.enqueue_dma source(%dma_start3A_226 : memref<256xf32, #tpu.memory_space<hbm>>) target(%arg8 : memref<256xf32, #tpu.memory_space<vmem>>) target_semaphore(%arg16 : memref<!tpu.dma_semaphore, #tpu.memory_space<semaphore_mem>>)
        %dma_start3A_227 = tpu.memref_slice %arg4[%mul3A_222] : memref<1000000xf32, #tpu.memory_space<hbm>> -> memref<256xf32, #tpu.memory_space<hbm>>
        %dma_start3A_228 = tpu.memref_slice %arg4[%mul3A_222] : memref<1000000xf32, #tpu.memory_space<hbm>> -> memref<256xf32, #tpu.memory_space<hbm>>
        tpu.enqueue_dma source(%dma_start3A_228 : memref<256xf32, #tpu.memory_space<hbm>>) target(%arg9 : memref<256xf32, #tpu.memory_space<vmem>>) target_semaphore(%arg16 : memref<!tpu.dma_semaphore, #tpu.memory_space<semaphore_mem>>)
        %add3A_229 = arith.constant 0 : i32
        %add3A_230 = arith.addi %mul3A_32, %add3A_229 : i32
        %mul3A_231 = arith.constant 1000000 : i32
        %mul3A_232 = arith.muli %add3A_230, %mul3A_231 : i32
        %add3A_233 = arith.addi %mul3A_232, %mul3A_222 : i32
        %dma_start3A_234 = arith.constant 0 : i32
        %dma_start3A_235 = tpu.memref_slice %arg10[%dma_start3A_234] : memref<2048xf32, #tpu.memory_space<vmem>> -> memref<256xf32, #tpu.memory_space<vmem>>
        %dma_start3A_236 = tpu.memref_slice %arg5[%add3A_233] : memref<32000000xf32, #tpu.memory_space<hbm>> -> memref<256xf32, #tpu.memory_space<hbm>>
        %dma_start3A_237 = arith.constant 0 : i32
        %dma_start3A_238 = tpu.memref_slice %arg10[%dma_start3A_237] : memref<2048xf32, #tpu.memory_space<vmem>> -> memref<256xf32, #tpu.memory_space<vmem>>
        %dma_start3A_239 = tpu.memref_slice %arg5[%add3A_233] : memref<32000000xf32, #tpu.memory_space<hbm>> -> memref<256xf32, #tpu.memory_space<hbm>>
        tpu.enqueue_dma source(%dma_start3A_239 : memref<256xf32, #tpu.memory_space<hbm>>) target(%dma_start3A_238 : memref<256xf32, #tpu.memory_space<vmem>>) target_semaphore(%arg16 : memref<!tpu.dma_semaphore, #tpu.memory_space<semaphore_mem>>)
        %add3A_240 = arith.constant 1 : i32
        %add3A_241 = arith.addi %mul3A_32, %add3A_240 : i32
        %mul3A_242 = arith.constant 1000000 : i32
        %mul3A_243 = arith.muli %add3A_241, %mul3A_242 : i32
        %add3A_244 = arith.addi %mul3A_243, %mul3A_222 : i32
        %dma_start3A_245 = arith.constant 256 : i32
        %dma_start3A_246 = tpu.memref_slice %arg10[%dma_start3A_245] : memref<2048xf32, #tpu.memory_space<vmem>> -> memref<256xf32, #tpu.memory_space<vmem>>
        %dma_start3A_247 = tpu.memref_slice %arg5[%add3A_244] : memref<32000000xf32, #tpu.memory_space<hbm>> -> memref<256xf32, #tpu.memory_space<hbm>>
        %dma_start3A_248 = arith.constant 256 : i32
        %dma_start3A_249 = tpu.memref_slice %arg10[%dma_start3A_248] : memref<2048xf32, #tpu.memory_space<vmem>> -> memref<256xf32, #tpu.memory_space<vmem>>
        %dma_start3A_250 = tpu.memref_slice %arg5[%add3A_244] : memref<32000000xf32, #tpu.memory_space<hbm>> -> memref<256xf32, #tpu.memory_space<hbm>>
        tpu.enqueue_dma source(%dma_start3A_250 : memref<256xf32, #tpu.memory_space<hbm>>) target(%dma_start3A_249 : memref<256xf32, #tpu.memory_space<vmem>>) target_semaphore(%arg16 : memref<!tpu.dma_semaphore, #tpu.memory_space<semaphore_mem>>)
        %add3A_251 = arith.constant 2 : i32
        %add3A_252 = arith.addi %mul3A_32, %add3A_251 : i32
        %mul3A_253 = arith.constant 1000000 : i32
        %mul3A_254 = arith.muli %add3A_252, %mul3A_253 : i32
        %add3A_255 = arith.addi %mul3A_254, %mul3A_222 : i32
        %dma_start3A_256 = arith.constant 512 : i32
        %dma_start3A_257 = tpu.memref_slice %arg10[%dma_start3A_256] : memref<2048xf32, #tpu.memory_space<vmem>> -> memref<256xf32, #tpu.memory_space<vmem>>
        %dma_start3A_258 = tpu.memref_slice %arg5[%add3A_255] : memref<32000000xf32, #tpu.memory_space<hbm>> -> memref<256xf32, #tpu.memory_space<hbm>>
        %dma_start3A_259 = arith.constant 512 : i32
        %dma_start3A_260 = tpu.memref_slice %arg10[%dma_start3A_259] : memref<2048xf32, #tpu.memory_space<vmem>> -> memref<256xf32, #tpu.memory_space<vmem>>
        %dma_start3A_261 = tpu.memref_slice %arg5[%add3A_255] : memref<32000000xf32, #tpu.memory_space<hbm>> -> memref<256xf32, #tpu.memory_space<hbm>>
        tpu.enqueue_dma source(%dma_start3A_261 : memref<256xf32, #tpu.memory_space<hbm>>) target(%dma_start3A_260 : memref<256xf32, #tpu.memory_space<vmem>>) target_semaphore(%arg16 : memref<!tpu.dma_semaphore, #tpu.memory_space<semaphore_mem>>)
        %add3A_262 = arith.constant 3 : i32
        %add3A_263 = arith.addi %mul3A_32, %add3A_262 : i32
        %mul3A_264 = arith.constant 1000000 : i32
        %mul3A_265 = arith.muli %add3A_263, %mul3A_264 : i32
        %add3A_266 = arith.addi %mul3A_265, %mul3A_222 : i32
        %dma_start3A_267 = arith.constant 768 : i32
        %dma_start3A_268 = tpu.memref_slice %arg10[%dma_start3A_267] : memref<2048xf32, #tpu.memory_space<vmem>> -> memref<256xf32, #tpu.memory_space<vmem>>
        %dma_start3A_269 = tpu.memref_slice %arg5[%add3A_266] : memref<32000000xf32, #tpu.memory_space<hbm>> -> memref<256xf32, #tpu.memory_space<hbm>>
        %dma_start3A_270 = arith.constant 768 : i32
        %dma_start3A_271 = tpu.memref_slice %arg10[%dma_start3A_270] : memref<2048xf32, #tpu.memory_space<vmem>> -> memref<256xf32, #tpu.memory_space<vmem>>
        %dma_start3A_272 = tpu.memref_slice %arg5[%add3A_266] : memref<32000000xf32, #tpu.memory_space<hbm>> -> memref<256xf32, #tpu.memory_space<hbm>>
        tpu.enqueue_dma source(%dma_start3A_272 : memref<256xf32, #tpu.memory_space<hbm>>) target(%dma_start3A_271 : memref<256xf32, #tpu.memory_space<vmem>>) target_semaphore(%arg16 : memref<!tpu.dma_semaphore, #tpu.memory_space<semaphore_mem>>)
        %add3A_273 = arith.constant 4 : i32
        %add3A_274 = arith.addi %mul3A_32, %add3A_273 : i32
        %mul3A_275 = arith.constant 1000000 : i32
        %mul3A_276 = arith.muli %add3A_274, %mul3A_275 : i32
        %add3A_277 = arith.addi %mul3A_276, %mul3A_222 : i32
        %dma_start3A_278 = arith.constant 1024 : i32
        %dma_start3A_279 = tpu.memref_slice %arg10[%dma_start3A_278] : memref<2048xf32, #tpu.memory_space<vmem>> -> memref<256xf32, #tpu.memory_space<vmem>>
        %dma_start3A_280 = tpu.memref_slice %arg5[%add3A_277] : memref<32000000xf32, #tpu.memory_space<hbm>> -> memref<256xf32, #tpu.memory_space<hbm>>
        %dma_start3A_281 = arith.constant 1024 : i32
        %dma_start3A_282 = tpu.memref_slice %arg10[%dma_start3A_281] : memref<2048xf32, #tpu.memory_space<vmem>> -> memref<256xf32, #tpu.memory_space<vmem>>
        %dma_start3A_283 = tpu.memref_slice %arg5[%add3A_277] : memref<32000000xf32, #tpu.memory_space<hbm>> -> memref<256xf32, #tpu.memory_space<hbm>>
        tpu.enqueue_dma source(%dma_start3A_283 : memref<256xf32, #tpu.memory_space<hbm>>) target(%dma_start3A_282 : memref<256xf32, #tpu.memory_space<vmem>>) target_semaphore(%arg16 : memref<!tpu.dma_semaphore, #tpu.memory_space<semaphore_mem>>)
        %add3A_284 = arith.constant 5 : i32
        %add3A_285 = arith.addi %mul3A_32, %add3A_284 : i32
        %mul3A_286 = arith.constant 1000000 : i32
        %mul3A_287 = arith.muli %add3A_285, %mul3A_286 : i32
        %add3A_288 = arith.addi %mul3A_287, %mul3A_222 : i32
        %dma_start3A_289 = arith.constant 1280 : i32
        %dma_start3A_290 = tpu.memref_slice %arg10[%dma_start3A_289] : memref<2048xf32, #tpu.memory_space<vmem>> -> memref<256xf32, #tpu.memory_space<vmem>>
        %dma_start3A_291 = tpu.memref_slice %arg5[%add3A_288] : memref<32000000xf32, #tpu.memory_space<hbm>> -> memref<256xf32, #tpu.memory_space<hbm>>
        %dma_start3A_292 = arith.constant 1280 : i32
        %dma_start3A_293 = tpu.memref_slice %arg10[%dma_start3A_292] : memref<2048xf32, #tpu.memory_space<vmem>> -> memref<256xf32, #tpu.memory_space<vmem>>
        %dma_start3A_294 = tpu.memref_slice %arg5[%add3A_288] : memref<32000000xf32, #tpu.memory_space<hbm>> -> memref<256xf32, #tpu.memory_space<hbm>>
        tpu.enqueue_dma source(%dma_start3A_294 : memref<256xf32, #tpu.memory_space<hbm>>) target(%dma_start3A_293 : memref<256xf32, #tpu.memory_space<vmem>>) target_semaphore(%arg16 : memref<!tpu.dma_semaphore, #tpu.memory_space<semaphore_mem>>)
        %add3A_295 = arith.constant 6 : i32
        %add3A_296 = arith.addi %mul3A_32, %add3A_295 : i32
        %mul3A_297 = arith.constant 1000000 : i32
        %mul3A_298 = arith.muli %add3A_296, %mul3A_297 : i32
        %add3A_299 = arith.addi %mul3A_298, %mul3A_222 : i32
        %dma_start3A_300 = arith.constant 1536 : i32
        %dma_start3A_301 = tpu.memref_slice %arg10[%dma_start3A_300] : memref<2048xf32, #tpu.memory_space<vmem>> -> memref<256xf32, #tpu.memory_space<vmem>>
        %dma_start3A_302 = tpu.memref_slice %arg5[%add3A_299] : memref<32000000xf32, #tpu.memory_space<hbm>> -> memref<256xf32, #tpu.memory_space<hbm>>
        %dma_start3A_303 = arith.constant 1536 : i32
        %dma_start3A_304 = tpu.memref_slice %arg10[%dma_start3A_303] : memref<2048xf32, #tpu.memory_space<vmem>> -> memref<256xf32, #tpu.memory_space<vmem>>
        %dma_start3A_305 = tpu.memref_slice %arg5[%add3A_299] : memref<32000000xf32, #tpu.memory_space<hbm>> -> memref<256xf32, #tpu.memory_space<hbm>>
        tpu.enqueue_dma source(%dma_start3A_305 : memref<256xf32, #tpu.memory_space<hbm>>) target(%dma_start3A_304 : memref<256xf32, #tpu.memory_space<vmem>>) target_semaphore(%arg16 : memref<!tpu.dma_semaphore, #tpu.memory_space<semaphore_mem>>)
        %add3A_306 = arith.constant 7 : i32
        %add3A_307 = arith.addi %mul3A_32, %add3A_306 : i32
        %mul3A_308 = arith.constant 1000000 : i32
        %mul3A_309 = arith.muli %add3A_307, %mul3A_308 : i32
        %add3A_310 = arith.addi %mul3A_309, %mul3A_222 : i32
        %dma_start3A_311 = arith.constant 1792 : i32
        %dma_start3A_312 = tpu.memref_slice %arg10[%dma_start3A_311] : memref<2048xf32, #tpu.memory_space<vmem>> -> memref<256xf32, #tpu.memory_space<vmem>>
        %dma_start3A_313 = tpu.memref_slice %arg5[%add3A_310] : memref<32000000xf32, #tpu.memory_space<hbm>> -> memref<256xf32, #tpu.memory_space<hbm>>
        %dma_start3A_314 = arith.constant 1792 : i32
        %dma_start3A_315 = tpu.memref_slice %arg10[%dma_start3A_314] : memref<2048xf32, #tpu.memory_space<vmem>> -> memref<256xf32, #tpu.memory_space<vmem>>
        %dma_start3A_316 = tpu.memref_slice %arg5[%add3A_310] : memref<32000000xf32, #tpu.memory_space<hbm>> -> memref<256xf32, #tpu.memory_space<hbm>>
        tpu.enqueue_dma source(%dma_start3A_316 : memref<256xf32, #tpu.memory_space<hbm>>) target(%dma_start3A_315 : memref<256xf32, #tpu.memory_space<vmem>>) target_semaphore(%arg16 : memref<!tpu.dma_semaphore, #tpu.memory_space<semaphore_mem>>)
      } else {
      }
      %lt3A_212 = arith.cmpi slt, %add3A_197, %select_n3A_77 : i32
      %convert_element_type3A_213 = arith.extui %lt3A_212 : i1 to i32
      %cond3A_214 = arith.constant 0 : i32
      %cond3A_215 = arith.cmpi ne, %convert_element_type3A_213, %cond3A_214 : i32
      scf.if %cond3A_215 {
        %dma_wait3A = arith.constant 0 : i32
        %dma_wait3A_216 = tpu.memref_slice %arg2[%dma_wait3A] : memref<1000000xf32, #tpu.memory_space<hbm>> -> memref<256xf32, #tpu.memory_space<hbm>>
        %dma_wait3A_217 = arith.constant 0 : i32
        %dma_wait3A_218 = tpu.memref_slice %arg2[%dma_wait3A_217] : memref<1000000xf32, #tpu.memory_space<hbm>> -> memref<256xf32, #tpu.memory_space<hbm>>
        tpu.wait_dma2 semaphore(%arg17 : memref<!tpu.dma_semaphore, #tpu.memory_space<semaphore_mem>>) src(%dma_wait3A_218 : memref<256xf32, #tpu.memory_space<hbm>>) dst(%arg11 : memref<256xf32, #tpu.memory_space<vmem>>)
        %dma_wait3A_219 = arith.constant 0 : i32
        %dma_wait3A_220 = tpu.memref_slice %arg3[%dma_wait3A_219] : memref<1000000xf32, #tpu.memory_space<hbm>> -> memref<256xf32, #tpu.memory_space<hbm>>
        %dma_wait3A_221 = arith.constant 0 : i32
        %dma_wait3A_222 = tpu.memref_slice %arg3[%dma_wait3A_221] : memref<1000000xf32, #tpu.memory_space<hbm>> -> memref<256xf32, #tpu.memory_space<hbm>>
        tpu.wait_dma2 semaphore(%arg17 : memref<!tpu.dma_semaphore, #tpu.memory_space<semaphore_mem>>) src(%dma_wait3A_222 : memref<256xf32, #tpu.memory_space<hbm>>) dst(%arg12 : memref<256xf32, #tpu.memory_space<vmem>>)
        %dma_wait3A_223 = arith.constant 0 : i32
        %dma_wait3A_224 = tpu.memref_slice %arg4[%dma_wait3A_223] : memref<1000000xf32, #tpu.memory_space<hbm>> -> memref<256xf32, #tpu.memory_space<hbm>>
        %dma_wait3A_225 = arith.constant 0 : i32
        %dma_wait3A_226 = tpu.memref_slice %arg4[%dma_wait3A_225] : memref<1000000xf32, #tpu.memory_space<hbm>> -> memref<256xf32, #tpu.memory_space<hbm>>
        tpu.wait_dma2 semaphore(%arg17 : memref<!tpu.dma_semaphore, #tpu.memory_space<semaphore_mem>>) src(%dma_wait3A_226 : memref<256xf32, #tpu.memory_space<hbm>>) dst(%arg13 : memref<256xf32, #tpu.memory_space<vmem>>)
        %dma_wait3A_227 = arith.constant 0 : i32
        %dma_wait3A_228 = tpu.memref_slice %arg14[%dma_wait3A_227] : memref<2048xf32, #tpu.memory_space<vmem>> -> memref<256xf32, #tpu.memory_space<vmem>>
        %dma_wait3A_229 = arith.constant 0 : i32
        %dma_wait3A_230 = tpu.memref_slice %arg5[%dma_wait3A_229] : memref<32000000xf32, #tpu.memory_space<hbm>> -> memref<256xf32, #tpu.memory_space<hbm>>
        %dma_wait3A_231 = arith.constant 0 : i32
        %dma_wait3A_232 = tpu.memref_slice %arg14[%dma_wait3A_231] : memref<2048xf32, #tpu.memory_space<vmem>> -> memref<256xf32, #tpu.memory_space<vmem>>
        %dma_wait3A_233 = arith.constant 0 : i32
        %dma_wait3A_234 = tpu.memref_slice %arg5[%dma_wait3A_233] : memref<32000000xf32, #tpu.memory_space<hbm>> -> memref<256xf32, #tpu.memory_space<hbm>>
        tpu.wait_dma2 semaphore(%arg17 : memref<!tpu.dma_semaphore, #tpu.memory_space<semaphore_mem>>) src(%dma_wait3A_234 : memref<256xf32, #tpu.memory_space<hbm>>) dst(%dma_wait3A_232 : memref<256xf32, #tpu.memory_space<vmem>>)
        %dma_wait3A_235 = arith.constant 256 : i32
        %dma_wait3A_236 = tpu.memref_slice %arg14[%dma_wait3A_235] : memref<2048xf32, #tpu.memory_space<vmem>> -> memref<256xf32, #tpu.memory_space<vmem>>
        %dma_wait3A_237 = arith.constant 0 : i32
        %dma_wait3A_238 = tpu.memref_slice %arg5[%dma_wait3A_237] : memref<32000000xf32, #tpu.memory_space<hbm>> -> memref<256xf32, #tpu.memory_space<hbm>>
        %dma_wait3A_239 = arith.constant 256 : i32
        %dma_wait3A_240 = tpu.memref_slice %arg14[%dma_wait3A_239] : memref<2048xf32, #tpu.memory_space<vmem>> -> memref<256xf32, #tpu.memory_space<vmem>>
        %dma_wait3A_241 = arith.constant 0 : i32
        %dma_wait3A_242 = tpu.memref_slice %arg5[%dma_wait3A_241] : memref<32000000xf32, #tpu.memory_space<hbm>> -> memref<256xf32, #tpu.memory_space<hbm>>
        tpu.wait_dma2 semaphore(%arg17 : memref<!tpu.dma_semaphore, #tpu.memory_space<semaphore_mem>>) src(%dma_wait3A_242 : memref<256xf32, #tpu.memory_space<hbm>>) dst(%dma_wait3A_240 : memref<256xf32, #tpu.memory_space<vmem>>)
        %dma_wait3A_243 = arith.constant 512 : i32
        %dma_wait3A_244 = tpu.memref_slice %arg14[%dma_wait3A_243] : memref<2048xf32, #tpu.memory_space<vmem>> -> memref<256xf32, #tpu.memory_space<vmem>>
        %dma_wait3A_245 = arith.constant 0 : i32
        %dma_wait3A_246 = tpu.memref_slice %arg5[%dma_wait3A_245] : memref<32000000xf32, #tpu.memory_space<hbm>> -> memref<256xf32, #tpu.memory_space<hbm>>
        %dma_wait3A_247 = arith.constant 512 : i32
        %dma_wait3A_248 = tpu.memref_slice %arg14[%dma_wait3A_247] : memref<2048xf32, #tpu.memory_space<vmem>> -> memref<256xf32, #tpu.memory_space<vmem>>
        %dma_wait3A_249 = arith.constant 0 : i32
        %dma_wait3A_250 = tpu.memref_slice %arg5[%dma_wait3A_249] : memref<32000000xf32, #tpu.memory_space<hbm>> -> memref<256xf32, #tpu.memory_space<hbm>>
        tpu.wait_dma2 semaphore(%arg17 : memref<!tpu.dma_semaphore, #tpu.memory_space<semaphore_mem>>) src(%dma_wait3A_250 : memref<256xf32, #tpu.memory_space<hbm>>) dst(%dma_wait3A_248 : memref<256xf32, #tpu.memory_space<vmem>>)
        %dma_wait3A_251 = arith.constant 768 : i32
        %dma_wait3A_252 = tpu.memref_slice %arg14[%dma_wait3A_251] : memref<2048xf32, #tpu.memory_space<vmem>> -> memref<256xf32, #tpu.memory_space<vmem>>
        %dma_wait3A_253 = arith.constant 0 : i32
        %dma_wait3A_254 = tpu.memref_slice %arg5[%dma_wait3A_253] : memref<32000000xf32, #tpu.memory_space<hbm>> -> memref<256xf32, #tpu.memory_space<hbm>>
        %dma_wait3A_255 = arith.constant 768 : i32
        %dma_wait3A_256 = tpu.memref_slice %arg14[%dma_wait3A_255] : memref<2048xf32, #tpu.memory_space<vmem>> -> memref<256xf32, #tpu.memory_space<vmem>>
        %dma_wait3A_257 = arith.constant 0 : i32
        %dma_wait3A_258 = tpu.memref_slice %arg5[%dma_wait3A_257] : memref<32000000xf32, #tpu.memory_space<hbm>> -> memref<256xf32, #tpu.memory_space<hbm>>
        tpu.wait_dma2 semaphore(%arg17 : memref<!tpu.dma_semaphore, #tpu.memory_space<semaphore_mem>>) src(%dma_wait3A_258 : memref<256xf32, #tpu.memory_space<hbm>>) dst(%dma_wait3A_256 : memref<256xf32, #tpu.memory_space<vmem>>)
        %dma_wait3A_259 = arith.constant 1024 : i32
        %dma_wait3A_260 = tpu.memref_slice %arg14[%dma_wait3A_259] : memref<2048xf32, #tpu.memory_space<vmem>> -> memref<256xf32, #tpu.memory_space<vmem>>
        %dma_wait3A_261 = arith.constant 0 : i32
        %dma_wait3A_262 = tpu.memref_slice %arg5[%dma_wait3A_261] : memref<32000000xf32, #tpu.memory_space<hbm>> -> memref<256xf32, #tpu.memory_space<hbm>>
        %dma_wait3A_263 = arith.constant 1024 : i32
        %dma_wait3A_264 = tpu.memref_slice %arg14[%dma_wait3A_263] : memref<2048xf32, #tpu.memory_space<vmem>> -> memref<256xf32, #tpu.memory_space<vmem>>
        %dma_wait3A_265 = arith.constant 0 : i32
        %dma_wait3A_266 = tpu.memref_slice %arg5[%dma_wait3A_265] : memref<32000000xf32, #tpu.memory_space<hbm>> -> memref<256xf32, #tpu.memory_space<hbm>>
        tpu.wait_dma2 semaphore(%arg17 : memref<!tpu.dma_semaphore, #tpu.memory_space<semaphore_mem>>) src(%dma_wait3A_266 : memref<256xf32, #tpu.memory_space<hbm>>) dst(%dma_wait3A_264 : memref<256xf32, #tpu.memory_space<vmem>>)
        %dma_wait3A_267 = arith.constant 1280 : i32
        %dma_wait3A_268 = tpu.memref_slice %arg14[%dma_wait3A_267] : memref<2048xf32, #tpu.memory_space<vmem>> -> memref<256xf32, #tpu.memory_space<vmem>>
        %dma_wait3A_269 = arith.constant 0 : i32
        %dma_wait3A_270 = tpu.memref_slice %arg5[%dma_wait3A_269] : memref<32000000xf32, #tpu.memory_space<hbm>> -> memref<256xf32, #tpu.memory_space<hbm>>
        %dma_wait3A_271 = arith.constant 1280 : i32
        %dma_wait3A_272 = tpu.memref_slice %arg14[%dma_wait3A_271] : memref<2048xf32, #tpu.memory_space<vmem>> -> memref<256xf32, #tpu.memory_space<vmem>>
        %dma_wait3A_273 = arith.constant 0 : i32
        %dma_wait3A_274 = tpu.memref_slice %arg5[%dma_wait3A_273] : memref<32000000xf32, #tpu.memory_space<hbm>> -> memref<256xf32, #tpu.memory_space<hbm>>
        tpu.wait_dma2 semaphore(%arg17 : memref<!tpu.dma_semaphore, #tpu.memory_space<semaphore_mem>>) src(%dma_wait3A_274 : memref<256xf32, #tpu.memory_space<hbm>>) dst(%dma_wait3A_272 : memref<256xf32, #tpu.memory_space<vmem>>)
        %dma_wait3A_275 = arith.constant 1536 : i32
        %dma_wait3A_276 = tpu.memref_slice %arg14[%dma_wait3A_275] : memref<2048xf32, #tpu.memory_space<vmem>> -> memref<256xf32, #tpu.memory_space<vmem>>
        %dma_wait3A_277 = arith.constant 0 : i32
        %dma_wait3A_278 = tpu.memref_slice %arg5[%dma_wait3A_277] : memref<32000000xf32, #tpu.memory_space<hbm>> -> memref<256xf32, #tpu.memory_space<hbm>>
        %dma_wait3A_279 = arith.constant 1536 : i32
        %dma_wait3A_280 = tpu.memref_slice %arg14[%dma_wait3A_279] : memref<2048xf32, #tpu.memory_space<vmem>> -> memref<256xf32, #tpu.memory_space<vmem>>
        %dma_wait3A_281 = arith.constant 0 : i32
        %dma_wait3A_282 = tpu.memref_slice %arg5[%dma_wait3A_281] : memref<32000000xf32, #tpu.memory_space<hbm>> -> memref<256xf32, #tpu.memory_space<hbm>>
        tpu.wait_dma2 semaphore(%arg17 : memref<!tpu.dma_semaphore, #tpu.memory_space<semaphore_mem>>) src(%dma_wait3A_282 : memref<256xf32, #tpu.memory_space<hbm>>) dst(%dma_wait3A_280 : memref<256xf32, #tpu.memory_space<vmem>>)
        %dma_wait3A_283 = arith.constant 1792 : i32
        %dma_wait3A_284 = tpu.memref_slice %arg14[%dma_wait3A_283] : memref<2048xf32, #tpu.memory_space<vmem>> -> memref<256xf32, #tpu.memory_space<vmem>>
        %dma_wait3A_285 = arith.constant 0 : i32
        %dma_wait3A_286 = tpu.memref_slice %arg5[%dma_wait3A_285] : memref<32000000xf32, #tpu.memory_space<hbm>> -> memref<256xf32, #tpu.memory_space<hbm>>
        %dma_wait3A_287 = arith.constant 1792 : i32
        %dma_wait3A_288 = tpu.memref_slice %arg14[%dma_wait3A_287] : memref<2048xf32, #tpu.memory_space<vmem>> -> memref<256xf32, #tpu.memory_space<vmem>>
        %dma_wait3A_289 = arith.constant 0 : i32
        %dma_wait3A_290 = tpu.memref_slice %arg5[%dma_wait3A_289] : memref<32000000xf32, #tpu.memory_space<hbm>> -> memref<256xf32, #tpu.memory_space<hbm>>
        tpu.wait_dma2 semaphore(%arg17 : memref<!tpu.dma_semaphore, #tpu.memory_space<semaphore_mem>>) src(%dma_wait3A_290 : memref<256xf32, #tpu.memory_space<hbm>>) dst(%dma_wait3A_288 : memref<256xf32, #tpu.memory_space<vmem>>)
        %get3A = arith.constant 0 : index
        %get3A_291 = tpu.vector_load %arg11[%get3A] {strides = array<i32>} : memref<256xf32, #tpu.memory_space<vmem>>, vector<16xf32>,
        %get3A_292 = arith.constant 0 : index
        %get3A_293 = tpu.vector_load %arg12[%get3A_292] {strides = array<i32>} : memref<256xf32, #tpu.memory_space<vmem>>, vector<16xf32>,
        %get3A_294 = arith.constant 0 : index
        %get3A_295 = tpu.vector_load %arg13[%get3A_294] {strides = array<i32>} : memref<256xf32, #tpu.memory_space<vmem>>, vector<16xf32>,
        %add3A_296 = arith.constant 1.000000e+01 : f32
        %add3A_297 = vector.broadcast %add3A_296 : f32 to vector<16xf32>
        %add3A_298 = arith.addf %get3A_291, %add3A_297 : vector<16xf32>
        %add3A_299 = arith.constant 0x4B400000 : f32
        %add3A_300 = vector.broadcast %add3A_299 : f32 to vector<16xf32>
        %add3A_301 = arith.addf %add3A_298, %add3A_300 : vector<16xf32>
        %sub3A_302 = arith.constant 0x4B400000 : f32
        %sub3A_303 = vector.broadcast %sub3A_302 : f32 to vector<16xf32>
        %sub3A_304 = arith.subf %add3A_301, %sub3A_303 : vector<16xf32>
        %add3A_305 = arith.constant 1.000000e+01 : f32
        %add3A_306 = vector.broadcast %add3A_305 : f32 to vector<16xf32>
        %add3A_307 = arith.addf %get3A_293, %add3A_306 : vector<16xf32>
        %add3A_308 = arith.constant 0x4B400000 : f32
        %add3A_309 = vector.broadcast %add3A_308 : f32 to vector<16xf32>
        %add3A_310 = arith.addf %add3A_307, %add3A_309 : vector<16xf32>
        %sub3A_311 = arith.constant 0x4B400000 : f32
        %sub3A_312 = vector.broadcast %sub3A_311 : f32 to vector<16xf32>
        %sub3A_313 = arith.subf %add3A_310, %sub3A_312 : vector<16xf32>
        %add3A_314 = arith.constant 1.000000e+01 : f32
        %add3A_315 = vector.broadcast %add3A_314 : f32 to vector<16xf32>
        %add3A_316 = arith.addf %get3A_295, %add3A_315 : vector<16xf32>
        %add3A_317 = arith.constant 0x4B400000 : f32
        %add3A_318 = vector.broadcast %add3A_317 : f32 to vector<16xf32>
        %add3A_319 = arith.addf %add3A_316, %add3A_318 : vector<16xf32>
        %sub3A_320 = arith.constant 0x4B400000 : f32
        %sub3A_321 = vector.broadcast %sub3A_320 : f32 to vector<16xf32>
        %sub3A_322 = arith.subf %add3A_319, %sub3A_321 : vector<16xf32>
        %max3A = arith.constant 0.000000e+00 : f32
        %max3A_323 = vector.broadcast %max3A : f32 to vector<16xf32>
        %max3A_324 = arith.maximumf %sub3A_304, %max3A_323 : vector<16xf32>
        %min3A = arith.constant 2.000000e+01 : f32
        %min3A_325 = vector.broadcast %min3A : f32 to vector<16xf32>
        %min3A_326 = arith.minimumf %max3A_324, %min3A_325 : vector<16xf32>
        %max3A_327 = arith.constant 0.000000e+00 : f32
        %max3A_328 = vector.broadcast %max3A_327 : f32 to vector<16xf32>
        %max3A_329 = arith.maximumf %sub3A_313, %max3A_328 : vector<16xf32>
        %min3A_330 = arith.constant 2.000000e+01 : f32
        %min3A_331 = vector.broadcast %min3A_330 : f32 to vector<16xf32>
        %min3A_332 = arith.minimumf %max3A_329, %min3A_331 : vector<16xf32>
        %max3A_333 = arith.constant 0.000000e+00 : f32
        %max3A_334 = vector.broadcast %max3A_333 : f32 to vector<16xf32>
        %max3A_335 = arith.maximumf %sub3A_322, %max3A_334 : vector<16xf32>
        %min3A_336 = arith.constant 2.000000e+01 : f32
        %min3A_337 = vector.broadcast %min3A_336 : f32 to vector<16xf32>
        %min3A_338 = arith.minimumf %max3A_335, %min3A_337 : vector<16xf32>
        %eq3A_339 = arith.cmpf oeq, %sub3A_304, %min3A_326 : vector<16xf32>
        %eq3A_340 = arith.cmpf oeq, %sub3A_313, %min3A_332 : vector<16xf32>
        %and3A_341 = arith.andi %eq3A_339, %eq3A_340 : vector<16xi1>
        %eq3A_342 = arith.cmpf oeq, %sub3A_322, %min3A_338 : vector<16xf32>
        %and3A_343 = arith.andi %and3A_341, %eq3A_342 : vector<16xi1>
        %mul3A_344 = arith.constant 4.410000e+02 : f32
        %mul3A_345 = vector.broadcast %mul3A_344 : f32 to vector<16xf32>
        %mul3A_346 = arith.mulf %min3A_326, %mul3A_345 : vector<16xf32>
        %mul3A_347 = arith.constant 2.100000e+01 : f32
        %mul3A_348 = vector.broadcast %mul3A_347 : f32 to vector<16xf32>
        %mul3A_349 = arith.mulf %min3A_332, %mul3A_348 : vector<16xf32>
        %add3A_350 = arith.addf %mul3A_346, %mul3A_349 : vector<16xf32>
        %add3A_351 = arith.addf %add3A_350, %min3A_338 : vector<16xf32>
        %convert_element_type3A_352 = arith.fptosi %add3A_351 : vector<16xf32> to vector<16xi32>
        %jit3A_353 = arith.constant 9261 : i32
        %broadcast_in_dim3A_354 = vector.broadcast %jit3A_353 : i32 to vector<16xi32>
        %select_n3A_355 = arith.select %and3A_343, %convert_element_type3A_352, %broadcast_in_dim3A_354 : vector<16xi1>, vector<16xi32>
        %get3A_356 = arith.constant 0 : index
        %get3A_357 = tpu.vector_load %arg14[%get3A_356] {strides = array<i32>} : memref<2048xf32, #tpu.memory_space<vmem>>, vector<16xf32>,
        tpu.vector_store_idx %arg15[%broadcast_in_dim3A_33, %select_n3A_355], %get3A_357 {add = true} : memref<8x9344xf32, #tpu.memory_space<vmem>>[vector<16xi32>, vector<16xi32>], vector<16xf32>,
        %get3A_358 = arith.constant 256 : index
        %get3A_359 = tpu.vector_load %arg14[%get3A_358] {strides = array<i32>} : memref<2048xf32, #tpu.memory_space<vmem>>, vector<16xf32>,
        tpu.vector_store_idx %arg15[%broadcast_in_dim3A_35, %select_n3A_355], %get3A_359 {add = true} : memref<8x9344xf32, #tpu.memory_space<vmem>>[vector<16xi32>, vector<16xi32>], vector<16xf32>,
        %get3A_360 = arith.constant 512 : index
        %get3A_361 = tpu.vector_load %arg14[%get3A_360] {strides = array<i32>} : memref<2048xf32, #tpu.memory_space<vmem>>, vector<16xf32>,
        tpu.vector_store_idx %arg15[%broadcast_in_dim3A_37, %select_n3A_355], %get3A_361 {add = true} : memref<8x9344xf32, #tpu.memory_space<vmem>>[vector<16xi32>, vector<16xi32>], vector<16xf32>,
        %get3A_362 = arith.constant 768 : index
        %get3A_363 = tpu.vector_load %arg14[%get3A_362] {strides = array<i32>} : memref<2048xf32, #tpu.memory_space<vmem>>, vector<16xf32>,
        tpu.vector_store_idx %arg15[%broadcast_in_dim3A_39, %select_n3A_355], %get3A_363 {add = true} : memref<8x9344xf32, #tpu.memory_space<vmem>>[vector<16xi32>, vector<16xi32>], vector<16xf32>,
        %get3A_364 = arith.constant 1024 : index
        %get3A_365 = tpu.vector_load %arg14[%get3A_364] {strides = array<i32>} : memref<2048xf32, #tpu.memory_space<vmem>>, vector<16xf32>,
        tpu.vector_store_idx %arg15[%broadcast_in_dim3A_41, %select_n3A_355], %get3A_365 {add = true} : memref<8x9344xf32, #tpu.memory_space<vmem>>[vector<16xi32>, vector<16xi32>], vector<16xf32>,
        %get3A_366 = arith.constant 1280 : index
        %get3A_367 = tpu.vector_load %arg14[%get3A_366] {strides = array<i32>} : memref<2048xf32, #tpu.memory_space<vmem>>, vector<16xf32>,
        tpu.vector_store_idx %arg15[%broadcast_in_dim3A_43, %select_n3A_355], %get3A_367 {add = true} : memref<8x9344xf32, #tpu.memory_space<vmem>>[vector<16xi32>, vector<16xi32>], vector<16xf32>,
        %get3A_368 = arith.constant 1536 : index
        %get3A_369 = tpu.vector_load %arg14[%get3A_368] {strides = array<i32>} : memref<2048xf32, #tpu.memory_space<vmem>>, vector<16xf32>,
        tpu.vector_store_idx %arg15[%broadcast_in_dim3A_45, %select_n3A_355], %get3A_369 {add = true} : memref<8x9344xf32, #tpu.memory_space<vmem>>[vector<16xi32>, vector<16xi32>], vector<16xf32>,
        %get3A_370 = arith.constant 1792 : index
        %get3A_371 = tpu.vector_load %arg14[%get3A_370] {strides = array<i32>} : memref<2048xf32, #tpu.memory_space<vmem>>, vector<16xf32>,
        tpu.vector_store_idx %arg15[%broadcast_in_dim3A_47, %select_n3A_355], %get3A_371 {add = true} : memref<8x9344xf32, #tpu.memory_space<vmem>>[vector<16xi32>, vector<16xi32>], vector<16xf32>,
        %get3A_372 = arith.constant 16 : index
        %get3A_373 = tpu.vector_load %arg11[%get3A_372] {strides = array<i32>} : memref<256xf32, #tpu.memory_space<vmem>>, vector<16xf32>,
        %get3A_374 = arith.constant 16 : index
        %get3A_375 = tpu.vector_load %arg12[%get3A_374] {strides = array<i32>} : memref<256xf32, #tpu.memory_space<vmem>>, vector<16xf32>,
        %get3A_376 = arith.constant 16 : index
        %get3A_377 = tpu.vector_load %arg13[%get3A_376] {strides = array<i32>} : memref<256xf32, #tpu.memory_space<vmem>>, vector<16xf32>,
        %add3A_378 = arith.constant 1.000000e+01 : f32
        %add3A_379 = vector.broadcast %add3A_378 : f32 to vector<16xf32>
        %add3A_380 = arith.addf %get3A_373, %add3A_379 : vector<16xf32>
        %add3A_381 = arith.constant 0x4B400000 : f32
        %add3A_382 = vector.broadcast %add3A_381 : f32 to vector<16xf32>
        %add3A_383 = arith.addf %add3A_380, %add3A_382 : vector<16xf32>
        %sub3A_384 = arith.constant 0x4B400000 : f32
        %sub3A_385 = vector.broadcast %sub3A_384 : f32 to vector<16xf32>
        %sub3A_386 = arith.subf %add3A_383, %sub3A_385 : vector<16xf32>
        %add3A_387 = arith.constant 1.000000e+01 : f32
        %add3A_388 = vector.broadcast %add3A_387 : f32 to vector<16xf32>
        %add3A_389 = arith.addf %get3A_375, %add3A_388 : vector<16xf32>
        %add3A_390 = arith.constant 0x4B400000 : f32
        %add3A_391 = vector.broadcast %add3A_390 : f32 to vector<16xf32>
        %add3A_392 = arith.addf %add3A_389, %add3A_391 : vector<16xf32>
        %sub3A_393 = arith.constant 0x4B400000 : f32
        %sub3A_394 = vector.broadcast %sub3A_393 : f32 to vector<16xf32>
        %sub3A_395 = arith.subf %add3A_392, %sub3A_394 : vector<16xf32>
        %add3A_396 = arith.constant 1.000000e+01 : f32
        %add3A_397 = vector.broadcast %add3A_396 : f32 to vector<16xf32>
        %add3A_398 = arith.addf %get3A_377, %add3A_397 : vector<16xf32>
        %add3A_399 = arith.constant 0x4B400000 : f32
        %add3A_400 = vector.broadcast %add3A_399 : f32 to vector<16xf32>
        %add3A_401 = arith.addf %add3A_398, %add3A_400 : vector<16xf32>
        %sub3A_402 = arith.constant 0x4B400000 : f32
        %sub3A_403 = vector.broadcast %sub3A_402 : f32 to vector<16xf32>
        %sub3A_404 = arith.subf %add3A_401, %sub3A_403 : vector<16xf32>
        %max3A_405 = arith.constant 0.000000e+00 : f32
        %max3A_406 = vector.broadcast %max3A_405 : f32 to vector<16xf32>
        %max3A_407 = arith.maximumf %sub3A_386, %max3A_406 : vector<16xf32>
        %min3A_408 = arith.constant 2.000000e+01 : f32
        %min3A_409 = vector.broadcast %min3A_408 : f32 to vector<16xf32>
        %min3A_410 = arith.minimumf %max3A_407, %min3A_409 : vector<16xf32>
        %max3A_411 = arith.constant 0.000000e+00 : f32
        %max3A_412 = vector.broadcast %max3A_411 : f32 to vector<16xf32>
        %max3A_413 = arith.maximumf %sub3A_395, %max3A_412 : vector<16xf32>
        %min3A_414 = arith.constant 2.000000e+01 : f32
        %min3A_415 = vector.broadcast %min3A_414 : f32 to vector<16xf32>
        %min3A_416 = arith.minimumf %max3A_413, %min3A_415 : vector<16xf32>
        %max3A_417 = arith.constant 0.000000e+00 : f32
        %max3A_418 = vector.broadcast %max3A_417 : f32 to vector<16xf32>
        %max3A_419 = arith.maximumf %sub3A_404, %max3A_418 : vector<16xf32>
        %min3A_420 = arith.constant 2.000000e+01 : f32
        %min3A_421 = vector.broadcast %min3A_420 : f32 to vector<16xf32>
        %min3A_422 = arith.minimumf %max3A_419, %min3A_421 : vector<16xf32>
        %eq3A_423 = arith.cmpf oeq, %sub3A_386, %min3A_410 : vector<16xf32>
        %eq3A_424 = arith.cmpf oeq, %sub3A_395, %min3A_416 : vector<16xf32>
        %and3A_425 = arith.andi %eq3A_423, %eq3A_424 : vector<16xi1>
        %eq3A_426 = arith.cmpf oeq, %sub3A_404, %min3A_422 : vector<16xf32>
        %and3A_427 = arith.andi %and3A_425, %eq3A_426 : vector<16xi1>
        %mul3A_428 = arith.constant 4.410000e+02 : f32
        %mul3A_429 = vector.broadcast %mul3A_428 : f32 to vector<16xf32>
        %mul3A_430 = arith.mulf %min3A_410, %mul3A_429 : vector<16xf32>
        %mul3A_431 = arith.constant 2.100000e+01 : f32
        %mul3A_432 = vector.broadcast %mul3A_431 : f32 to vector<16xf32>
        %mul3A_433 = arith.mulf %min3A_416, %mul3A_432 : vector<16xf32>
        %add3A_434 = arith.addf %mul3A_430, %mul3A_433 : vector<16xf32>
        %add3A_435 = arith.addf %add3A_434, %min3A_422 : vector<16xf32>
        %convert_element_type3A_436 = arith.fptosi %add3A_435 : vector<16xf32> to vector<16xi32>
        %jit3A_437 = arith.constant 9261 : i32
        %broadcast_in_dim3A_438 = vector.broadcast %jit3A_437 : i32 to vector<16xi32>
        %select_n3A_439 = arith.select %and3A_427, %convert_element_type3A_436, %broadcast_in_dim3A_438 : vector<16xi1>, vector<16xi32>
        %get3A_440 = arith.constant 16 : index
        %get3A_441 = tpu.vector_load %arg14[%get3A_440] {strides = array<i32>} : memref<2048xf32, #tpu.memory_space<vmem>>, vector<16xf32>,
        tpu.vector_store_idx %arg15[%broadcast_in_dim3A_33, %select_n3A_439], %get3A_441 {add = true} : memref<8x9344xf32, #tpu.memory_space<vmem>>[vector<16xi32>, vector<16xi32>], vector<16xf32>,
        %get3A_442 = arith.constant 272 : index
        %get3A_443 = tpu.vector_load %arg14[%get3A_442] {strides = array<i32>} : memref<2048xf32, #tpu.memory_space<vmem>>, vector<16xf32>,
        tpu.vector_store_idx %arg15[%broadcast_in_dim3A_35, %select_n3A_439], %get3A_443 {add = true} : memref<8x9344xf32, #tpu.memory_space<vmem>>[vector<16xi32>, vector<16xi32>], vector<16xf32>,
        %get3A_444 = arith.constant 528 : index
        %get3A_445 = tpu.vector_load %arg14[%get3A_444] {strides = array<i32>} : memref<2048xf32, #tpu.memory_space<vmem>>, vector<16xf32>,
        tpu.vector_store_idx %arg15[%broadcast_in_dim3A_37, %select_n3A_439], %get3A_445 {add = true} : memref<8x9344xf32, #tpu.memory_space<vmem>>[vector<16xi32>, vector<16xi32>], vector<16xf32>,
        %get3A_446 = arith.constant 784 : index
        %get3A_447 = tpu.vector_load %arg14[%get3A_446] {strides = array<i32>} : memref<2048xf32, #tpu.memory_space<vmem>>, vector<16xf32>,
        tpu.vector_store_idx %arg15[%broadcast_in_dim3A_39, %select_n3A_439], %get3A_447 {add = true} : memref<8x9344xf32, #tpu.memory_space<vmem>>[vector<16xi32>, vector<16xi32>], vector<16xf32>,
        %get3A_448 = arith.constant 1040 : index
        %get3A_449 = tpu.vector_load %arg14[%get3A_448] {strides = array<i32>} : memref<2048xf32, #tpu.memory_space<vmem>>, vector<16xf32>,
        tpu.vector_store_idx %arg15[%broadcast_in_dim3A_41, %select_n3A_439], %get3A_449 {add = true} : memref<8x9344xf32, #tpu.memory_space<vmem>>[vector<16xi32>, vector<16xi32>], vector<16xf32>,
        %get3A_450 = arith.constant 1296 : index
        %get3A_451 = tpu.vector_load %arg14[%get3A_450] {strides = array<i32>} : memref<2048xf32, #tpu.memory_space<vmem>>, vector<16xf32>,
        tpu.vector_store_idx %arg15[%broadcast_in_dim3A_43, %select_n3A_439], %get3A_451 {add = true} : memref<8x9344xf32, #tpu.memory_space<vmem>>[vector<16xi32>, vector<16xi32>], vector<16xf32>,
        %get3A_452 = arith.constant 1552 : index
        %get3A_453 = tpu.vector_load %arg14[%get3A_452] {strides = array<i32>} : memref<2048xf32, #tpu.memory_space<vmem>>, vector<16xf32>,
        tpu.vector_store_idx %arg15[%broadcast_in_dim3A_45, %select_n3A_439], %get3A_453 {add = true} : memref<8x9344xf32, #tpu.memory_space<vmem>>[vector<16xi32>, vector<16xi32>], vector<16xf32>,
        %get3A_454 = arith.constant 1808 : index
        %get3A_455 = tpu.vector_load %arg14[%get3A_454] {strides = array<i32>} : memref<2048xf32, #tpu.memory_space<vmem>>, vector<16xf32>,
        tpu.vector_store_idx %arg15[%broadcast_in_dim3A_47, %select_n3A_439], %get3A_455 {add = true} : memref<8x9344xf32, #tpu.memory_space<vmem>>[vector<16xi32>, vector<16xi32>], vector<16xf32>,
        %get3A_456 = arith.constant 32 : index
        %get3A_457 = tpu.vector_load %arg11[%get3A_456] {strides = array<i32>} : memref<256xf32, #tpu.memory_space<vmem>>, vector<16xf32>,
        %get3A_458 = arith.constant 32 : index
        %get3A_459 = tpu.vector_load %arg12[%get3A_458] {strides = array<i32>} : memref<256xf32, #tpu.memory_space<vmem>>, vector<16xf32>,
        %get3A_460 = arith.constant 32 : index
        %get3A_461 = tpu.vector_load %arg13[%get3A_460] {strides = array<i32>} : memref<256xf32, #tpu.memory_space<vmem>>, vector<16xf32>,
        %add3A_462 = arith.constant 1.000000e+01 : f32
        %add3A_463 = vector.broadcast %add3A_462 : f32 to vector<16xf32>
        %add3A_464 = arith.addf %get3A_457, %add3A_463 : vector<16xf32>
        %add3A_465 = arith.constant 0x4B400000 : f32
        %add3A_466 = vector.broadcast %add3A_465 : f32 to vector<16xf32>
        %add3A_467 = arith.addf %add3A_464, %add3A_466 : vector<16xf32>
        %sub3A_468 = arith.constant 0x4B400000 : f32
        %sub3A_469 = vector.broadcast %sub3A_468 : f32 to vector<16xf32>
        %sub3A_470 = arith.subf %add3A_467, %sub3A_469 : vector<16xf32>
        %add3A_471 = arith.constant 1.000000e+01 : f32
        %add3A_472 = vector.broadcast %add3A_471 : f32 to vector<16xf32>
        %add3A_473 = arith.addf %get3A_459, %add3A_472 : vector<16xf32>
        %add3A_474 = arith.constant 0x4B400000 : f32
        %add3A_475 = vector.broadcast %add3A_474 : f32 to vector<16xf32>
        %add3A_476 = arith.addf %add3A_473, %add3A_475 : vector<16xf32>
        %sub3A_477 = arith.constant 0x4B400000 : f32
        %sub3A_478 = vector.broadcast %sub3A_477 : f32 to vector<16xf32>
        %sub3A_479 = arith.subf %add3A_476, %sub3A_478 : vector<16xf32>
        %add3A_480 = arith.constant 1.000000e+01 : f32
        %add3A_481 = vector.broadcast %add3A_480 : f32 to vector<16xf32>
        %add3A_482 = arith.addf %get3A_461, %add3A_481 : vector<16xf32>
        %add3A_483 = arith.constant 0x4B400000 : f32
        %add3A_484 = vector.broadcast %add3A_483 : f32 to vector<16xf32>
        %add3A_485 = arith.addf %add3A_482, %add3A_484 : vector<16xf32>
        %sub3A_486 = arith.constant 0x4B400000 : f32
        %sub3A_487 = vector.broadcast %sub3A_486 : f32 to vector<16xf32>
        %sub3A_488 = arith.subf %add3A_485, %sub3A_487 : vector<16xf32>
        %max3A_489 = arith.constant 0.000000e+00 : f32
        %max3A_490 = vector.broadcast %max3A_489 : f32 to vector<16xf32>
        %max3A_491 = arith.maximumf %sub3A_470, %max3A_490 : vector<16xf32>
        %min3A_492 = arith.constant 2.000000e+01 : f32
        %min3A_493 = vector.broadcast %min3A_492 : f32 to vector<16xf32>
        %min3A_494 = arith.minimumf %max3A_491, %min3A_493 : vector<16xf32>
        %max3A_495 = arith.constant 0.000000e+00 : f32
        %max3A_496 = vector.broadcast %max3A_495 : f32 to vector<16xf32>
        %max3A_497 = arith.maximumf %sub3A_479, %max3A_496 : vector<16xf32>
        %min3A_498 = arith.constant 2.000000e+01 : f32
        %min3A_499 = vector.broadcast %min3A_498 : f32 to vector<16xf32>
        %min3A_500 = arith.minimumf %max3A_497, %min3A_499 : vector<16xf32>
        %max3A_501 = arith.constant 0.000000e+00 : f32
        %max3A_502 = vector.broadcast %max3A_501 : f32 to vector<16xf32>
        %max3A_503 = arith.maximumf %sub3A_488, %max3A_502 : vector<16xf32>
        %min3A_504 = arith.constant 2.000000e+01 : f32
        %min3A_505 = vector.broadcast %min3A_504 : f32 to vector<16xf32>
        %min3A_506 = arith.minimumf %max3A_503, %min3A_505 : vector<16xf32>
        %eq3A_507 = arith.cmpf oeq, %sub3A_470, %min3A_494 : vector<16xf32>
        %eq3A_508 = arith.cmpf oeq, %sub3A_479, %min3A_500 : vector<16xf32>
        %and3A_509 = arith.andi %eq3A_507, %eq3A_508 : vector<16xi1>
        %eq3A_510 = arith.cmpf oeq, %sub3A_488, %min3A_506 : vector<16xf32>
        %and3A_511 = arith.andi %and3A_509, %eq3A_510 : vector<16xi1>
        %mul3A_512 = arith.constant 4.410000e+02 : f32
        %mul3A_513 = vector.broadcast %mul3A_512 : f32 to vector<16xf32>
        %mul3A_514 = arith.mulf %min3A_494, %mul3A_513 : vector<16xf32>
        %mul3A_515 = arith.constant 2.100000e+01 : f32
        %mul3A_516 = vector.broadcast %mul3A_515 : f32 to vector<16xf32>
        %mul3A_517 = arith.mulf %min3A_500, %mul3A_516 : vector<16xf32>
        %add3A_518 = arith.addf %mul3A_514, %mul3A_517 : vector<16xf32>
        %add3A_519 = arith.addf %add3A_518, %min3A_506 : vector<16xf32>
        %convert_element_type3A_520 = arith.fptosi %add3A_519 : vector<16xf32> to vector<16xi32>
        %jit3A_521 = arith.constant 9261 : i32
        %broadcast_in_dim3A_522 = vector.broadcast %jit3A_521 : i32 to vector<16xi32>
        %select_n3A_523 = arith.select %and3A_511, %convert_element_type3A_520, %broadcast_in_dim3A_522 : vector<16xi1>, vector<16xi32>
        %get3A_524 = arith.constant 32 : index
        %get3A_525 = tpu.vector_load %arg14[%get3A_524] {strides = array<i32>} : memref<2048xf32, #tpu.memory_space<vmem>>, vector<16xf32>,
        tpu.vector_store_idx %arg15[%broadcast_in_dim3A_33, %select_n3A_523], %get3A_525 {add = true} : memref<8x9344xf32, #tpu.memory_space<vmem>>[vector<16xi32>, vector<16xi32>], vector<16xf32>,
        %get3A_526 = arith.constant 288 : index
        %get3A_527 = tpu.vector_load %arg14[%get3A_526] {strides = array<i32>} : memref<2048xf32, #tpu.memory_space<vmem>>, vector<16xf32>,
        tpu.vector_store_idx %arg15[%broadcast_in_dim3A_35, %select_n3A_523], %get3A_527 {add = true} : memref<8x9344xf32, #tpu.memory_space<vmem>>[vector<16xi32>, vector<16xi32>], vector<16xf32>,
        %get3A_528 = arith.constant 544 : index
        %get3A_529 = tpu.vector_load %arg14[%get3A_528] {strides = array<i32>} : memref<2048xf32, #tpu.memory_space<vmem>>, vector<16xf32>,
        tpu.vector_store_idx %arg15[%broadcast_in_dim3A_37, %select_n3A_523], %get3A_529 {add = true} : memref<8x9344xf32, #tpu.memory_space<vmem>>[vector<16xi32>, vector<16xi32>], vector<16xf32>,
        %get3A_530 = arith.constant 800 : index
        %get3A_531 = tpu.vector_load %arg14[%get3A_530] {strides = array<i32>} : memref<2048xf32, #tpu.memory_space<vmem>>, vector<16xf32>,
        tpu.vector_store_idx %arg15[%broadcast_in_dim3A_39, %select_n3A_523], %get3A_531 {add = true} : memref<8x9344xf32, #tpu.memory_space<vmem>>[vector<16xi32>, vector<16xi32>], vector<16xf32>,
        %get3A_532 = arith.constant 1056 : index
        %get3A_533 = tpu.vector_load %arg14[%get3A_532] {strides = array<i32>} : memref<2048xf32, #tpu.memory_space<vmem>>, vector<16xf32>,
        tpu.vector_store_idx %arg15[%broadcast_in_dim3A_41, %select_n3A_523], %get3A_533 {add = true} : memref<8x9344xf32, #tpu.memory_space<vmem>>[vector<16xi32>, vector<16xi32>], vector<16xf32>,
        %get3A_534 = arith.constant 1312 : index
        %get3A_535 = tpu.vector_load %arg14[%get3A_534] {strides = array<i32>} : memref<2048xf32, #tpu.memory_space<vmem>>, vector<16xf32>,
        tpu.vector_store_idx %arg15[%broadcast_in_dim3A_43, %select_n3A_523], %get3A_535 {add = true} : memref<8x9344xf32, #tpu.memory_space<vmem>>[vector<16xi32>, vector<16xi32>], vector<16xf32>,
        %get3A_536 = arith.constant 1568 : index
        %get3A_537 = tpu.vector_load %arg14[%get3A_536] {strides = array<i32>} : memref<2048xf32, #tpu.memory_space<vmem>>, vector<16xf32>,
        tpu.vector_store_idx %arg15[%broadcast_in_dim3A_45, %select_n3A_523], %get3A_537 {add = true} : memref<8x9344xf32, #tpu.memory_space<vmem>>[vector<16xi32>, vector<16xi32>], vector<16xf32>,
        %get3A_538 = arith.constant 1824 : index
        %get3A_539 = tpu.vector_load %arg14[%get3A_538] {strides = array<i32>} : memref<2048xf32, #tpu.memory_space<vmem>>, vector<16xf32>,
        tpu.vector_store_idx %arg15[%broadcast_in_dim3A_47, %select_n3A_523], %get3A_539 {add = true} : memref<8x9344xf32, #tpu.memory_space<vmem>>[vector<16xi32>, vector<16xi32>], vector<16xf32>,
        %get3A_540 = arith.constant 48 : index
        %get3A_541 = tpu.vector_load %arg11[%get3A_540] {strides = array<i32>} : memref<256xf32, #tpu.memory_space<vmem>>, vector<16xf32>,
        %get3A_542 = arith.constant 48 : index
        %get3A_543 = tpu.vector_load %arg12[%get3A_542] {strides = array<i32>} : memref<256xf32, #tpu.memory_space<vmem>>, vector<16xf32>,
        %get3A_544 = arith.constant 48 : index
        %get3A_545 = tpu.vector_load %arg13[%get3A_544] {strides = array<i32>} : memref<256xf32, #tpu.memory_space<vmem>>, vector<16xf32>,
        %add3A_546 = arith.constant 1.000000e+01 : f32
        %add3A_547 = vector.broadcast %add3A_546 : f32 to vector<16xf32>
        %add3A_548 = arith.addf %get3A_541, %add3A_547 : vector<16xf32>
        %add3A_549 = arith.constant 0x4B400000 : f32
        %add3A_550 = vector.broadcast %add3A_549 : f32 to vector<16xf32>
        %add3A_551 = arith.addf %add3A_548, %add3A_550 : vector<16xf32>
        %sub3A_552 = arith.constant 0x4B400000 : f32
        %sub3A_553 = vector.broadcast %sub3A_552 : f32 to vector<16xf32>
        %sub3A_554 = arith.subf %add3A_551, %sub3A_553 : vector<16xf32>
        %add3A_555 = arith.constant 1.000000e+01 : f32
        %add3A_556 = vector.broadcast %add3A_555 : f32 to vector<16xf32>
        %add3A_557 = arith.addf %get3A_543, %add3A_556 : vector<16xf32>
        %add3A_558 = arith.constant 0x4B400000 : f32
        %add3A_559 = vector.broadcast %add3A_558 : f32 to vector<16xf32>
        %add3A_560 = arith.addf %add3A_557, %add3A_559 : vector<16xf32>
        %sub3A_561 = arith.constant 0x4B400000 : f32
        %sub3A_562 = vector.broadcast %sub3A_561 : f32 to vector<16xf32>
        %sub3A_563 = arith.subf %add3A_560, %sub3A_562 : vector<16xf32>
        %add3A_564 = arith.constant 1.000000e+01 : f32
        %add3A_565 = vector.broadcast %add3A_564 : f32 to vector<16xf32>
        %add3A_566 = arith.addf %get3A_545, %add3A_565 : vector<16xf32>
        %add3A_567 = arith.constant 0x4B400000 : f32
        %add3A_568 = vector.broadcast %add3A_567 : f32 to vector<16xf32>
        %add3A_569 = arith.addf %add3A_566, %add3A_568 : vector<16xf32>
        %sub3A_570 = arith.constant 0x4B400000 : f32
        %sub3A_571 = vector.broadcast %sub3A_570 : f32 to vector<16xf32>
        %sub3A_572 = arith.subf %add3A_569, %sub3A_571 : vector<16xf32>
        %max3A_573 = arith.constant 0.000000e+00 : f32
        %max3A_574 = vector.broadcast %max3A_573 : f32 to vector<16xf32>
        %max3A_575 = arith.maximumf %sub3A_554, %max3A_574 : vector<16xf32>
        %min3A_576 = arith.constant 2.000000e+01 : f32
        %min3A_577 = vector.broadcast %min3A_576 : f32 to vector<16xf32>
        %min3A_578 = arith.minimumf %max3A_575, %min3A_577 : vector<16xf32>
        %max3A_579 = arith.constant 0.000000e+00 : f32
        %max3A_580 = vector.broadcast %max3A_579 : f32 to vector<16xf32>
        %max3A_581 = arith.maximumf %sub3A_563, %max3A_580 : vector<16xf32>
        %min3A_582 = arith.constant 2.000000e+01 : f32
        %min3A_583 = vector.broadcast %min3A_582 : f32 to vector<16xf32>
        %min3A_584 = arith.minimumf %max3A_581, %min3A_583 : vector<16xf32>
        %max3A_585 = arith.constant 0.000000e+00 : f32
        %max3A_586 = vector.broadcast %max3A_585 : f32 to vector<16xf32>
        %max3A_587 = arith.maximumf %sub3A_572, %max3A_586 : vector<16xf32>
        %min3A_588 = arith.constant 2.000000e+01 : f32
        %min3A_589 = vector.broadcast %min3A_588 : f32 to vector<16xf32>
        %min3A_590 = arith.minimumf %max3A_587, %min3A_589 : vector<16xf32>
        %eq3A_591 = arith.cmpf oeq, %sub3A_554, %min3A_578 : vector<16xf32>
        %eq3A_592 = arith.cmpf oeq, %sub3A_563, %min3A_584 : vector<16xf32>
        %and3A_593 = arith.andi %eq3A_591, %eq3A_592 : vector<16xi1>
        %eq3A_594 = arith.cmpf oeq, %sub3A_572, %min3A_590 : vector<16xf32>
        %and3A_595 = arith.andi %and3A_593, %eq3A_594 : vector<16xi1>
        %mul3A_596 = arith.constant 4.410000e+02 : f32
        %mul3A_597 = vector.broadcast %mul3A_596 : f32 to vector<16xf32>
        %mul3A_598 = arith.mulf %min3A_578, %mul3A_597 : vector<16xf32>
        %mul3A_599 = arith.constant 2.100000e+01 : f32
        %mul3A_600 = vector.broadcast %mul3A_599 : f32 to vector<16xf32>
        %mul3A_601 = arith.mulf %min3A_584, %mul3A_600 : vector<16xf32>
        %add3A_602 = arith.addf %mul3A_598, %mul3A_601 : vector<16xf32>
        %add3A_603 = arith.addf %add3A_602, %min3A_590 : vector<16xf32>
        %convert_element_type3A_604 = arith.fptosi %add3A_603 : vector<16xf32> to vector<16xi32>
        %jit3A_605 = arith.constant 9261 : i32
        %broadcast_in_dim3A_606 = vector.broadcast %jit3A_605 : i32 to vector<16xi32>
        %select_n3A_607 = arith.select %and3A_595, %convert_element_type3A_604, %broadcast_in_dim3A_606 : vector<16xi1>, vector<16xi32>
        %get3A_608 = arith.constant 48 : index
        %get3A_609 = tpu.vector_load %arg14[%get3A_608] {strides = array<i32>} : memref<2048xf32, #tpu.memory_space<vmem>>, vector<16xf32>,
        tpu.vector_store_idx %arg15[%broadcast_in_dim3A_33, %select_n3A_607], %get3A_609 {add = true} : memref<8x9344xf32, #tpu.memory_space<vmem>>[vector<16xi32>, vector<16xi32>], vector<16xf32>,
        %get3A_610 = arith.constant 304 : index
        %get3A_611 = tpu.vector_load %arg14[%get3A_610] {strides = array<i32>} : memref<2048xf32, #tpu.memory_space<vmem>>, vector<16xf32>,
        tpu.vector_store_idx %arg15[%broadcast_in_dim3A_35, %select_n3A_607], %get3A_611 {add = true} : memref<8x9344xf32, #tpu.memory_space<vmem>>[vector<16xi32>, vector<16xi32>], vector<16xf32>,
        %get3A_612 = arith.constant 560 : index
        %get3A_613 = tpu.vector_load %arg14[%get3A_612] {strides = array<i32>} : memref<2048xf32, #tpu.memory_space<vmem>>, vector<16xf32>,
        tpu.vector_store_idx %arg15[%broadcast_in_dim3A_37, %select_n3A_607], %get3A_613 {add = true} : memref<8x9344xf32, #tpu.memory_space<vmem>>[vector<16xi32>, vector<16xi32>], vector<16xf32>,
        %get3A_614 = arith.constant 816 : index
        %get3A_615 = tpu.vector_load %arg14[%get3A_614] {strides = array<i32>} : memref<2048xf32, #tpu.memory_space<vmem>>, vector<16xf32>,
        tpu.vector_store_idx %arg15[%broadcast_in_dim3A_39, %select_n3A_607], %get3A_615 {add = true} : memref<8x9344xf32, #tpu.memory_space<vmem>>[vector<16xi32>, vector<16xi32>], vector<16xf32>,
        %get3A_616 = arith.constant 1072 : index
        %get3A_617 = tpu.vector_load %arg14[%get3A_616] {strides = array<i32>} : memref<2048xf32, #tpu.memory_space<vmem>>, vector<16xf32>,
        tpu.vector_store_idx %arg15[%broadcast_in_dim3A_41, %select_n3A_607], %get3A_617 {add = true} : memref<8x9344xf32, #tpu.memory_space<vmem>>[vector<16xi32>, vector<16xi32>], vector<16xf32>,
        %get3A_618 = arith.constant 1328 : index
        %get3A_619 = tpu.vector_load %arg14[%get3A_618] {strides = array<i32>} : memref<2048xf32, #tpu.memory_space<vmem>>, vector<16xf32>,
        tpu.vector_store_idx %arg15[%broadcast_in_dim3A_43, %select_n3A_607], %get3A_619 {add = true} : memref<8x9344xf32, #tpu.memory_space<vmem>>[vector<16xi32>, vector<16xi32>], vector<16xf32>,
        %get3A_620 = arith.constant 1584 : index
        %get3A_621 = tpu.vector_load %arg14[%get3A_620] {strides = array<i32>} : memref<2048xf32, #tpu.memory_space<vmem>>, vector<16xf32>,
        tpu.vector_store_idx %arg15[%broadcast_in_dim3A_45, %select_n3A_607], %get3A_621 {add = true} : memref<8x9344xf32, #tpu.memory_space<vmem>>[vector<16xi32>, vector<16xi32>], vector<16xf32>,
        %get3A_622 = arith.constant 1840 : index
        %get3A_623 = tpu.vector_load %arg14[%get3A_622] {strides = array<i32>} : memref<2048xf32, #tpu.memory_space<vmem>>, vector<16xf32>,
        tpu.vector_store_idx %arg15[%broadcast_in_dim3A_47, %select_n3A_607], %get3A_623 {add = true} : memref<8x9344xf32, #tpu.memory_space<vmem>>[vector<16xi32>, vector<16xi32>], vector<16xf32>,
        %get3A_624 = arith.constant 64 : index
        %get3A_625 = tpu.vector_load %arg11[%get3A_624] {strides = array<i32>} : memref<256xf32, #tpu.memory_space<vmem>>, vector<16xf32>,
        %get3A_626 = arith.constant 64 : index
        %get3A_627 = tpu.vector_load %arg12[%get3A_626] {strides = array<i32>} : memref<256xf32, #tpu.memory_space<vmem>>, vector<16xf32>,
        %get3A_628 = arith.constant 64 : index
        %get3A_629 = tpu.vector_load %arg13[%get3A_628] {strides = array<i32>} : memref<256xf32, #tpu.memory_space<vmem>>, vector<16xf32>,
        %add3A_630 = arith.constant 1.000000e+01 : f32
        %add3A_631 = vector.broadcast %add3A_630 : f32 to vector<16xf32>
        %add3A_632 = arith.addf %get3A_625, %add3A_631 : vector<16xf32>
        %add3A_633 = arith.constant 0x4B400000 : f32
        %add3A_634 = vector.broadcast %add3A_633 : f32 to vector<16xf32>
        %add3A_635 = arith.addf %add3A_632, %add3A_634 : vector<16xf32>
        %sub3A_636 = arith.constant 0x4B400000 : f32
        %sub3A_637 = vector.broadcast %sub3A_636 : f32 to vector<16xf32>
        %sub3A_638 = arith.subf %add3A_635, %sub3A_637 : vector<16xf32>
        %add3A_639 = arith.constant 1.000000e+01 : f32
        %add3A_640 = vector.broadcast %add3A_639 : f32 to vector<16xf32>
        %add3A_641 = arith.addf %get3A_627, %add3A_640 : vector<16xf32>
        %add3A_642 = arith.constant 0x4B400000 : f32
        %add3A_643 = vector.broadcast %add3A_642 : f32 to vector<16xf32>
        %add3A_644 = arith.addf %add3A_641, %add3A_643 : vector<16xf32>
        %sub3A_645 = arith.constant 0x4B400000 : f32
        %sub3A_646 = vector.broadcast %sub3A_645 : f32 to vector<16xf32>
        %sub3A_647 = arith.subf %add3A_644, %sub3A_646 : vector<16xf32>
        %add3A_648 = arith.constant 1.000000e+01 : f32
        %add3A_649 = vector.broadcast %add3A_648 : f32 to vector<16xf32>
        %add3A_650 = arith.addf %get3A_629, %add3A_649 : vector<16xf32>
        %add3A_651 = arith.constant 0x4B400000 : f32
        %add3A_652 = vector.broadcast %add3A_651 : f32 to vector<16xf32>
        %add3A_653 = arith.addf %add3A_650, %add3A_652 : vector<16xf32>
        %sub3A_654 = arith.constant 0x4B400000 : f32
        %sub3A_655 = vector.broadcast %sub3A_654 : f32 to vector<16xf32>
        %sub3A_656 = arith.subf %add3A_653, %sub3A_655 : vector<16xf32>
        %max3A_657 = arith.constant 0.000000e+00 : f32
        %max3A_658 = vector.broadcast %max3A_657 : f32 to vector<16xf32>
        %max3A_659 = arith.maximumf %sub3A_638, %max3A_658 : vector<16xf32>
        %min3A_660 = arith.constant 2.000000e+01 : f32
        %min3A_661 = vector.broadcast %min3A_660 : f32 to vector<16xf32>
        %min3A_662 = arith.minimumf %max3A_659, %min3A_661 : vector<16xf32>
        %max3A_663 = arith.constant 0.000000e+00 : f32
        %max3A_664 = vector.broadcast %max3A_663 : f32 to vector<16xf32>
        %max3A_665 = arith.maximumf %sub3A_647, %max3A_664 : vector<16xf32>
        %min3A_666 = arith.constant 2.000000e+01 : f32
        %min3A_667 = vector.broadcast %min3A_666 : f32 to vector<16xf32>
        %min3A_668 = arith.minimumf %max3A_665, %min3A_667 : vector<16xf32>
        %max3A_669 = arith.constant 0.000000e+00 : f32
        %max3A_670 = vector.broadcast %max3A_669 : f32 to vector<16xf32>
        %max3A_671 = arith.maximumf %sub3A_656, %max3A_670 : vector<16xf32>
        %min3A_672 = arith.constant 2.000000e+01 : f32
        %min3A_673 = vector.broadcast %min3A_672 : f32 to vector<16xf32>
        %min3A_674 = arith.minimumf %max3A_671, %min3A_673 : vector<16xf32>
        %eq3A_675 = arith.cmpf oeq, %sub3A_638, %min3A_662 : vector<16xf32>
        %eq3A_676 = arith.cmpf oeq, %sub3A_647, %min3A_668 : vector<16xf32>
        %and3A_677 = arith.andi %eq3A_675, %eq3A_676 : vector<16xi1>
        %eq3A_678 = arith.cmpf oeq, %sub3A_656, %min3A_674 : vector<16xf32>
        %and3A_679 = arith.andi %and3A_677, %eq3A_678 : vector<16xi1>
        %mul3A_680 = arith.constant 4.410000e+02 : f32
        %mul3A_681 = vector.broadcast %mul3A_680 : f32 to vector<16xf32>
        %mul3A_682 = arith.mulf %min3A_662, %mul3A_681 : vector<16xf32>
        %mul3A_683 = arith.constant 2.100000e+01 : f32
        %mul3A_684 = vector.broadcast %mul3A_683 : f32 to vector<16xf32>
        %mul3A_685 = arith.mulf %min3A_668, %mul3A_684 : vector<16xf32>
        %add3A_686 = arith.addf %mul3A_682, %mul3A_685 : vector<16xf32>
        %add3A_687 = arith.addf %add3A_686, %min3A_674 : vector<16xf32>
        %convert_element_type3A_688 = arith.fptosi %add3A_687 : vector<16xf32> to vector<16xi32>
        %jit3A_689 = arith.constant 9261 : i32
        %broadcast_in_dim3A_690 = vector.broadcast %jit3A_689 : i32 to vector<16xi32>
        %select_n3A_691 = arith.select %and3A_679, %convert_element_type3A_688, %broadcast_in_dim3A_690 : vector<16xi1>, vector<16xi32>
        %get3A_692 = arith.constant 64 : index
        %get3A_693 = tpu.vector_load %arg14[%get3A_692] {strides = array<i32>} : memref<2048xf32, #tpu.memory_space<vmem>>, vector<16xf32>,
        tpu.vector_store_idx %arg15[%broadcast_in_dim3A_33, %select_n3A_691], %get3A_693 {add = true} : memref<8x9344xf32, #tpu.memory_space<vmem>>[vector<16xi32>, vector<16xi32>], vector<16xf32>,
        %get3A_694 = arith.constant 320 : index
        %get3A_695 = tpu.vector_load %arg14[%get3A_694] {strides = array<i32>} : memref<2048xf32, #tpu.memory_space<vmem>>, vector<16xf32>,
        tpu.vector_store_idx %arg15[%broadcast_in_dim3A_35, %select_n3A_691], %get3A_695 {add = true} : memref<8x9344xf32, #tpu.memory_space<vmem>>[vector<16xi32>, vector<16xi32>], vector<16xf32>,
        %get3A_696 = arith.constant 576 : index
        %get3A_697 = tpu.vector_load %arg14[%get3A_696] {strides = array<i32>} : memref<2048xf32, #tpu.memory_space<vmem>>, vector<16xf32>,
        tpu.vector_store_idx %arg15[%broadcast_in_dim3A_37, %select_n3A_691], %get3A_697 {add = true} : memref<8x9344xf32, #tpu.memory_space<vmem>>[vector<16xi32>, vector<16xi32>], vector<16xf32>,
        %get3A_698 = arith.constant 832 : index
        %get3A_699 = tpu.vector_load %arg14[%get3A_698] {strides = array<i32>} : memref<2048xf32, #tpu.memory_space<vmem>>, vector<16xf32>,
        tpu.vector_store_idx %arg15[%broadcast_in_dim3A_39, %select_n3A_691], %get3A_699 {add = true} : memref<8x9344xf32, #tpu.memory_space<vmem>>[vector<16xi32>, vector<16xi32>], vector<16xf32>,
        %get3A_700 = arith.constant 1088 : index
        %get3A_701 = tpu.vector_load %arg14[%get3A_700] {strides = array<i32>} : memref<2048xf32, #tpu.memory_space<vmem>>, vector<16xf32>,
        tpu.vector_store_idx %arg15[%broadcast_in_dim3A_41, %select_n3A_691], %get3A_701 {add = true} : memref<8x9344xf32, #tpu.memory_space<vmem>>[vector<16xi32>, vector<16xi32>], vector<16xf32>,
        %get3A_702 = arith.constant 1344 : index
        %get3A_703 = tpu.vector_load %arg14[%get3A_702] {strides = array<i32>} : memref<2048xf32, #tpu.memory_space<vmem>>, vector<16xf32>,
        tpu.vector_store_idx %arg15[%broadcast_in_dim3A_43, %select_n3A_691], %get3A_703 {add = true} : memref<8x9344xf32, #tpu.memory_space<vmem>>[vector<16xi32>, vector<16xi32>], vector<16xf32>,
        %get3A_704 = arith.constant 1600 : index
        %get3A_705 = tpu.vector_load %arg14[%get3A_704] {strides = array<i32>} : memref<2048xf32, #tpu.memory_space<vmem>>, vector<16xf32>,
        tpu.vector_store_idx %arg15[%broadcast_in_dim3A_45, %select_n3A_691], %get3A_705 {add = true} : memref<8x9344xf32, #tpu.memory_space<vmem>>[vector<16xi32>, vector<16xi32>], vector<16xf32>,
        %get3A_706 = arith.constant 1856 : index
        %get3A_707 = tpu.vector_load %arg14[%get3A_706] {strides = array<i32>} : memref<2048xf32, #tpu.memory_space<vmem>>, vector<16xf32>,
        tpu.vector_store_idx %arg15[%broadcast_in_dim3A_47, %select_n3A_691], %get3A_707 {add = true} : memref<8x9344xf32, #tpu.memory_space<vmem>>[vector<16xi32>, vector<16xi32>], vector<16xf32>,
        %get3A_708 = arith.constant 80 : index
        %get3A_709 = tpu.vector_load %arg11[%get3A_708] {strides = array<i32>} : memref<256xf32, #tpu.memory_space<vmem>>, vector<16xf32>,
        %get3A_710 = arith.constant 80 : index
        %get3A_711 = tpu.vector_load %arg12[%get3A_710] {strides = array<i32>} : memref<256xf32, #tpu.memory_space<vmem>>, vector<16xf32>,
        %get3A_712 = arith.constant 80 : index
        %get3A_713 = tpu.vector_load %arg13[%get3A_712] {strides = array<i32>} : memref<256xf32, #tpu.memory_space<vmem>>, vector<16xf32>,
        %add3A_714 = arith.constant 1.000000e+01 : f32
        %add3A_715 = vector.broadcast %add3A_714 : f32 to vector<16xf32>
        %add3A_716 = arith.addf %get3A_709, %add3A_715 : vector<16xf32>
        %add3A_717 = arith.constant 0x4B400000 : f32
        %add3A_718 = vector.broadcast %add3A_717 : f32 to vector<16xf32>
        %add3A_719 = arith.addf %add3A_716, %add3A_718 : vector<16xf32>
        %sub3A_720 = arith.constant 0x4B400000 : f32
        %sub3A_721 = vector.broadcast %sub3A_720 : f32 to vector<16xf32>
        %sub3A_722 = arith.subf %add3A_719, %sub3A_721 : vector<16xf32>
        %add3A_723 = arith.constant 1.000000e+01 : f32
        %add3A_724 = vector.broadcast %add3A_723 : f32 to vector<16xf32>
        %add3A_725 = arith.addf %get3A_711, %add3A_724 : vector<16xf32>
        %add3A_726 = arith.constant 0x4B400000 : f32
        %add3A_727 = vector.broadcast %add3A_726 : f32 to vector<16xf32>
        %add3A_728 = arith.addf %add3A_725, %add3A_727 : vector<16xf32>
        %sub3A_729 = arith.constant 0x4B400000 : f32
        %sub3A_730 = vector.broadcast %sub3A_729 : f32 to vector<16xf32>
        %sub3A_731 = arith.subf %add3A_728, %sub3A_730 : vector<16xf32>
        %add3A_732 = arith.constant 1.000000e+01 : f32
        %add3A_733 = vector.broadcast %add3A_732 : f32 to vector<16xf32>
        %add3A_734 = arith.addf %get3A_713, %add3A_733 : vector<16xf32>
        %add3A_735 = arith.constant 0x4B400000 : f32
        %add3A_736 = vector.broadcast %add3A_735 : f32 to vector<16xf32>
        %add3A_737 = arith.addf %add3A_734, %add3A_736 : vector<16xf32>
        %sub3A_738 = arith.constant 0x4B400000 : f32
        %sub3A_739 = vector.broadcast %sub3A_738 : f32 to vector<16xf32>
        %sub3A_740 = arith.subf %add3A_737, %sub3A_739 : vector<16xf32>
        %max3A_741 = arith.constant 0.000000e+00 : f32
        %max3A_742 = vector.broadcast %max3A_741 : f32 to vector<16xf32>
        %max3A_743 = arith.maximumf %sub3A_722, %max3A_742 : vector<16xf32>
        %min3A_744 = arith.constant 2.000000e+01 : f32
        %min3A_745 = vector.broadcast %min3A_744 : f32 to vector<16xf32>
        %min3A_746 = arith.minimumf %max3A_743, %min3A_745 : vector<16xf32>
        %max3A_747 = arith.constant 0.000000e+00 : f32
        %max3A_748 = vector.broadcast %max3A_747 : f32 to vector<16xf32>
        %max3A_749 = arith.maximumf %sub3A_731, %max3A_748 : vector<16xf32>
        %min3A_750 = arith.constant 2.000000e+01 : f32
        %min3A_751 = vector.broadcast %min3A_750 : f32 to vector<16xf32>
        %min3A_752 = arith.minimumf %max3A_749, %min3A_751 : vector<16xf32>
        %max3A_753 = arith.constant 0.000000e+00 : f32
        %max3A_754 = vector.broadcast %max3A_753 : f32 to vector<16xf32>
        %max3A_755 = arith.maximumf %sub3A_740, %max3A_754 : vector<16xf32>
        %min3A_756 = arith.constant 2.000000e+01 : f32
        %min3A_757 = vector.broadcast %min3A_756 : f32 to vector<16xf32>
        %min3A_758 = arith.minimumf %max3A_755, %min3A_757 : vector<16xf32>
        %eq3A_759 = arith.cmpf oeq, %sub3A_722, %min3A_746 : vector<16xf32>
        %eq3A_760 = arith.cmpf oeq, %sub3A_731, %min3A_752 : vector<16xf32>
        %and3A_761 = arith.andi %eq3A_759, %eq3A_760 : vector<16xi1>
        %eq3A_762 = arith.cmpf oeq, %sub3A_740, %min3A_758 : vector<16xf32>
        %and3A_763 = arith.andi %and3A_761, %eq3A_762 : vector<16xi1>
        %mul3A_764 = arith.constant 4.410000e+02 : f32
        %mul3A_765 = vector.broadcast %mul3A_764 : f32 to vector<16xf32>
        %mul3A_766 = arith.mulf %min3A_746, %mul3A_765 : vector<16xf32>
        %mul3A_767 = arith.constant 2.100000e+01 : f32
        %mul3A_768 = vector.broadcast %mul3A_767 : f32 to vector<16xf32>
        %mul3A_769 = arith.mulf %min3A_752, %mul3A_768 : vector<16xf32>
        %add3A_770 = arith.addf %mul3A_766, %mul3A_769 : vector<16xf32>
        %add3A_771 = arith.addf %add3A_770, %min3A_758 : vector<16xf32>
        %convert_element_type3A_772 = arith.fptosi %add3A_771 : vector<16xf32> to vector<16xi32>
        %jit3A_773 = arith.constant 9261 : i32
        %broadcast_in_dim3A_774 = vector.broadcast %jit3A_773 : i32 to vector<16xi32>
        %select_n3A_775 = arith.select %and3A_763, %convert_element_type3A_772, %broadcast_in_dim3A_774 : vector<16xi1>, vector<16xi32>
        %get3A_776 = arith.constant 80 : index
        %get3A_777 = tpu.vector_load %arg14[%get3A_776] {strides = array<i32>} : memref<2048xf32, #tpu.memory_space<vmem>>, vector<16xf32>,
        tpu.vector_store_idx %arg15[%broadcast_in_dim3A_33, %select_n3A_775], %get3A_777 {add = true} : memref<8x9344xf32, #tpu.memory_space<vmem>>[vector<16xi32>, vector<16xi32>], vector<16xf32>,
        %get3A_778 = arith.constant 336 : index
        %get3A_779 = tpu.vector_load %arg14[%get3A_778] {strides = array<i32>} : memref<2048xf32, #tpu.memory_space<vmem>>, vector<16xf32>,
        tpu.vector_store_idx %arg15[%broadcast_in_dim3A_35, %select_n3A_775], %get3A_779 {add = true} : memref<8x9344xf32, #tpu.memory_space<vmem>>[vector<16xi32>, vector<16xi32>], vector<16xf32>,
        %get3A_780 = arith.constant 592 : index
        %get3A_781 = tpu.vector_load %arg14[%get3A_780] {strides = array<i32>} : memref<2048xf32, #tpu.memory_space<vmem>>, vector<16xf32>,
        tpu.vector_store_idx %arg15[%broadcast_in_dim3A_37, %select_n3A_775], %get3A_781 {add = true} : memref<8x9344xf32, #tpu.memory_space<vmem>>[vector<16xi32>, vector<16xi32>], vector<16xf32>,
        %get3A_782 = arith.constant 848 : index
        %get3A_783 = tpu.vector_load %arg14[%get3A_782] {strides = array<i32>} : memref<2048xf32, #tpu.memory_space<vmem>>, vector<16xf32>,
        tpu.vector_store_idx %arg15[%broadcast_in_dim3A_39, %select_n3A_775], %get3A_783 {add = true} : memref<8x9344xf32, #tpu.memory_space<vmem>>[vector<16xi32>, vector<16xi32>], vector<16xf32>,
        %get3A_784 = arith.constant 1104 : index
        %get3A_785 = tpu.vector_load %arg14[%get3A_784] {strides = array<i32>} : memref<2048xf32, #tpu.memory_space<vmem>>, vector<16xf32>,
        tpu.vector_store_idx %arg15[%broadcast_in_dim3A_41, %select_n3A_775], %get3A_785 {add = true} : memref<8x9344xf32, #tpu.memory_space<vmem>>[vector<16xi32>, vector<16xi32>], vector<16xf32>,
        %get3A_786 = arith.constant 1360 : index
        %get3A_787 = tpu.vector_load %arg14[%get3A_786] {strides = array<i32>} : memref<2048xf32, #tpu.memory_space<vmem>>, vector<16xf32>,
        tpu.vector_store_idx %arg15[%broadcast_in_dim3A_43, %select_n3A_775], %get3A_787 {add = true} : memref<8x9344xf32, #tpu.memory_space<vmem>>[vector<16xi32>, vector<16xi32>], vector<16xf32>,
        %get3A_788 = arith.constant 1616 : index
        %get3A_789 = tpu.vector_load %arg14[%get3A_788] {strides = array<i32>} : memref<2048xf32, #tpu.memory_space<vmem>>, vector<16xf32>,
        tpu.vector_store_idx %arg15[%broadcast_in_dim3A_45, %select_n3A_775], %get3A_789 {add = true} : memref<8x9344xf32, #tpu.memory_space<vmem>>[vector<16xi32>, vector<16xi32>], vector<16xf32>,
        %get3A_790 = arith.constant 1872 : index
        %get3A_791 = tpu.vector_load %arg14[%get3A_790] {strides = array<i32>} : memref<2048xf32, #tpu.memory_space<vmem>>, vector<16xf32>,
        tpu.vector_store_idx %arg15[%broadcast_in_dim3A_47, %select_n3A_775], %get3A_791 {add = true} : memref<8x9344xf32, #tpu.memory_space<vmem>>[vector<16xi32>, vector<16xi32>], vector<16xf32>,
        %get3A_792 = arith.constant 96 : index
        %get3A_793 = tpu.vector_load %arg11[%get3A_792] {strides = array<i32>} : memref<256xf32, #tpu.memory_space<vmem>>, vector<16xf32>,
        %get3A_794 = arith.constant 96 : index
        %get3A_795 = tpu.vector_load %arg12[%get3A_794] {strides = array<i32>} : memref<256xf32, #tpu.memory_space<vmem>>, vector<16xf32>,
        %get3A_796 = arith.constant 96 : index
        %get3A_797 = tpu.vector_load %arg13[%get3A_796] {strides = array<i32>} : memref<256xf32, #tpu.memory_space<vmem>>, vector<16xf32>,
        %add3A_798 = arith.constant 1.000000e+01 : f32
        %add3A_799 = vector.broadcast %add3A_798 : f32 to vector<16xf32>
        %add3A_800 = arith.addf %get3A_793, %add3A_799 : vector<16xf32>
        %add3A_801 = arith.constant 0x4B400000 : f32
        %add3A_802 = vector.broadcast %add3A_801 : f32 to vector<16xf32>
        %add3A_803 = arith.addf %add3A_800, %add3A_802 : vector<16xf32>
        %sub3A_804 = arith.constant 0x4B400000 : f32
        %sub3A_805 = vector.broadcast %sub3A_804 : f32 to vector<16xf32>
        %sub3A_806 = arith.subf %add3A_803, %sub3A_805 : vector<16xf32>
        %add3A_807 = arith.constant 1.000000e+01 : f32
        %add3A_808 = vector.broadcast %add3A_807 : f32 to vector<16xf32>
        %add3A_809 = arith.addf %get3A_795, %add3A_808 : vector<16xf32>
        %add3A_810 = arith.constant 0x4B400000 : f32
        %add3A_811 = vector.broadcast %add3A_810 : f32 to vector<16xf32>
        %add3A_812 = arith.addf %add3A_809, %add3A_811 : vector<16xf32>
        %sub3A_813 = arith.constant 0x4B400000 : f32
        %sub3A_814 = vector.broadcast %sub3A_813 : f32 to vector<16xf32>
        %sub3A_815 = arith.subf %add3A_812, %sub3A_814 : vector<16xf32>
        %add3A_816 = arith.constant 1.000000e+01 : f32
        %add3A_817 = vector.broadcast %add3A_816 : f32 to vector<16xf32>
        %add3A_818 = arith.addf %get3A_797, %add3A_817 : vector<16xf32>
        %add3A_819 = arith.constant 0x4B400000 : f32
        %add3A_820 = vector.broadcast %add3A_819 : f32 to vector<16xf32>
        %add3A_821 = arith.addf %add3A_818, %add3A_820 : vector<16xf32>
        %sub3A_822 = arith.constant 0x4B400000 : f32
        %sub3A_823 = vector.broadcast %sub3A_822 : f32 to vector<16xf32>
        %sub3A_824 = arith.subf %add3A_821, %sub3A_823 : vector<16xf32>
        %max3A_825 = arith.constant 0.000000e+00 : f32
        %max3A_826 = vector.broadcast %max3A_825 : f32 to vector<16xf32>
        %max3A_827 = arith.maximumf %sub3A_806, %max3A_826 : vector<16xf32>
        %min3A_828 = arith.constant 2.000000e+01 : f32
        %min3A_829 = vector.broadcast %min3A_828 : f32 to vector<16xf32>
        %min3A_830 = arith.minimumf %max3A_827, %min3A_829 : vector<16xf32>
        %max3A_831 = arith.constant 0.000000e+00 : f32
        %max3A_832 = vector.broadcast %max3A_831 : f32 to vector<16xf32>
        %max3A_833 = arith.maximumf %sub3A_815, %max3A_832 : vector<16xf32>
        %min3A_834 = arith.constant 2.000000e+01 : f32
        %min3A_835 = vector.broadcast %min3A_834 : f32 to vector<16xf32>
        %min3A_836 = arith.minimumf %max3A_833, %min3A_835 : vector<16xf32>
        %max3A_837 = arith.constant 0.000000e+00 : f32
        %max3A_838 = vector.broadcast %max3A_837 : f32 to vector<16xf32>
        %max3A_839 = arith.maximumf %sub3A_824, %max3A_838 : vector<16xf32>
        %min3A_840 = arith.constant 2.000000e+01 : f32
        %min3A_841 = vector.broadcast %min3A_840 : f32 to vector<16xf32>
        %min3A_842 = arith.minimumf %max3A_839, %min3A_841 : vector<16xf32>
        %eq3A_843 = arith.cmpf oeq, %sub3A_806, %min3A_830 : vector<16xf32>
        %eq3A_844 = arith.cmpf oeq, %sub3A_815, %min3A_836 : vector<16xf32>
        %and3A_845 = arith.andi %eq3A_843, %eq3A_844 : vector<16xi1>
        %eq3A_846 = arith.cmpf oeq, %sub3A_824, %min3A_842 : vector<16xf32>
        %and3A_847 = arith.andi %and3A_845, %eq3A_846 : vector<16xi1>
        %mul3A_848 = arith.constant 4.410000e+02 : f32
        %mul3A_849 = vector.broadcast %mul3A_848 : f32 to vector<16xf32>
        %mul3A_850 = arith.mulf %min3A_830, %mul3A_849 : vector<16xf32>
        %mul3A_851 = arith.constant 2.100000e+01 : f32
        %mul3A_852 = vector.broadcast %mul3A_851 : f32 to vector<16xf32>
        %mul3A_853 = arith.mulf %min3A_836, %mul3A_852 : vector<16xf32>
        %add3A_854 = arith.addf %mul3A_850, %mul3A_853 : vector<16xf32>
        %add3A_855 = arith.addf %add3A_854, %min3A_842 : vector<16xf32>
        %convert_element_type3A_856 = arith.fptosi %add3A_855 : vector<16xf32> to vector<16xi32>
        %jit3A_857 = arith.constant 9261 : i32
        %broadcast_in_dim3A_858 = vector.broadcast %jit3A_857 : i32 to vector<16xi32>
        %select_n3A_859 = arith.select %and3A_847, %convert_element_type3A_856, %broadcast_in_dim3A_858 : vector<16xi1>, vector<16xi32>
        %get3A_860 = arith.constant 96 : index
        %get3A_861 = tpu.vector_load %arg14[%get3A_860] {strides = array<i32>} : memref<2048xf32, #tpu.memory_space<vmem>>, vector<16xf32>,
        tpu.vector_store_idx %arg15[%broadcast_in_dim3A_33, %select_n3A_859], %get3A_861 {add = true} : memref<8x9344xf32, #tpu.memory_space<vmem>>[vector<16xi32>, vector<16xi32>], vector<16xf32>,
        %get3A_862 = arith.constant 352 : index
        %get3A_863 = tpu.vector_load %arg14[%get3A_862] {strides = array<i32>} : memref<2048xf32, #tpu.memory_space<vmem>>, vector<16xf32>,
        tpu.vector_store_idx %arg15[%broadcast_in_dim3A_35, %select_n3A_859], %get3A_863 {add = true} : memref<8x9344xf32, #tpu.memory_space<vmem>>[vector<16xi32>, vector<16xi32>], vector<16xf32>,
        %get3A_864 = arith.constant 608 : index
        %get3A_865 = tpu.vector_load %arg14[%get3A_864] {strides = array<i32>} : memref<2048xf32, #tpu.memory_space<vmem>>, vector<16xf32>,
        tpu.vector_store_idx %arg15[%broadcast_in_dim3A_37, %select_n3A_859], %get3A_865 {add = true} : memref<8x9344xf32, #tpu.memory_space<vmem>>[vector<16xi32>, vector<16xi32>], vector<16xf32>,
        %get3A_866 = arith.constant 864 : index
        %get3A_867 = tpu.vector_load %arg14[%get3A_866] {strides = array<i32>} : memref<2048xf32, #tpu.memory_space<vmem>>, vector<16xf32>,
        tpu.vector_store_idx %arg15[%broadcast_in_dim3A_39, %select_n3A_859], %get3A_867 {add = true} : memref<8x9344xf32, #tpu.memory_space<vmem>>[vector<16xi32>, vector<16xi32>], vector<16xf32>,
        %get3A_868 = arith.constant 1120 : index
        %get3A_869 = tpu.vector_load %arg14[%get3A_868] {strides = array<i32>} : memref<2048xf32, #tpu.memory_space<vmem>>, vector<16xf32>,
        tpu.vector_store_idx %arg15[%broadcast_in_dim3A_41, %select_n3A_859], %get3A_869 {add = true} : memref<8x9344xf32, #tpu.memory_space<vmem>>[vector<16xi32>, vector<16xi32>], vector<16xf32>,
        %get3A_870 = arith.constant 1376 : index
        %get3A_871 = tpu.vector_load %arg14[%get3A_870] {strides = array<i32>} : memref<2048xf32, #tpu.memory_space<vmem>>, vector<16xf32>,
        tpu.vector_store_idx %arg15[%broadcast_in_dim3A_43, %select_n3A_859], %get3A_871 {add = true} : memref<8x9344xf32, #tpu.memory_space<vmem>>[vector<16xi32>, vector<16xi32>], vector<16xf32>,
        %get3A_872 = arith.constant 1632 : index
        %get3A_873 = tpu.vector_load %arg14[%get3A_872] {strides = array<i32>} : memref<2048xf32, #tpu.memory_space<vmem>>, vector<16xf32>,
        tpu.vector_store_idx %arg15[%broadcast_in_dim3A_45, %select_n3A_859], %get3A_873 {add = true} : memref<8x9344xf32, #tpu.memory_space<vmem>>[vector<16xi32>, vector<16xi32>], vector<16xf32>,
        %get3A_874 = arith.constant 1888 : index
        %get3A_875 = tpu.vector_load %arg14[%get3A_874] {strides = array<i32>} : memref<2048xf32, #tpu.memory_space<vmem>>, vector<16xf32>,
        tpu.vector_store_idx %arg15[%broadcast_in_dim3A_47, %select_n3A_859], %get3A_875 {add = true} : memref<8x9344xf32, #tpu.memory_space<vmem>>[vector<16xi32>, vector<16xi32>], vector<16xf32>,
        %get3A_876 = arith.constant 112 : index
        %get3A_877 = tpu.vector_load %arg11[%get3A_876] {strides = array<i32>} : memref<256xf32, #tpu.memory_space<vmem>>, vector<16xf32>,
        %get3A_878 = arith.constant 112 : index
        %get3A_879 = tpu.vector_load %arg12[%get3A_878] {strides = array<i32>} : memref<256xf32, #tpu.memory_space<vmem>>, vector<16xf32>,
        %get3A_880 = arith.constant 112 : index
        %get3A_881 = tpu.vector_load %arg13[%get3A_880] {strides = array<i32>} : memref<256xf32, #tpu.memory_space<vmem>>, vector<16xf32>,
        %add3A_882 = arith.constant 1.000000e+01 : f32
        %add3A_883 = vector.broadcast %add3A_882 : f32 to vector<16xf32>
        %add3A_884 = arith.addf %get3A_877, %add3A_883 : vector<16xf32>
        %add3A_885 = arith.constant 0x4B400000 : f32
        %add3A_886 = vector.broadcast %add3A_885 : f32 to vector<16xf32>
        %add3A_887 = arith.addf %add3A_884, %add3A_886 : vector<16xf32>
        %sub3A_888 = arith.constant 0x4B400000 : f32
        %sub3A_889 = vector.broadcast %sub3A_888 : f32 to vector<16xf32>
        %sub3A_890 = arith.subf %add3A_887, %sub3A_889 : vector<16xf32>
        %add3A_891 = arith.constant 1.000000e+01 : f32
        %add3A_892 = vector.broadcast %add3A_891 : f32 to vector<16xf32>
        %add3A_893 = arith.addf %get3A_879, %add3A_892 : vector<16xf32>
        %add3A_894 = arith.constant 0x4B400000 : f32
        %add3A_895 = vector.broadcast %add3A_894 : f32 to vector<16xf32>
        %add3A_896 = arith.addf %add3A_893, %add3A_895 : vector<16xf32>
        %sub3A_897 = arith.constant 0x4B400000 : f32
        %sub3A_898 = vector.broadcast %sub3A_897 : f32 to vector<16xf32>
        %sub3A_899 = arith.subf %add3A_896, %sub3A_898 : vector<16xf32>
        %add3A_900 = arith.constant 1.000000e+01 : f32
        %add3A_901 = vector.broadcast %add3A_900 : f32 to vector<16xf32>
        %add3A_902 = arith.addf %get3A_881, %add3A_901 : vector<16xf32>
        %add3A_903 = arith.constant 0x4B400000 : f32
        %add3A_904 = vector.broadcast %add3A_903 : f32 to vector<16xf32>
        %add3A_905 = arith.addf %add3A_902, %add3A_904 : vector<16xf32>
        %sub3A_906 = arith.constant 0x4B400000 : f32
        %sub3A_907 = vector.broadcast %sub3A_906 : f32 to vector<16xf32>
        %sub3A_908 = arith.subf %add3A_905, %sub3A_907 : vector<16xf32>
        %max3A_909 = arith.constant 0.000000e+00 : f32
        %max3A_910 = vector.broadcast %max3A_909 : f32 to vector<16xf32>
        %max3A_911 = arith.maximumf %sub3A_890, %max3A_910 : vector<16xf32>
        %min3A_912 = arith.constant 2.000000e+01 : f32
        %min3A_913 = vector.broadcast %min3A_912 : f32 to vector<16xf32>
        %min3A_914 = arith.minimumf %max3A_911, %min3A_913 : vector<16xf32>
        %max3A_915 = arith.constant 0.000000e+00 : f32
        %max3A_916 = vector.broadcast %max3A_915 : f32 to vector<16xf32>
        %max3A_917 = arith.maximumf %sub3A_899, %max3A_916 : vector<16xf32>
        %min3A_918 = arith.constant 2.000000e+01 : f32
        %min3A_919 = vector.broadcast %min3A_918 : f32 to vector<16xf32>
        %min3A_920 = arith.minimumf %max3A_917, %min3A_919 : vector<16xf32>
        %max3A_921 = arith.constant 0.000000e+00 : f32
        %max3A_922 = vector.broadcast %max3A_921 : f32 to vector<16xf32>
        %max3A_923 = arith.maximumf %sub3A_908, %max3A_922 : vector<16xf32>
        %min3A_924 = arith.constant 2.000000e+01 : f32
        %min3A_925 = vector.broadcast %min3A_924 : f32 to vector<16xf32>
        %min3A_926 = arith.minimumf %max3A_923, %min3A_925 : vector<16xf32>
        %eq3A_927 = arith.cmpf oeq, %sub3A_890, %min3A_914 : vector<16xf32>
        %eq3A_928 = arith.cmpf oeq, %sub3A_899, %min3A_920 : vector<16xf32>
        %and3A_929 = arith.andi %eq3A_927, %eq3A_928 : vector<16xi1>
        %eq3A_930 = arith.cmpf oeq, %sub3A_908, %min3A_926 : vector<16xf32>
        %and3A_931 = arith.andi %and3A_929, %eq3A_930 : vector<16xi1>
        %mul3A_932 = arith.constant 4.410000e+02 : f32
        %mul3A_933 = vector.broadcast %mul3A_932 : f32 to vector<16xf32>
        %mul3A_934 = arith.mulf %min3A_914, %mul3A_933 : vector<16xf32>
        %mul3A_935 = arith.constant 2.100000e+01 : f32
        %mul3A_936 = vector.broadcast %mul3A_935 : f32 to vector<16xf32>
        %mul3A_937 = arith.mulf %min3A_920, %mul3A_936 : vector<16xf32>
        %add3A_938 = arith.addf %mul3A_934, %mul3A_937 : vector<16xf32>
        %add3A_939 = arith.addf %add3A_938, %min3A_926 : vector<16xf32>
        %convert_element_type3A_940 = arith.fptosi %add3A_939 : vector<16xf32> to vector<16xi32>
        %jit3A_941 = arith.constant 9261 : i32
        %broadcast_in_dim3A_942 = vector.broadcast %jit3A_941 : i32 to vector<16xi32>
        %select_n3A_943 = arith.select %and3A_931, %convert_element_type3A_940, %broadcast_in_dim3A_942 : vector<16xi1>, vector<16xi32>
        %get3A_944 = arith.constant 112 : index
        %get3A_945 = tpu.vector_load %arg14[%get3A_944] {strides = array<i32>} : memref<2048xf32, #tpu.memory_space<vmem>>, vector<16xf32>,
        tpu.vector_store_idx %arg15[%broadcast_in_dim3A_33, %select_n3A_943], %get3A_945 {add = true} : memref<8x9344xf32, #tpu.memory_space<vmem>>[vector<16xi32>, vector<16xi32>], vector<16xf32>,
        %get3A_946 = arith.constant 368 : index
        %get3A_947 = tpu.vector_load %arg14[%get3A_946] {strides = array<i32>} : memref<2048xf32, #tpu.memory_space<vmem>>, vector<16xf32>,
        tpu.vector_store_idx %arg15[%broadcast_in_dim3A_35, %select_n3A_943], %get3A_947 {add = true} : memref<8x9344xf32, #tpu.memory_space<vmem>>[vector<16xi32>, vector<16xi32>], vector<16xf32>,
        %get3A_948 = arith.constant 624 : index
        %get3A_949 = tpu.vector_load %arg14[%get3A_948] {strides = array<i32>} : memref<2048xf32, #tpu.memory_space<vmem>>, vector<16xf32>,
        tpu.vector_store_idx %arg15[%broadcast_in_dim3A_37, %select_n3A_943], %get3A_949 {add = true} : memref<8x9344xf32, #tpu.memory_space<vmem>>[vector<16xi32>, vector<16xi32>], vector<16xf32>,
        %get3A_950 = arith.constant 880 : index
        %get3A_951 = tpu.vector_load %arg14[%get3A_950] {strides = array<i32>} : memref<2048xf32, #tpu.memory_space<vmem>>, vector<16xf32>,
        tpu.vector_store_idx %arg15[%broadcast_in_dim3A_39, %select_n3A_943], %get3A_951 {add = true} : memref<8x9344xf32, #tpu.memory_space<vmem>>[vector<16xi32>, vector<16xi32>], vector<16xf32>,
        %get3A_952 = arith.constant 1136 : index
        %get3A_953 = tpu.vector_load %arg14[%get3A_952] {strides = array<i32>} : memref<2048xf32, #tpu.memory_space<vmem>>, vector<16xf32>,
        tpu.vector_store_idx %arg15[%broadcast_in_dim3A_41, %select_n3A_943], %get3A_953 {add = true} : memref<8x9344xf32, #tpu.memory_space<vmem>>[vector<16xi32>, vector<16xi32>], vector<16xf32>,
        %get3A_954 = arith.constant 1392 : index
        %get3A_955 = tpu.vector_load %arg14[%get3A_954] {strides = array<i32>} : memref<2048xf32, #tpu.memory_space<vmem>>, vector<16xf32>,
        tpu.vector_store_idx %arg15[%broadcast_in_dim3A_43, %select_n3A_943], %get3A_955 {add = true} : memref<8x9344xf32, #tpu.memory_space<vmem>>[vector<16xi32>, vector<16xi32>], vector<16xf32>,
        %get3A_956 = arith.constant 1648 : index
        %get3A_957 = tpu.vector_load %arg14[%get3A_956] {strides = array<i32>} : memref<2048xf32, #tpu.memory_space<vmem>>, vector<16xf32>,
        tpu.vector_store_idx %arg15[%broadcast_in_dim3A_45, %select_n3A_943], %get3A_957 {add = true} : memref<8x9344xf32, #tpu.memory_space<vmem>>[vector<16xi32>, vector<16xi32>], vector<16xf32>,
        %get3A_958 = arith.constant 1904 : index
        %get3A_959 = tpu.vector_load %arg14[%get3A_958] {strides = array<i32>} : memref<2048xf32, #tpu.memory_space<vmem>>, vector<16xf32>,
        tpu.vector_store_idx %arg15[%broadcast_in_dim3A_47, %select_n3A_943], %get3A_959 {add = true} : memref<8x9344xf32, #tpu.memory_space<vmem>>[vector<16xi32>, vector<16xi32>], vector<16xf32>,
        %get3A_960 = arith.constant 128 : index
        %get3A_961 = tpu.vector_load %arg11[%get3A_960] {strides = array<i32>} : memref<256xf32, #tpu.memory_space<vmem>>, vector<16xf32>,
        %get3A_962 = arith.constant 128 : index
        %get3A_963 = tpu.vector_load %arg12[%get3A_962] {strides = array<i32>} : memref<256xf32, #tpu.memory_space<vmem>>, vector<16xf32>,
        %get3A_964 = arith.constant 128 : index
        %get3A_965 = tpu.vector_load %arg13[%get3A_964] {strides = array<i32>} : memref<256xf32, #tpu.memory_space<vmem>>, vector<16xf32>,
        %add3A_966 = arith.constant 1.000000e+01 : f32
        %add3A_967 = vector.broadcast %add3A_966 : f32 to vector<16xf32>
        %add3A_968 = arith.addf %get3A_961, %add3A_967 : vector<16xf32>
        %add3A_969 = arith.constant 0x4B400000 : f32
        %add3A_970 = vector.broadcast %add3A_969 : f32 to vector<16xf32>
        %add3A_971 = arith.addf %add3A_968, %add3A_970 : vector<16xf32>
        %sub3A_972 = arith.constant 0x4B400000 : f32
        %sub3A_973 = vector.broadcast %sub3A_972 : f32 to vector<16xf32>
        %sub3A_974 = arith.subf %add3A_971, %sub3A_973 : vector<16xf32>
        %add3A_975 = arith.constant 1.000000e+01 : f32
        %add3A_976 = vector.broadcast %add3A_975 : f32 to vector<16xf32>
        %add3A_977 = arith.addf %get3A_963, %add3A_976 : vector<16xf32>
        %add3A_978 = arith.constant 0x4B400000 : f32
        %add3A_979 = vector.broadcast %add3A_978 : f32 to vector<16xf32>
        %add3A_980 = arith.addf %add3A_977, %add3A_979 : vector<16xf32>
        %sub3A_981 = arith.constant 0x4B400000 : f32
        %sub3A_982 = vector.broadcast %sub3A_981 : f32 to vector<16xf32>
        %sub3A_983 = arith.subf %add3A_980, %sub3A_982 : vector<16xf32>
        %add3A_984 = arith.constant 1.000000e+01 : f32
        %add3A_985 = vector.broadcast %add3A_984 : f32 to vector<16xf32>
        %add3A_986 = arith.addf %get3A_965, %add3A_985 : vector<16xf32>
        %add3A_987 = arith.constant 0x4B400000 : f32
        %add3A_988 = vector.broadcast %add3A_987 : f32 to vector<16xf32>
        %add3A_989 = arith.addf %add3A_986, %add3A_988 : vector<16xf32>
        %sub3A_990 = arith.constant 0x4B400000 : f32
        %sub3A_991 = vector.broadcast %sub3A_990 : f32 to vector<16xf32>
        %sub3A_992 = arith.subf %add3A_989, %sub3A_991 : vector<16xf32>
        %max3A_993 = arith.constant 0.000000e+00 : f32
        %max3A_994 = vector.broadcast %max3A_993 : f32 to vector<16xf32>
        %max3A_995 = arith.maximumf %sub3A_974, %max3A_994 : vector<16xf32>
        %min3A_996 = arith.constant 2.000000e+01 : f32
        %min3A_997 = vector.broadcast %min3A_996 : f32 to vector<16xf32>
        %min3A_998 = arith.minimumf %max3A_995, %min3A_997 : vector<16xf32>
        %max3A_999 = arith.constant 0.000000e+00 : f32
        %max3A_1000 = vector.broadcast %max3A_999 : f32 to vector<16xf32>
        %max3A_1001 = arith.maximumf %sub3A_983, %max3A_1000 : vector<16xf32>
        %min3A_1002 = arith.constant 2.000000e+01 : f32
        %min3A_1003 = vector.broadcast %min3A_1002 : f32 to vector<16xf32>
        %min3A_1004 = arith.minimumf %max3A_1001, %min3A_1003 : vector<16xf32>
        %max3A_1005 = arith.constant 0.000000e+00 : f32
        %max3A_1006 = vector.broadcast %max3A_1005 : f32 to vector<16xf32>
        %max3A_1007 = arith.maximumf %sub3A_992, %max3A_1006 : vector<16xf32>
        %min3A_1008 = arith.constant 2.000000e+01 : f32
        %min3A_1009 = vector.broadcast %min3A_1008 : f32 to vector<16xf32>
        %min3A_1010 = arith.minimumf %max3A_1007, %min3A_1009 : vector<16xf32>
        %eq3A_1011 = arith.cmpf oeq, %sub3A_974, %min3A_998 : vector<16xf32>
        %eq3A_1012 = arith.cmpf oeq, %sub3A_983, %min3A_1004 : vector<16xf32>
        %and3A_1013 = arith.andi %eq3A_1011, %eq3A_1012 : vector<16xi1>
        %eq3A_1014 = arith.cmpf oeq, %sub3A_992, %min3A_1010 : vector<16xf32>
        %and3A_1015 = arith.andi %and3A_1013, %eq3A_1014 : vector<16xi1>
        %mul3A_1016 = arith.constant 4.410000e+02 : f32
        %mul3A_1017 = vector.broadcast %mul3A_1016 : f32 to vector<16xf32>
        %mul3A_1018 = arith.mulf %min3A_998, %mul3A_1017 : vector<16xf32>
        %mul3A_1019 = arith.constant 2.100000e+01 : f32
        %mul3A_1020 = vector.broadcast %mul3A_1019 : f32 to vector<16xf32>
        %mul3A_1021 = arith.mulf %min3A_1004, %mul3A_1020 : vector<16xf32>
        %add3A_1022 = arith.addf %mul3A_1018, %mul3A_1021 : vector<16xf32>
        %add3A_1023 = arith.addf %add3A_1022, %min3A_1010 : vector<16xf32>
        %convert_element_type3A_1024 = arith.fptosi %add3A_1023 : vector<16xf32> to vector<16xi32>
        %jit3A_1025 = arith.constant 9261 : i32
        %broadcast_in_dim3A_1026 = vector.broadcast %jit3A_1025 : i32 to vector<16xi32>
        %select_n3A_1027 = arith.select %and3A_1015, %convert_element_type3A_1024, %broadcast_in_dim3A_1026 : vector<16xi1>, vector<16xi32>
        %get3A_1028 = arith.constant 128 : index
        %get3A_1029 = tpu.vector_load %arg14[%get3A_1028] {strides = array<i32>} : memref<2048xf32, #tpu.memory_space<vmem>>, vector<16xf32>,
        tpu.vector_store_idx %arg15[%broadcast_in_dim3A_33, %select_n3A_1027], %get3A_1029 {add = true} : memref<8x9344xf32, #tpu.memory_space<vmem>>[vector<16xi32>, vector<16xi32>], vector<16xf32>,
        %get3A_1030 = arith.constant 384 : index
        %get3A_1031 = tpu.vector_load %arg14[%get3A_1030] {strides = array<i32>} : memref<2048xf32, #tpu.memory_space<vmem>>, vector<16xf32>,
        tpu.vector_store_idx %arg15[%broadcast_in_dim3A_35, %select_n3A_1027], %get3A_1031 {add = true} : memref<8x9344xf32, #tpu.memory_space<vmem>>[vector<16xi32>, vector<16xi32>], vector<16xf32>,
        %get3A_1032 = arith.constant 640 : index
        %get3A_1033 = tpu.vector_load %arg14[%get3A_1032] {strides = array<i32>} : memref<2048xf32, #tpu.memory_space<vmem>>, vector<16xf32>,
        tpu.vector_store_idx %arg15[%broadcast_in_dim3A_37, %select_n3A_1027], %get3A_1033 {add = true} : memref<8x9344xf32, #tpu.memory_space<vmem>>[vector<16xi32>, vector<16xi32>], vector<16xf32>,
        %get3A_1034 = arith.constant 896 : index
        %get3A_1035 = tpu.vector_load %arg14[%get3A_1034] {strides = array<i32>} : memref<2048xf32, #tpu.memory_space<vmem>>, vector<16xf32>,
        tpu.vector_store_idx %arg15[%broadcast_in_dim3A_39, %select_n3A_1027], %get3A_1035 {add = true} : memref<8x9344xf32, #tpu.memory_space<vmem>>[vector<16xi32>, vector<16xi32>], vector<16xf32>,
        %get3A_1036 = arith.constant 1152 : index
        %get3A_1037 = tpu.vector_load %arg14[%get3A_1036] {strides = array<i32>} : memref<2048xf32, #tpu.memory_space<vmem>>, vector<16xf32>,
        tpu.vector_store_idx %arg15[%broadcast_in_dim3A_41, %select_n3A_1027], %get3A_1037 {add = true} : memref<8x9344xf32, #tpu.memory_space<vmem>>[vector<16xi32>, vector<16xi32>], vector<16xf32>,
        %get3A_1038 = arith.constant 1408 : index
        %get3A_1039 = tpu.vector_load %arg14[%get3A_1038] {strides = array<i32>} : memref<2048xf32, #tpu.memory_space<vmem>>, vector<16xf32>,
        tpu.vector_store_idx %arg15[%broadcast_in_dim3A_43, %select_n3A_1027], %get3A_1039 {add = true} : memref<8x9344xf32, #tpu.memory_space<vmem>>[vector<16xi32>, vector<16xi32>], vector<16xf32>,
        %get3A_1040 = arith.constant 1664 : index
        %get3A_1041 = tpu.vector_load %arg14[%get3A_1040] {strides = array<i32>} : memref<2048xf32, #tpu.memory_space<vmem>>, vector<16xf32>,
        tpu.vector_store_idx %arg15[%broadcast_in_dim3A_45, %select_n3A_1027], %get3A_1041 {add = true} : memref<8x9344xf32, #tpu.memory_space<vmem>>[vector<16xi32>, vector<16xi32>], vector<16xf32>,
        %get3A_1042 = arith.constant 1920 : index
        %get3A_1043 = tpu.vector_load %arg14[%get3A_1042] {strides = array<i32>} : memref<2048xf32, #tpu.memory_space<vmem>>, vector<16xf32>,
        tpu.vector_store_idx %arg15[%broadcast_in_dim3A_47, %select_n3A_1027], %get3A_1043 {add = true} : memref<8x9344xf32, #tpu.memory_space<vmem>>[vector<16xi32>, vector<16xi32>], vector<16xf32>,
        %get3A_1044 = arith.constant 144 : index
        %get3A_1045 = tpu.vector_load %arg11[%get3A_1044] {strides = array<i32>} : memref<256xf32, #tpu.memory_space<vmem>>, vector<16xf32>,
        %get3A_1046 = arith.constant 144 : index
        %get3A_1047 = tpu.vector_load %arg12[%get3A_1046] {strides = array<i32>} : memref<256xf32, #tpu.memory_space<vmem>>, vector<16xf32>,
        %get3A_1048 = arith.constant 144 : index
        %get3A_1049 = tpu.vector_load %arg13[%get3A_1048] {strides = array<i32>} : memref<256xf32, #tpu.memory_space<vmem>>, vector<16xf32>,
        %add3A_1050 = arith.constant 1.000000e+01 : f32
        %add3A_1051 = vector.broadcast %add3A_1050 : f32 to vector<16xf32>
        %add3A_1052 = arith.addf %get3A_1045, %add3A_1051 : vector<16xf32>
        %add3A_1053 = arith.constant 0x4B400000 : f32
        %add3A_1054 = vector.broadcast %add3A_1053 : f32 to vector<16xf32>
        %add3A_1055 = arith.addf %add3A_1052, %add3A_1054 : vector<16xf32>
        %sub3A_1056 = arith.constant 0x4B400000 : f32
        %sub3A_1057 = vector.broadcast %sub3A_1056 : f32 to vector<16xf32>
        %sub3A_1058 = arith.subf %add3A_1055, %sub3A_1057 : vector<16xf32>
        %add3A_1059 = arith.constant 1.000000e+01 : f32
        %add3A_1060 = vector.broadcast %add3A_1059 : f32 to vector<16xf32>
        %add3A_1061 = arith.addf %get3A_1047, %add3A_1060 : vector<16xf32>
        %add3A_1062 = arith.constant 0x4B400000 : f32
        %add3A_1063 = vector.broadcast %add3A_1062 : f32 to vector<16xf32>
        %add3A_1064 = arith.addf %add3A_1061, %add3A_1063 : vector<16xf32>
        %sub3A_1065 = arith.constant 0x4B400000 : f32
        %sub3A_1066 = vector.broadcast %sub3A_1065 : f32 to vector<16xf32>
        %sub3A_1067 = arith.subf %add3A_1064, %sub3A_1066 : vector<16xf32>
        %add3A_1068 = arith.constant 1.000000e+01 : f32
        %add3A_1069 = vector.broadcast %add3A_1068 : f32 to vector<16xf32>
        %add3A_1070 = arith.addf %get3A_1049, %add3A_1069 : vector<16xf32>
        %add3A_1071 = arith.constant 0x4B400000 : f32
        %add3A_1072 = vector.broadcast %add3A_1071 : f32 to vector<16xf32>
        %add3A_1073 = arith.addf %add3A_1070, %add3A_1072 : vector<16xf32>
        %sub3A_1074 = arith.constant 0x4B400000 : f32
        %sub3A_1075 = vector.broadcast %sub3A_1074 : f32 to vector<16xf32>
        %sub3A_1076 = arith.subf %add3A_1073, %sub3A_1075 : vector<16xf32>
        %max3A_1077 = arith.constant 0.000000e+00 : f32
        %max3A_1078 = vector.broadcast %max3A_1077 : f32 to vector<16xf32>
        %max3A_1079 = arith.maximumf %sub3A_1058, %max3A_1078 : vector<16xf32>
        %min3A_1080 = arith.constant 2.000000e+01 : f32
        %min3A_1081 = vector.broadcast %min3A_1080 : f32 to vector<16xf32>
        %min3A_1082 = arith.minimumf %max3A_1079, %min3A_1081 : vector<16xf32>
        %max3A_1083 = arith.constant 0.000000e+00 : f32
        %max3A_1084 = vector.broadcast %max3A_1083 : f32 to vector<16xf32>
        %max3A_1085 = arith.maximumf %sub3A_1067, %max3A_1084 : vector<16xf32>
        %min3A_1086 = arith.constant 2.000000e+01 : f32
        %min3A_1087 = vector.broadcast %min3A_1086 : f32 to vector<16xf32>
        %min3A_1088 = arith.minimumf %max3A_1085, %min3A_1087 : vector<16xf32>
        %max3A_1089 = arith.constant 0.000000e+00 : f32
        %max3A_1090 = vector.broadcast %max3A_1089 : f32 to vector<16xf32>
        %max3A_1091 = arith.maximumf %sub3A_1076, %max3A_1090 : vector<16xf32>
        %min3A_1092 = arith.constant 2.000000e+01 : f32
        %min3A_1093 = vector.broadcast %min3A_1092 : f32 to vector<16xf32>
        %min3A_1094 = arith.minimumf %max3A_1091, %min3A_1093 : vector<16xf32>
        %eq3A_1095 = arith.cmpf oeq, %sub3A_1058, %min3A_1082 : vector<16xf32>
        %eq3A_1096 = arith.cmpf oeq, %sub3A_1067, %min3A_1088 : vector<16xf32>
        %and3A_1097 = arith.andi %eq3A_1095, %eq3A_1096 : vector<16xi1>
        %eq3A_1098 = arith.cmpf oeq, %sub3A_1076, %min3A_1094 : vector<16xf32>
        %and3A_1099 = arith.andi %and3A_1097, %eq3A_1098 : vector<16xi1>
        %mul3A_1100 = arith.constant 4.410000e+02 : f32
        %mul3A_1101 = vector.broadcast %mul3A_1100 : f32 to vector<16xf32>
        %mul3A_1102 = arith.mulf %min3A_1082, %mul3A_1101 : vector<16xf32>
        %mul3A_1103 = arith.constant 2.100000e+01 : f32
        %mul3A_1104 = vector.broadcast %mul3A_1103 : f32 to vector<16xf32>
        %mul3A_1105 = arith.mulf %min3A_1088, %mul3A_1104 : vector<16xf32>
        %add3A_1106 = arith.addf %mul3A_1102, %mul3A_1105 : vector<16xf32>
        %add3A_1107 = arith.addf %add3A_1106, %min3A_1094 : vector<16xf32>
        %convert_element_type3A_1108 = arith.fptosi %add3A_1107 : vector<16xf32> to vector<16xi32>
        %jit3A_1109 = arith.constant 9261 : i32
        %broadcast_in_dim3A_1110 = vector.broadcast %jit3A_1109 : i32 to vector<16xi32>
        %select_n3A_1111 = arith.select %and3A_1099, %convert_element_type3A_1108, %broadcast_in_dim3A_1110 : vector<16xi1>, vector<16xi32>
        %get3A_1112 = arith.constant 144 : index
        %get3A_1113 = tpu.vector_load %arg14[%get3A_1112] {strides = array<i32>} : memref<2048xf32, #tpu.memory_space<vmem>>, vector<16xf32>,
        tpu.vector_store_idx %arg15[%broadcast_in_dim3A_33, %select_n3A_1111], %get3A_1113 {add = true} : memref<8x9344xf32, #tpu.memory_space<vmem>>[vector<16xi32>, vector<16xi32>], vector<16xf32>,
        %get3A_1114 = arith.constant 400 : index
        %get3A_1115 = tpu.vector_load %arg14[%get3A_1114] {strides = array<i32>} : memref<2048xf32, #tpu.memory_space<vmem>>, vector<16xf32>,
        tpu.vector_store_idx %arg15[%broadcast_in_dim3A_35, %select_n3A_1111], %get3A_1115 {add = true} : memref<8x9344xf32, #tpu.memory_space<vmem>>[vector<16xi32>, vector<16xi32>], vector<16xf32>,
        %get3A_1116 = arith.constant 656 : index
        %get3A_1117 = tpu.vector_load %arg14[%get3A_1116] {strides = array<i32>} : memref<2048xf32, #tpu.memory_space<vmem>>, vector<16xf32>,
        tpu.vector_store_idx %arg15[%broadcast_in_dim3A_37, %select_n3A_1111], %get3A_1117 {add = true} : memref<8x9344xf32, #tpu.memory_space<vmem>>[vector<16xi32>, vector<16xi32>], vector<16xf32>,
        %get3A_1118 = arith.constant 912 : index
        %get3A_1119 = tpu.vector_load %arg14[%get3A_1118] {strides = array<i32>} : memref<2048xf32, #tpu.memory_space<vmem>>, vector<16xf32>,
        tpu.vector_store_idx %arg15[%broadcast_in_dim3A_39, %select_n3A_1111], %get3A_1119 {add = true} : memref<8x9344xf32, #tpu.memory_space<vmem>>[vector<16xi32>, vector<16xi32>], vector<16xf32>,
        %get3A_1120 = arith.constant 1168 : index
        %get3A_1121 = tpu.vector_load %arg14[%get3A_1120] {strides = array<i32>} : memref<2048xf32, #tpu.memory_space<vmem>>, vector<16xf32>,
        tpu.vector_store_idx %arg15[%broadcast_in_dim3A_41, %select_n3A_1111], %get3A_1121 {add = true} : memref<8x9344xf32, #tpu.memory_space<vmem>>[vector<16xi32>, vector<16xi32>], vector<16xf32>,
        %get3A_1122 = arith.constant 1424 : index
        %get3A_1123 = tpu.vector_load %arg14[%get3A_1122] {strides = array<i32>} : memref<2048xf32, #tpu.memory_space<vmem>>, vector<16xf32>,
        tpu.vector_store_idx %arg15[%broadcast_in_dim3A_43, %select_n3A_1111], %get3A_1123 {add = true} : memref<8x9344xf32, #tpu.memory_space<vmem>>[vector<16xi32>, vector<16xi32>], vector<16xf32>,
        %get3A_1124 = arith.constant 1680 : index
        %get3A_1125 = tpu.vector_load %arg14[%get3A_1124] {strides = array<i32>} : memref<2048xf32, #tpu.memory_space<vmem>>, vector<16xf32>,
        tpu.vector_store_idx %arg15[%broadcast_in_dim3A_45, %select_n3A_1111], %get3A_1125 {add = true} : memref<8x9344xf32, #tpu.memory_space<vmem>>[vector<16xi32>, vector<16xi32>], vector<16xf32>,
        %get3A_1126 = arith.constant 1936 : index
        %get3A_1127 = tpu.vector_load %arg14[%get3A_1126] {strides = array<i32>} : memref<2048xf32, #tpu.memory_space<vmem>>, vector<16xf32>,
        tpu.vector_store_idx %arg15[%broadcast_in_dim3A_47, %select_n3A_1111], %get3A_1127 {add = true} : memref<8x9344xf32, #tpu.memory_space<vmem>>[vector<16xi32>, vector<16xi32>], vector<16xf32>,
        %get3A_1128 = arith.constant 160 : index
        %get3A_1129 = tpu.vector_load %arg11[%get3A_1128] {strides = array<i32>} : memref<256xf32, #tpu.memory_space<vmem>>, vector<16xf32>,
        %get3A_1130 = arith.constant 160 : index
        %get3A_1131 = tpu.vector_load %arg12[%get3A_1130] {strides = array<i32>} : memref<256xf32, #tpu.memory_space<vmem>>, vector<16xf32>,
        %get3A_1132 = arith.constant 160 : index
        %get3A_1133 = tpu.vector_load %arg13[%get3A_1132] {strides = array<i32>} : memref<256xf32, #tpu.memory_space<vmem>>, vector<16xf32>,
        %add3A_1134 = arith.constant 1.000000e+01 : f32
        %add3A_1135 = vector.broadcast %add3A_1134 : f32 to vector<16xf32>
        %add3A_1136 = arith.addf %get3A_1129, %add3A_1135 : vector<16xf32>
        %add3A_1137 = arith.constant 0x4B400000 : f32
        %add3A_1138 = vector.broadcast %add3A_1137 : f32 to vector<16xf32>
        %add3A_1139 = arith.addf %add3A_1136, %add3A_1138 : vector<16xf32>
        %sub3A_1140 = arith.constant 0x4B400000 : f32
        %sub3A_1141 = vector.broadcast %sub3A_1140 : f32 to vector<16xf32>
        %sub3A_1142 = arith.subf %add3A_1139, %sub3A_1141 : vector<16xf32>
        %add3A_1143 = arith.constant 1.000000e+01 : f32
        %add3A_1144 = vector.broadcast %add3A_1143 : f32 to vector<16xf32>
        %add3A_1145 = arith.addf %get3A_1131, %add3A_1144 : vector<16xf32>
        %add3A_1146 = arith.constant 0x4B400000 : f32
        %add3A_1147 = vector.broadcast %add3A_1146 : f32 to vector<16xf32>
        %add3A_1148 = arith.addf %add3A_1145, %add3A_1147 : vector<16xf32>
        %sub3A_1149 = arith.constant 0x4B400000 : f32
        %sub3A_1150 = vector.broadcast %sub3A_1149 : f32 to vector<16xf32>
        %sub3A_1151 = arith.subf %add3A_1148, %sub3A_1150 : vector<16xf32>
        %add3A_1152 = arith.constant 1.000000e+01 : f32
        %add3A_1153 = vector.broadcast %add3A_1152 : f32 to vector<16xf32>
        %add3A_1154 = arith.addf %get3A_1133, %add3A_1153 : vector<16xf32>
        %add3A_1155 = arith.constant 0x4B400000 : f32
        %add3A_1156 = vector.broadcast %add3A_1155 : f32 to vector<16xf32>
        %add3A_1157 = arith.addf %add3A_1154, %add3A_1156 : vector<16xf32>
        %sub3A_1158 = arith.constant 0x4B400000 : f32
        %sub3A_1159 = vector.broadcast %sub3A_1158 : f32 to vector<16xf32>
        %sub3A_1160 = arith.subf %add3A_1157, %sub3A_1159 : vector<16xf32>
        %max3A_1161 = arith.constant 0.000000e+00 : f32
        %max3A_1162 = vector.broadcast %max3A_1161 : f32 to vector<16xf32>
        %max3A_1163 = arith.maximumf %sub3A_1142, %max3A_1162 : vector<16xf32>
        %min3A_1164 = arith.constant 2.000000e+01 : f32
        %min3A_1165 = vector.broadcast %min3A_1164 : f32 to vector<16xf32>
        %min3A_1166 = arith.minimumf %max3A_1163, %min3A_1165 : vector<16xf32>
        %max3A_1167 = arith.constant 0.000000e+00 : f32
        %max3A_1168 = vector.broadcast %max3A_1167 : f32 to vector<16xf32>
        %max3A_1169 = arith.maximumf %sub3A_1151, %max3A_1168 : vector<16xf32>
        %min3A_1170 = arith.constant 2.000000e+01 : f32
        %min3A_1171 = vector.broadcast %min3A_1170 : f32 to vector<16xf32>
        %min3A_1172 = arith.minimumf %max3A_1169, %min3A_1171 : vector<16xf32>
        %max3A_1173 = arith.constant 0.000000e+00 : f32
        %max3A_1174 = vector.broadcast %max3A_1173 : f32 to vector<16xf32>
        %max3A_1175 = arith.maximumf %sub3A_1160, %max3A_1174 : vector<16xf32>
        %min3A_1176 = arith.constant 2.000000e+01 : f32
        %min3A_1177 = vector.broadcast %min3A_1176 : f32 to vector<16xf32>
        %min3A_1178 = arith.minimumf %max3A_1175, %min3A_1177 : vector<16xf32>
        %eq3A_1179 = arith.cmpf oeq, %sub3A_1142, %min3A_1166 : vector<16xf32>
        %eq3A_1180 = arith.cmpf oeq, %sub3A_1151, %min3A_1172 : vector<16xf32>
        %and3A_1181 = arith.andi %eq3A_1179, %eq3A_1180 : vector<16xi1>
        %eq3A_1182 = arith.cmpf oeq, %sub3A_1160, %min3A_1178 : vector<16xf32>
        %and3A_1183 = arith.andi %and3A_1181, %eq3A_1182 : vector<16xi1>
        %mul3A_1184 = arith.constant 4.410000e+02 : f32
        %mul3A_1185 = vector.broadcast %mul3A_1184 : f32 to vector<16xf32>
        %mul3A_1186 = arith.mulf %min3A_1166, %mul3A_1185 : vector<16xf32>
        %mul3A_1187 = arith.constant 2.100000e+01 : f32
        %mul3A_1188 = vector.broadcast %mul3A_1187 : f32 to vector<16xf32>
        %mul3A_1189 = arith.mulf %min3A_1172, %mul3A_1188 : vector<16xf32>
        %add3A_1190 = arith.addf %mul3A_1186, %mul3A_1189 : vector<16xf32>
        %add3A_1191 = arith.addf %add3A_1190, %min3A_1178 : vector<16xf32>
        %convert_element_type3A_1192 = arith.fptosi %add3A_1191 : vector<16xf32> to vector<16xi32>
        %jit3A_1193 = arith.constant 9261 : i32
        %broadcast_in_dim3A_1194 = vector.broadcast %jit3A_1193 : i32 to vector<16xi32>
        %select_n3A_1195 = arith.select %and3A_1183, %convert_element_type3A_1192, %broadcast_in_dim3A_1194 : vector<16xi1>, vector<16xi32>
        %get3A_1196 = arith.constant 160 : index
        %get3A_1197 = tpu.vector_load %arg14[%get3A_1196] {strides = array<i32>} : memref<2048xf32, #tpu.memory_space<vmem>>, vector<16xf32>,
        tpu.vector_store_idx %arg15[%broadcast_in_dim3A_33, %select_n3A_1195], %get3A_1197 {add = true} : memref<8x9344xf32, #tpu.memory_space<vmem>>[vector<16xi32>, vector<16xi32>], vector<16xf32>,
        %get3A_1198 = arith.constant 416 : index
        %get3A_1199 = tpu.vector_load %arg14[%get3A_1198] {strides = array<i32>} : memref<2048xf32, #tpu.memory_space<vmem>>, vector<16xf32>,
        tpu.vector_store_idx %arg15[%broadcast_in_dim3A_35, %select_n3A_1195], %get3A_1199 {add = true} : memref<8x9344xf32, #tpu.memory_space<vmem>>[vector<16xi32>, vector<16xi32>], vector<16xf32>,
        %get3A_1200 = arith.constant 672 : index
        %get3A_1201 = tpu.vector_load %arg14[%get3A_1200] {strides = array<i32>} : memref<2048xf32, #tpu.memory_space<vmem>>, vector<16xf32>,
        tpu.vector_store_idx %arg15[%broadcast_in_dim3A_37, %select_n3A_1195], %get3A_1201 {add = true} : memref<8x9344xf32, #tpu.memory_space<vmem>>[vector<16xi32>, vector<16xi32>], vector<16xf32>,
        %get3A_1202 = arith.constant 928 : index
        %get3A_1203 = tpu.vector_load %arg14[%get3A_1202] {strides = array<i32>} : memref<2048xf32, #tpu.memory_space<vmem>>, vector<16xf32>,
        tpu.vector_store_idx %arg15[%broadcast_in_dim3A_39, %select_n3A_1195], %get3A_1203 {add = true} : memref<8x9344xf32, #tpu.memory_space<vmem>>[vector<16xi32>, vector<16xi32>], vector<16xf32>,
        %get3A_1204 = arith.constant 1184 : index
        %get3A_1205 = tpu.vector_load %arg14[%get3A_1204] {strides = array<i32>} : memref<2048xf32, #tpu.memory_space<vmem>>, vector<16xf32>,
        tpu.vector_store_idx %arg15[%broadcast_in_dim3A_41, %select_n3A_1195], %get3A_1205 {add = true} : memref<8x9344xf32, #tpu.memory_space<vmem>>[vector<16xi32>, vector<16xi32>], vector<16xf32>,
        %get3A_1206 = arith.constant 1440 : index
        %get3A_1207 = tpu.vector_load %arg14[%get3A_1206] {strides = array<i32>} : memref<2048xf32, #tpu.memory_space<vmem>>, vector<16xf32>,
        tpu.vector_store_idx %arg15[%broadcast_in_dim3A_43, %select_n3A_1195], %get3A_1207 {add = true} : memref<8x9344xf32, #tpu.memory_space<vmem>>[vector<16xi32>, vector<16xi32>], vector<16xf32>,
        %get3A_1208 = arith.constant 1696 : index
        %get3A_1209 = tpu.vector_load %arg14[%get3A_1208] {strides = array<i32>} : memref<2048xf32, #tpu.memory_space<vmem>>, vector<16xf32>,
        tpu.vector_store_idx %arg15[%broadcast_in_dim3A_45, %select_n3A_1195], %get3A_1209 {add = true} : memref<8x9344xf32, #tpu.memory_space<vmem>>[vector<16xi32>, vector<16xi32>], vector<16xf32>,
        %get3A_1210 = arith.constant 1952 : index
        %get3A_1211 = tpu.vector_load %arg14[%get3A_1210] {strides = array<i32>} : memref<2048xf32, #tpu.memory_space<vmem>>, vector<16xf32>,
        tpu.vector_store_idx %arg15[%broadcast_in_dim3A_47, %select_n3A_1195], %get3A_1211 {add = true} : memref<8x9344xf32, #tpu.memory_space<vmem>>[vector<16xi32>, vector<16xi32>], vector<16xf32>,
        %get3A_1212 = arith.constant 176 : index
        %get3A_1213 = tpu.vector_load %arg11[%get3A_1212] {strides = array<i32>} : memref<256xf32, #tpu.memory_space<vmem>>, vector<16xf32>,
        %get3A_1214 = arith.constant 176 : index
        %get3A_1215 = tpu.vector_load %arg12[%get3A_1214] {strides = array<i32>} : memref<256xf32, #tpu.memory_space<vmem>>, vector<16xf32>,
        %get3A_1216 = arith.constant 176 : index
        %get3A_1217 = tpu.vector_load %arg13[%get3A_1216] {strides = array<i32>} : memref<256xf32, #tpu.memory_space<vmem>>, vector<16xf32>,
        %add3A_1218 = arith.constant 1.000000e+01 : f32
        %add3A_1219 = vector.broadcast %add3A_1218 : f32 to vector<16xf32>
        %add3A_1220 = arith.addf %get3A_1213, %add3A_1219 : vector<16xf32>
        %add3A_1221 = arith.constant 0x4B400000 : f32
        %add3A_1222 = vector.broadcast %add3A_1221 : f32 to vector<16xf32>
        %add3A_1223 = arith.addf %add3A_1220, %add3A_1222 : vector<16xf32>
        %sub3A_1224 = arith.constant 0x4B400000 : f32
        %sub3A_1225 = vector.broadcast %sub3A_1224 : f32 to vector<16xf32>
        %sub3A_1226 = arith.subf %add3A_1223, %sub3A_1225 : vector<16xf32>
        %add3A_1227 = arith.constant 1.000000e+01 : f32
        %add3A_1228 = vector.broadcast %add3A_1227 : f32 to vector<16xf32>
        %add3A_1229 = arith.addf %get3A_1215, %add3A_1228 : vector<16xf32>
        %add3A_1230 = arith.constant 0x4B400000 : f32
        %add3A_1231 = vector.broadcast %add3A_1230 : f32 to vector<16xf32>
        %add3A_1232 = arith.addf %add3A_1229, %add3A_1231 : vector<16xf32>
        %sub3A_1233 = arith.constant 0x4B400000 : f32
        %sub3A_1234 = vector.broadcast %sub3A_1233 : f32 to vector<16xf32>
        %sub3A_1235 = arith.subf %add3A_1232, %sub3A_1234 : vector<16xf32>
        %add3A_1236 = arith.constant 1.000000e+01 : f32
        %add3A_1237 = vector.broadcast %add3A_1236 : f32 to vector<16xf32>
        %add3A_1238 = arith.addf %get3A_1217, %add3A_1237 : vector<16xf32>
        %add3A_1239 = arith.constant 0x4B400000 : f32
        %add3A_1240 = vector.broadcast %add3A_1239 : f32 to vector<16xf32>
        %add3A_1241 = arith.addf %add3A_1238, %add3A_1240 : vector<16xf32>
        %sub3A_1242 = arith.constant 0x4B400000 : f32
        %sub3A_1243 = vector.broadcast %sub3A_1242 : f32 to vector<16xf32>
        %sub3A_1244 = arith.subf %add3A_1241, %sub3A_1243 : vector<16xf32>
        %max3A_1245 = arith.constant 0.000000e+00 : f32
        %max3A_1246 = vector.broadcast %max3A_1245 : f32 to vector<16xf32>
        %max3A_1247 = arith.maximumf %sub3A_1226, %max3A_1246 : vector<16xf32>
        %min3A_1248 = arith.constant 2.000000e+01 : f32
        %min3A_1249 = vector.broadcast %min3A_1248 : f32 to vector<16xf32>
        %min3A_1250 = arith.minimumf %max3A_1247, %min3A_1249 : vector<16xf32>
        %max3A_1251 = arith.constant 0.000000e+00 : f32
        %max3A_1252 = vector.broadcast %max3A_1251 : f32 to vector<16xf32>
        %max3A_1253 = arith.maximumf %sub3A_1235, %max3A_1252 : vector<16xf32>
        %min3A_1254 = arith.constant 2.000000e+01 : f32
        %min3A_1255 = vector.broadcast %min3A_1254 : f32 to vector<16xf32>
        %min3A_1256 = arith.minimumf %max3A_1253, %min3A_1255 : vector<16xf32>
        %max3A_1257 = arith.constant 0.000000e+00 : f32
        %max3A_1258 = vector.broadcast %max3A_1257 : f32 to vector<16xf32>
        %max3A_1259 = arith.maximumf %sub3A_1244, %max3A_1258 : vector<16xf32>
        %min3A_1260 = arith.constant 2.000000e+01 : f32
        %min3A_1261 = vector.broadcast %min3A_1260 : f32 to vector<16xf32>
        %min3A_1262 = arith.minimumf %max3A_1259, %min3A_1261 : vector<16xf32>
        %eq3A_1263 = arith.cmpf oeq, %sub3A_1226, %min3A_1250 : vector<16xf32>
        %eq3A_1264 = arith.cmpf oeq, %sub3A_1235, %min3A_1256 : vector<16xf32>
        %and3A_1265 = arith.andi %eq3A_1263, %eq3A_1264 : vector<16xi1>
        %eq3A_1266 = arith.cmpf oeq, %sub3A_1244, %min3A_1262 : vector<16xf32>
        %and3A_1267 = arith.andi %and3A_1265, %eq3A_1266 : vector<16xi1>
        %mul3A_1268 = arith.constant 4.410000e+02 : f32
        %mul3A_1269 = vector.broadcast %mul3A_1268 : f32 to vector<16xf32>
        %mul3A_1270 = arith.mulf %min3A_1250, %mul3A_1269 : vector<16xf32>
        %mul3A_1271 = arith.constant 2.100000e+01 : f32
        %mul3A_1272 = vector.broadcast %mul3A_1271 : f32 to vector<16xf32>
        %mul3A_1273 = arith.mulf %min3A_1256, %mul3A_1272 : vector<16xf32>
        %add3A_1274 = arith.addf %mul3A_1270, %mul3A_1273 : vector<16xf32>
        %add3A_1275 = arith.addf %add3A_1274, %min3A_1262 : vector<16xf32>
        %convert_element_type3A_1276 = arith.fptosi %add3A_1275 : vector<16xf32> to vector<16xi32>
        %jit3A_1277 = arith.constant 9261 : i32
        %broadcast_in_dim3A_1278 = vector.broadcast %jit3A_1277 : i32 to vector<16xi32>
        %select_n3A_1279 = arith.select %and3A_1267, %convert_element_type3A_1276, %broadcast_in_dim3A_1278 : vector<16xi1>, vector<16xi32>
        %get3A_1280 = arith.constant 176 : index
        %get3A_1281 = tpu.vector_load %arg14[%get3A_1280] {strides = array<i32>} : memref<2048xf32, #tpu.memory_space<vmem>>, vector<16xf32>,
        tpu.vector_store_idx %arg15[%broadcast_in_dim3A_33, %select_n3A_1279], %get3A_1281 {add = true} : memref<8x9344xf32, #tpu.memory_space<vmem>>[vector<16xi32>, vector<16xi32>], vector<16xf32>,
        %get3A_1282 = arith.constant 432 : index
        %get3A_1283 = tpu.vector_load %arg14[%get3A_1282] {strides = array<i32>} : memref<2048xf32, #tpu.memory_space<vmem>>, vector<16xf32>,
        tpu.vector_store_idx %arg15[%broadcast_in_dim3A_35, %select_n3A_1279], %get3A_1283 {add = true} : memref<8x9344xf32, #tpu.memory_space<vmem>>[vector<16xi32>, vector<16xi32>], vector<16xf32>,
        %get3A_1284 = arith.constant 688 : index
        %get3A_1285 = tpu.vector_load %arg14[%get3A_1284] {strides = array<i32>} : memref<2048xf32, #tpu.memory_space<vmem>>, vector<16xf32>,
        tpu.vector_store_idx %arg15[%broadcast_in_dim3A_37, %select_n3A_1279], %get3A_1285 {add = true} : memref<8x9344xf32, #tpu.memory_space<vmem>>[vector<16xi32>, vector<16xi32>], vector<16xf32>,
        %get3A_1286 = arith.constant 944 : index
        %get3A_1287 = tpu.vector_load %arg14[%get3A_1286] {strides = array<i32>} : memref<2048xf32, #tpu.memory_space<vmem>>, vector<16xf32>,
        tpu.vector_store_idx %arg15[%broadcast_in_dim3A_39, %select_n3A_1279], %get3A_1287 {add = true} : memref<8x9344xf32, #tpu.memory_space<vmem>>[vector<16xi32>, vector<16xi32>], vector<16xf32>,
        %get3A_1288 = arith.constant 1200 : index
        %get3A_1289 = tpu.vector_load %arg14[%get3A_1288] {strides = array<i32>} : memref<2048xf32, #tpu.memory_space<vmem>>, vector<16xf32>,
        tpu.vector_store_idx %arg15[%broadcast_in_dim3A_41, %select_n3A_1279], %get3A_1289 {add = true} : memref<8x9344xf32, #tpu.memory_space<vmem>>[vector<16xi32>, vector<16xi32>], vector<16xf32>,
        %get3A_1290 = arith.constant 1456 : index
        %get3A_1291 = tpu.vector_load %arg14[%get3A_1290] {strides = array<i32>} : memref<2048xf32, #tpu.memory_space<vmem>>, vector<16xf32>,
        tpu.vector_store_idx %arg15[%broadcast_in_dim3A_43, %select_n3A_1279], %get3A_1291 {add = true} : memref<8x9344xf32, #tpu.memory_space<vmem>>[vector<16xi32>, vector<16xi32>], vector<16xf32>,
        %get3A_1292 = arith.constant 1712 : index
        %get3A_1293 = tpu.vector_load %arg14[%get3A_1292] {strides = array<i32>} : memref<2048xf32, #tpu.memory_space<vmem>>, vector<16xf32>,
        tpu.vector_store_idx %arg15[%broadcast_in_dim3A_45, %select_n3A_1279], %get3A_1293 {add = true} : memref<8x9344xf32, #tpu.memory_space<vmem>>[vector<16xi32>, vector<16xi32>], vector<16xf32>,
        %get3A_1294 = arith.constant 1968 : index
        %get3A_1295 = tpu.vector_load %arg14[%get3A_1294] {strides = array<i32>} : memref<2048xf32, #tpu.memory_space<vmem>>, vector<16xf32>,
        tpu.vector_store_idx %arg15[%broadcast_in_dim3A_47, %select_n3A_1279], %get3A_1295 {add = true} : memref<8x9344xf32, #tpu.memory_space<vmem>>[vector<16xi32>, vector<16xi32>], vector<16xf32>,
        %get3A_1296 = arith.constant 192 : index
        %get3A_1297 = tpu.vector_load %arg11[%get3A_1296] {strides = array<i32>} : memref<256xf32, #tpu.memory_space<vmem>>, vector<16xf32>,
        %get3A_1298 = arith.constant 192 : index
        %get3A_1299 = tpu.vector_load %arg12[%get3A_1298] {strides = array<i32>} : memref<256xf32, #tpu.memory_space<vmem>>, vector<16xf32>,
        %get3A_1300 = arith.constant 192 : index
        %get3A_1301 = tpu.vector_load %arg13[%get3A_1300] {strides = array<i32>} : memref<256xf32, #tpu.memory_space<vmem>>, vector<16xf32>,
        %add3A_1302 = arith.constant 1.000000e+01 : f32
        %add3A_1303 = vector.broadcast %add3A_1302 : f32 to vector<16xf32>
        %add3A_1304 = arith.addf %get3A_1297, %add3A_1303 : vector<16xf32>
        %add3A_1305 = arith.constant 0x4B400000 : f32
        %add3A_1306 = vector.broadcast %add3A_1305 : f32 to vector<16xf32>
        %add3A_1307 = arith.addf %add3A_1304, %add3A_1306 : vector<16xf32>
        %sub3A_1308 = arith.constant 0x4B400000 : f32
        %sub3A_1309 = vector.broadcast %sub3A_1308 : f32 to vector<16xf32>
        %sub3A_1310 = arith.subf %add3A_1307, %sub3A_1309 : vector<16xf32>
        %add3A_1311 = arith.constant 1.000000e+01 : f32
        %add3A_1312 = vector.broadcast %add3A_1311 : f32 to vector<16xf32>
        %add3A_1313 = arith.addf %get3A_1299, %add3A_1312 : vector<16xf32>
        %add3A_1314 = arith.constant 0x4B400000 : f32
        %add3A_1315 = vector.broadcast %add3A_1314 : f32 to vector<16xf32>
        %add3A_1316 = arith.addf %add3A_1313, %add3A_1315 : vector<16xf32>
        %sub3A_1317 = arith.constant 0x4B400000 : f32
        %sub3A_1318 = vector.broadcast %sub3A_1317 : f32 to vector<16xf32>
        %sub3A_1319 = arith.subf %add3A_1316, %sub3A_1318 : vector<16xf32>
        %add3A_1320 = arith.constant 1.000000e+01 : f32
        %add3A_1321 = vector.broadcast %add3A_1320 : f32 to vector<16xf32>
        %add3A_1322 = arith.addf %get3A_1301, %add3A_1321 : vector<16xf32>
        %add3A_1323 = arith.constant 0x4B400000 : f32
        %add3A_1324 = vector.broadcast %add3A_1323 : f32 to vector<16xf32>
        %add3A_1325 = arith.addf %add3A_1322, %add3A_1324 : vector<16xf32>
        %sub3A_1326 = arith.constant 0x4B400000 : f32
        %sub3A_1327 = vector.broadcast %sub3A_1326 : f32 to vector<16xf32>
        %sub3A_1328 = arith.subf %add3A_1325, %sub3A_1327 : vector<16xf32>
        %max3A_1329 = arith.constant 0.000000e+00 : f32
        %max3A_1330 = vector.broadcast %max3A_1329 : f32 to vector<16xf32>
        %max3A_1331 = arith.maximumf %sub3A_1310, %max3A_1330 : vector<16xf32>
        %min3A_1332 = arith.constant 2.000000e+01 : f32
        %min3A_1333 = vector.broadcast %min3A_1332 : f32 to vector<16xf32>
        %min3A_1334 = arith.minimumf %max3A_1331, %min3A_1333 : vector<16xf32>
        %max3A_1335 = arith.constant 0.000000e+00 : f32
        %max3A_1336 = vector.broadcast %max3A_1335 : f32 to vector<16xf32>
        %max3A_1337 = arith.maximumf %sub3A_1319, %max3A_1336 : vector<16xf32>
        %min3A_1338 = arith.constant 2.000000e+01 : f32
        %min3A_1339 = vector.broadcast %min3A_1338 : f32 to vector<16xf32>
        %min3A_1340 = arith.minimumf %max3A_1337, %min3A_1339 : vector<16xf32>
        %max3A_1341 = arith.constant 0.000000e+00 : f32
        %max3A_1342 = vector.broadcast %max3A_1341 : f32 to vector<16xf32>
        %max3A_1343 = arith.maximumf %sub3A_1328, %max3A_1342 : vector<16xf32>
        %min3A_1344 = arith.constant 2.000000e+01 : f32
        %min3A_1345 = vector.broadcast %min3A_1344 : f32 to vector<16xf32>
        %min3A_1346 = arith.minimumf %max3A_1343, %min3A_1345 : vector<16xf32>
        %eq3A_1347 = arith.cmpf oeq, %sub3A_1310, %min3A_1334 : vector<16xf32>
        %eq3A_1348 = arith.cmpf oeq, %sub3A_1319, %min3A_1340 : vector<16xf32>
        %and3A_1349 = arith.andi %eq3A_1347, %eq3A_1348 : vector<16xi1>
        %eq3A_1350 = arith.cmpf oeq, %sub3A_1328, %min3A_1346 : vector<16xf32>
        %and3A_1351 = arith.andi %and3A_1349, %eq3A_1350 : vector<16xi1>
        %mul3A_1352 = arith.constant 4.410000e+02 : f32
        %mul3A_1353 = vector.broadcast %mul3A_1352 : f32 to vector<16xf32>
        %mul3A_1354 = arith.mulf %min3A_1334, %mul3A_1353 : vector<16xf32>
        %mul3A_1355 = arith.constant 2.100000e+01 : f32
        %mul3A_1356 = vector.broadcast %mul3A_1355 : f32 to vector<16xf32>
        %mul3A_1357 = arith.mulf %min3A_1340, %mul3A_1356 : vector<16xf32>
        %add3A_1358 = arith.addf %mul3A_1354, %mul3A_1357 : vector<16xf32>
        %add3A_1359 = arith.addf %add3A_1358, %min3A_1346 : vector<16xf32>
        %convert_element_type3A_1360 = arith.fptosi %add3A_1359 : vector<16xf32> to vector<16xi32>
        %jit3A_1361 = arith.constant 9261 : i32
        %broadcast_in_dim3A_1362 = vector.broadcast %jit3A_1361 : i32 to vector<16xi32>
        %select_n3A_1363 = arith.select %and3A_1351, %convert_element_type3A_1360, %broadcast_in_dim3A_1362 : vector<16xi1>, vector<16xi32>
        %get3A_1364 = arith.constant 192 : index
        %get3A_1365 = tpu.vector_load %arg14[%get3A_1364] {strides = array<i32>} : memref<2048xf32, #tpu.memory_space<vmem>>, vector<16xf32>,
        tpu.vector_store_idx %arg15[%broadcast_in_dim3A_33, %select_n3A_1363], %get3A_1365 {add = true} : memref<8x9344xf32, #tpu.memory_space<vmem>>[vector<16xi32>, vector<16xi32>], vector<16xf32>,
        %get3A_1366 = arith.constant 448 : index
        %get3A_1367 = tpu.vector_load %arg14[%get3A_1366] {strides = array<i32>} : memref<2048xf32, #tpu.memory_space<vmem>>, vector<16xf32>,
        tpu.vector_store_idx %arg15[%broadcast_in_dim3A_35, %select_n3A_1363], %get3A_1367 {add = true} : memref<8x9344xf32, #tpu.memory_space<vmem>>[vector<16xi32>, vector<16xi32>], vector<16xf32>,
        %get3A_1368 = arith.constant 704 : index
        %get3A_1369 = tpu.vector_load %arg14[%get3A_1368] {strides = array<i32>} : memref<2048xf32, #tpu.memory_space<vmem>>, vector<16xf32>,
        tpu.vector_store_idx %arg15[%broadcast_in_dim3A_37, %select_n3A_1363], %get3A_1369 {add = true} : memref<8x9344xf32, #tpu.memory_space<vmem>>[vector<16xi32>, vector<16xi32>], vector<16xf32>,
        %get3A_1370 = arith.constant 960 : index
        %get3A_1371 = tpu.vector_load %arg14[%get3A_1370] {strides = array<i32>} : memref<2048xf32, #tpu.memory_space<vmem>>, vector<16xf32>,
        tpu.vector_store_idx %arg15[%broadcast_in_dim3A_39, %select_n3A_1363], %get3A_1371 {add = true} : memref<8x9344xf32, #tpu.memory_space<vmem>>[vector<16xi32>, vector<16xi32>], vector<16xf32>,
        %get3A_1372 = arith.constant 1216 : index
        %get3A_1373 = tpu.vector_load %arg14[%get3A_1372] {strides = array<i32>} : memref<2048xf32, #tpu.memory_space<vmem>>, vector<16xf32>,
        tpu.vector_store_idx %arg15[%broadcast_in_dim3A_41, %select_n3A_1363], %get3A_1373 {add = true} : memref<8x9344xf32, #tpu.memory_space<vmem>>[vector<16xi32>, vector<16xi32>], vector<16xf32>,
        %get3A_1374 = arith.constant 1472 : index
        %get3A_1375 = tpu.vector_load %arg14[%get3A_1374] {strides = array<i32>} : memref<2048xf32, #tpu.memory_space<vmem>>, vector<16xf32>,
        tpu.vector_store_idx %arg15[%broadcast_in_dim3A_43, %select_n3A_1363], %get3A_1375 {add = true} : memref<8x9344xf32, #tpu.memory_space<vmem>>[vector<16xi32>, vector<16xi32>], vector<16xf32>,
        %get3A_1376 = arith.constant 1728 : index
        %get3A_1377 = tpu.vector_load %arg14[%get3A_1376] {strides = array<i32>} : memref<2048xf32, #tpu.memory_space<vmem>>, vector<16xf32>,
        tpu.vector_store_idx %arg15[%broadcast_in_dim3A_45, %select_n3A_1363], %get3A_1377 {add = true} : memref<8x9344xf32, #tpu.memory_space<vmem>>[vector<16xi32>, vector<16xi32>], vector<16xf32>,
        %get3A_1378 = arith.constant 1984 : index
        %get3A_1379 = tpu.vector_load %arg14[%get3A_1378] {strides = array<i32>} : memref<2048xf32, #tpu.memory_space<vmem>>, vector<16xf32>,
        tpu.vector_store_idx %arg15[%broadcast_in_dim3A_47, %select_n3A_1363], %get3A_1379 {add = true} : memref<8x9344xf32, #tpu.memory_space<vmem>>[vector<16xi32>, vector<16xi32>], vector<16xf32>,
        %get3A_1380 = arith.constant 208 : index
        %get3A_1381 = tpu.vector_load %arg11[%get3A_1380] {strides = array<i32>} : memref<256xf32, #tpu.memory_space<vmem>>, vector<16xf32>,
        %get3A_1382 = arith.constant 208 : index
        %get3A_1383 = tpu.vector_load %arg12[%get3A_1382] {strides = array<i32>} : memref<256xf32, #tpu.memory_space<vmem>>, vector<16xf32>,
        %get3A_1384 = arith.constant 208 : index
        %get3A_1385 = tpu.vector_load %arg13[%get3A_1384] {strides = array<i32>} : memref<256xf32, #tpu.memory_space<vmem>>, vector<16xf32>,
        %add3A_1386 = arith.constant 1.000000e+01 : f32
        %add3A_1387 = vector.broadcast %add3A_1386 : f32 to vector<16xf32>
        %add3A_1388 = arith.addf %get3A_1381, %add3A_1387 : vector<16xf32>
        %add3A_1389 = arith.constant 0x4B400000 : f32
        %add3A_1390 = vector.broadcast %add3A_1389 : f32 to vector<16xf32>
        %add3A_1391 = arith.addf %add3A_1388, %add3A_1390 : vector<16xf32>
        %sub3A_1392 = arith.constant 0x4B400000 : f32
        %sub3A_1393 = vector.broadcast %sub3A_1392 : f32 to vector<16xf32>
        %sub3A_1394 = arith.subf %add3A_1391, %sub3A_1393 : vector<16xf32>
        %add3A_1395 = arith.constant 1.000000e+01 : f32
        %add3A_1396 = vector.broadcast %add3A_1395 : f32 to vector<16xf32>
        %add3A_1397 = arith.addf %get3A_1383, %add3A_1396 : vector<16xf32>
        %add3A_1398 = arith.constant 0x4B400000 : f32
        %add3A_1399 = vector.broadcast %add3A_1398 : f32 to vector<16xf32>
        %add3A_1400 = arith.addf %add3A_1397, %add3A_1399 : vector<16xf32>
        %sub3A_1401 = arith.constant 0x4B400000 : f32
        %sub3A_1402 = vector.broadcast %sub3A_1401 : f32 to vector<16xf32>
        %sub3A_1403 = arith.subf %add3A_1400, %sub3A_1402 : vector<16xf32>
        %add3A_1404 = arith.constant 1.000000e+01 : f32
        %add3A_1405 = vector.broadcast %add3A_1404 : f32 to vector<16xf32>
        %add3A_1406 = arith.addf %get3A_1385, %add3A_1405 : vector<16xf32>
        %add3A_1407 = arith.constant 0x4B400000 : f32
        %add3A_1408 = vector.broadcast %add3A_1407 : f32 to vector<16xf32>
        %add3A_1409 = arith.addf %add3A_1406, %add3A_1408 : vector<16xf32>
        %sub3A_1410 = arith.constant 0x4B400000 : f32
        %sub3A_1411 = vector.broadcast %sub3A_1410 : f32 to vector<16xf32>
        %sub3A_1412 = arith.subf %add3A_1409, %sub3A_1411 : vector<16xf32>
        %max3A_1413 = arith.constant 0.000000e+00 : f32
        %max3A_1414 = vector.broadcast %max3A_1413 : f32 to vector<16xf32>
        %max3A_1415 = arith.maximumf %sub3A_1394, %max3A_1414 : vector<16xf32>
        %min3A_1416 = arith.constant 2.000000e+01 : f32
        %min3A_1417 = vector.broadcast %min3A_1416 : f32 to vector<16xf32>
        %min3A_1418 = arith.minimumf %max3A_1415, %min3A_1417 : vector<16xf32>
        %max3A_1419 = arith.constant 0.000000e+00 : f32
        %max3A_1420 = vector.broadcast %max3A_1419 : f32 to vector<16xf32>
        %max3A_1421 = arith.maximumf %sub3A_1403, %max3A_1420 : vector<16xf32>
        %min3A_1422 = arith.constant 2.000000e+01 : f32
        %min3A_1423 = vector.broadcast %min3A_1422 : f32 to vector<16xf32>
        %min3A_1424 = arith.minimumf %max3A_1421, %min3A_1423 : vector<16xf32>
        %max3A_1425 = arith.constant 0.000000e+00 : f32
        %max3A_1426 = vector.broadcast %max3A_1425 : f32 to vector<16xf32>
        %max3A_1427 = arith.maximumf %sub3A_1412, %max3A_1426 : vector<16xf32>
        %min3A_1428 = arith.constant 2.000000e+01 : f32
        %min3A_1429 = vector.broadcast %min3A_1428 : f32 to vector<16xf32>
        %min3A_1430 = arith.minimumf %max3A_1427, %min3A_1429 : vector<16xf32>
        %eq3A_1431 = arith.cmpf oeq, %sub3A_1394, %min3A_1418 : vector<16xf32>
        %eq3A_1432 = arith.cmpf oeq, %sub3A_1403, %min3A_1424 : vector<16xf32>
        %and3A_1433 = arith.andi %eq3A_1431, %eq3A_1432 : vector<16xi1>
        %eq3A_1434 = arith.cmpf oeq, %sub3A_1412, %min3A_1430 : vector<16xf32>
        %and3A_1435 = arith.andi %and3A_1433, %eq3A_1434 : vector<16xi1>
        %mul3A_1436 = arith.constant 4.410000e+02 : f32
        %mul3A_1437 = vector.broadcast %mul3A_1436 : f32 to vector<16xf32>
        %mul3A_1438 = arith.mulf %min3A_1418, %mul3A_1437 : vector<16xf32>
        %mul3A_1439 = arith.constant 2.100000e+01 : f32
        %mul3A_1440 = vector.broadcast %mul3A_1439 : f32 to vector<16xf32>
        %mul3A_1441 = arith.mulf %min3A_1424, %mul3A_1440 : vector<16xf32>
        %add3A_1442 = arith.addf %mul3A_1438, %mul3A_1441 : vector<16xf32>
        %add3A_1443 = arith.addf %add3A_1442, %min3A_1430 : vector<16xf32>
        %convert_element_type3A_1444 = arith.fptosi %add3A_1443 : vector<16xf32> to vector<16xi32>
        %jit3A_1445 = arith.constant 9261 : i32
        %broadcast_in_dim3A_1446 = vector.broadcast %jit3A_1445 : i32 to vector<16xi32>
        %select_n3A_1447 = arith.select %and3A_1435, %convert_element_type3A_1444, %broadcast_in_dim3A_1446 : vector<16xi1>, vector<16xi32>
        %get3A_1448 = arith.constant 208 : index
        %get3A_1449 = tpu.vector_load %arg14[%get3A_1448] {strides = array<i32>} : memref<2048xf32, #tpu.memory_space<vmem>>, vector<16xf32>,
        tpu.vector_store_idx %arg15[%broadcast_in_dim3A_33, %select_n3A_1447], %get3A_1449 {add = true} : memref<8x9344xf32, #tpu.memory_space<vmem>>[vector<16xi32>, vector<16xi32>], vector<16xf32>,
        %get3A_1450 = arith.constant 464 : index
        %get3A_1451 = tpu.vector_load %arg14[%get3A_1450] {strides = array<i32>} : memref<2048xf32, #tpu.memory_space<vmem>>, vector<16xf32>,
        tpu.vector_store_idx %arg15[%broadcast_in_dim3A_35, %select_n3A_1447], %get3A_1451 {add = true} : memref<8x9344xf32, #tpu.memory_space<vmem>>[vector<16xi32>, vector<16xi32>], vector<16xf32>,
        %get3A_1452 = arith.constant 720 : index
        %get3A_1453 = tpu.vector_load %arg14[%get3A_1452] {strides = array<i32>} : memref<2048xf32, #tpu.memory_space<vmem>>, vector<16xf32>,
        tpu.vector_store_idx %arg15[%broadcast_in_dim3A_37, %select_n3A_1447], %get3A_1453 {add = true} : memref<8x9344xf32, #tpu.memory_space<vmem>>[vector<16xi32>, vector<16xi32>], vector<16xf32>,
        %get3A_1454 = arith.constant 976 : index
        %get3A_1455 = tpu.vector_load %arg14[%get3A_1454] {strides = array<i32>} : memref<2048xf32, #tpu.memory_space<vmem>>, vector<16xf32>,
        tpu.vector_store_idx %arg15[%broadcast_in_dim3A_39, %select_n3A_1447], %get3A_1455 {add = true} : memref<8x9344xf32, #tpu.memory_space<vmem>>[vector<16xi32>, vector<16xi32>], vector<16xf32>,
        %get3A_1456 = arith.constant 1232 : index
        %get3A_1457 = tpu.vector_load %arg14[%get3A_1456] {strides = array<i32>} : memref<2048xf32, #tpu.memory_space<vmem>>, vector<16xf32>,
        tpu.vector_store_idx %arg15[%broadcast_in_dim3A_41, %select_n3A_1447], %get3A_1457 {add = true} : memref<8x9344xf32, #tpu.memory_space<vmem>>[vector<16xi32>, vector<16xi32>], vector<16xf32>,
        %get3A_1458 = arith.constant 1488 : index
        %get3A_1459 = tpu.vector_load %arg14[%get3A_1458] {strides = array<i32>} : memref<2048xf32, #tpu.memory_space<vmem>>, vector<16xf32>,
        tpu.vector_store_idx %arg15[%broadcast_in_dim3A_43, %select_n3A_1447], %get3A_1459 {add = true} : memref<8x9344xf32, #tpu.memory_space<vmem>>[vector<16xi32>, vector<16xi32>], vector<16xf32>,
        %get3A_1460 = arith.constant 1744 : index
        %get3A_1461 = tpu.vector_load %arg14[%get3A_1460] {strides = array<i32>} : memref<2048xf32, #tpu.memory_space<vmem>>, vector<16xf32>,
        tpu.vector_store_idx %arg15[%broadcast_in_dim3A_45, %select_n3A_1447], %get3A_1461 {add = true} : memref<8x9344xf32, #tpu.memory_space<vmem>>[vector<16xi32>, vector<16xi32>], vector<16xf32>,
        %get3A_1462 = arith.constant 2000 : index
        %get3A_1463 = tpu.vector_load %arg14[%get3A_1462] {strides = array<i32>} : memref<2048xf32, #tpu.memory_space<vmem>>, vector<16xf32>,
        tpu.vector_store_idx %arg15[%broadcast_in_dim3A_47, %select_n3A_1447], %get3A_1463 {add = true} : memref<8x9344xf32, #tpu.memory_space<vmem>>[vector<16xi32>, vector<16xi32>], vector<16xf32>,
        %get3A_1464 = arith.constant 224 : index
        %get3A_1465 = tpu.vector_load %arg11[%get3A_1464] {strides = array<i32>} : memref<256xf32, #tpu.memory_space<vmem>>, vector<16xf32>,
        %get3A_1466 = arith.constant 224 : index
        %get3A_1467 = tpu.vector_load %arg12[%get3A_1466] {strides = array<i32>} : memref<256xf32, #tpu.memory_space<vmem>>, vector<16xf32>,
        %get3A_1468 = arith.constant 224 : index
        %get3A_1469 = tpu.vector_load %arg13[%get3A_1468] {strides = array<i32>} : memref<256xf32, #tpu.memory_space<vmem>>, vector<16xf32>,
        %add3A_1470 = arith.constant 1.000000e+01 : f32
        %add3A_1471 = vector.broadcast %add3A_1470 : f32 to vector<16xf32>
        %add3A_1472 = arith.addf %get3A_1465, %add3A_1471 : vector<16xf32>
        %add3A_1473 = arith.constant 0x4B400000 : f32
        %add3A_1474 = vector.broadcast %add3A_1473 : f32 to vector<16xf32>
        %add3A_1475 = arith.addf %add3A_1472, %add3A_1474 : vector<16xf32>
        %sub3A_1476 = arith.constant 0x4B400000 : f32
        %sub3A_1477 = vector.broadcast %sub3A_1476 : f32 to vector<16xf32>
        %sub3A_1478 = arith.subf %add3A_1475, %sub3A_1477 : vector<16xf32>
        %add3A_1479 = arith.constant 1.000000e+01 : f32
        %add3A_1480 = vector.broadcast %add3A_1479 : f32 to vector<16xf32>
        %add3A_1481 = arith.addf %get3A_1467, %add3A_1480 : vector<16xf32>
        %add3A_1482 = arith.constant 0x4B400000 : f32
        %add3A_1483 = vector.broadcast %add3A_1482 : f32 to vector<16xf32>
        %add3A_1484 = arith.addf %add3A_1481, %add3A_1483 : vector<16xf32>
        %sub3A_1485 = arith.constant 0x4B400000 : f32
        %sub3A_1486 = vector.broadcast %sub3A_1485 : f32 to vector<16xf32>
        %sub3A_1487 = arith.subf %add3A_1484, %sub3A_1486 : vector<16xf32>
        %add3A_1488 = arith.constant 1.000000e+01 : f32
        %add3A_1489 = vector.broadcast %add3A_1488 : f32 to vector<16xf32>
        %add3A_1490 = arith.addf %get3A_1469, %add3A_1489 : vector<16xf32>
        %add3A_1491 = arith.constant 0x4B400000 : f32
        %add3A_1492 = vector.broadcast %add3A_1491 : f32 to vector<16xf32>
        %add3A_1493 = arith.addf %add3A_1490, %add3A_1492 : vector<16xf32>
        %sub3A_1494 = arith.constant 0x4B400000 : f32
        %sub3A_1495 = vector.broadcast %sub3A_1494 : f32 to vector<16xf32>
        %sub3A_1496 = arith.subf %add3A_1493, %sub3A_1495 : vector<16xf32>
        %max3A_1497 = arith.constant 0.000000e+00 : f32
        %max3A_1498 = vector.broadcast %max3A_1497 : f32 to vector<16xf32>
        %max3A_1499 = arith.maximumf %sub3A_1478, %max3A_1498 : vector<16xf32>
        %min3A_1500 = arith.constant 2.000000e+01 : f32
        %min3A_1501 = vector.broadcast %min3A_1500 : f32 to vector<16xf32>
        %min3A_1502 = arith.minimumf %max3A_1499, %min3A_1501 : vector<16xf32>
        %max3A_1503 = arith.constant 0.000000e+00 : f32
        %max3A_1504 = vector.broadcast %max3A_1503 : f32 to vector<16xf32>
        %max3A_1505 = arith.maximumf %sub3A_1487, %max3A_1504 : vector<16xf32>
        %min3A_1506 = arith.constant 2.000000e+01 : f32
        %min3A_1507 = vector.broadcast %min3A_1506 : f32 to vector<16xf32>
        %min3A_1508 = arith.minimumf %max3A_1505, %min3A_1507 : vector<16xf32>
        %max3A_1509 = arith.constant 0.000000e+00 : f32
        %max3A_1510 = vector.broadcast %max3A_1509 : f32 to vector<16xf32>
        %max3A_1511 = arith.maximumf %sub3A_1496, %max3A_1510 : vector<16xf32>
        %min3A_1512 = arith.constant 2.000000e+01 : f32
        %min3A_1513 = vector.broadcast %min3A_1512 : f32 to vector<16xf32>
        %min3A_1514 = arith.minimumf %max3A_1511, %min3A_1513 : vector<16xf32>
        %eq3A_1515 = arith.cmpf oeq, %sub3A_1478, %min3A_1502 : vector<16xf32>
        %eq3A_1516 = arith.cmpf oeq, %sub3A_1487, %min3A_1508 : vector<16xf32>
        %and3A_1517 = arith.andi %eq3A_1515, %eq3A_1516 : vector<16xi1>
        %eq3A_1518 = arith.cmpf oeq, %sub3A_1496, %min3A_1514 : vector<16xf32>
        %and3A_1519 = arith.andi %and3A_1517, %eq3A_1518 : vector<16xi1>
        %mul3A_1520 = arith.constant 4.410000e+02 : f32
        %mul3A_1521 = vector.broadcast %mul3A_1520 : f32 to vector<16xf32>
        %mul3A_1522 = arith.mulf %min3A_1502, %mul3A_1521 : vector<16xf32>
        %mul3A_1523 = arith.constant 2.100000e+01 : f32
        %mul3A_1524 = vector.broadcast %mul3A_1523 : f32 to vector<16xf32>
        %mul3A_1525 = arith.mulf %min3A_1508, %mul3A_1524 : vector<16xf32>
        %add3A_1526 = arith.addf %mul3A_1522, %mul3A_1525 : vector<16xf32>
        %add3A_1527 = arith.addf %add3A_1526, %min3A_1514 : vector<16xf32>
        %convert_element_type3A_1528 = arith.fptosi %add3A_1527 : vector<16xf32> to vector<16xi32>
        %jit3A_1529 = arith.constant 9261 : i32
        %broadcast_in_dim3A_1530 = vector.broadcast %jit3A_1529 : i32 to vector<16xi32>
        %select_n3A_1531 = arith.select %and3A_1519, %convert_element_type3A_1528, %broadcast_in_dim3A_1530 : vector<16xi1>, vector<16xi32>
        %get3A_1532 = arith.constant 224 : index
        %get3A_1533 = tpu.vector_load %arg14[%get3A_1532] {strides = array<i32>} : memref<2048xf32, #tpu.memory_space<vmem>>, vector<16xf32>,
        tpu.vector_store_idx %arg15[%broadcast_in_dim3A_33, %select_n3A_1531], %get3A_1533 {add = true} : memref<8x9344xf32, #tpu.memory_space<vmem>>[vector<16xi32>, vector<16xi32>], vector<16xf32>,
        %get3A_1534 = arith.constant 480 : index
        %get3A_1535 = tpu.vector_load %arg14[%get3A_1534] {strides = array<i32>} : memref<2048xf32, #tpu.memory_space<vmem>>, vector<16xf32>,
        tpu.vector_store_idx %arg15[%broadcast_in_dim3A_35, %select_n3A_1531], %get3A_1535 {add = true} : memref<8x9344xf32, #tpu.memory_space<vmem>>[vector<16xi32>, vector<16xi32>], vector<16xf32>,
        %get3A_1536 = arith.constant 736 : index
        %get3A_1537 = tpu.vector_load %arg14[%get3A_1536] {strides = array<i32>} : memref<2048xf32, #tpu.memory_space<vmem>>, vector<16xf32>,
        tpu.vector_store_idx %arg15[%broadcast_in_dim3A_37, %select_n3A_1531], %get3A_1537 {add = true} : memref<8x9344xf32, #tpu.memory_space<vmem>>[vector<16xi32>, vector<16xi32>], vector<16xf32>,
        %get3A_1538 = arith.constant 992 : index
        %get3A_1539 = tpu.vector_load %arg14[%get3A_1538] {strides = array<i32>} : memref<2048xf32, #tpu.memory_space<vmem>>, vector<16xf32>,
        tpu.vector_store_idx %arg15[%broadcast_in_dim3A_39, %select_n3A_1531], %get3A_1539 {add = true} : memref<8x9344xf32, #tpu.memory_space<vmem>>[vector<16xi32>, vector<16xi32>], vector<16xf32>,
        %get3A_1540 = arith.constant 1248 : index
        %get3A_1541 = tpu.vector_load %arg14[%get3A_1540] {strides = array<i32>} : memref<2048xf32, #tpu.memory_space<vmem>>, vector<16xf32>,
        tpu.vector_store_idx %arg15[%broadcast_in_dim3A_41, %select_n3A_1531], %get3A_1541 {add = true} : memref<8x9344xf32, #tpu.memory_space<vmem>>[vector<16xi32>, vector<16xi32>], vector<16xf32>,
        %get3A_1542 = arith.constant 1504 : index
        %get3A_1543 = tpu.vector_load %arg14[%get3A_1542] {strides = array<i32>} : memref<2048xf32, #tpu.memory_space<vmem>>, vector<16xf32>,
        tpu.vector_store_idx %arg15[%broadcast_in_dim3A_43, %select_n3A_1531], %get3A_1543 {add = true} : memref<8x9344xf32, #tpu.memory_space<vmem>>[vector<16xi32>, vector<16xi32>], vector<16xf32>,
        %get3A_1544 = arith.constant 1760 : index
        %get3A_1545 = tpu.vector_load %arg14[%get3A_1544] {strides = array<i32>} : memref<2048xf32, #tpu.memory_space<vmem>>, vector<16xf32>,
        tpu.vector_store_idx %arg15[%broadcast_in_dim3A_45, %select_n3A_1531], %get3A_1545 {add = true} : memref<8x9344xf32, #tpu.memory_space<vmem>>[vector<16xi32>, vector<16xi32>], vector<16xf32>,
        %get3A_1546 = arith.constant 2016 : index
        %get3A_1547 = tpu.vector_load %arg14[%get3A_1546] {strides = array<i32>} : memref<2048xf32, #tpu.memory_space<vmem>>, vector<16xf32>,
        tpu.vector_store_idx %arg15[%broadcast_in_dim3A_47, %select_n3A_1531], %get3A_1547 {add = true} : memref<8x9344xf32, #tpu.memory_space<vmem>>[vector<16xi32>, vector<16xi32>], vector<16xf32>,
        %get3A_1548 = arith.constant 240 : index
        %get3A_1549 = tpu.vector_load %arg11[%get3A_1548] {strides = array<i32>} : memref<256xf32, #tpu.memory_space<vmem>>, vector<16xf32>,
        %get3A_1550 = arith.constant 240 : index
        %get3A_1551 = tpu.vector_load %arg12[%get3A_1550] {strides = array<i32>} : memref<256xf32, #tpu.memory_space<vmem>>, vector<16xf32>,
        %get3A_1552 = arith.constant 240 : index
        %get3A_1553 = tpu.vector_load %arg13[%get3A_1552] {strides = array<i32>} : memref<256xf32, #tpu.memory_space<vmem>>, vector<16xf32>,
        %add3A_1554 = arith.constant 1.000000e+01 : f32
        %add3A_1555 = vector.broadcast %add3A_1554 : f32 to vector<16xf32>
        %add3A_1556 = arith.addf %get3A_1549, %add3A_1555 : vector<16xf32>
        %add3A_1557 = arith.constant 0x4B400000 : f32
        %add3A_1558 = vector.broadcast %add3A_1557 : f32 to vector<16xf32>
        %add3A_1559 = arith.addf %add3A_1556, %add3A_1558 : vector<16xf32>
        %sub3A_1560 = arith.constant 0x4B400000 : f32
        %sub3A_1561 = vector.broadcast %sub3A_1560 : f32 to vector<16xf32>
        %sub3A_1562 = arith.subf %add3A_1559, %sub3A_1561 : vector<16xf32>
        %add3A_1563 = arith.constant 1.000000e+01 : f32
        %add3A_1564 = vector.broadcast %add3A_1563 : f32 to vector<16xf32>
        %add3A_1565 = arith.addf %get3A_1551, %add3A_1564 : vector<16xf32>
        %add3A_1566 = arith.constant 0x4B400000 : f32
        %add3A_1567 = vector.broadcast %add3A_1566 : f32 to vector<16xf32>
        %add3A_1568 = arith.addf %add3A_1565, %add3A_1567 : vector<16xf32>
        %sub3A_1569 = arith.constant 0x4B400000 : f32
        %sub3A_1570 = vector.broadcast %sub3A_1569 : f32 to vector<16xf32>
        %sub3A_1571 = arith.subf %add3A_1568, %sub3A_1570 : vector<16xf32>
        %add3A_1572 = arith.constant 1.000000e+01 : f32
        %add3A_1573 = vector.broadcast %add3A_1572 : f32 to vector<16xf32>
        %add3A_1574 = arith.addf %get3A_1553, %add3A_1573 : vector<16xf32>
        %add3A_1575 = arith.constant 0x4B400000 : f32
        %add3A_1576 = vector.broadcast %add3A_1575 : f32 to vector<16xf32>
        %add3A_1577 = arith.addf %add3A_1574, %add3A_1576 : vector<16xf32>
        %sub3A_1578 = arith.constant 0x4B400000 : f32
        %sub3A_1579 = vector.broadcast %sub3A_1578 : f32 to vector<16xf32>
        %sub3A_1580 = arith.subf %add3A_1577, %sub3A_1579 : vector<16xf32>
        %max3A_1581 = arith.constant 0.000000e+00 : f32
        %max3A_1582 = vector.broadcast %max3A_1581 : f32 to vector<16xf32>
        %max3A_1583 = arith.maximumf %sub3A_1562, %max3A_1582 : vector<16xf32>
        %min3A_1584 = arith.constant 2.000000e+01 : f32
        %min3A_1585 = vector.broadcast %min3A_1584 : f32 to vector<16xf32>
        %min3A_1586 = arith.minimumf %max3A_1583, %min3A_1585 : vector<16xf32>
        %max3A_1587 = arith.constant 0.000000e+00 : f32
        %max3A_1588 = vector.broadcast %max3A_1587 : f32 to vector<16xf32>
        %max3A_1589 = arith.maximumf %sub3A_1571, %max3A_1588 : vector<16xf32>
        %min3A_1590 = arith.constant 2.000000e+01 : f32
        %min3A_1591 = vector.broadcast %min3A_1590 : f32 to vector<16xf32>
        %min3A_1592 = arith.minimumf %max3A_1589, %min3A_1591 : vector<16xf32>
        %max3A_1593 = arith.constant 0.000000e+00 : f32
        %max3A_1594 = vector.broadcast %max3A_1593 : f32 to vector<16xf32>
        %max3A_1595 = arith.maximumf %sub3A_1580, %max3A_1594 : vector<16xf32>
        %min3A_1596 = arith.constant 2.000000e+01 : f32
        %min3A_1597 = vector.broadcast %min3A_1596 : f32 to vector<16xf32>
        %min3A_1598 = arith.minimumf %max3A_1595, %min3A_1597 : vector<16xf32>
        %eq3A_1599 = arith.cmpf oeq, %sub3A_1562, %min3A_1586 : vector<16xf32>
        %eq3A_1600 = arith.cmpf oeq, %sub3A_1571, %min3A_1592 : vector<16xf32>
        %and3A_1601 = arith.andi %eq3A_1599, %eq3A_1600 : vector<16xi1>
        %eq3A_1602 = arith.cmpf oeq, %sub3A_1580, %min3A_1598 : vector<16xf32>
        %and3A_1603 = arith.andi %and3A_1601, %eq3A_1602 : vector<16xi1>
        %mul3A_1604 = arith.constant 4.410000e+02 : f32
        %mul3A_1605 = vector.broadcast %mul3A_1604 : f32 to vector<16xf32>
        %mul3A_1606 = arith.mulf %min3A_1586, %mul3A_1605 : vector<16xf32>
        %mul3A_1607 = arith.constant 2.100000e+01 : f32
        %mul3A_1608 = vector.broadcast %mul3A_1607 : f32 to vector<16xf32>
        %mul3A_1609 = arith.mulf %min3A_1592, %mul3A_1608 : vector<16xf32>
        %add3A_1610 = arith.addf %mul3A_1606, %mul3A_1609 : vector<16xf32>
        %add3A_1611 = arith.addf %add3A_1610, %min3A_1598 : vector<16xf32>
        %convert_element_type3A_1612 = arith.fptosi %add3A_1611 : vector<16xf32> to vector<16xi32>
        %jit3A_1613 = arith.constant 9261 : i32
        %broadcast_in_dim3A_1614 = vector.broadcast %jit3A_1613 : i32 to vector<16xi32>
        %select_n3A_1615 = arith.select %and3A_1603, %convert_element_type3A_1612, %broadcast_in_dim3A_1614 : vector<16xi1>, vector<16xi32>
        %get3A_1616 = arith.constant 240 : index
        %get3A_1617 = tpu.vector_load %arg14[%get3A_1616] {strides = array<i32>} : memref<2048xf32, #tpu.memory_space<vmem>>, vector<16xf32>,
        tpu.vector_store_idx %arg15[%broadcast_in_dim3A_33, %select_n3A_1615], %get3A_1617 {add = true} : memref<8x9344xf32, #tpu.memory_space<vmem>>[vector<16xi32>, vector<16xi32>], vector<16xf32>,
        %get3A_1618 = arith.constant 496 : index
        %get3A_1619 = tpu.vector_load %arg14[%get3A_1618] {strides = array<i32>} : memref<2048xf32, #tpu.memory_space<vmem>>, vector<16xf32>,
        tpu.vector_store_idx %arg15[%broadcast_in_dim3A_35, %select_n3A_1615], %get3A_1619 {add = true} : memref<8x9344xf32, #tpu.memory_space<vmem>>[vector<16xi32>, vector<16xi32>], vector<16xf32>,
        %get3A_1620 = arith.constant 752 : index
        %get3A_1621 = tpu.vector_load %arg14[%get3A_1620] {strides = array<i32>} : memref<2048xf32, #tpu.memory_space<vmem>>, vector<16xf32>,
        tpu.vector_store_idx %arg15[%broadcast_in_dim3A_37, %select_n3A_1615], %get3A_1621 {add = true} : memref<8x9344xf32, #tpu.memory_space<vmem>>[vector<16xi32>, vector<16xi32>], vector<16xf32>,
        %get3A_1622 = arith.constant 1008 : index
        %get3A_1623 = tpu.vector_load %arg14[%get3A_1622] {strides = array<i32>} : memref<2048xf32, #tpu.memory_space<vmem>>, vector<16xf32>,
        tpu.vector_store_idx %arg15[%broadcast_in_dim3A_39, %select_n3A_1615], %get3A_1623 {add = true} : memref<8x9344xf32, #tpu.memory_space<vmem>>[vector<16xi32>, vector<16xi32>], vector<16xf32>,
        %get3A_1624 = arith.constant 1264 : index
        %get3A_1625 = tpu.vector_load %arg14[%get3A_1624] {strides = array<i32>} : memref<2048xf32, #tpu.memory_space<vmem>>, vector<16xf32>,
        tpu.vector_store_idx %arg15[%broadcast_in_dim3A_41, %select_n3A_1615], %get3A_1625 {add = true} : memref<8x9344xf32, #tpu.memory_space<vmem>>[vector<16xi32>, vector<16xi32>], vector<16xf32>,
        %get3A_1626 = arith.constant 1520 : index
        %get3A_1627 = tpu.vector_load %arg14[%get3A_1626] {strides = array<i32>} : memref<2048xf32, #tpu.memory_space<vmem>>, vector<16xf32>,
        tpu.vector_store_idx %arg15[%broadcast_in_dim3A_43, %select_n3A_1615], %get3A_1627 {add = true} : memref<8x9344xf32, #tpu.memory_space<vmem>>[vector<16xi32>, vector<16xi32>], vector<16xf32>,
        %get3A_1628 = arith.constant 1776 : index
        %get3A_1629 = tpu.vector_load %arg14[%get3A_1628] {strides = array<i32>} : memref<2048xf32, #tpu.memory_space<vmem>>, vector<16xf32>,
        tpu.vector_store_idx %arg15[%broadcast_in_dim3A_45, %select_n3A_1615], %get3A_1629 {add = true} : memref<8x9344xf32, #tpu.memory_space<vmem>>[vector<16xi32>, vector<16xi32>], vector<16xf32>,
        %get3A_1630 = arith.constant 2032 : index
        %get3A_1631 = tpu.vector_load %arg14[%get3A_1630] {strides = array<i32>} : memref<2048xf32, #tpu.memory_space<vmem>>, vector<16xf32>,
        tpu.vector_store_idx %arg15[%broadcast_in_dim3A_47, %select_n3A_1615], %get3A_1631 {add = true} : memref<8x9344xf32, #tpu.memory_space<vmem>>[vector<16xi32>, vector<16xi32>], vector<16xf32>,
      } else {
      }
    }
    %scan3A_189 = arith.constant 245 : i32
    %eq3A_190 = arith.constant 2 : i32
    %eq3A_191 = arith.cmpi eq, %select_n3A_30, %eq3A_190 : i32
    %convert_element_type3A = arith.extui %eq3A_191 : i1 to i32
    %cond3A = arith.constant 0 : i32
    %cond3A_192 = arith.cmpi ne, %convert_element_type3A, %cond3A : i32
    scf.if %cond3A_192 {
      "tpu.region"() ({
        %run_scoped3A = tpu.sem_alloc : memref<!tpu.dma_semaphore, #tpu.memory_space<semaphore_mem>>
        %dma_start3A_574 = arith.constant 999744 : i32
        %dma_start3A_575 = tpu.memref_slice %arg2[%dma_start3A_574] : memref<1000000xf32, #tpu.memory_space<hbm>> -> memref<256xf32, #tpu.memory_space<hbm>>
        %dma_start3A_576 = arith.constant 999744 : i32
        %dma_start3A_577 = tpu.memref_slice %arg2[%dma_start3A_576] : memref<1000000xf32, #tpu.memory_space<hbm>> -> memref<256xf32, #tpu.memory_space<hbm>>
        tpu.enqueue_dma source(%dma_start3A_577 : memref<256xf32, #tpu.memory_space<hbm>>) target(%arg7 : memref<256xf32, #tpu.memory_space<vmem>>) target_semaphore(%run_scoped3A : memref<!tpu.dma_semaphore, #tpu.memory_space<semaphore_mem>>)
        %dma_wait3A = arith.constant 999744 : i32
        %dma_wait3A_578 = tpu.memref_slice %arg2[%dma_wait3A] : memref<1000000xf32, #tpu.memory_space<hbm>> -> memref<256xf32, #tpu.memory_space<hbm>>
        %dma_wait3A_579 = arith.constant 999744 : i32
        %dma_wait3A_580 = tpu.memref_slice %arg2[%dma_wait3A_579] : memref<1000000xf32, #tpu.memory_space<hbm>> -> memref<256xf32, #tpu.memory_space<hbm>>
        tpu.wait_dma2 semaphore(%run_scoped3A : memref<!tpu.dma_semaphore, #tpu.memory_space<semaphore_mem>>) src(%dma_wait3A_580 : memref<256xf32, #tpu.memory_space<hbm>>) dst(%arg7 : memref<256xf32, #tpu.memory_space<vmem>>)
        tpu.yield
      }) : () -> ()
      "tpu.region"() ({
        %run_scoped3A = tpu.sem_alloc : memref<!tpu.dma_semaphore, #tpu.memory_space<semaphore_mem>>
        %dma_start3A_574 = arith.constant 999744 : i32
        %dma_start3A_575 = tpu.memref_slice %arg3[%dma_start3A_574] : memref<1000000xf32, #tpu.memory_space<hbm>> -> memref<256xf32, #tpu.memory_space<hbm>>
        %dma_start3A_576 = arith.constant 999744 : i32
        %dma_start3A_577 = tpu.memref_slice %arg3[%dma_start3A_576] : memref<1000000xf32, #tpu.memory_space<hbm>> -> memref<256xf32, #tpu.memory_space<hbm>>
        tpu.enqueue_dma source(%dma_start3A_577 : memref<256xf32, #tpu.memory_space<hbm>>) target(%arg8 : memref<256xf32, #tpu.memory_space<vmem>>) target_semaphore(%run_scoped3A : memref<!tpu.dma_semaphore, #tpu.memory_space<semaphore_mem>>)
        %dma_wait3A = arith.constant 999744 : i32
        %dma_wait3A_578 = tpu.memref_slice %arg3[%dma_wait3A] : memref<1000000xf32, #tpu.memory_space<hbm>> -> memref<256xf32, #tpu.memory_space<hbm>>
        %dma_wait3A_579 = arith.constant 999744 : i32
        %dma_wait3A_580 = tpu.memref_slice %arg3[%dma_wait3A_579] : memref<1000000xf32, #tpu.memory_space<hbm>> -> memref<256xf32, #tpu.memory_space<hbm>>
        tpu.wait_dma2 semaphore(%run_scoped3A : memref<!tpu.dma_semaphore, #tpu.memory_space<semaphore_mem>>) src(%dma_wait3A_580 : memref<256xf32, #tpu.memory_space<hbm>>) dst(%arg8 : memref<256xf32, #tpu.memory_space<vmem>>)
        tpu.yield
      }) : () -> ()
      "tpu.region"() ({
        %run_scoped3A = tpu.sem_alloc : memref<!tpu.dma_semaphore, #tpu.memory_space<semaphore_mem>>
        %dma_start3A_574 = arith.constant 999744 : i32
        %dma_start3A_575 = tpu.memref_slice %arg4[%dma_start3A_574] : memref<1000000xf32, #tpu.memory_space<hbm>> -> memref<256xf32, #tpu.memory_space<hbm>>
        %dma_start3A_576 = arith.constant 999744 : i32
        %dma_start3A_577 = tpu.memref_slice %arg4[%dma_start3A_576] : memref<1000000xf32, #tpu.memory_space<hbm>> -> memref<256xf32, #tpu.memory_space<hbm>>
        tpu.enqueue_dma source(%dma_start3A_577 : memref<256xf32, #tpu.memory_space<hbm>>) target(%arg9 : memref<256xf32, #tpu.memory_space<vmem>>) target_semaphore(%run_scoped3A : memref<!tpu.dma_semaphore, #tpu.memory_space<semaphore_mem>>)
        %dma_wait3A = arith.constant 999744 : i32
        %dma_wait3A_578 = tpu.memref_slice %arg4[%dma_wait3A] : memref<1000000xf32, #tpu.memory_space<hbm>> -> memref<256xf32, #tpu.memory_space<hbm>>
        %dma_wait3A_579 = arith.constant 999744 : i32
        %dma_wait3A_580 = tpu.memref_slice %arg4[%dma_wait3A_579] : memref<1000000xf32, #tpu.memory_space<hbm>> -> memref<256xf32, #tpu.memory_space<hbm>>
        tpu.wait_dma2 semaphore(%run_scoped3A : memref<!tpu.dma_semaphore, #tpu.memory_space<semaphore_mem>>) src(%dma_wait3A_580 : memref<256xf32, #tpu.memory_space<hbm>>) dst(%arg9 : memref<256xf32, #tpu.memory_space<vmem>>)
        tpu.yield
      }) : () -> ()
      %add3A_193 = arith.constant 0 : i32
      %add3A_194 = arith.addi %mul3A_32, %add3A_193 : i32
      %mul3A_195 = arith.constant 1000000 : i32
      %mul3A_196 = arith.muli %add3A_194, %mul3A_195 : i32
      %add3A_197 = arith.constant 999744 : i32
      %add3A_198 = arith.addi %mul3A_196, %add3A_197 : i32
      "tpu.region"() ({
        %run_scoped3A = tpu.sem_alloc : memref<!tpu.dma_semaphore, #tpu.memory_space<semaphore_mem>>
        %dma_start3A_574 = arith.constant 0 : i32
        %dma_start3A_575 = tpu.memref_slice %arg10[%dma_start3A_574] : memref<2048xf32, #tpu.memory_space<vmem>> -> memref<256xf32, #tpu.memory_space<vmem>>
        %dma_start3A_576 = tpu.memref_slice %arg5[%add3A_198] : memref<32000000xf32, #tpu.memory_space<hbm>> -> memref<256xf32, #tpu.memory_space<hbm>>
        %dma_start3A_577 = arith.constant 0 : i32
        %dma_start3A_578 = tpu.memref_slice %arg10[%dma_start3A_577] : memref<2048xf32, #tpu.memory_space<vmem>> -> memref<256xf32, #tpu.memory_space<vmem>>
        %dma_start3A_579 = tpu.memref_slice %arg5[%add3A_198] : memref<32000000xf32, #tpu.memory_space<hbm>> -> memref<256xf32, #tpu.memory_space<hbm>>
        tpu.enqueue_dma source(%dma_start3A_579 : memref<256xf32, #tpu.memory_space<hbm>>) target(%dma_start3A_578 : memref<256xf32, #tpu.memory_space<vmem>>) target_semaphore(%run_scoped3A : memref<!tpu.dma_semaphore, #tpu.memory_space<semaphore_mem>>)
        %dma_wait3A = arith.constant 0 : i32
        %dma_wait3A_580 = tpu.memref_slice %arg10[%dma_wait3A] : memref<2048xf32, #tpu.memory_space<vmem>> -> memref<256xf32, #tpu.memory_space<vmem>>
        %dma_wait3A_581 = tpu.memref_slice %arg5[%add3A_198] : memref<32000000xf32, #tpu.memory_space<hbm>> -> memref<256xf32, #tpu.memory_space<hbm>>
        %dma_wait3A_582 = arith.constant 0 : i32
        %dma_wait3A_583 = tpu.memref_slice %arg10[%dma_wait3A_582] : memref<2048xf32, #tpu.memory_space<vmem>> -> memref<256xf32, #tpu.memory_space<vmem>>
        %dma_wait3A_584 = tpu.memref_slice %arg5[%add3A_198] : memref<32000000xf32, #tpu.memory_space<hbm>> -> memref<256xf32, #tpu.memory_space<hbm>>
        tpu.wait_dma2 semaphore(%run_scoped3A : memref<!tpu.dma_semaphore, #tpu.memory_space<semaphore_mem>>) src(%dma_wait3A_584 : memref<256xf32, #tpu.memory_space<hbm>>) dst(%dma_wait3A_583 : memref<256xf32, #tpu.memory_space<vmem>>)
        tpu.yield
      }) : () -> ()
      %add3A_199 = arith.constant 1 : i32
      %add3A_200 = arith.addi %mul3A_32, %add3A_199 : i32
      %mul3A_201 = arith.constant 1000000 : i32
      %mul3A_202 = arith.muli %add3A_200, %mul3A_201 : i32
      %add3A_203 = arith.constant 999744 : i32
      %add3A_204 = arith.addi %mul3A_202, %add3A_203 : i32
      "tpu.region"() ({
        %run_scoped3A = tpu.sem_alloc : memref<!tpu.dma_semaphore, #tpu.memory_space<semaphore_mem>>
        %dma_start3A_574 = arith.constant 256 : i32
        %dma_start3A_575 = tpu.memref_slice %arg10[%dma_start3A_574] : memref<2048xf32, #tpu.memory_space<vmem>> -> memref<256xf32, #tpu.memory_space<vmem>>
        %dma_start3A_576 = tpu.memref_slice %arg5[%add3A_204] : memref<32000000xf32, #tpu.memory_space<hbm>> -> memref<256xf32, #tpu.memory_space<hbm>>
        %dma_start3A_577 = arith.constant 256 : i32
        %dma_start3A_578 = tpu.memref_slice %arg10[%dma_start3A_577] : memref<2048xf32, #tpu.memory_space<vmem>> -> memref<256xf32, #tpu.memory_space<vmem>>
        %dma_start3A_579 = tpu.memref_slice %arg5[%add3A_204] : memref<32000000xf32, #tpu.memory_space<hbm>> -> memref<256xf32, #tpu.memory_space<hbm>>
        tpu.enqueue_dma source(%dma_start3A_579 : memref<256xf32, #tpu.memory_space<hbm>>) target(%dma_start3A_578 : memref<256xf32, #tpu.memory_space<vmem>>) target_semaphore(%run_scoped3A : memref<!tpu.dma_semaphore, #tpu.memory_space<semaphore_mem>>)
        %dma_wait3A = arith.constant 256 : i32
        %dma_wait3A_580 = tpu.memref_slice %arg10[%dma_wait3A] : memref<2048xf32, #tpu.memory_space<vmem>> -> memref<256xf32, #tpu.memory_space<vmem>>
        %dma_wait3A_581 = tpu.memref_slice %arg5[%add3A_204] : memref<32000000xf32, #tpu.memory_space<hbm>> -> memref<256xf32, #tpu.memory_space<hbm>>
        %dma_wait3A_582 = arith.constant 256 : i32
        %dma_wait3A_583 = tpu.memref_slice %arg10[%dma_wait3A_582] : memref<2048xf32, #tpu.memory_space<vmem>> -> memref<256xf32, #tpu.memory_space<vmem>>
        %dma_wait3A_584 = tpu.memref_slice %arg5[%add3A_204] : memref<32000000xf32, #tpu.memory_space<hbm>> -> memref<256xf32, #tpu.memory_space<hbm>>
        tpu.wait_dma2 semaphore(%run_scoped3A : memref<!tpu.dma_semaphore, #tpu.memory_space<semaphore_mem>>) src(%dma_wait3A_584 : memref<256xf32, #tpu.memory_space<hbm>>) dst(%dma_wait3A_583 : memref<256xf32, #tpu.memory_space<vmem>>)
        tpu.yield
      }) : () -> ()
      %add3A_205 = arith.constant 2 : i32
      %add3A_206 = arith.addi %mul3A_32, %add3A_205 : i32
      %mul3A_207 = arith.constant 1000000 : i32
      %mul3A_208 = arith.muli %add3A_206, %mul3A_207 : i32
      %add3A_209 = arith.constant 999744 : i32
      %add3A_210 = arith.addi %mul3A_208, %add3A_209 : i32
      "tpu.region"() ({
        %run_scoped3A = tpu.sem_alloc : memref<!tpu.dma_semaphore, #tpu.memory_space<semaphore_mem>>
        %dma_start3A_574 = arith.constant 512 : i32
        %dma_start3A_575 = tpu.memref_slice %arg10[%dma_start3A_574] : memref<2048xf32, #tpu.memory_space<vmem>> -> memref<256xf32, #tpu.memory_space<vmem>>
        %dma_start3A_576 = tpu.memref_slice %arg5[%add3A_210] : memref<32000000xf32, #tpu.memory_space<hbm>> -> memref<256xf32, #tpu.memory_space<hbm>>
        %dma_start3A_577 = arith.constant 512 : i32
        %dma_start3A_578 = tpu.memref_slice %arg10[%dma_start3A_577] : memref<2048xf32, #tpu.memory_space<vmem>> -> memref<256xf32, #tpu.memory_space<vmem>>
        %dma_start3A_579 = tpu.memref_slice %arg5[%add3A_210] : memref<32000000xf32, #tpu.memory_space<hbm>> -> memref<256xf32, #tpu.memory_space<hbm>>
        tpu.enqueue_dma source(%dma_start3A_579 : memref<256xf32, #tpu.memory_space<hbm>>) target(%dma_start3A_578 : memref<256xf32, #tpu.memory_space<vmem>>) target_semaphore(%run_scoped3A : memref<!tpu.dma_semaphore, #tpu.memory_space<semaphore_mem>>)
        %dma_wait3A = arith.constant 512 : i32
        %dma_wait3A_580 = tpu.memref_slice %arg10[%dma_wait3A] : memref<2048xf32, #tpu.memory_space<vmem>> -> memref<256xf32, #tpu.memory_space<vmem>>
        %dma_wait3A_581 = tpu.memref_slice %arg5[%add3A_210] : memref<32000000xf32, #tpu.memory_space<hbm>> -> memref<256xf32, #tpu.memory_space<hbm>>
        %dma_wait3A_582 = arith.constant 512 : i32
        %dma_wait3A_583 = tpu.memref_slice %arg10[%dma_wait3A_582] : memref<2048xf32, #tpu.memory_space<vmem>> -> memref<256xf32, #tpu.memory_space<vmem>>
        %dma_wait3A_584 = tpu.memref_slice %arg5[%add3A_210] : memref<32000000xf32, #tpu.memory_space<hbm>> -> memref<256xf32, #tpu.memory_space<hbm>>
        tpu.wait_dma2 semaphore(%run_scoped3A : memref<!tpu.dma_semaphore, #tpu.memory_space<semaphore_mem>>) src(%dma_wait3A_584 : memref<256xf32, #tpu.memory_space<hbm>>) dst(%dma_wait3A_583 : memref<256xf32, #tpu.memory_space<vmem>>)
        tpu.yield
      }) : () -> ()
      %add3A_211 = arith.constant 3 : i32
      %add3A_212 = arith.addi %mul3A_32, %add3A_211 : i32
      %mul3A_213 = arith.constant 1000000 : i32
      %mul3A_214 = arith.muli %add3A_212, %mul3A_213 : i32
      %add3A_215 = arith.constant 999744 : i32
      %add3A_216 = arith.addi %mul3A_214, %add3A_215 : i32
      "tpu.region"() ({
        %run_scoped3A = tpu.sem_alloc : memref<!tpu.dma_semaphore, #tpu.memory_space<semaphore_mem>>
        %dma_start3A_574 = arith.constant 768 : i32
        %dma_start3A_575 = tpu.memref_slice %arg10[%dma_start3A_574] : memref<2048xf32, #tpu.memory_space<vmem>> -> memref<256xf32, #tpu.memory_space<vmem>>
        %dma_start3A_576 = tpu.memref_slice %arg5[%add3A_216] : memref<32000000xf32, #tpu.memory_space<hbm>> -> memref<256xf32, #tpu.memory_space<hbm>>
        %dma_start3A_577 = arith.constant 768 : i32
        %dma_start3A_578 = tpu.memref_slice %arg10[%dma_start3A_577] : memref<2048xf32, #tpu.memory_space<vmem>> -> memref<256xf32, #tpu.memory_space<vmem>>
        %dma_start3A_579 = tpu.memref_slice %arg5[%add3A_216] : memref<32000000xf32, #tpu.memory_space<hbm>> -> memref<256xf32, #tpu.memory_space<hbm>>
        tpu.enqueue_dma source(%dma_start3A_579 : memref<256xf32, #tpu.memory_space<hbm>>) target(%dma_start3A_578 : memref<256xf32, #tpu.memory_space<vmem>>) target_semaphore(%run_scoped3A : memref<!tpu.dma_semaphore, #tpu.memory_space<semaphore_mem>>)
        %dma_wait3A = arith.constant 768 : i32
        %dma_wait3A_580 = tpu.memref_slice %arg10[%dma_wait3A] : memref<2048xf32, #tpu.memory_space<vmem>> -> memref<256xf32, #tpu.memory_space<vmem>>
        %dma_wait3A_581 = tpu.memref_slice %arg5[%add3A_216] : memref<32000000xf32, #tpu.memory_space<hbm>> -> memref<256xf32, #tpu.memory_space<hbm>>
        %dma_wait3A_582 = arith.constant 768 : i32
        %dma_wait3A_583 = tpu.memref_slice %arg10[%dma_wait3A_582] : memref<2048xf32, #tpu.memory_space<vmem>> -> memref<256xf32, #tpu.memory_space<vmem>>
        %dma_wait3A_584 = tpu.memref_slice %arg5[%add3A_216] : memref<32000000xf32, #tpu.memory_space<hbm>> -> memref<256xf32, #tpu.memory_space<hbm>>
        tpu.wait_dma2 semaphore(%run_scoped3A : memref<!tpu.dma_semaphore, #tpu.memory_space<semaphore_mem>>) src(%dma_wait3A_584 : memref<256xf32, #tpu.memory_space<hbm>>) dst(%dma_wait3A_583 : memref<256xf32, #tpu.memory_space<vmem>>)
        tpu.yield
      }) : () -> ()
      %add3A_217 = arith.constant 4 : i32
      %add3A_218 = arith.addi %mul3A_32, %add3A_217 : i32
      %mul3A_219 = arith.constant 1000000 : i32
      %mul3A_220 = arith.muli %add3A_218, %mul3A_219 : i32
      %add3A_221 = arith.constant 999744 : i32
      %add3A_222 = arith.addi %mul3A_220, %add3A_221 : i32
      "tpu.region"() ({
        %run_scoped3A = tpu.sem_alloc : memref<!tpu.dma_semaphore, #tpu.memory_space<semaphore_mem>>
        %dma_start3A_574 = arith.constant 1024 : i32
        %dma_start3A_575 = tpu.memref_slice %arg10[%dma_start3A_574] : memref<2048xf32, #tpu.memory_space<vmem>> -> memref<256xf32, #tpu.memory_space<vmem>>
        %dma_start3A_576 = tpu.memref_slice %arg5[%add3A_222] : memref<32000000xf32, #tpu.memory_space<hbm>> -> memref<256xf32, #tpu.memory_space<hbm>>
        %dma_start3A_577 = arith.constant 1024 : i32
        %dma_start3A_578 = tpu.memref_slice %arg10[%dma_start3A_577] : memref<2048xf32, #tpu.memory_space<vmem>> -> memref<256xf32, #tpu.memory_space<vmem>>
        %dma_start3A_579 = tpu.memref_slice %arg5[%add3A_222] : memref<32000000xf32, #tpu.memory_space<hbm>> -> memref<256xf32, #tpu.memory_space<hbm>>
        tpu.enqueue_dma source(%dma_start3A_579 : memref<256xf32, #tpu.memory_space<hbm>>) target(%dma_start3A_578 : memref<256xf32, #tpu.memory_space<vmem>>) target_semaphore(%run_scoped3A : memref<!tpu.dma_semaphore, #tpu.memory_space<semaphore_mem>>)
        %dma_wait3A = arith.constant 1024 : i32
        %dma_wait3A_580 = tpu.memref_slice %arg10[%dma_wait3A] : memref<2048xf32, #tpu.memory_space<vmem>> -> memref<256xf32, #tpu.memory_space<vmem>>
        %dma_wait3A_581 = tpu.memref_slice %arg5[%add3A_222] : memref<32000000xf32, #tpu.memory_space<hbm>> -> memref<256xf32, #tpu.memory_space<hbm>>
        %dma_wait3A_582 = arith.constant 1024 : i32
        %dma_wait3A_583 = tpu.memref_slice %arg10[%dma_wait3A_582] : memref<2048xf32, #tpu.memory_space<vmem>> -> memref<256xf32, #tpu.memory_space<vmem>>
        %dma_wait3A_584 = tpu.memref_slice %arg5[%add3A_222] : memref<32000000xf32, #tpu.memory_space<hbm>> -> memref<256xf32, #tpu.memory_space<hbm>>
        tpu.wait_dma2 semaphore(%run_scoped3A : memref<!tpu.dma_semaphore, #tpu.memory_space<semaphore_mem>>) src(%dma_wait3A_584 : memref<256xf32, #tpu.memory_space<hbm>>) dst(%dma_wait3A_583 : memref<256xf32, #tpu.memory_space<vmem>>)
        tpu.yield
      }) : () -> ()
      %add3A_223 = arith.constant 5 : i32
      %add3A_224 = arith.addi %mul3A_32, %add3A_223 : i32
      %mul3A_225 = arith.constant 1000000 : i32
      %mul3A_226 = arith.muli %add3A_224, %mul3A_225 : i32
      %add3A_227 = arith.constant 999744 : i32
      %add3A_228 = arith.addi %mul3A_226, %add3A_227 : i32
      "tpu.region"() ({
        %run_scoped3A = tpu.sem_alloc : memref<!tpu.dma_semaphore, #tpu.memory_space<semaphore_mem>>
        %dma_start3A_574 = arith.constant 1280 : i32
        %dma_start3A_575 = tpu.memref_slice %arg10[%dma_start3A_574] : memref<2048xf32, #tpu.memory_space<vmem>> -> memref<256xf32, #tpu.memory_space<vmem>>
        %dma_start3A_576 = tpu.memref_slice %arg5[%add3A_228] : memref<32000000xf32, #tpu.memory_space<hbm>> -> memref<256xf32, #tpu.memory_space<hbm>>
        %dma_start3A_577 = arith.constant 1280 : i32
        %dma_start3A_578 = tpu.memref_slice %arg10[%dma_start3A_577] : memref<2048xf32, #tpu.memory_space<vmem>> -> memref<256xf32, #tpu.memory_space<vmem>>
        %dma_start3A_579 = tpu.memref_slice %arg5[%add3A_228] : memref<32000000xf32, #tpu.memory_space<hbm>> -> memref<256xf32, #tpu.memory_space<hbm>>
        tpu.enqueue_dma source(%dma_start3A_579 : memref<256xf32, #tpu.memory_space<hbm>>) target(%dma_start3A_578 : memref<256xf32, #tpu.memory_space<vmem>>) target_semaphore(%run_scoped3A : memref<!tpu.dma_semaphore, #tpu.memory_space<semaphore_mem>>)
        %dma_wait3A = arith.constant 1280 : i32
        %dma_wait3A_580 = tpu.memref_slice %arg10[%dma_wait3A] : memref<2048xf32, #tpu.memory_space<vmem>> -> memref<256xf32, #tpu.memory_space<vmem>>
        %dma_wait3A_581 = tpu.memref_slice %arg5[%add3A_228] : memref<32000000xf32, #tpu.memory_space<hbm>> -> memref<256xf32, #tpu.memory_space<hbm>>
        %dma_wait3A_582 = arith.constant 1280 : i32
        %dma_wait3A_583 = tpu.memref_slice %arg10[%dma_wait3A_582] : memref<2048xf32, #tpu.memory_space<vmem>> -> memref<256xf32, #tpu.memory_space<vmem>>
        %dma_wait3A_584 = tpu.memref_slice %arg5[%add3A_228] : memref<32000000xf32, #tpu.memory_space<hbm>> -> memref<256xf32, #tpu.memory_space<hbm>>
        tpu.wait_dma2 semaphore(%run_scoped3A : memref<!tpu.dma_semaphore, #tpu.memory_space<semaphore_mem>>) src(%dma_wait3A_584 : memref<256xf32, #tpu.memory_space<hbm>>) dst(%dma_wait3A_583 : memref<256xf32, #tpu.memory_space<vmem>>)
        tpu.yield
      }) : () -> ()
      %add3A_229 = arith.constant 6 : i32
      %add3A_230 = arith.addi %mul3A_32, %add3A_229 : i32
      %mul3A_231 = arith.constant 1000000 : i32
      %mul3A_232 = arith.muli %add3A_230, %mul3A_231 : i32
      %add3A_233 = arith.constant 999744 : i32
      %add3A_234 = arith.addi %mul3A_232, %add3A_233 : i32
      "tpu.region"() ({
        %run_scoped3A = tpu.sem_alloc : memref<!tpu.dma_semaphore, #tpu.memory_space<semaphore_mem>>
        %dma_start3A_574 = arith.constant 1536 : i32
        %dma_start3A_575 = tpu.memref_slice %arg10[%dma_start3A_574] : memref<2048xf32, #tpu.memory_space<vmem>> -> memref<256xf32, #tpu.memory_space<vmem>>
        %dma_start3A_576 = tpu.memref_slice %arg5[%add3A_234] : memref<32000000xf32, #tpu.memory_space<hbm>> -> memref<256xf32, #tpu.memory_space<hbm>>
        %dma_start3A_577 = arith.constant 1536 : i32
        %dma_start3A_578 = tpu.memref_slice %arg10[%dma_start3A_577] : memref<2048xf32, #tpu.memory_space<vmem>> -> memref<256xf32, #tpu.memory_space<vmem>>
        %dma_start3A_579 = tpu.memref_slice %arg5[%add3A_234] : memref<32000000xf32, #tpu.memory_space<hbm>> -> memref<256xf32, #tpu.memory_space<hbm>>
        tpu.enqueue_dma source(%dma_start3A_579 : memref<256xf32, #tpu.memory_space<hbm>>) target(%dma_start3A_578 : memref<256xf32, #tpu.memory_space<vmem>>) target_semaphore(%run_scoped3A : memref<!tpu.dma_semaphore, #tpu.memory_space<semaphore_mem>>)
        %dma_wait3A = arith.constant 1536 : i32
        %dma_wait3A_580 = tpu.memref_slice %arg10[%dma_wait3A] : memref<2048xf32, #tpu.memory_space<vmem>> -> memref<256xf32, #tpu.memory_space<vmem>>
        %dma_wait3A_581 = tpu.memref_slice %arg5[%add3A_234] : memref<32000000xf32, #tpu.memory_space<hbm>> -> memref<256xf32, #tpu.memory_space<hbm>>
        %dma_wait3A_582 = arith.constant 1536 : i32
        %dma_wait3A_583 = tpu.memref_slice %arg10[%dma_wait3A_582] : memref<2048xf32, #tpu.memory_space<vmem>> -> memref<256xf32, #tpu.memory_space<vmem>>
        %dma_wait3A_584 = tpu.memref_slice %arg5[%add3A_234] : memref<32000000xf32, #tpu.memory_space<hbm>> -> memref<256xf32, #tpu.memory_space<hbm>>
        tpu.wait_dma2 semaphore(%run_scoped3A : memref<!tpu.dma_semaphore, #tpu.memory_space<semaphore_mem>>) src(%dma_wait3A_584 : memref<256xf32, #tpu.memory_space<hbm>>) dst(%dma_wait3A_583 : memref<256xf32, #tpu.memory_space<vmem>>)
        tpu.yield
      }) : () -> ()
      %add3A_235 = arith.constant 7 : i32
      %add3A_236 = arith.addi %mul3A_32, %add3A_235 : i32
      %mul3A_237 = arith.constant 1000000 : i32
      %mul3A_238 = arith.muli %add3A_236, %mul3A_237 : i32
      %add3A_239 = arith.constant 999744 : i32
      %add3A_240 = arith.addi %mul3A_238, %add3A_239 : i32
      "tpu.region"() ({
        %run_scoped3A = tpu.sem_alloc : memref<!tpu.dma_semaphore, #tpu.memory_space<semaphore_mem>>
        %dma_start3A_574 = arith.constant 1792 : i32
        %dma_start3A_575 = tpu.memref_slice %arg10[%dma_start3A_574] : memref<2048xf32, #tpu.memory_space<vmem>> -> memref<256xf32, #tpu.memory_space<vmem>>
        %dma_start3A_576 = tpu.memref_slice %arg5[%add3A_240] : memref<32000000xf32, #tpu.memory_space<hbm>> -> memref<256xf32, #tpu.memory_space<hbm>>
        %dma_start3A_577 = arith.constant 1792 : i32
        %dma_start3A_578 = tpu.memref_slice %arg10[%dma_start3A_577] : memref<2048xf32, #tpu.memory_space<vmem>> -> memref<256xf32, #tpu.memory_space<vmem>>
        %dma_start3A_579 = tpu.memref_slice %arg5[%add3A_240] : memref<32000000xf32, #tpu.memory_space<hbm>> -> memref<256xf32, #tpu.memory_space<hbm>>
        tpu.enqueue_dma source(%dma_start3A_579 : memref<256xf32, #tpu.memory_space<hbm>>) target(%dma_start3A_578 : memref<256xf32, #tpu.memory_space<vmem>>) target_semaphore(%run_scoped3A : memref<!tpu.dma_semaphore, #tpu.memory_space<semaphore_mem>>)
        %dma_wait3A = arith.constant 1792 : i32
        %dma_wait3A_580 = tpu.memref_slice %arg10[%dma_wait3A] : memref<2048xf32, #tpu.memory_space<vmem>> -> memref<256xf32, #tpu.memory_space<vmem>>
        %dma_wait3A_581 = tpu.memref_slice %arg5[%add3A_240] : memref<32000000xf32, #tpu.memory_space<hbm>> -> memref<256xf32, #tpu.memory_space<hbm>>
        %dma_wait3A_582 = arith.constant 1792 : i32
        %dma_wait3A_583 = tpu.memref_slice %arg10[%dma_wait3A_582] : memref<2048xf32, #tpu.memory_space<vmem>> -> memref<256xf32, #tpu.memory_space<vmem>>
        %dma_wait3A_584 = tpu.memref_slice %arg5[%add3A_240] : memref<32000000xf32, #tpu.memory_space<hbm>> -> memref<256xf32, #tpu.memory_space<hbm>>
        tpu.wait_dma2 semaphore(%run_scoped3A : memref<!tpu.dma_semaphore, #tpu.memory_space<semaphore_mem>>) src(%dma_wait3A_584 : memref<256xf32, #tpu.memory_space<hbm>>) dst(%dma_wait3A_583 : memref<256xf32, #tpu.memory_space<vmem>>)
        tpu.yield
      }) : () -> ()
      %get3A = arith.constant 192 : index
      %get3A_241 = tpu.vector_load %arg7[%get3A] {strides = array<i32>} : memref<256xf32, #tpu.memory_space<vmem>>, vector<16xf32>,
      %get3A_242 = arith.constant 192 : index
      %get3A_243 = tpu.vector_load %arg8[%get3A_242] {strides = array<i32>} : memref<256xf32, #tpu.memory_space<vmem>>, vector<16xf32>,
      %get3A_244 = arith.constant 192 : index
      %get3A_245 = tpu.vector_load %arg9[%get3A_244] {strides = array<i32>} : memref<256xf32, #tpu.memory_space<vmem>>, vector<16xf32>,
      %add3A_246 = arith.constant 1.000000e+01 : f32
      %add3A_247 = vector.broadcast %add3A_246 : f32 to vector<16xf32>
      %add3A_248 = arith.addf %get3A_241, %add3A_247 : vector<16xf32>
      %add3A_249 = arith.constant 0x4B400000 : f32
      %add3A_250 = vector.broadcast %add3A_249 : f32 to vector<16xf32>
      %add3A_251 = arith.addf %add3A_248, %add3A_250 : vector<16xf32>
      %sub3A_252 = arith.constant 0x4B400000 : f32
      %sub3A_253 = vector.broadcast %sub3A_252 : f32 to vector<16xf32>
      %sub3A_254 = arith.subf %add3A_251, %sub3A_253 : vector<16xf32>
      %add3A_255 = arith.constant 1.000000e+01 : f32
      %add3A_256 = vector.broadcast %add3A_255 : f32 to vector<16xf32>
      %add3A_257 = arith.addf %get3A_243, %add3A_256 : vector<16xf32>
      %add3A_258 = arith.constant 0x4B400000 : f32
      %add3A_259 = vector.broadcast %add3A_258 : f32 to vector<16xf32>
      %add3A_260 = arith.addf %add3A_257, %add3A_259 : vector<16xf32>
      %sub3A_261 = arith.constant 0x4B400000 : f32
      %sub3A_262 = vector.broadcast %sub3A_261 : f32 to vector<16xf32>
      %sub3A_263 = arith.subf %add3A_260, %sub3A_262 : vector<16xf32>
      %add3A_264 = arith.constant 1.000000e+01 : f32
      %add3A_265 = vector.broadcast %add3A_264 : f32 to vector<16xf32>
      %add3A_266 = arith.addf %get3A_245, %add3A_265 : vector<16xf32>
      %add3A_267 = arith.constant 0x4B400000 : f32
      %add3A_268 = vector.broadcast %add3A_267 : f32 to vector<16xf32>
      %add3A_269 = arith.addf %add3A_266, %add3A_268 : vector<16xf32>
      %sub3A_270 = arith.constant 0x4B400000 : f32
      %sub3A_271 = vector.broadcast %sub3A_270 : f32 to vector<16xf32>
      %sub3A_272 = arith.subf %add3A_269, %sub3A_271 : vector<16xf32>
      %max3A = arith.constant 0.000000e+00 : f32
      %max3A_273 = vector.broadcast %max3A : f32 to vector<16xf32>
      %max3A_274 = arith.maximumf %sub3A_254, %max3A_273 : vector<16xf32>
      %min3A = arith.constant 2.000000e+01 : f32
      %min3A_275 = vector.broadcast %min3A : f32 to vector<16xf32>
      %min3A_276 = arith.minimumf %max3A_274, %min3A_275 : vector<16xf32>
      %max3A_277 = arith.constant 0.000000e+00 : f32
      %max3A_278 = vector.broadcast %max3A_277 : f32 to vector<16xf32>
      %max3A_279 = arith.maximumf %sub3A_263, %max3A_278 : vector<16xf32>
      %min3A_280 = arith.constant 2.000000e+01 : f32
      %min3A_281 = vector.broadcast %min3A_280 : f32 to vector<16xf32>
      %min3A_282 = arith.minimumf %max3A_279, %min3A_281 : vector<16xf32>
      %max3A_283 = arith.constant 0.000000e+00 : f32
      %max3A_284 = vector.broadcast %max3A_283 : f32 to vector<16xf32>
      %max3A_285 = arith.maximumf %sub3A_272, %max3A_284 : vector<16xf32>
      %min3A_286 = arith.constant 2.000000e+01 : f32
      %min3A_287 = vector.broadcast %min3A_286 : f32 to vector<16xf32>
      %min3A_288 = arith.minimumf %max3A_285, %min3A_287 : vector<16xf32>
      %eq3A_289 = arith.cmpf oeq, %sub3A_254, %min3A_276 : vector<16xf32>
      %eq3A_290 = arith.cmpf oeq, %sub3A_263, %min3A_282 : vector<16xf32>
      %and3A_291 = arith.andi %eq3A_289, %eq3A_290 : vector<16xi1>
      %eq3A_292 = arith.cmpf oeq, %sub3A_272, %min3A_288 : vector<16xf32>
      %and3A_293 = arith.andi %and3A_291, %eq3A_292 : vector<16xi1>
      %mul3A_294 = arith.constant 4.410000e+02 : f32
      %mul3A_295 = vector.broadcast %mul3A_294 : f32 to vector<16xf32>
      %mul3A_296 = arith.mulf %min3A_276, %mul3A_295 : vector<16xf32>
      %mul3A_297 = arith.constant 2.100000e+01 : f32
      %mul3A_298 = vector.broadcast %mul3A_297 : f32 to vector<16xf32>
      %mul3A_299 = arith.mulf %min3A_282, %mul3A_298 : vector<16xf32>
      %add3A_300 = arith.addf %mul3A_296, %mul3A_299 : vector<16xf32>
      %add3A_301 = arith.addf %add3A_300, %min3A_288 : vector<16xf32>
      %convert_element_type3A_302 = arith.fptosi %add3A_301 : vector<16xf32> to vector<16xi32>
      %jit3A_303 = arith.constant 9261 : i32
      %broadcast_in_dim3A_304 = vector.broadcast %jit3A_303 : i32 to vector<16xi32>
      %select_n3A_305 = arith.select %and3A_293, %convert_element_type3A_302, %broadcast_in_dim3A_304 : vector<16xi1>, vector<16xi32>
      %get3A_306 = arith.constant 192 : index
      %get3A_307 = tpu.vector_load %arg10[%get3A_306] {strides = array<i32>} : memref<2048xf32, #tpu.memory_space<vmem>>, vector<16xf32>,
      tpu.vector_store_idx %arg15[%broadcast_in_dim3A_33, %select_n3A_305], %get3A_307 {add = true} : memref<8x9344xf32, #tpu.memory_space<vmem>>[vector<16xi32>, vector<16xi32>], vector<16xf32>,
      %get3A_308 = arith.constant 448 : index
      %get3A_309 = tpu.vector_load %arg10[%get3A_308] {strides = array<i32>} : memref<2048xf32, #tpu.memory_space<vmem>>, vector<16xf32>,
      tpu.vector_store_idx %arg15[%broadcast_in_dim3A_35, %select_n3A_305], %get3A_309 {add = true} : memref<8x9344xf32, #tpu.memory_space<vmem>>[vector<16xi32>, vector<16xi32>], vector<16xf32>,
      %get3A_310 = arith.constant 704 : index
      %get3A_311 = tpu.vector_load %arg10[%get3A_310] {strides = array<i32>} : memref<2048xf32, #tpu.memory_space<vmem>>, vector<16xf32>,
      tpu.vector_store_idx %arg15[%broadcast_in_dim3A_37, %select_n3A_305], %get3A_311 {add = true} : memref<8x9344xf32, #tpu.memory_space<vmem>>[vector<16xi32>, vector<16xi32>], vector<16xf32>,
      %get3A_312 = arith.constant 960 : index
      %get3A_313 = tpu.vector_load %arg10[%get3A_312] {strides = array<i32>} : memref<2048xf32, #tpu.memory_space<vmem>>, vector<16xf32>,
      tpu.vector_store_idx %arg15[%broadcast_in_dim3A_39, %select_n3A_305], %get3A_313 {add = true} : memref<8x9344xf32, #tpu.memory_space<vmem>>[vector<16xi32>, vector<16xi32>], vector<16xf32>,
      %get3A_314 = arith.constant 1216 : index
      %get3A_315 = tpu.vector_load %arg10[%get3A_314] {strides = array<i32>} : memref<2048xf32, #tpu.memory_space<vmem>>, vector<16xf32>,
      tpu.vector_store_idx %arg15[%broadcast_in_dim3A_41, %select_n3A_305], %get3A_315 {add = true} : memref<8x9344xf32, #tpu.memory_space<vmem>>[vector<16xi32>, vector<16xi32>], vector<16xf32>,
      %get3A_316 = arith.constant 1472 : index
      %get3A_317 = tpu.vector_load %arg10[%get3A_316] {strides = array<i32>} : memref<2048xf32, #tpu.memory_space<vmem>>, vector<16xf32>,
      tpu.vector_store_idx %arg15[%broadcast_in_dim3A_43, %select_n3A_305], %get3A_317 {add = true} : memref<8x9344xf32, #tpu.memory_space<vmem>>[vector<16xi32>, vector<16xi32>], vector<16xf32>,
      %get3A_318 = arith.constant 1728 : index
      %get3A_319 = tpu.vector_load %arg10[%get3A_318] {strides = array<i32>} : memref<2048xf32, #tpu.memory_space<vmem>>, vector<16xf32>,
      tpu.vector_store_idx %arg15[%broadcast_in_dim3A_45, %select_n3A_305], %get3A_319 {add = true} : memref<8x9344xf32, #tpu.memory_space<vmem>>[vector<16xi32>, vector<16xi32>], vector<16xf32>,
      %get3A_320 = arith.constant 1984 : index
      %get3A_321 = tpu.vector_load %arg10[%get3A_320] {strides = array<i32>} : memref<2048xf32, #tpu.memory_space<vmem>>, vector<16xf32>,
      tpu.vector_store_idx %arg15[%broadcast_in_dim3A_47, %select_n3A_305], %get3A_321 {add = true} : memref<8x9344xf32, #tpu.memory_space<vmem>>[vector<16xi32>, vector<16xi32>], vector<16xf32>,
      %get3A_322 = arith.constant 208 : index
      %get3A_323 = tpu.vector_load %arg7[%get3A_322] {strides = array<i32>} : memref<256xf32, #tpu.memory_space<vmem>>, vector<16xf32>,
      %get3A_324 = arith.constant 208 : index
      %get3A_325 = tpu.vector_load %arg8[%get3A_324] {strides = array<i32>} : memref<256xf32, #tpu.memory_space<vmem>>, vector<16xf32>,
      %get3A_326 = arith.constant 208 : index
      %get3A_327 = tpu.vector_load %arg9[%get3A_326] {strides = array<i32>} : memref<256xf32, #tpu.memory_space<vmem>>, vector<16xf32>,
      %add3A_328 = arith.constant 1.000000e+01 : f32
      %add3A_329 = vector.broadcast %add3A_328 : f32 to vector<16xf32>
      %add3A_330 = arith.addf %get3A_323, %add3A_329 : vector<16xf32>
      %add3A_331 = arith.constant 0x4B400000 : f32
      %add3A_332 = vector.broadcast %add3A_331 : f32 to vector<16xf32>
      %add3A_333 = arith.addf %add3A_330, %add3A_332 : vector<16xf32>
      %sub3A_334 = arith.constant 0x4B400000 : f32
      %sub3A_335 = vector.broadcast %sub3A_334 : f32 to vector<16xf32>
      %sub3A_336 = arith.subf %add3A_333, %sub3A_335 : vector<16xf32>
      %add3A_337 = arith.constant 1.000000e+01 : f32
      %add3A_338 = vector.broadcast %add3A_337 : f32 to vector<16xf32>
      %add3A_339 = arith.addf %get3A_325, %add3A_338 : vector<16xf32>
      %add3A_340 = arith.constant 0x4B400000 : f32
      %add3A_341 = vector.broadcast %add3A_340 : f32 to vector<16xf32>
      %add3A_342 = arith.addf %add3A_339, %add3A_341 : vector<16xf32>
      %sub3A_343 = arith.constant 0x4B400000 : f32
      %sub3A_344 = vector.broadcast %sub3A_343 : f32 to vector<16xf32>
      %sub3A_345 = arith.subf %add3A_342, %sub3A_344 : vector<16xf32>
      %add3A_346 = arith.constant 1.000000e+01 : f32
      %add3A_347 = vector.broadcast %add3A_346 : f32 to vector<16xf32>
      %add3A_348 = arith.addf %get3A_327, %add3A_347 : vector<16xf32>
      %add3A_349 = arith.constant 0x4B400000 : f32
      %add3A_350 = vector.broadcast %add3A_349 : f32 to vector<16xf32>
      %add3A_351 = arith.addf %add3A_348, %add3A_350 : vector<16xf32>
      %sub3A_352 = arith.constant 0x4B400000 : f32
      %sub3A_353 = vector.broadcast %sub3A_352 : f32 to vector<16xf32>
      %sub3A_354 = arith.subf %add3A_351, %sub3A_353 : vector<16xf32>
      %max3A_355 = arith.constant 0.000000e+00 : f32
      %max3A_356 = vector.broadcast %max3A_355 : f32 to vector<16xf32>
      %max3A_357 = arith.maximumf %sub3A_336, %max3A_356 : vector<16xf32>
      %min3A_358 = arith.constant 2.000000e+01 : f32
      %min3A_359 = vector.broadcast %min3A_358 : f32 to vector<16xf32>
      %min3A_360 = arith.minimumf %max3A_357, %min3A_359 : vector<16xf32>
      %max3A_361 = arith.constant 0.000000e+00 : f32
      %max3A_362 = vector.broadcast %max3A_361 : f32 to vector<16xf32>
      %max3A_363 = arith.maximumf %sub3A_345, %max3A_362 : vector<16xf32>
      %min3A_364 = arith.constant 2.000000e+01 : f32
      %min3A_365 = vector.broadcast %min3A_364 : f32 to vector<16xf32>
      %min3A_366 = arith.minimumf %max3A_363, %min3A_365 : vector<16xf32>
      %max3A_367 = arith.constant 0.000000e+00 : f32
      %max3A_368 = vector.broadcast %max3A_367 : f32 to vector<16xf32>
      %max3A_369 = arith.maximumf %sub3A_354, %max3A_368 : vector<16xf32>
      %min3A_370 = arith.constant 2.000000e+01 : f32
      %min3A_371 = vector.broadcast %min3A_370 : f32 to vector<16xf32>
      %min3A_372 = arith.minimumf %max3A_369, %min3A_371 : vector<16xf32>
      %eq3A_373 = arith.cmpf oeq, %sub3A_336, %min3A_360 : vector<16xf32>
      %eq3A_374 = arith.cmpf oeq, %sub3A_345, %min3A_366 : vector<16xf32>
      %and3A_375 = arith.andi %eq3A_373, %eq3A_374 : vector<16xi1>
      %eq3A_376 = arith.cmpf oeq, %sub3A_354, %min3A_372 : vector<16xf32>
      %and3A_377 = arith.andi %and3A_375, %eq3A_376 : vector<16xi1>
      %mul3A_378 = arith.constant 4.410000e+02 : f32
      %mul3A_379 = vector.broadcast %mul3A_378 : f32 to vector<16xf32>
      %mul3A_380 = arith.mulf %min3A_360, %mul3A_379 : vector<16xf32>
      %mul3A_381 = arith.constant 2.100000e+01 : f32
      %mul3A_382 = vector.broadcast %mul3A_381 : f32 to vector<16xf32>
      %mul3A_383 = arith.mulf %min3A_366, %mul3A_382 : vector<16xf32>
      %add3A_384 = arith.addf %mul3A_380, %mul3A_383 : vector<16xf32>
      %add3A_385 = arith.addf %add3A_384, %min3A_372 : vector<16xf32>
      %convert_element_type3A_386 = arith.fptosi %add3A_385 : vector<16xf32> to vector<16xi32>
      %jit3A_387 = arith.constant 9261 : i32
      %broadcast_in_dim3A_388 = vector.broadcast %jit3A_387 : i32 to vector<16xi32>
      %select_n3A_389 = arith.select %and3A_377, %convert_element_type3A_386, %broadcast_in_dim3A_388 : vector<16xi1>, vector<16xi32>
      %get3A_390 = arith.constant 208 : index
      %get3A_391 = tpu.vector_load %arg10[%get3A_390] {strides = array<i32>} : memref<2048xf32, #tpu.memory_space<vmem>>, vector<16xf32>,
      tpu.vector_store_idx %arg15[%broadcast_in_dim3A_33, %select_n3A_389], %get3A_391 {add = true} : memref<8x9344xf32, #tpu.memory_space<vmem>>[vector<16xi32>, vector<16xi32>], vector<16xf32>,
      %get3A_392 = arith.constant 464 : index
      %get3A_393 = tpu.vector_load %arg10[%get3A_392] {strides = array<i32>} : memref<2048xf32, #tpu.memory_space<vmem>>, vector<16xf32>,
      tpu.vector_store_idx %arg15[%broadcast_in_dim3A_35, %select_n3A_389], %get3A_393 {add = true} : memref<8x9344xf32, #tpu.memory_space<vmem>>[vector<16xi32>, vector<16xi32>], vector<16xf32>,
      %get3A_394 = arith.constant 720 : index
      %get3A_395 = tpu.vector_load %arg10[%get3A_394] {strides = array<i32>} : memref<2048xf32, #tpu.memory_space<vmem>>, vector<16xf32>,
      tpu.vector_store_idx %arg15[%broadcast_in_dim3A_37, %select_n3A_389], %get3A_395 {add = true} : memref<8x9344xf32, #tpu.memory_space<vmem>>[vector<16xi32>, vector<16xi32>], vector<16xf32>,
      %get3A_396 = arith.constant 976 : index
      %get3A_397 = tpu.vector_load %arg10[%get3A_396] {strides = array<i32>} : memref<2048xf32, #tpu.memory_space<vmem>>, vector<16xf32>,
      tpu.vector_store_idx %arg15[%broadcast_in_dim3A_39, %select_n3A_389], %get3A_397 {add = true} : memref<8x9344xf32, #tpu.memory_space<vmem>>[vector<16xi32>, vector<16xi32>], vector<16xf32>,
      %get3A_398 = arith.constant 1232 : index
      %get3A_399 = tpu.vector_load %arg10[%get3A_398] {strides = array<i32>} : memref<2048xf32, #tpu.memory_space<vmem>>, vector<16xf32>,
      tpu.vector_store_idx %arg15[%broadcast_in_dim3A_41, %select_n3A_389], %get3A_399 {add = true} : memref<8x9344xf32, #tpu.memory_space<vmem>>[vector<16xi32>, vector<16xi32>], vector<16xf32>,
      %get3A_400 = arith.constant 1488 : index
      %get3A_401 = tpu.vector_load %arg10[%get3A_400] {strides = array<i32>} : memref<2048xf32, #tpu.memory_space<vmem>>, vector<16xf32>,
      tpu.vector_store_idx %arg15[%broadcast_in_dim3A_43, %select_n3A_389], %get3A_401 {add = true} : memref<8x9344xf32, #tpu.memory_space<vmem>>[vector<16xi32>, vector<16xi32>], vector<16xf32>,
      %get3A_402 = arith.constant 1744 : index
      %get3A_403 = tpu.vector_load %arg10[%get3A_402] {strides = array<i32>} : memref<2048xf32, #tpu.memory_space<vmem>>, vector<16xf32>,
      tpu.vector_store_idx %arg15[%broadcast_in_dim3A_45, %select_n3A_389], %get3A_403 {add = true} : memref<8x9344xf32, #tpu.memory_space<vmem>>[vector<16xi32>, vector<16xi32>], vector<16xf32>,
      %get3A_404 = arith.constant 2000 : index
      %get3A_405 = tpu.vector_load %arg10[%get3A_404] {strides = array<i32>} : memref<2048xf32, #tpu.memory_space<vmem>>, vector<16xf32>,
      tpu.vector_store_idx %arg15[%broadcast_in_dim3A_47, %select_n3A_389], %get3A_405 {add = true} : memref<8x9344xf32, #tpu.memory_space<vmem>>[vector<16xi32>, vector<16xi32>], vector<16xf32>,
      %get3A_406 = arith.constant 224 : index
      %get3A_407 = tpu.vector_load %arg7[%get3A_406] {strides = array<i32>} : memref<256xf32, #tpu.memory_space<vmem>>, vector<16xf32>,
      %get3A_408 = arith.constant 224 : index
      %get3A_409 = tpu.vector_load %arg8[%get3A_408] {strides = array<i32>} : memref<256xf32, #tpu.memory_space<vmem>>, vector<16xf32>,
      %get3A_410 = arith.constant 224 : index
      %get3A_411 = tpu.vector_load %arg9[%get3A_410] {strides = array<i32>} : memref<256xf32, #tpu.memory_space<vmem>>, vector<16xf32>,
      %add3A_412 = arith.constant 1.000000e+01 : f32
      %add3A_413 = vector.broadcast %add3A_412 : f32 to vector<16xf32>
      %add3A_414 = arith.addf %get3A_407, %add3A_413 : vector<16xf32>
      %add3A_415 = arith.constant 0x4B400000 : f32
      %add3A_416 = vector.broadcast %add3A_415 : f32 to vector<16xf32>
      %add3A_417 = arith.addf %add3A_414, %add3A_416 : vector<16xf32>
      %sub3A_418 = arith.constant 0x4B400000 : f32
      %sub3A_419 = vector.broadcast %sub3A_418 : f32 to vector<16xf32>
      %sub3A_420 = arith.subf %add3A_417, %sub3A_419 : vector<16xf32>
      %add3A_421 = arith.constant 1.000000e+01 : f32
      %add3A_422 = vector.broadcast %add3A_421 : f32 to vector<16xf32>
      %add3A_423 = arith.addf %get3A_409, %add3A_422 : vector<16xf32>
      %add3A_424 = arith.constant 0x4B400000 : f32
      %add3A_425 = vector.broadcast %add3A_424 : f32 to vector<16xf32>
      %add3A_426 = arith.addf %add3A_423, %add3A_425 : vector<16xf32>
      %sub3A_427 = arith.constant 0x4B400000 : f32
      %sub3A_428 = vector.broadcast %sub3A_427 : f32 to vector<16xf32>
      %sub3A_429 = arith.subf %add3A_426, %sub3A_428 : vector<16xf32>
      %add3A_430 = arith.constant 1.000000e+01 : f32
      %add3A_431 = vector.broadcast %add3A_430 : f32 to vector<16xf32>
      %add3A_432 = arith.addf %get3A_411, %add3A_431 : vector<16xf32>
      %add3A_433 = arith.constant 0x4B400000 : f32
      %add3A_434 = vector.broadcast %add3A_433 : f32 to vector<16xf32>
      %add3A_435 = arith.addf %add3A_432, %add3A_434 : vector<16xf32>
      %sub3A_436 = arith.constant 0x4B400000 : f32
      %sub3A_437 = vector.broadcast %sub3A_436 : f32 to vector<16xf32>
      %sub3A_438 = arith.subf %add3A_435, %sub3A_437 : vector<16xf32>
      %max3A_439 = arith.constant 0.000000e+00 : f32
      %max3A_440 = vector.broadcast %max3A_439 : f32 to vector<16xf32>
      %max3A_441 = arith.maximumf %sub3A_420, %max3A_440 : vector<16xf32>
      %min3A_442 = arith.constant 2.000000e+01 : f32
      %min3A_443 = vector.broadcast %min3A_442 : f32 to vector<16xf32>
      %min3A_444 = arith.minimumf %max3A_441, %min3A_443 : vector<16xf32>
      %max3A_445 = arith.constant 0.000000e+00 : f32
      %max3A_446 = vector.broadcast %max3A_445 : f32 to vector<16xf32>
      %max3A_447 = arith.maximumf %sub3A_429, %max3A_446 : vector<16xf32>
      %min3A_448 = arith.constant 2.000000e+01 : f32
      %min3A_449 = vector.broadcast %min3A_448 : f32 to vector<16xf32>
      %min3A_450 = arith.minimumf %max3A_447, %min3A_449 : vector<16xf32>
      %max3A_451 = arith.constant 0.000000e+00 : f32
      %max3A_452 = vector.broadcast %max3A_451 : f32 to vector<16xf32>
      %max3A_453 = arith.maximumf %sub3A_438, %max3A_452 : vector<16xf32>
      %min3A_454 = arith.constant 2.000000e+01 : f32
      %min3A_455 = vector.broadcast %min3A_454 : f32 to vector<16xf32>
      %min3A_456 = arith.minimumf %max3A_453, %min3A_455 : vector<16xf32>
      %eq3A_457 = arith.cmpf oeq, %sub3A_420, %min3A_444 : vector<16xf32>
      %eq3A_458 = arith.cmpf oeq, %sub3A_429, %min3A_450 : vector<16xf32>
      %and3A_459 = arith.andi %eq3A_457, %eq3A_458 : vector<16xi1>
      %eq3A_460 = arith.cmpf oeq, %sub3A_438, %min3A_456 : vector<16xf32>
      %and3A_461 = arith.andi %and3A_459, %eq3A_460 : vector<16xi1>
      %mul3A_462 = arith.constant 4.410000e+02 : f32
      %mul3A_463 = vector.broadcast %mul3A_462 : f32 to vector<16xf32>
      %mul3A_464 = arith.mulf %min3A_444, %mul3A_463 : vector<16xf32>
      %mul3A_465 = arith.constant 2.100000e+01 : f32
      %mul3A_466 = vector.broadcast %mul3A_465 : f32 to vector<16xf32>
      %mul3A_467 = arith.mulf %min3A_450, %mul3A_466 : vector<16xf32>
      %add3A_468 = arith.addf %mul3A_464, %mul3A_467 : vector<16xf32>
      %add3A_469 = arith.addf %add3A_468, %min3A_456 : vector<16xf32>
      %convert_element_type3A_470 = arith.fptosi %add3A_469 : vector<16xf32> to vector<16xi32>
      %jit3A_471 = arith.constant 9261 : i32
      %broadcast_in_dim3A_472 = vector.broadcast %jit3A_471 : i32 to vector<16xi32>
      %select_n3A_473 = arith.select %and3A_461, %convert_element_type3A_470, %broadcast_in_dim3A_472 : vector<16xi1>, vector<16xi32>
      %get3A_474 = arith.constant 224 : index
      %get3A_475 = tpu.vector_load %arg10[%get3A_474] {strides = array<i32>} : memref<2048xf32, #tpu.memory_space<vmem>>, vector<16xf32>,
      tpu.vector_store_idx %arg15[%broadcast_in_dim3A_33, %select_n3A_473], %get3A_475 {add = true} : memref<8x9344xf32, #tpu.memory_space<vmem>>[vector<16xi32>, vector<16xi32>], vector<16xf32>,
      %get3A_476 = arith.constant 480 : index
      %get3A_477 = tpu.vector_load %arg10[%get3A_476] {strides = array<i32>} : memref<2048xf32, #tpu.memory_space<vmem>>, vector<16xf32>,
      tpu.vector_store_idx %arg15[%broadcast_in_dim3A_35, %select_n3A_473], %get3A_477 {add = true} : memref<8x9344xf32, #tpu.memory_space<vmem>>[vector<16xi32>, vector<16xi32>], vector<16xf32>,
      %get3A_478 = arith.constant 736 : index
      %get3A_479 = tpu.vector_load %arg10[%get3A_478] {strides = array<i32>} : memref<2048xf32, #tpu.memory_space<vmem>>, vector<16xf32>,
      tpu.vector_store_idx %arg15[%broadcast_in_dim3A_37, %select_n3A_473], %get3A_479 {add = true} : memref<8x9344xf32, #tpu.memory_space<vmem>>[vector<16xi32>, vector<16xi32>], vector<16xf32>,
      %get3A_480 = arith.constant 992 : index
      %get3A_481 = tpu.vector_load %arg10[%get3A_480] {strides = array<i32>} : memref<2048xf32, #tpu.memory_space<vmem>>, vector<16xf32>,
      tpu.vector_store_idx %arg15[%broadcast_in_dim3A_39, %select_n3A_473], %get3A_481 {add = true} : memref<8x9344xf32, #tpu.memory_space<vmem>>[vector<16xi32>, vector<16xi32>], vector<16xf32>,
      %get3A_482 = arith.constant 1248 : index
      %get3A_483 = tpu.vector_load %arg10[%get3A_482] {strides = array<i32>} : memref<2048xf32, #tpu.memory_space<vmem>>, vector<16xf32>,
      tpu.vector_store_idx %arg15[%broadcast_in_dim3A_41, %select_n3A_473], %get3A_483 {add = true} : memref<8x9344xf32, #tpu.memory_space<vmem>>[vector<16xi32>, vector<16xi32>], vector<16xf32>,
      %get3A_484 = arith.constant 1504 : index
      %get3A_485 = tpu.vector_load %arg10[%get3A_484] {strides = array<i32>} : memref<2048xf32, #tpu.memory_space<vmem>>, vector<16xf32>,
      tpu.vector_store_idx %arg15[%broadcast_in_dim3A_43, %select_n3A_473], %get3A_485 {add = true} : memref<8x9344xf32, #tpu.memory_space<vmem>>[vector<16xi32>, vector<16xi32>], vector<16xf32>,
      %get3A_486 = arith.constant 1760 : index
      %get3A_487 = tpu.vector_load %arg10[%get3A_486] {strides = array<i32>} : memref<2048xf32, #tpu.memory_space<vmem>>, vector<16xf32>,
      tpu.vector_store_idx %arg15[%broadcast_in_dim3A_45, %select_n3A_473], %get3A_487 {add = true} : memref<8x9344xf32, #tpu.memory_space<vmem>>[vector<16xi32>, vector<16xi32>], vector<16xf32>,
      %get3A_488 = arith.constant 2016 : index
      %get3A_489 = tpu.vector_load %arg10[%get3A_488] {strides = array<i32>} : memref<2048xf32, #tpu.memory_space<vmem>>, vector<16xf32>,
      tpu.vector_store_idx %arg15[%broadcast_in_dim3A_47, %select_n3A_473], %get3A_489 {add = true} : memref<8x9344xf32, #tpu.memory_space<vmem>>[vector<16xi32>, vector<16xi32>], vector<16xf32>,
      %get3A_490 = arith.constant 240 : index
      %get3A_491 = tpu.vector_load %arg7[%get3A_490] {strides = array<i32>} : memref<256xf32, #tpu.memory_space<vmem>>, vector<16xf32>,
      %get3A_492 = arith.constant 240 : index
      %get3A_493 = tpu.vector_load %arg8[%get3A_492] {strides = array<i32>} : memref<256xf32, #tpu.memory_space<vmem>>, vector<16xf32>,
      %get3A_494 = arith.constant 240 : index
      %get3A_495 = tpu.vector_load %arg9[%get3A_494] {strides = array<i32>} : memref<256xf32, #tpu.memory_space<vmem>>, vector<16xf32>,
      %add3A_496 = arith.constant 1.000000e+01 : f32
      %add3A_497 = vector.broadcast %add3A_496 : f32 to vector<16xf32>
      %add3A_498 = arith.addf %get3A_491, %add3A_497 : vector<16xf32>
      %add3A_499 = arith.constant 0x4B400000 : f32
      %add3A_500 = vector.broadcast %add3A_499 : f32 to vector<16xf32>
      %add3A_501 = arith.addf %add3A_498, %add3A_500 : vector<16xf32>
      %sub3A_502 = arith.constant 0x4B400000 : f32
      %sub3A_503 = vector.broadcast %sub3A_502 : f32 to vector<16xf32>
      %sub3A_504 = arith.subf %add3A_501, %sub3A_503 : vector<16xf32>
      %add3A_505 = arith.constant 1.000000e+01 : f32
      %add3A_506 = vector.broadcast %add3A_505 : f32 to vector<16xf32>
      %add3A_507 = arith.addf %get3A_493, %add3A_506 : vector<16xf32>
      %add3A_508 = arith.constant 0x4B400000 : f32
      %add3A_509 = vector.broadcast %add3A_508 : f32 to vector<16xf32>
      %add3A_510 = arith.addf %add3A_507, %add3A_509 : vector<16xf32>
      %sub3A_511 = arith.constant 0x4B400000 : f32
      %sub3A_512 = vector.broadcast %sub3A_511 : f32 to vector<16xf32>
      %sub3A_513 = arith.subf %add3A_510, %sub3A_512 : vector<16xf32>
      %add3A_514 = arith.constant 1.000000e+01 : f32
      %add3A_515 = vector.broadcast %add3A_514 : f32 to vector<16xf32>
      %add3A_516 = arith.addf %get3A_495, %add3A_515 : vector<16xf32>
      %add3A_517 = arith.constant 0x4B400000 : f32
      %add3A_518 = vector.broadcast %add3A_517 : f32 to vector<16xf32>
      %add3A_519 = arith.addf %add3A_516, %add3A_518 : vector<16xf32>
      %sub3A_520 = arith.constant 0x4B400000 : f32
      %sub3A_521 = vector.broadcast %sub3A_520 : f32 to vector<16xf32>
      %sub3A_522 = arith.subf %add3A_519, %sub3A_521 : vector<16xf32>
      %max3A_523 = arith.constant 0.000000e+00 : f32
      %max3A_524 = vector.broadcast %max3A_523 : f32 to vector<16xf32>
      %max3A_525 = arith.maximumf %sub3A_504, %max3A_524 : vector<16xf32>
      %min3A_526 = arith.constant 2.000000e+01 : f32
      %min3A_527 = vector.broadcast %min3A_526 : f32 to vector<16xf32>
      %min3A_528 = arith.minimumf %max3A_525, %min3A_527 : vector<16xf32>
      %max3A_529 = arith.constant 0.000000e+00 : f32
      %max3A_530 = vector.broadcast %max3A_529 : f32 to vector<16xf32>
      %max3A_531 = arith.maximumf %sub3A_513, %max3A_530 : vector<16xf32>
      %min3A_532 = arith.constant 2.000000e+01 : f32
      %min3A_533 = vector.broadcast %min3A_532 : f32 to vector<16xf32>
      %min3A_534 = arith.minimumf %max3A_531, %min3A_533 : vector<16xf32>
      %max3A_535 = arith.constant 0.000000e+00 : f32
      %max3A_536 = vector.broadcast %max3A_535 : f32 to vector<16xf32>
      %max3A_537 = arith.maximumf %sub3A_522, %max3A_536 : vector<16xf32>
      %min3A_538 = arith.constant 2.000000e+01 : f32
      %min3A_539 = vector.broadcast %min3A_538 : f32 to vector<16xf32>
      %min3A_540 = arith.minimumf %max3A_537, %min3A_539 : vector<16xf32>
      %eq3A_541 = arith.cmpf oeq, %sub3A_504, %min3A_528 : vector<16xf32>
      %eq3A_542 = arith.cmpf oeq, %sub3A_513, %min3A_534 : vector<16xf32>
      %and3A_543 = arith.andi %eq3A_541, %eq3A_542 : vector<16xi1>
      %eq3A_544 = arith.cmpf oeq, %sub3A_522, %min3A_540 : vector<16xf32>
      %and3A_545 = arith.andi %and3A_543, %eq3A_544 : vector<16xi1>
      %mul3A_546 = arith.constant 4.410000e+02 : f32
      %mul3A_547 = vector.broadcast %mul3A_546 : f32 to vector<16xf32>
      %mul3A_548 = arith.mulf %min3A_528, %mul3A_547 : vector<16xf32>
      %mul3A_549 = arith.constant 2.100000e+01 : f32
      %mul3A_550 = vector.broadcast %mul3A_549 : f32 to vector<16xf32>
      %mul3A_551 = arith.mulf %min3A_534, %mul3A_550 : vector<16xf32>
      %add3A_552 = arith.addf %mul3A_548, %mul3A_551 : vector<16xf32>
      %add3A_553 = arith.addf %add3A_552, %min3A_540 : vector<16xf32>
      %convert_element_type3A_554 = arith.fptosi %add3A_553 : vector<16xf32> to vector<16xi32>
      %jit3A_555 = arith.constant 9261 : i32
      %broadcast_in_dim3A_556 = vector.broadcast %jit3A_555 : i32 to vector<16xi32>
      %select_n3A_557 = arith.select %and3A_545, %convert_element_type3A_554, %broadcast_in_dim3A_556 : vector<16xi1>, vector<16xi32>
      %get3A_558 = arith.constant 240 : index
      %get3A_559 = tpu.vector_load %arg10[%get3A_558] {strides = array<i32>} : memref<2048xf32, #tpu.memory_space<vmem>>, vector<16xf32>,
      tpu.vector_store_idx %arg15[%broadcast_in_dim3A_33, %select_n3A_557], %get3A_559 {add = true} : memref<8x9344xf32, #tpu.memory_space<vmem>>[vector<16xi32>, vector<16xi32>], vector<16xf32>,
      %get3A_560 = arith.constant 496 : index
      %get3A_561 = tpu.vector_load %arg10[%get3A_560] {strides = array<i32>} : memref<2048xf32, #tpu.memory_space<vmem>>, vector<16xf32>,
      tpu.vector_store_idx %arg15[%broadcast_in_dim3A_35, %select_n3A_557], %get3A_561 {add = true} : memref<8x9344xf32, #tpu.memory_space<vmem>>[vector<16xi32>, vector<16xi32>], vector<16xf32>,
      %get3A_562 = arith.constant 752 : index
      %get3A_563 = tpu.vector_load %arg10[%get3A_562] {strides = array<i32>} : memref<2048xf32, #tpu.memory_space<vmem>>, vector<16xf32>,
      tpu.vector_store_idx %arg15[%broadcast_in_dim3A_37, %select_n3A_557], %get3A_563 {add = true} : memref<8x9344xf32, #tpu.memory_space<vmem>>[vector<16xi32>, vector<16xi32>], vector<16xf32>,
      %get3A_564 = arith.constant 1008 : index
      %get3A_565 = tpu.vector_load %arg10[%get3A_564] {strides = array<i32>} : memref<2048xf32, #tpu.memory_space<vmem>>, vector<16xf32>,
      tpu.vector_store_idx %arg15[%broadcast_in_dim3A_39, %select_n3A_557], %get3A_565 {add = true} : memref<8x9344xf32, #tpu.memory_space<vmem>>[vector<16xi32>, vector<16xi32>], vector<16xf32>,
      %get3A_566 = arith.constant 1264 : index
      %get3A_567 = tpu.vector_load %arg10[%get3A_566] {strides = array<i32>} : memref<2048xf32, #tpu.memory_space<vmem>>, vector<16xf32>,
      tpu.vector_store_idx %arg15[%broadcast_in_dim3A_41, %select_n3A_557], %get3A_567 {add = true} : memref<8x9344xf32, #tpu.memory_space<vmem>>[vector<16xi32>, vector<16xi32>], vector<16xf32>,
      %get3A_568 = arith.constant 1520 : index
      %get3A_569 = tpu.vector_load %arg10[%get3A_568] {strides = array<i32>} : memref<2048xf32, #tpu.memory_space<vmem>>, vector<16xf32>,
      tpu.vector_store_idx %arg15[%broadcast_in_dim3A_43, %select_n3A_557], %get3A_569 {add = true} : memref<8x9344xf32, #tpu.memory_space<vmem>>[vector<16xi32>, vector<16xi32>], vector<16xf32>,
      %get3A_570 = arith.constant 1776 : index
      %get3A_571 = tpu.vector_load %arg10[%get3A_570] {strides = array<i32>} : memref<2048xf32, #tpu.memory_space<vmem>>, vector<16xf32>,
      tpu.vector_store_idx %arg15[%broadcast_in_dim3A_45, %select_n3A_557], %get3A_571 {add = true} : memref<8x9344xf32, #tpu.memory_space<vmem>>[vector<16xi32>, vector<16xi32>], vector<16xf32>,
      %get3A_572 = arith.constant 2032 : index
      %get3A_573 = tpu.vector_load %arg10[%get3A_572] {strides = array<i32>} : memref<2048xf32, #tpu.memory_space<vmem>>, vector<16xf32>,
      tpu.vector_store_idx %arg15[%broadcast_in_dim3A_47, %select_n3A_557], %get3A_573 {add = true} : memref<8x9344xf32, #tpu.memory_space<vmem>>[vector<16xi32>, vector<16xi32>], vector<16xf32>,
    } else {
    }
    "tpu.region"() ({
      %run_scoped3A = tpu.sem_alloc : memref<!tpu.dma_semaphore, #tpu.memory_space<semaphore_mem>>
      %dma_start3A_193 = arith.constant 0 : i32
      %dma_start3A_194 = tpu.memref_slice %arg6[%select_n3A_30, %mul3A_32, %dma_start3A_193] : memref<8x32x9344xf32, #tpu.memory_space<hbm>> -> memref<1x8x9344xf32, #tpu.memory_space<hbm>>
      %dma_start3A_195 = tpu.memref_squeeze %dma_start3A_194 : memref<1x8x9344xf32, #tpu.memory_space<hbm>> -> memref<8x9344xf32, #tpu.memory_space<hbm>>
      %dma_start3A_196 = arith.constant 0 : i32
      %dma_start3A_197 = tpu.memref_slice %arg6[%select_n3A_30, %mul3A_32, %dma_start3A_196] : memref<8x32x9344xf32, #tpu.memory_space<hbm>> -> memref<1x8x9344xf32, #tpu.memory_space<hbm>>
      %dma_start3A_198 = tpu.memref_squeeze %dma_start3A_197 : memref<1x8x9344xf32, #tpu.memory_space<hbm>> -> memref<8x9344xf32, #tpu.memory_space<hbm>>
      tpu.enqueue_dma source(%arg15 : memref<8x9344xf32, #tpu.memory_space<vmem>>) target(%dma_start3A_198 : memref<8x9344xf32, #tpu.memory_space<hbm>>) target_semaphore(%run_scoped3A : memref<!tpu.dma_semaphore, #tpu.memory_space<semaphore_mem>>)
      %dma_wait3A = arith.constant 0 : i32
      %dma_wait3A_199 = tpu.memref_slice %arg6[%select_n3A_30, %mul3A_32, %dma_wait3A] : memref<8x32x9344xf32, #tpu.memory_space<hbm>> -> memref<1x8x9344xf32, #tpu.memory_space<hbm>>
      %dma_wait3A_200 = tpu.memref_squeeze %dma_wait3A_199 : memref<1x8x9344xf32, #tpu.memory_space<hbm>> -> memref<8x9344xf32, #tpu.memory_space<hbm>>
      %dma_wait3A_201 = arith.constant 0 : i32
      %dma_wait3A_202 = tpu.memref_slice %arg6[%select_n3A_30, %mul3A_32, %dma_wait3A_201] : memref<8x32x9344xf32, #tpu.memory_space<hbm>> -> memref<1x8x9344xf32, #tpu.memory_space<hbm>>
      %dma_wait3A_203 = tpu.memref_squeeze %dma_wait3A_202 : memref<1x8x9344xf32, #tpu.memory_space<hbm>> -> memref<8x9344xf32, #tpu.memory_space<hbm>>
      tpu.wait_dma2 semaphore(%run_scoped3A : memref<!tpu.dma_semaphore, #tpu.memory_space<semaphore_mem>>) src(%arg15 : memref<8x9344xf32, #tpu.memory_space<vmem>>) dst(%dma_wait3A_203 : memref<8x9344xf32, #tpu.memory_space<hbm>>)
      tpu.yield
    }) : () -> ()
    return
  }
}

module attributes {stable_mosaic.version = 14 : i64} {
  func.func @_combine_body(%arg0: memref<8x32x9344xf32, #tpu.memory_space<vmem>>, %arg1: memref<9344x32xf32, #tpu.memory_space<vmem>>) attributes {dimension_semantics = [], scalar_prefetch = 0 : i64, scratch_operands = 0 : i64, tpu.core_type = #tpu.core_type<tc>} {
    %get3A = arith.constant 0 : index
    %get3A_0 = arith.constant 0 : index
    %get3A_1 = arith.constant 0 : index
    %get3A_2 = vector.load %arg0[%get3A, %get3A_0, %get3A_1] : memref<8x32x9344xf32, #tpu.memory_space<vmem>>, vector<1x32x9344xf32>
    %get3A_3 = vector.shape_cast %get3A_2 : vector<1x32x9344xf32> to vector<32x9344xf32>
    %get3A_4 = arith.constant 1 : index
    %get3A_5 = arith.constant 0 : index
    %get3A_6 = arith.constant 0 : index
    %get3A_7 = vector.load %arg0[%get3A_4, %get3A_5, %get3A_6] : memref<8x32x9344xf32, #tpu.memory_space<vmem>>, vector<1x32x9344xf32>
    %get3A_8 = vector.shape_cast %get3A_7 : vector<1x32x9344xf32> to vector<32x9344xf32>
    %add3A = arith.addf %get3A_3, %get3A_8 : vector<32x9344xf32>
    %get3A_9 = arith.constant 2 : index
    %get3A_10 = arith.constant 0 : index
    %get3A_11 = arith.constant 0 : index
    %get3A_12 = vector.load %arg0[%get3A_9, %get3A_10, %get3A_11] : memref<8x32x9344xf32, #tpu.memory_space<vmem>>, vector<1x32x9344xf32>
    %get3A_13 = vector.shape_cast %get3A_12 : vector<1x32x9344xf32> to vector<32x9344xf32>
    %add3A_14 = arith.addf %add3A, %get3A_13 : vector<32x9344xf32>
    %get3A_15 = arith.constant 3 : index
    %get3A_16 = arith.constant 0 : index
    %get3A_17 = arith.constant 0 : index
    %get3A_18 = vector.load %arg0[%get3A_15, %get3A_16, %get3A_17] : memref<8x32x9344xf32, #tpu.memory_space<vmem>>, vector<1x32x9344xf32>
    %get3A_19 = vector.shape_cast %get3A_18 : vector<1x32x9344xf32> to vector<32x9344xf32>
    %add3A_20 = arith.addf %add3A_14, %get3A_19 : vector<32x9344xf32>
    %get3A_21 = arith.constant 4 : index
    %get3A_22 = arith.constant 0 : index
    %get3A_23 = arith.constant 0 : index
    %get3A_24 = vector.load %arg0[%get3A_21, %get3A_22, %get3A_23] : memref<8x32x9344xf32, #tpu.memory_space<vmem>>, vector<1x32x9344xf32>
    %get3A_25 = vector.shape_cast %get3A_24 : vector<1x32x9344xf32> to vector<32x9344xf32>
    %add3A_26 = arith.addf %add3A_20, %get3A_25 : vector<32x9344xf32>
    %get3A_27 = arith.constant 5 : index
    %get3A_28 = arith.constant 0 : index
    %get3A_29 = arith.constant 0 : index
    %get3A_30 = vector.load %arg0[%get3A_27, %get3A_28, %get3A_29] : memref<8x32x9344xf32, #tpu.memory_space<vmem>>, vector<1x32x9344xf32>
    %get3A_31 = vector.shape_cast %get3A_30 : vector<1x32x9344xf32> to vector<32x9344xf32>
    %add3A_32 = arith.addf %add3A_26, %get3A_31 : vector<32x9344xf32>
    %get3A_33 = arith.constant 6 : index
    %get3A_34 = arith.constant 0 : index
    %get3A_35 = arith.constant 0 : index
    %get3A_36 = vector.load %arg0[%get3A_33, %get3A_34, %get3A_35] : memref<8x32x9344xf32, #tpu.memory_space<vmem>>, vector<1x32x9344xf32>
    %get3A_37 = vector.shape_cast %get3A_36 : vector<1x32x9344xf32> to vector<32x9344xf32>
    %add3A_38 = arith.addf %add3A_32, %get3A_37 : vector<32x9344xf32>
    %get3A_39 = arith.constant 7 : index
    %get3A_40 = arith.constant 0 : index
    %get3A_41 = arith.constant 0 : index
    %get3A_42 = vector.load %arg0[%get3A_39, %get3A_40, %get3A_41] : memref<8x32x9344xf32, #tpu.memory_space<vmem>>, vector<1x32x9344xf32>
    %get3A_43 = vector.shape_cast %get3A_42 : vector<1x32x9344xf32> to vector<32x9344xf32>
    %add3A_44 = arith.addf %add3A_38, %get3A_43 : vector<32x9344xf32>
    %transpose3A = tpu.transpose %add3A_44, [1, 0] : vector<32x9344xf32> -> vector<9344x32xf32>
    %swap3A = arith.constant 0 : index
    %swap3A_45 = arith.constant 0 : index
    %swap3A_46 = vector.load %arg1[%swap3A, %swap3A_45] : memref<9344x32xf32, #tpu.memory_space<vmem>>, vector<9344x32xf32>
    tpu.vector_store %arg1[%swap3A, %swap3A_45], %transpose3A {strides = array<i32>} : memref<9344x32xf32, #tpu.memory_space<vmem>>, vector<9344x32xf32>,
    return
  }
}

</mosaic_0001>

<sc_bundles>
// kernel: kernel.4.cloned.1.call-start
scs
__scs_entry_jumppad:
0x0: {  	(pc) =	sbr.rel $0x88, $3  }
0x1: {  	(tag) =	ssettag $0x0;
	lr =	simm.s32 $0x1  }
0x2: {  	[smem:$0x3F9F] =	sst lr;
	_ =	strace $0xD0000000  }
0x3: {  	_ = 	snop  }
0x4: {  	_ = 	snop  }
0x5: {  	_ = 	snop  }
0x6: {  	_ = 	snop  }
0x7: {  	_ = 	snop  }
__scs_overlays_trampoline_lowered:
0x8: {  	[smem:$0x3FAE] =	sst s0  }
0x9: {  	[smem:$0x3FAF] =	sst s1  }
0xa: {  	[smem:$0x3FB0] =	sst s2  }
0xb: {  	[smem:$0x3FB1] =	sst s3  }
0xc: {  	[smem:$0x3FB2] =	sst s4  }
0xd: {  	[smem:$0x3FB3] =	sst s5  }
0xe: {  	[smem:$0x3FB4] =	sst s6  }
0xf: {  	[smem:$0x3FB5] =	sst s7  }
0x10: {  	[smem:$0x3FB6] =	sst s8  }
0x11: {  	[smem:$0x3FB7] =	sst s9;
	s0 =	simm.s32 @!p0 $0x0  }
0x12: {  	s1 =	sld [smem:$0x3F9D];
	s0 =	simm.s32 @p0 $0x1  }
0x13: {  	[smem:$0x3FB8] =	sst s0;
	s0 =	simm.s32 @!p1 $0x0  }
0x14: {  	s2 =	sld [smem:$0x3F9C];
	s0 =	simm.s32 @p1 $0x1  }
0x15: {  	[smem:$0x3FB9] =	sst s0;
	s0 =	simm.s32 @!p2 $0x0  }
0x16: {  	s3 =	sld [smem:$0x3FDB];
	s0 =	simm.s32 @p2 $0x1  }
0x17: {  	s4 =	simm.s32 $0x1BF5;
	[smem:$0x3FBB] =	sst s0  }
0x18: {  	s0 =	sld [smem:$0x3F9E];
	_ =	swait.ge [sflag:s4], $0x0  }
0x19: {  	s7 =	sld [smem:$0x3F9F]  }
0x1a: {  	s8 =	sadd.s32 $0xFFFFE003, lr  }
0x1b: {  	s9 =	sadd.s32 $0xFFFFFEF7, lr;
	s5 =	simm.s32 $0xFFFFFFFF;
	p2 =	slt.u32 s8, $0xFFFFF086  }
0x1c: {  	p1 =	slt.u32 s9, $0xF7A;
	s5 =	simm.s32 @!p2 $0x0  }
0x1d: {  	s5 =	simm.s32 @p1 $0x1;
	p0 =	seq.s32 s7, s2  }
0x1e: {  	s7 =	smul.u32 @!p0 $0xF7A, s2;
	p2 =	seq.s32 @!p0 s5, $0x0  }
0x1f: {  	s9 =	smul.u32 $0xF7A, s1;
	s8 =	simm.s32 @!p0 $0x1BF5;
	p2 =	por !p2, p0  }
0x20: {  	[sflag:s8] =	ssyncset.s32 @!p0 $0xFFFFF086;
	s6 =	sadd.s32 @!p0 s3, s7;
	s7 =	simm.s32 @!p0 $0x108  }
0x21: {  	s3 =	sadd.s32 s3, s9;
	s6 =	sadd.s32 @!p0 $0x88, s6;
	s7 =	simm.s32 @p2 $0x1082  }
0x22: {  	[simem:s7], [sflag:s8] =	dma.local @!p0 [hbm:s6], $0xF7A  }
0x23: {  	s9 =	sor.u32 $0xD0000000, s2;
	s6 =	simm.s32 $0x108;
	_ =	swait.ge @!p0 [sflag:s8], $0x0  }
0x24: {  	s3 =	sadd.s32 $0x88, s3;
	s6 =	simm.s32 @!p1 $0x1082;
	[sflag:s4] =	ssyncset.s32 $0xFFFFF086  }
0x25: {  	[simem:s6], [sflag:s4] =	dma.local [hbm:s3], $0xF7A  }
0x26: {  	[smem:$0x3F9F] =	sst s1;
	(tag) =	ssettag s2;
	_ =	strace s9  }
0x27: {  	s1 =	sld [smem:$0x3FAF]  }
0x28: {  	s2 =	sld [smem:$0x3FB0]  }
0x29: {  	s4 =	sld [smem:$0x3FB2]  }
0x2a: {  	p0 =	seq.s32 s5, $0x0;
	s5 =	sld [smem:$0x3FB3]  }
0x2b: {  	s6 =	sld [smem:$0x3FB4]  }
0x2c: {  	s7 =	sld [smem:$0x3FB5]  }
0x2d: {  	s3 =	simm.s32 $0x108;
	s8 =	sld [smem:$0x3FB6]  }
0x2e: {  	s3 =	simm.s32 @!p0 $0x1082;
	s9 =	sld [smem:$0x3FB7]  }
0x2f: {  	lr =	sadd.s32 s0, s3;
	s0 =	sld [smem:$0x3FAE]  }
0x30: {  	s3 =	sld [smem:$0x3FB1]  }
0x31: {  	[smem:$0x3FBA] =	sst s10  }
0x32: {  	s10 =	sld [smem:$0x3FB8];
	_ =	sdelay $0x3  }
0x33: {  	p0 =	seq.s32 s10, $0x1;
	s10 =	sld [smem:$0x3FBA];
	_ =	sdelay $0x3  }
0x34: {  	[smem:$0x3FBA] =	sst s10  }
0x35: {  	s10 =	sld [smem:$0x3FB9];
	_ =	sdelay $0x3  }
0x36: {  	p1 =	seq.s32 s10, $0x1;
	s10 =	sld [smem:$0x3FBA];
	_ =	sdelay $0x3  }
0x37: {  	[smem:$0x3FBA] =	sst s10  }
0x38: {  	s10 =	sld [smem:$0x3FBB]  }
0x39: {  	_ = 	snop;
	(pc) =	sbr.ind lr, $3  }
0x3a: {  	_ = 	snop  }
0x3b: {  	_ = 	snop  }
0x3c: {  	p2 =	seq.s32 s10, $0x1;
	s10 =	sld [smem:$0x3FBA]  }
0x3d: {  	_ =	shalt  }
0x3e: {  	_ =	shalt  }
0x3f: {  	_ =	shalt  }
0x40: {  	_ =	shalt  }
0x41: {  	_ =	shalt  }
0x42: {  	_ =	shalt  }
0x43: {  	_ =	shalt  }
0x44: {  	_ =	shalt  }
0x45: {  	_ =	shalt  }
0x46: {  	_ =	shalt  }
0x47: {  	_ =	shalt  }
0x48: {  	_ =	shalt  }
0x49: {  	_ =	shalt  }
0x4a: {  	_ =	shalt  }
0x4b: {  	_ =	shalt  }
0x4c: {  	_ =	shalt  }
0x4d: {  	_ =	shalt  }
0x4e: {  	_ =	shalt  }
0x4f: {  	_ =	shalt  }
0x50: {  	_ =	shalt  }
0x51: {  	_ =	shalt  }
0x52: {  	_ =	shalt  }
0x53: {  	_ =	shalt  }
0x54: {  	_ =	shalt  }
0x55: {  	_ =	shalt  }
0x56: {  	_ =	shalt  }
0x57: {  	_ =	shalt  }
0x58: {  	_ =	shalt  }
0x59: {  	_ =	shalt  }
0x5a: {  	_ =	shalt  }
0x5b: {  	_ =	shalt  }
0x5c: {  	_ =	shalt  }
0x5d: {  	_ =	shalt  }
0x5e: {  	_ =	shalt  }
0x5f: {  	_ =	shalt  }
0x60: {  	_ =	shalt  }
0x61: {  	_ =	shalt  }
0x62: {  	_ =	shalt  }
0x63: {  	_ =	shalt  }
0x64: {  	_ =	shalt  }
0x65: {  	_ =	shalt  }
0x66: {  	_ =	shalt  }
0x67: {  	_ =	shalt  }
0x68: {  	_ =	shalt  }
0x69: {  	_ =	shalt  }
0x6a: {  	_ =	shalt  }
0x6b: {  	_ =	shalt  }
0x6c: {  	_ =	shalt  }
0x6d: {  	_ =	shalt  }
0x6e: {  	_ =	shalt  }
0x6f: {  	_ =	shalt  }
0x70: {  	_ =	shalt  }
0x71: {  	_ =	shalt  }
0x72: {  	_ =	shalt  }
0x73: {  	_ =	shalt  }
0x74: {  	_ =	shalt  }
0x75: {  	_ =	shalt  }
0x76: {  	_ =	shalt  }
0x77: {  	_ =	shalt  }
0x78: {  	_ =	shalt  }
0x79: {  	_ =	shalt  }
0x7a: {  	_ =	shalt  }
0x7b: {  	_ =	shalt  }
0x7c: {  	_ =	shalt  }
0x7d: {  	_ =	shalt  }
0x7e: {  	_ =	shalt  }
0x7f: {  	_ =	shalt  }
0x80: {  	_ =	shalt  }
0x81: {  	_ =	shalt  }
0x82: {  	_ =	shalt  }
0x83: {  	_ =	shalt  }
0x84: {  	_ =	shalt  }
0x85: {  	_ =	shalt  }
0x86: {  	_ =	shalt  }
0x87: {  	_ =	shalt  }
.Lfunc_end0:
.L_simem_size_0:
called_computation_lowered:
.L_overlay_start_0:
0x88: {  	s2 =	sld [smem:$0x3FD9]  }
0x89: {  	s3 =	sld [smem:$0x3FFE];
	_ =	sdelay $0x1  }
0x8a: {  	s1 =	srdreg.scid  }
0x8b: {  	s0 =	sand.u32 $0x1, s1  }
0x8c: {  	s17 =	sshll.u32 s0, $0xA;
	s2 =	sadd.s32 s3, s2  }
0x8d: {  	s2 =	sadd.s32 s2, s17  }
0x8e: {  	[smem:$0x3FC6] =	sst s2  }
0x8f: {  	_ = 	snop  }
0x90: {  	s2 =	sld [smem:$0x3FD0];
	(tm) =	ssettm $0x1  }
0x91: {  	s18 =	sld [smem:$0x3FFB];
	_ =	sdelay $0x3  }
0x92: {  	_ =	strace s18  }
0x93: {  	s3 =	sld [smem:$0x3FFC];
	_ =	sdelay $0x3  }
0x94: {  	_ =	strace s3  }
0x95: {  	s3 =	sld [smem:$0x3FFD];
	_ =	sdelay $0x3  }
0x96: {  	_ =	strace s3  }
0x97: {  	_ =	strace $0x8FFFFFFF  }
0x98: {  	s19 =	sld [smem:$0x3FDB];
	_ =	sdelay $0x1  }
0x99: {  	s4 =	simm.s32 $_scs_section_size  }
0x9a: {  	s5 =	simm.s32 $_size__tile_overlayer_lowered;
	s6 =	simm.s32 $_tile_overlayer_lowered  }
0x9b: {  	s22 =	simm.s32 $0x1BFF;
	s21 =	sshll.u32 s6, $0x1;
	s3 =	sadd.s32 s4, s19  }
0x9c: {  	s7 =	simm.s32 $0x0;
	s20 =	sshll.u32 s5, $0x1;
	s5 =	sadd.s32 s21, s3  }
0x9d: {  	[timem:s7], [sflag:s22] =	dma.local [hbm:s5], s20  }
0x9e: {  	_ =	swait.ge [sflag:s22], s20  }
0x9f: {  	s4 =	ssub.s32 $0x0, s20;
	[sflag:s22] =	ssyncset.done $0x0  }
0xa0: {  	[sflag:s22] =	ssyncadd.s32 s4;
	_ =	sdelay $0x1  }
0xa1: {  	s23 =	simm.s32 $0x1B8B  }
0xa2: {  	_ =	swait.ge [sflag:s23], $0x1  }
0xa3: {  	[sflag:s23] =	ssyncset.done $0x0  }
0xa4: {  	s25 =	simm.s32 $0x1B8E;
	s24 =	sld [smem:$0x3FFE];
	[sflag:s23] =	ssyncadd.s32 $0xFFFFFFFF  }
0xa5: {  	s26 =	simm.s32 $execute0_lowered;
	[smem:$0x3FD2] =	sst s25  }
0xa6: {  	s5 =	sshll.u32 s26, $0x1;
	_ =	strace $0x80000046;
	[dreg:$0x1] =	wrdreg $0xFFFFFFFF  }
0xa7: {  	s28 =	simm.s32 $_size_execute0_lowered;
	s3 =	sadd.s32 s3, s5;
	[dreg:$0x0] =	wrdreg $0x0  }
0xa8: {  	s5 =	sshll.u32 s28, $0x1;
	[dreg:$0x2] =	wrdreg s3  }
0xa9: {  	[dreg:$0x3] =	wrdreg s5  }
0xaa: {  	[dreg:$0x4] =	wrdreg $0xC0  }
0xab: {  	_ =	task [dreg:s7], $0x5FFFF  }
0xac: {  	[dreg:$0x1] =	wrdreg $0xFFFFFFFF  }
0xad: {  	[dreg:$0x0] =	wrdreg $0x60  }
0xae: {  	[dreg:$0x2] =	wrdreg s24  }
0xaf: {  	[dreg:$0x3] =	wrdreg s2  }
0xb0: {  	[dreg:$0x4] =	wrdreg $0x9  }
0xb1: {  	_ =	task.clear_ibuf [dreg:s7], $0x5FFFF;
	_ =	strace $0x90000046  }
0xb2: {  	s29 =	simm.s32 $0x9;
	_ =	strace $0x80000048  }
0xb3: {  	_ =	swait.ge [sflag:s29], $0x1  }
0xb4: {  	[sflag:s29] =	ssyncadd.s32 $0xFFFFFFFF  }
0xb5: {  	_ =	strace $0x90000048  }
0xb6: {  	_ =	sfence  }
0xb7: {  	s30 =	sld [smem:$0x0];
	_ =	sdelay $0x2  }
0xb8: {  	s31 =	sshll.u32 s1, $0xD;
	s1 =	sshrl.u32 s1, $0x2  }
0xb9: {  	s3 =	sand.u32 $0x4000, s31;
	s1 =	sadd.s32 s1, s30  }
0xba: {  	s0 =	sor.u32 s3, s0;
	s1 =	sshll.u32 s1, $0x11  }
0xbb: {  	s0 =	sor.u32 s1, s0  }
0xbc: {  	s0 =	sadd.s32 $0x8F2B, s0  }
0xbd: {  	[sflag:s0] =	ssyncadd.remote.s32 $0x1  }
0xbe: {  	_ =	sfence.sel $0xFFFF  }
0xbf: {  	[dreg:$0x0] =	wrdreg $0xFFFFFFFF;
	(pc) =	sbr.abs _section_cstart, $3  }
0xc0: {  	[dreg:$0x1] =	wrdreg $0xFFFFFFFF  }
0xc1: {  	_ =	task.clear_ibuf [dreg:s7], $0x2FFFF;
	_ =	strace $0x9FFFFFFF  }
0xc2: {  	(tm) =	ssettm $0x7FFFFFFF  }
0xc3: {  	_ =	shalt  }
tec
execute0_lowered:
.L_overlay_start_1:
0x0: {  	(tag) =	ssettag $0x1  }
0x1: {  	s0 =	srdreg.scid  }
0x2: {  	s1 =	sand.u32 $0x1, s0  }
0x3: {  	s2 =	stileid.u32;
	s0 =	sshll.u32 s1, $0x4  }
0x4: {  	s3 =	sor.u32 s2, s0;
	s0 =	sand.u32 $0x7, s2  }
0x5: {  	s4 =	simm.s32 $0x1;
	p0 =	seq.s32 s3, $0x0;
	p1 =	sne.s32 s0, $0x0  }
0x6: {  	s20 =	rddreg [dreg:$0x1];
	s29 =	simm.s32 $0x1;
	p0 =	por !p1, !p0  }
0x7: {  	s1 =	ssub.s32 $0x2, s1;
	s2 =	rddreg [dreg:$0x0];
	p0 =	por !p0, !p0  }
0x8: {  	s12 =	sshrl.u32 s1, $0x1;
	s3 =	sshrl.u32 s3, $0x3;
	s4 =	simm.s32 @!p0 $0x0  }
0x9: {  	s5 =	smul.u32 $0x49000, s0;
	s13 =	sshll.u32 s0, $0x8;
	s3 =	ssub.s32 s3, s4  }
0xa: {  	s1 =	ssub.s32 s1, s12;
	s4 =	simm.s32 $0x0;
	s6 =	smul.u32 $0x12400, s3  }
0xb: {  	s7 =	ssub.s32 $0xF49, s0;
	[smem:$0x7FF] =	sst s4;
	s3 =	smul.u32 $0x7A1200, s3  }
0xc: {  	p0 =	sne.s32 s0, $0x2;
	_ =	strace $0x80000047;
	s5 =	sadd.s32 s5, s6  }
0xd: {  	s6 =	sshrl.u32 s7, $0x3;
	s17 =	sadd.s32 $0xF4140, s3;
	s18 =	sadd.s32 $0x1E8380, s3  }
0xe: {  	s7 =	sshll.u32 s0, $0x5;
	s19 =	sadd.s32 $0x2DC5C0, s3;
	s24 =	sadd.s32 $0x3D0800, s3  }
0xf: {  	s25 =	sadd.s32 $0x4C4A40, s3;
	s26 =	sadd.s32 $0x5B8C80, s3;
	s5 =	sshrl.u32 s5, $0x3  }
0x10: {  	s17 =	sshrl.u32 s17, $0x3;
	s18 =	sshrl.u32 s18, $0x3;
	s22 =	sshrl.u32 s19, $0x3  }
0x11: {  	s16 =	sadd.s32 s5, s2;
	s5 =	sadd.s32 s13, s3;
	s17 =	sadd.s32 s2, s17  }
0x12: {  	s21 =	sadd.s32 s2, s18;
	s23 =	sadd.s32 s2, s22;
	s18 =	sshrl.u32 s25, $0x3  }
0x13: {  	s25 =	smax.u32 s1, $0x1;
	s1 =	sadd.s32 s20, s7;
	s22 =	sadd.s32 $0x40DE28, s2  }
0x14: {  	s8 =	sshrl.u32 s5, $0x3;
	s9 =	sadd.s32 $0xF4240, s5;
	[dreg:$0x6] =	wrdreg s17  }
0x15: {  	s10 =	sadd.s32 $0x1E8480, s5;
	s11 =	sadd.s32 $0x2DC6C0, s5;
	[dreg:$0x7] =	wrdreg s21  }
0x16: {  	s12 =	sadd.s32 $0x3D0900, s5;
	s13 =	sadd.s32 $0x4C4B40, s5;
	[dreg:$0x8] =	wrdreg s23  }
0x17: {  	s17 =	sshrl.u32 s24, $0x3;
	s24 =	sadd.s32 $0x40E000, s16;
	s23 =	sadd.s32 $0x3EF600, s2  }
0x18: {  	[dreg:$0xe] =	wrdreg s22;
	s8 =	sadd.s32 s2, s8;
	s9 =	sshrl.u32 s9, $0x3  }
0x19: {  	s10 =	sshrl.u32 s10, $0x3;
	s11 =	sshrl.u32 s11, $0x3;
	s12 =	sshrl.u32 s12, $0x3  }
0x1a: {  	s13 =	sshrl.u32 s13, $0x3;
	s28 =	sadd.s32 s2, s17;
	s30 =	sadd.s32 s23, s7  }
0x1b: {  	[dreg:$0x3] =	wrdreg s8;
	s14 =	sadd.s32 s2, s9;
	s15 =	sadd.s32 s2, s10  }
0x1c: {  	s11 =	sadd.s32 s2, s11;
	s12 =	sadd.s32 s2, s12;
	s13 =	sadd.s32 s2, s13  }
0x1d: {  	[dreg:$0x9] =	wrdreg s28;
	s9 =	sadd.s32 s2, s18;
	s10 =	sshrl.u32 s26, $0x3  }
0x1e: {  	s18 =	sadd.s32 $0x6ACEC0, s3;
	s3 =	sadd.s32 $0x7A1100, s3;
	[dreg:$0x4] =	wrdreg s14  }
0x1f: {  	s26 =	sadd.s32 $0x3EF428, s2;
	s28 =	sadd.s32 $0x1E828, s20;
	[dreg:$0x5] =	wrdreg s15  }
0x20: {  	s20 =	simm.s32 $0x3;
	s14 =	sadd.s32 $0x5B8D80, s5;
	[dreg:$0xa] =	wrdreg s9  }
0x21: {  	s15 =	sadd.s32 $0x6ACFC0, s5;
	s19 =	sadd.s32 s2, s10;
	[dreg:$0xf] =	wrdreg s26  }
0x22: {  	s0 =	sshrl.u32 s18, $0x3;
	s3 =	sshrl.u32 s3, $0x3;
	[dreg:$0x10] =	wrdreg s28  }
.Ltmp0:
0x23: {  	s18 =	simm.s32 $0x1600;
	s14 =	sshrl.u32 s14, $0x3;
	(pc) =	sbr.rel .LBB2_1-.Ltmp0, $4  }
0x24: {  	s15 =	sshrl.u32 s15, $0x3;
	[dreg:$0xb] =	wrdreg s19;
	s0 =	sadd.s32 s2, s0  }
0x25: {  	s21 =	sadd.s32 s2, s3;
	s19 =	simm.s32 $0x2;
	s14 =	sadd.s32 s2, s14  }
0x26: {  	s15 =	sadd.s32 s2, s15;
	[dreg:$0xc] =	wrdreg s0;
	s0 =	sadd.s32 $0x3D0C00, s2  }
0x27: {  	v0 =	vimm.f32 $0.0e+00;
	[dreg:$0xd] =	wrdreg s21;
	s21 =	simm.s32 $0x0;
	s31 =	sadd.s32 s0, s7  }
.LBB2_11:
0x28: {  	s21 =	sadd.s32 $0x1, s21  }
0x29: {  	p1 =	sne.s32 s21, s25  }
.Ltmp1:
0x2a: {  	_ = 	snop;
	(pc) =	sbr.rel @!p1 .LBB2_12-.Ltmp1, $4  }
0x2b: {  	[hbm4b:s24+s4] =	stream.linear.scatter [tilespmem:s18], [sflag:$0x3], $0x12400, $0x38;
	[tilespmem:$0x13A00] =	vst v63  }
0x2c: {  	_ =	swait.ge [sflag:s20], $0x12400  }
0x2d: {  	[sflag:s20] =	ssyncset.done $0x0  }
0x2e: {  	[sflag:s20] =	ssyncadd.s32 $0xFFFEDC00  }
.LBB2_1:
0x2f: {  	[tilespmem:s4], [sflag:$0x1] =	stream.linear.gather [hbm4b:s30+s4], $0x100, $0x38;
	[tilespmem:$0x13A00] =	vst v63  }
0x30: {  	s3 =	simm.s32 $0x100  }
0x31: {  	[tilespmem:s3], [sflag:$0x1] =	stream.linear.gather [hbm4b:s31+s4], $0x100, $0x38;
	[tilespmem:$0x13A00] =	vst v63  }
0x32: {  	s16 =	simm.s32 $0x200  }
0x33: {  	[tilespmem:s16], [sflag:$0x1] =	stream.linear.gather [hbm4b:s1+s4], $0x100, $0x38;
	[tilespmem:$0x13A00] =	vst v63  }
0x34: {  	s17 =	rddreg [dreg:$0x3];
	s8 =	simm.s32 $0x300  }
0x35: {  	[tilespmem:s8], [sflag:$0x1] =	stream.linear.gather [hbm4b:s17+s4], $0x100, $0x38;
	[tilespmem:$0x13A00] =	vst v63  }
0x36: {  	s22 =	rddreg [dreg:$0x4];
	s26 =	simm.s32 $0x400  }
0x37: {  	[tilespmem:s26], [sflag:$0x1] =	stream.linear.gather [hbm4b:s22+s4], $0x100, $0x38;
	[tilespmem:$0x13A00] =	vst v63  }
0x38: {  	s9 =	simm.s32 $0x500;
	s8 =	rddreg [dreg:$0x5]  }
0x39: {  	[tilespmem:s9], [sflag:$0x1] =	stream.linear.gather [hbm4b:s8+s4], $0x100, $0x38;
	[tilespmem:$0x13A00] =	vst v63  }
0x3a: {  	s10 =	simm.s32 $0x600  }
0x3b: {  	[tilespmem:s10], [sflag:$0x1] =	stream.linear.gather [hbm4b:s11+s4], $0x100, $0x38;
	[tilespmem:$0x13A00] =	vst v63  }
0x3c: {  	s16 =	simm.s32 $0x700  }
0x3d: {  	[tilespmem:s16], [sflag:$0x1] =	stream.linear.gather [hbm4b:s12+s4], $0x100, $0x38;
	[tilespmem:$0x13A00] =	vst v63  }
0x3e: {  	s17 =	simm.s32 $0x800  }
0x3f: {  	[tilespmem:s17], [sflag:$0x1] =	stream.linear.gather [hbm4b:s13+s4], $0x100, $0x38;
	[tilespmem:$0x13A00] =	vst v63  }
0x40: {  	s22 =	simm.s32 $0x900;
	s16 =	sand.u32 $0x70, s4;
	s17 =	sand.u32 $0x1FC00, s4  }
0x41: {  	[tilespmem:s22], [sflag:$0x1] =	stream.linear.gather [hbm4b:s14+s4], $0x100, $0x38;
	[tilespmem:$0x13A00] =	vst v63  }
0x42: {  	s26 =	simm.s32 $0xA00;
	s16 =	sor.u32 s16, s17  }
0x43: {  	[tilespmem:s26], [sflag:$0x1] =	stream.linear.gather [hbm4b:s15+s4], $0x100, $0x38;
	[tilespmem:$0x13A00] =	vst v63  }
0x44: {  	[tilespmem:s16+$0x1680] =	vst v0  }
0x45: {  	[tilespmem:s16+$0x1700] =	vst v0  }
0x46: {  	s28 =	sand.u32 $0x7, s4;
	[tilespmem:s16+$0x1780] =	vst v0  }
0x47: {  	s17 =	simm.s32 $0x0;
	s22 =	simm.s32 $0x10;
	s26 =	simm.s32 $0x0;
	[tilespmem:s16+$0x1800] =	vst v0  }
.LBB2_2:
0x48: {  	p1 =	sne.s32 s22, $0x2470;
	s28 =	sshll.u32 s28, $0x4;
	[tilespmem:s16+$0x1880] =	vst v0  }
0x49: {  	s28 =	sadd.s32 s28, s17;
	[tilespmem:s16+$0x1900] =	vst v0;
	s17 =	sadd.s32 $0x80, s17  }
0x4a: {  	s3 =	sand.u32 $0x70, s22;
	s8 =	sand.u32 $0x1FC00, s17;
	[tilespmem:s16+$0x1600] =	vst v0;
	s28 =	sor.u32 $0x380, s28  }
.Ltmp2:
0x4b: {  	s16 =	sor.u32 s3, s8;
	[tilespmem:s28+$0x1600] =	vst v0;
	(pc) =	sbr.rel @p1 .LBB2_2-.Ltmp2, $4  }
0x4c: {  	[tilespmem:s16+$0x1680] =	vst v0  }
0x4d: {  	[tilespmem:s16+$0x1700] =	vst v0  }
0x4e: {  	s26 =	sadd.s32 $0x1, s26;
	[tilespmem:s16+$0x1780] =	vst v0  }
0x4f: {  	s22 =	sadd.s32 $0x10, s22;
	s28 =	sand.u32 $0x7, s26;
	[tilespmem:s16+$0x1800] =	vst v0  }
.Ltmp3:
0x50: {  	(pc) =	sbr.rel .LBB2_4-.Ltmp3, $4  }
0x51: {  	s3 =	sshll.u32 s28, $0x4;
	[tilespmem:s16+$0x1880] =	vst v0  }
0x52: {  	[tilespmem:s16+$0x1900] =	vst v0;
	s3 =	sadd.s32 s3, s17  }
0x53: {  	[tilespmem:s16+$0x1600] =	vst v0;
	s22 =	simm.s32 $0x0;
	s26 =	smov.u32 s23;
	s3 =	sor.u32 $0x380, s3  }
0x54: {  	s28 =	smov.u32 s0;
	s16 =	rddreg [dreg:$0x1];
	s17 =	simm.s32 $0x0;
	[tilespmem:s3+$0x1600] =	vst v0  }
.LBB2_8:
0x55: {  	s17 =	sadd.s32 $0x1000, s17  }
0x56: {  	p1 =	sne.s32 s17, $0xF5000  }
.Ltmp4:
0x57: {  	_ = 	snop;
	(pc) =	sbr.rel @!p1 .LBB2_9-.Ltmp4, $2  }
0x58: {  	_ =	sdelay $0x2  }
0x59: {  	s16 =	sadd.s32 $0x200, s16;
	s28 =	sadd.s32 $0x200, s28;
	s26 =	sadd.s32 $0x200, s26  }
.LBB2_4:
0x5a: {  	s3 =	sadd.s32 $0x1, s22  }
0x5b: {  	p1 =	sge.u32 s3, s6  }
0x5c: {  	s3 =	sadd.s32 @!p1 s26, s7  }
0x5d: {  	s8 =	simm.s32 @!p1 $0x0;
	s9 =	simm.s32 @!p1 $0xB00;
	s3 =	sadd.s32 @!p1 $0x100, s3  }
0x5e: {  	[tilespmem:s9], [sflag:$0x2] =	stream.linear.gather @!p1 [hbm4b:s3+s8], $0x100, $0x38;
	[tilespmem:$0x13A00] =	vst v63  }
0x5f: {  	s3 =	sadd.s32 @!p1 s28, s7  }
0x60: {  	s9 =	simm.s32 @!p1 $0xC00;
	s3 =	sadd.s32 @!p1 $0x100, s3  }
0x61: {  	[tilespmem:s9], [sflag:$0x2] =	stream.linear.gather @!p1 [hbm4b:s3+s8], $0x100, $0x38;
	[tilespmem:$0x13A00] =	vst v63  }
0x62: {  	s3 =	sadd.s32 @!p1 s16, s7  }
0x63: {  	s9 =	simm.s32 @!p1 $0xD00;
	s3 =	sadd.s32 @!p1 $0x100, s3  }
0x64: {  	[tilespmem:s9], [sflag:$0x2] =	stream.linear.gather @!p1 [hbm4b:s3+s8], $0x100, $0x38;
	[tilespmem:$0x13A00] =	vst v63  }
0x65: {  	s3 =	sadd.s32 @!p1 s17, s5  }
0x66: {  	s9 =	sadd.s32 @!p1 $0x800, s3  }
0x67: {  	s9 =	sshrl.u32 @!p1 s9, $0x3  }
0x68: {  	s10 =	simm.s32 @!p1 $0xE00;
	s9 =	sadd.s32 @!p1 s2, s9  }
0x69: {  	[tilespmem:s10], [sflag:$0x2] =	stream.linear.gather @!p1 [hbm4b:s9+s8], $0x100, $0x38;
	[tilespmem:$0x13A00] =	vst v63  }
0x6a: {  	s9 =	sadd.s32 @!p1 $0xF4A40, s3  }
0x6b: {  	s9 =	sshrl.u32 @!p1 s9, $0x3  }
0x6c: {  	s10 =	simm.s32 @!p1 $0xF00;
	s9 =	sadd.s32 @!p1 s2, s9  }
0x6d: {  	[tilespmem:s10], [sflag:$0x2] =	stream.linear.gather @!p1 [hbm4b:s9+s8], $0x100, $0x38;
	[tilespmem:$0x13A00] =	vst v63  }
0x6e: {  	s9 =	sadd.s32 @!p1 $0x1E8C80, s3  }
0x6f: {  	s9 =	sshrl.u32 @!p1 s9, $0x3  }
0x70: {  	s10 =	simm.s32 @!p1 $0x1000;
	s9 =	sadd.s32 @!p1 s2, s9  }
0x71: {  	[tilespmem:s10], [sflag:$0x2] =	stream.linear.gather @!p1 [hbm4b:s9+s8], $0x100, $0x38;
	[tilespmem:$0x13A00] =	vst v63  }
0x72: {  	s9 =	sadd.s32 @!p1 $0x2DCEC0, s3  }
0x73: {  	s9 =	sshrl.u32 @!p1 s9, $0x3  }
0x74: {  	s10 =	simm.s32 @!p1 $0x1100;
	s9 =	sadd.s32 @!p1 s2, s9  }
0x75: {  	[tilespmem:s10], [sflag:$0x2] =	stream.linear.gather @!p1 [hbm4b:s9+s8], $0x100, $0x38;
	[tilespmem:$0x13A00] =	vst v63  }
0x76: {  	s9 =	sadd.s32 @!p1 $0x3D1100, s3  }
0x77: {  	s9 =	sshrl.u32 @!p1 s9, $0x3  }
0x78: {  	s10 =	simm.s32 @!p1 $0x1200;
	s9 =	sadd.s32 @!p1 s2, s9  }
0x79: {  	[tilespmem:s10], [sflag:$0x2] =	stream.linear.gather @!p1 [hbm4b:s9+s8], $0x100, $0x38;
	[tilespmem:$0x13A00] =	vst v63  }
0x7a: {  	s9 =	sadd.s32 @!p1 $0x4C5340, s3  }
0x7b: {  	s9 =	sshrl.u32 @!p1 s9, $0x3  }
0x7c: {  	s10 =	simm.s32 @!p1 $0x1300;
	s9 =	sadd.s32 @!p1 s2, s9  }
0x7d: {  	[tilespmem:s10], [sflag:$0x2] =	stream.linear.gather @!p1 [hbm4b:s9+s8], $0x100, $0x38;
	[tilespmem:$0x13A00] =	vst v63  }
0x7e: {  	p2 =	sge.u32 s22, s6;
	s9 =	sadd.s32 @!p1 $0x5B9580, s3  }
.Ltmp5:
0x7f: {  	s3 =	sadd.s32 @!p1 $0x6AD7C0, s3;
	s9 =	sshrl.u32 @!p1 s9, $0x3;
	(pc) =	sbr.rel @p2 .LBB2_6-.Ltmp5, $4  }
0x80: {  	s10 =	simm.s32 @!p1 $0x1400;
	s3 =	sshrl.u32 @!p1 s3, $0x3;
	s9 =	sadd.s32 @!p1 s2, s9  }
0x81: {  	[tilespmem:s10], [sflag:$0x2] =	stream.linear.gather @!p1 [hbm4b:s9+s8], $0x100, $0x38;
	[tilespmem:$0x13A00] =	vst v63  }
0x82: {  	s3 =	sadd.s32 @!p1 s2, s3;
	s9 =	simm.s32 @!p1 $0x1500  }
0x83: {  	[tilespmem:s9], [sflag:$0x2] =	stream.linear.gather @!p1 [hbm4b:s3+s8], $0x100, $0x38;
	[tilespmem:$0x13A00] =	vst v63  }
0x84: {  	_ =	swait.ge [sflag:s29], $0x100  }
0x85: {  	[sflag:s29] =	ssyncset.done $0x0  }
0x86: {  	[sflag:s29] =	ssyncadd.s32 $0xFFFFFF00  }
0x87: {  	_ =	swait.ge [sflag:s29], $0x100  }
0x88: {  	[sflag:s29] =	ssyncset.done $0x0  }
0x89: {  	[sflag:s29] =	ssyncadd.s32 $0xFFFFFF00  }
0x8a: {  	_ =	swait.ge [sflag:s29], $0x100  }
0x8b: {  	[sflag:s29] =	ssyncset.done $0x0  }
0x8c: {  	[sflag:s29] =	ssyncadd.s32 $0xFFFFFF00  }
0x8d: {  	_ =	swait.ge [sflag:s29], $0x100  }
0x8e: {  	[sflag:s29] =	ssyncset.done $0x0  }
0x8f: {  	[sflag:s29] =	ssyncadd.s32 $0xFFFFFF00  }
0x90: {  	_ =	swait.ge [sflag:s29], $0x100  }
0x91: {  	[sflag:s29] =	ssyncset.done $0x0  }
0x92: {  	[sflag:s29] =	ssyncadd.s32 $0xFFFFFF00  }
0x93: {  	_ =	swait.ge [sflag:s29], $0x100  }
0x94: {  	[sflag:s29] =	ssyncset.done $0x0  }
0x95: {  	[sflag:s29] =	ssyncadd.s32 $0xFFFFFF00  }
0x96: {  	_ =	swait.ge [sflag:s29], $0x100  }
0x97: {  	[sflag:s29] =	ssyncset.done $0x0  }
0x98: {  	[sflag:s29] =	ssyncadd.s32 $0xFFFFFF00  }
0x99: {  	_ =	swait.ge [sflag:s29], $0x100  }
0x9a: {  	[sflag:s29] =	ssyncset.done $0x0  }
0x9b: {  	[sflag:s29] =	ssyncadd.s32 $0xFFFFFF00  }
0x9c: {  	_ =	swait.ge [sflag:s29], $0x100  }
0x9d: {  	[sflag:s29] =	ssyncset.done $0x0  }
0x9e: {  	[sflag:s29] =	ssyncadd.s32 $0xFFFFFF00  }
0x9f: {  	_ =	swait.ge [sflag:s29], $0x100  }
0xa0: {  	[sflag:s29] =	ssyncset.done $0x0  }
0xa1: {  	[sflag:s29] =	ssyncadd.s32 $0xFFFFFF00  }
0xa2: {  	_ =	swait.ge [sflag:s29], $0x100  }
0xa3: {  	[sflag:s29] =	ssyncset.done $0x0  }
0xa4: {  	[sflag:s29] =	ssyncadd.s32 $0xFFFFFF00  }
0xa5: {  	v1 =	vld [tilespmem:$0x0]  }
0xa6: {  	v2 =	vld [tilespmem:$0x100];
	_ =	sdelay $0x2  }
0xa7: {  	v3 =	vld [tilespmem:$0x200];
	_ =	sdelay $0x1  }
0xa8: {  	v1 =	vadd.f32 $1.000000000e+01, v1;
	v2 =	vadd.f32 $1.000000000e+01, v2;
	_ =	sdelay $0x1  }
0xa9: {  	v1 =	vadd.f32 $1.258291200e+07, v1;
	v2 =	vadd.f32 $1.258291200e+07, v2  }
0xaa: {  	v3 =	vadd.f32 $1.000000000e+01, v3  }
0xab: {  	v1 =	vadd.f32 $-1.258291200e+07, v1;
	v2 =	vadd.f32 $-1.258291200e+07, v2;
	_ =	sdelay $0x1  }
0xac: {  	v3 =	vadd.f32 $1.258291200e+07, v3;
	v4 =	vmax.f32 v1, $0.0e+00;
	v5 =	vmax.f32 v2, $0.0e+00  }
0xad: {  	v4 =	vmin.f32 v4, $2.000000000e+01;
	v5 =	vmin.f32 v5, $2.000000000e+01  }
0xae: {  	v3 =	vadd.f32 $-1.258291200e+07, v3;
	v6 =	vmul.f32 $4.410000000e+02, v4;
	v7 =	vmul.f32 $2.100000000e+01, v5;
	_ =	sdelay $0x1  }
0xaf: {  	v43 =	vmax.f32 v3, $0.0e+00;
	v6 =	vadd.f32 v7, v6  }
0xb0: {  	v7 =	vmin.f32 v43, $2.000000000e+01  }
0xb1: {  	v6 =	vadd.f32 v6, v7;
	_ =	sdelay $0x1  }
0xb2: {  	vm0 =	veq.f32 v1, v4;
	vm1 =	veq.f32 v2, v5;
	v1 =	vtrunc.f32 v6  }
0xb3: {  	vm0 =	vmand vm0, vm1;
	vm6 =	veq.f32 v3, v7;
	v1 =	vcvt.f32.s32 v1  }
0xb4: {  	vm0 =	vmand vm0, vm6  }
0xb5: {  	v1 =	vnsel vm0, $0x242D, v1  }
0xb6: {  	v2 =	vshll.u32 v1, $0x3  }
0xb7: {  	v1 =	vand.u32 $0x7F, v1;
	v2 =	vand.u32 $0xFFFFFC00, v2  }
0xb8: {  	v3 =	vld [tilespmem:$0x300];
	v1 =	vor.u32 v1, v2;
	_ =	sdelay $0x4  }
0xb9: {  	[tilespmem:v1+s18+$0x0] =	vst.idx.add.f32.msk $0xffff, v3  }
0xba: {  	v3 =	vor.u32 $0x80, v1;
	v2 =	vld [tilespmem:$0x400];
	_ =	sdelay $0x4  }
0xbb: {  	[tilespmem:v3+s18+$0x0] =	vst.idx.add.f32.msk $0xffff, v2  }
0xbc: {  	v3 =	vor.u32 $0x100, v1;
	v2 =	vld [tilespmem:$0x500];
	_ =	sdelay $0x4  }
0xbd: {  	[tilespmem:v3+s18+$0x0] =	vst.idx.add.f32.msk $0xffff, v2  }
0xbe: {  	v3 =	vor.u32 $0x180, v1;
	v2 =	vld [tilespmem:$0x600];
	_ =	sdelay $0x4  }
0xbf: {  	[tilespmem:v3+s18+$0x0] =	vst.idx.add.f32.msk $0xffff, v2  }
0xc0: {  	v3 =	vor.u32 $0x200, v1;
	v2 =	vld [tilespmem:$0x700];
	_ =	sdelay $0x4  }
0xc1: {  	[tilespmem:v3+s18+$0x0] =	vst.idx.add.f32.msk $0xffff, v2  }
0xc2: {  	v3 =	vor.u32 $0x280, v1;
	v2 =	vld [tilespmem:$0x800];
	_ =	sdelay $0x4  }
0xc3: {  	[tilespmem:v3+s18+$0x0] =	vst.idx.add.f32.msk $0xffff, v2  }
0xc4: {  	v3 =	vor.u32 $0x300, v1;
	v2 =	vld [tilespmem:$0x900];
	_ =	sdelay $0x4  }
0xc5: {  	[tilespmem:v3+s18+$0x0] =	vst.idx.add.f32.msk $0xffff, v2  }
0xc6: {  	v1 =	vor.u32 $0x380, v1;
	v2 =	vld [tilespmem:$0xA00];
	_ =	sdelay $0x4  }
0xc7: {  	[tilespmem:v1+s18+$0x0] =	vst.idx.add.f32.msk $0xffff, v2  }
0xc8: {  	v1 =	vld [tilespmem:$0x10]  }
0xc9: {  	v2 =	vld [tilespmem:$0x110];
	_ =	sdelay $0x2  }
0xca: {  	v3 =	vld [tilespmem:$0x210];
	_ =	sdelay $0x1  }
0xcb: {  	v1 =	vadd.f32 $1.000000000e+01, v1;
	v2 =	vadd.f32 $1.000000000e+01, v2;
	_ =	sdelay $0x1  }
0xcc: {  	v1 =	vadd.f32 $1.258291200e+07, v1;
	v2 =	vadd.f32 $1.258291200e+07, v2  }
0xcd: {  	v3 =	vadd.f32 $1.000000000e+01, v3  }
0xce: {  	v1 =	vadd.f32 $-1.258291200e+07, v1;
	v2 =	vadd.f32 $-1.258291200e+07, v2;
	_ =	sdelay $0x1  }
0xcf: {  	v3 =	vadd.f32 $1.258291200e+07, v3;
	v44 =	vmax.f32 v1, $0.0e+00;
	v45 =	vmax.f32 v2, $0.0e+00  }
0xd0: {  	v4 =	vmin.f32 v44, $2.000000000e+01;
	v5 =	vmin.f32 v45, $2.000000000e+01  }
0xd1: {  	v3 =	vadd.f32 $-1.258291200e+07, v3;
	v46 =	vmul.f32 $4.410000000e+02, v4;
	v47 =	vmul.f32 $2.100000000e+01, v5;
	_ =	sdelay $0x1  }
0xd2: {  	v48 =	vmax.f32 v3, $0.0e+00;
	v6 =	vadd.f32 v47, v46  }
0xd3: {  	v7 =	vmin.f32 v48, $2.000000000e+01  }
0xd4: {  	v6 =	vadd.f32 v6, v7;
	_ =	sdelay $0x1  }
0xd5: {  	vm7 =	veq.f32 v1, v4;
	vm8 =	veq.f32 v2, v5;
	v1 =	vtrunc.f32 v6  }
0xd6: {  	vm9 =	veq.f32 v3, v7;
	vm0 =	vmand vm7, vm8;
	v1 =	vcvt.f32.s32 v1  }
0xd7: {  	vm0 =	vmand vm0, vm9  }
0xd8: {  	v1 =	vnsel vm0, $0x242D, v1  }
0xd9: {  	v2 =	vshll.u32 v1, $0x3  }
0xda: {  	v1 =	vand.u32 $0x7F, v1;
	v2 =	vand.u32 $0xFFFFFC00, v2  }
0xdb: {  	v3 =	vld [tilespmem:$0x310];
	v1 =	vor.u32 v1, v2;
	_ =	sdelay $0x4  }
0xdc: {  	[tilespmem:v1+s18+$0x0] =	vst.idx.add.f32.msk $0xffff, v3  }
0xdd: {  	v3 =	vor.u32 $0x80, v1;
	v2 =	vld [tilespmem:$0x410];
	_ =	sdelay $0x4  }
0xde: {  	[tilespmem:v3+s18+$0x0] =	vst.idx.add.f32.msk $0xffff, v2  }
0xdf: {  	v3 =	vor.u32 $0x100, v1;
	v2 =	vld [tilespmem:$0x510];
	_ =	sdelay $0x4  }
0xe0: {  	[tilespmem:v3+s18+$0x0] =	vst.idx.add.f32.msk $0xffff, v2  }
0xe1: {  	v3 =	vor.u32 $0x180, v1;
	v2 =	vld [tilespmem:$0x610];
	_ =	sdelay $0x4  }
0xe2: {  	[tilespmem:v3+s18+$0x0] =	vst.idx.add.f32.msk $0xffff, v2  }
0xe3: {  	v3 =	vor.u32 $0x200, v1;
	v2 =	vld [tilespmem:$0x710];
	_ =	sdelay $0x4  }
0xe4: {  	[tilespmem:v3+s18+$0x0] =	vst.idx.add.f32.msk $0xffff, v2  }
0xe5: {  	v3 =	vor.u32 $0x280, v1;
	v2 =	vld [tilespmem:$0x810];
	_ =	sdelay $0x4  }
0xe6: {  	[tilespmem:v3+s18+$0x0] =	vst.idx.add.f32.msk $0xffff, v2  }
0xe7: {  	v3 =	vor.u32 $0x300, v1;
	v2 =	vld [tilespmem:$0x910];
	_ =	sdelay $0x4  }
0xe8: {  	[tilespmem:v3+s18+$0x0] =	vst.idx.add.f32.msk $0xffff, v2  }
0xe9: {  	v1 =	vor.u32 $0x380, v1;
	v2 =	vld [tilespmem:$0xA10];
	_ =	sdelay $0x4  }
0xea: {  	[tilespmem:v1+s18+$0x0] =	vst.idx.add.f32.msk $0xffff, v2  }
0xeb: {  	v1 =	vld [tilespmem:$0x20]  }
0xec: {  	v2 =	vld [tilespmem:$0x120];
	_ =	sdelay $0x2  }
0xed: {  	v3 =	vld [tilespmem:$0x220];
	_ =	sdelay $0x1  }
0xee: {  	v1 =	vadd.f32 $1.000000000e+01, v1;
	v2 =	vadd.f32 $1.000000000e+01, v2;
	_ =	sdelay $0x1  }
0xef: {  	v1 =	vadd.f32 $1.258291200e+07, v1;
	v2 =	vadd.f32 $1.258291200e+07, v2  }
0xf0: {  	v3 =	vadd.f32 $1.000000000e+01, v3  }
0xf1: {  	v1 =	vadd.f32 $-1.258291200e+07, v1;
	v2 =	vadd.f32 $-1.258291200e+07, v2;
	_ =	sdelay $0x1  }
0xf2: {  	v3 =	vadd.f32 $1.258291200e+07, v3;
	v49 =	vmax.f32 v1, $0.0e+00;
	v50 =	vmax.f32 v2, $0.0e+00  }
0xf3: {  	v4 =	vmin.f32 v49, $2.000000000e+01;
	v5 =	vmin.f32 v50, $2.000000000e+01  }
0xf4: {  	v3 =	vadd.f32 $-1.258291200e+07, v3;
	v51 =	vmul.f32 $4.410000000e+02, v4;
	v52 =	vmul.f32 $2.100000000e+01, v5;
	_ =	sdelay $0x1  }
0xf5: {  	v53 =	vmax.f32 v3, $0.0e+00;
	v6 =	vadd.f32 v52, v51  }
0xf6: {  	v7 =	vmin.f32 v53, $2.000000000e+01  }
0xf7: {  	v6 =	vadd.f32 v6, v7;
	_ =	sdelay $0x1  }
0xf8: {  	vm10 =	veq.f32 v1, v4;
	vm11 =	veq.f32 v2, v5;
	v1 =	vtrunc.f32 v6  }
0xf9: {  	vm12 =	veq.f32 v3, v7;
	vm0 =	vmand vm10, vm11;
	v1 =	vcvt.f32.s32 v1  }
0xfa: {  	vm0 =	vmand vm0, vm12  }
0xfb: {  	v1 =	vnsel vm0, $0x242D, v1  }
0xfc: {  	v2 =	vshll.u32 v1, $0x3  }
0xfd: {  	v1 =	vand.u32 $0x7F, v1;
	v2 =	vand.u32 $0xFFFFFC00, v2  }
0xfe: {  	v3 =	vld [tilespmem:$0x320];
	v1 =	vor.u32 v1, v2;
	_ =	sdelay $0x4  }
0xff: {  	[tilespmem:v1+s18+$0x0] =	vst.idx.add.f32.msk $0xffff, v3  }
0x100: {  	v3 =	vor.u32 $0x80, v1;
	v2 =	vld [tilespmem:$0x420];
	_ =	sdelay $0x4  }
0x101: {  	[tilespmem:v3+s18+$0x0] =	vst.idx.add.f32.msk $0xffff, v2  }
0x102: {  	v3 =	vor.u32 $0x100, v1;
	v2 =	vld [tilespmem:$0x520];
	_ =	sdelay $0x4  }
0x103: {  	[tilespmem:v3+s18+$0x0] =	vst.idx.add.f32.msk $0xffff, v2  }
0x104: {  	v3 =	vor.u32 $0x180, v1;
	v2 =	vld [tilespmem:$0x620];
	_ =	sdelay $0x4  }
0x105: {  	[tilespmem:v3+s18+$0x0] =	vst.idx.add.f32.msk $0xffff, v2  }
0x106: {  	v3 =	vor.u32 $0x200, v1;
	v2 =	vld [tilespmem:$0x720];
	_ =	sdelay $0x4  }
0x107: {  	[tilespmem:v3+s18+$0x0] =	vst.idx.add.f32.msk $0xffff, v2  }
0x108: {  	v3 =	vor.u32 $0x280, v1;
	v2 =	vld [tilespmem:$0x820];
	_ =	sdelay $0x4  }
0x109: {  	[tilespmem:v3+s18+$0x0] =	vst.idx.add.f32.msk $0xffff, v2  }
0x10a: {  	v3 =	vor.u32 $0x300, v1;
	v2 =	vld [tilespmem:$0x920];
	_ =	sdelay $0x4  }
0x10b: {  	[tilespmem:v3+s18+$0x0] =	vst.idx.add.f32.msk $0xffff, v2  }
0x10c: {  	v1 =	vor.u32 $0x380, v1;
	v2 =	vld [tilespmem:$0xA20];
	_ =	sdelay $0x4  }
0x10d: {  	[tilespmem:v1+s18+$0x0] =	vst.idx.add.f32.msk $0xffff, v2  }
0x10e: {  	v1 =	vld [tilespmem:$0x30]  }
0x10f: {  	v2 =	vld [tilespmem:$0x130];
	_ =	sdelay $0x2  }
0x110: {  	v3 =	vld [tilespmem:$0x230];
	_ =	sdelay $0x1  }
0x111: {  	v1 =	vadd.f32 $1.000000000e+01, v1;
	v2 =	vadd.f32 $1.000000000e+01, v2;
	_ =	sdelay $0x1  }
0x112: {  	v1 =	vadd.f32 $1.258291200e+07, v1;
	v2 =	vadd.f32 $1.258291200e+07, v2  }
0x113: {  	v3 =	vadd.f32 $1.000000000e+01, v3  }
0x114: {  	v1 =	vadd.f32 $-1.258291200e+07, v1;
	v2 =	vadd.f32 $-1.258291200e+07, v2;
	_ =	sdelay $0x1  }
0x115: {  	v3 =	vadd.f32 $1.258291200e+07, v3;
	v54 =	vmax.f32 v1, $0.0e+00;
	v55 =	vmax.f32 v2, $0.0e+00  }
0x116: {  	v4 =	vmin.f32 v54, $2.000000000e+01;
	v5 =	vmin.f32 v55, $2.000000000e+01  }
0x117: {  	v3 =	vadd.f32 $-1.258291200e+07, v3;
	v56 =	vmul.f32 $4.410000000e+02, v4;
	v57 =	vmul.f32 $2.100000000e+01, v5;
	_ =	sdelay $0x1  }
0x118: {  	v58 =	vmax.f32 v3, $0.0e+00;
	v6 =	vadd.f32 v57, v56  }
0x119: {  	v7 =	vmin.f32 v58, $2.000000000e+01  }
0x11a: {  	v6 =	vadd.f32 v6, v7;
	_ =	sdelay $0x1  }
0x11b: {  	vm13 =	veq.f32 v1, v4;
	vm14 =	veq.f32 v2, v5;
	v1 =	vtrunc.f32 v6  }
0x11c: {  	vm15 =	veq.f32 v3, v7;
	vm0 =	vmand vm13, vm14;
	v1 =	vcvt.f32.s32 v1  }
0x11d: {  	vm0 =	vmand vm0, vm15  }
0x11e: {  	v1 =	vnsel vm0, $0x242D, v1  }
0x11f: {  	v2 =	vshll.u32 v1, $0x3  }
0x120: {  	v1 =	vand.u32 $0x7F, v1;
	v2 =	vand.u32 $0xFFFFFC00, v2  }
0x121: {  	v3 =	vld [tilespmem:$0x330];
	v1 =	vor.u32 v1, v2;
	_ =	sdelay $0x4  }
0x122: {  	[tilespmem:v1+s18+$0x0] =	vst.idx.add.f32.msk $0xffff, v3  }
0x123: {  	v3 =	vor.u32 $0x80, v1;
	v2 =	vld [tilespmem:$0x430];
	_ =	sdelay $0x4  }
0x124: {  	[tilespmem:v3+s18+$0x0] =	vst.idx.add.f32.msk $0xffff, v2  }
0x125: {  	v3 =	vor.u32 $0x100, v1;
	v2 =	vld [tilespmem:$0x530];
	_ =	sdelay $0x4  }
0x126: {  	[tilespmem:v3+s18+$0x0] =	vst.idx.add.f32.msk $0xffff, v2  }
0x127: {  	v3 =	vor.u32 $0x180, v1;
	v2 =	vld [tilespmem:$0x630];
	_ =	sdelay $0x4  }
0x128: {  	[tilespmem:v3+s18+$0x0] =	vst.idx.add.f32.msk $0xffff, v2  }
0x129: {  	v3 =	vor.u32 $0x200, v1;
	v2 =	vld [tilespmem:$0x730];
	_ =	sdelay $0x4  }
0x12a: {  	[tilespmem:v3+s18+$0x0] =	vst.idx.add.f32.msk $0xffff, v2  }
0x12b: {  	v3 =	vor.u32 $0x280, v1;
	v2 =	vld [tilespmem:$0x830];
	_ =	sdelay $0x4  }
0x12c: {  	[tilespmem:v3+s18+$0x0] =	vst.idx.add.f32.msk $0xffff, v2  }
0x12d: {  	v3 =	vor.u32 $0x300, v1;
	v2 =	vld [tilespmem:$0x930];
	_ =	sdelay $0x4  }
0x12e: {  	[tilespmem:v3+s18+$0x0] =	vst.idx.add.f32.msk $0xffff, v2  }
0x12f: {  	v1 =	vor.u32 $0x380, v1;
	v2 =	vld [tilespmem:$0xA30];
	_ =	sdelay $0x4  }
0x130: {  	[tilespmem:v1+s18+$0x0] =	vst.idx.add.f32.msk $0xffff, v2  }
0x131: {  	v1 =	vld [tilespmem:$0x40]  }
0x132: {  	v2 =	vld [tilespmem:$0x140];
	_ =	sdelay $0x2  }
0x133: {  	v3 =	vld [tilespmem:$0x240];
	_ =	sdelay $0x1  }
0x134: {  	v1 =	vadd.f32 $1.000000000e+01, v1;
	v2 =	vadd.f32 $1.000000000e+01, v2;
	_ =	sdelay $0x1  }
0x135: {  	v1 =	vadd.f32 $1.258291200e+07, v1;
	v2 =	vadd.f32 $1.258291200e+07, v2  }
0x136: {  	v3 =	vadd.f32 $1.000000000e+01, v3  }
0x137: {  	v1 =	vadd.f32 $-1.258291200e+07, v1;
	v2 =	vadd.f32 $-1.258291200e+07, v2;
	_ =	sdelay $0x1  }
0x138: {  	v3 =	vadd.f32 $1.258291200e+07, v3;
	v59 =	vmax.f32 v1, $0.0e+00;
	v60 =	vmax.f32 v2, $0.0e+00  }
0x139: {  	v4 =	vmin.f32 v59, $2.000000000e+01;
	v5 =	vmin.f32 v60, $2.000000000e+01  }
0x13a: {  	v3 =	vadd.f32 $-1.258291200e+07, v3;
	v61 =	vmul.f32 $4.410000000e+02, v4;
	v62 =	vmul.f32 $2.100000000e+01, v5;
	_ =	sdelay $0x1  }
0x13b: {  	v63 =	vmax.f32 v3, $0.0e+00;
	v6 =	vadd.f32 v62, v61  }
0x13c: {  	v7 =	vmin.f32 v63, $2.000000000e+01  }
0x13d: {  	v6 =	vadd.f32 v6, v7;
	_ =	sdelay $0x1  }
0x13e: {  	vm4 =	veq.f32 v1, v4;
	vm5 =	veq.f32 v2, v5;
	v1 =	vtrunc.f32 v6  }
0x13f: {  	vm6 =	veq.f32 v3, v7;
	vm0 =	vmand vm4, vm5;
	v1 =	vcvt.f32.s32 v1  }
0x140: {  	vm0 =	vmand vm0, vm6  }
0x141: {  	v1 =	vnsel vm0, $0x242D, v1  }
0x142: {  	v2 =	vshll.u32 v1, $0x3  }
0x143: {  	v1 =	vand.u32 $0x7F, v1;
	v2 =	vand.u32 $0xFFFFFC00, v2  }
0x144: {  	v3 =	vld [tilespmem:$0x340];
	v1 =	vor.u32 v1, v2;
	_ =	sdelay $0x4  }
0x145: {  	[tilespmem:v1+s18+$0x0] =	vst.idx.add.f32.msk $0xffff, v3  }
0x146: {  	v3 =	vor.u32 $0x80, v1;
	v2 =	vld [tilespmem:$0x440];
	_ =	sdelay $0x4  }
0x147: {  	[tilespmem:v3+s18+$0x0] =	vst.idx.add.f32.msk $0xffff, v2  }
0x148: {  	v3 =	vor.u32 $0x100, v1;
	v2 =	vld [tilespmem:$0x540];
	_ =	sdelay $0x4  }
0x149: {  	[tilespmem:v3+s18+$0x0] =	vst.idx.add.f32.msk $0xffff, v2  }
0x14a: {  	v3 =	vor.u32 $0x180, v1;
	v2 =	vld [tilespmem:$0x640];
	_ =	sdelay $0x4  }
0x14b: {  	[tilespmem:v3+s18+$0x0] =	vst.idx.add.f32.msk $0xffff, v2  }
0x14c: {  	v3 =	vor.u32 $0x200, v1;
	v2 =	vld [tilespmem:$0x740];
	_ =	sdelay $0x4  }
0x14d: {  	[tilespmem:v3+s18+$0x0] =	vst.idx.add.f32.msk $0xffff, v2  }
0x14e: {  	v3 =	vor.u32 $0x280, v1;
	v2 =	vld [tilespmem:$0x840];
	_ =	sdelay $0x4  }
0x14f: {  	[tilespmem:v3+s18+$0x0] =	vst.idx.add.f32.msk $0xffff, v2  }
0x150: {  	v3 =	vor.u32 $0x300, v1;
	v2 =	vld [tilespmem:$0x940];
	_ =	sdelay $0x4  }
0x151: {  	[tilespmem:v3+s18+$0x0] =	vst.idx.add.f32.msk $0xffff, v2  }
0x152: {  	v1 =	vor.u32 $0x380, v1;
	v2 =	vld [tilespmem:$0xA40];
	_ =	sdelay $0x4  }
0x153: {  	[tilespmem:v1+s18+$0x0] =	vst.idx.add.f32.msk $0xffff, v2  }
0x154: {  	v1 =	vld [tilespmem:$0x50]  }
0x155: {  	v2 =	vld [tilespmem:$0x150];
	_ =	sdelay $0x2  }
0x156: {  	v3 =	vld [tilespmem:$0x250];
	_ =	sdelay $0x1  }
0x157: {  	v1 =	vadd.f32 $1.000000000e+01, v1;
	v2 =	vadd.f32 $1.000000000e+01, v2;
	_ =	sdelay $0x1  }
0x158: {  	v1 =	vadd.f32 $1.258291200e+07, v1;
	v2 =	vadd.f32 $1.258291200e+07, v2  }
0x159: {  	v3 =	vadd.f32 $1.000000000e+01, v3  }
0x15a: {  	v1 =	vadd.f32 $-1.258291200e+07, v1;
	v2 =	vadd.f32 $-1.258291200e+07, v2;
	_ =	sdelay $0x1  }
0x15b: {  	v3 =	vadd.f32 $1.258291200e+07, v3;
	v9 =	vmax.f32 v1, $0.0e+00;
	v10 =	vmax.f32 v2, $0.0e+00  }
0x15c: {  	v4 =	vmin.f32 v9, $2.000000000e+01;
	v5 =	vmin.f32 v10, $2.000000000e+01  }
0x15d: {  	v3 =	vadd.f32 $-1.258291200e+07, v3;
	v11 =	vmul.f32 $4.410000000e+02, v4;
	v12 =	vmul.f32 $2.100000000e+01, v5;
	_ =	sdelay $0x1  }
0x15e: {  	v13 =	vmax.f32 v3, $0.0e+00;
	v6 =	vadd.f32 v12, v11  }
0x15f: {  	v7 =	vmin.f32 v13, $2.000000000e+01  }
0x160: {  	v6 =	vadd.f32 v6, v7;
	_ =	sdelay $0x1  }
0x161: {  	vm7 =	veq.f32 v1, v4;
	vm8 =	veq.f32 v2, v5;
	v1 =	vtrunc.f32 v6  }
0x162: {  	vm9 =	veq.f32 v3, v7;
	vm0 =	vmand vm7, vm8;
	v1 =	vcvt.f32.s32 v1  }
0x163: {  	vm0 =	vmand vm0, vm9  }
0x164: {  	v1 =	vnsel vm0, $0x242D, v1  }
0x165: {  	v2 =	vshll.u32 v1, $0x3  }
0x166: {  	v1 =	vand.u32 $0x7F, v1;
	v2 =	vand.u32 $0xFFFFFC00, v2  }
0x167: {  	v3 =	vld [tilespmem:$0x350];
	v1 =	vor.u32 v1, v2;
	_ =	sdelay $0x4  }
0x168: {  	[tilespmem:v1+s18+$0x0] =	vst.idx.add.f32.msk $0xffff, v3  }
0x169: {  	v3 =	vor.u32 $0x80, v1;
	v2 =	vld [tilespmem:$0x450];
	_ =	sdelay $0x4  }
0x16a: {  	[tilespmem:v3+s18+$0x0] =	vst.idx.add.f32.msk $0xffff, v2  }
0x16b: {  	v3 =	vor.u32 $0x100, v1;
	v2 =	vld [tilespmem:$0x550];
	_ =	sdelay $0x4  }
0x16c: {  	[tilespmem:v3+s18+$0x0] =	vst.idx.add.f32.msk $0xffff, v2  }
0x16d: {  	v3 =	vor.u32 $0x180, v1;
	v2 =	vld [tilespmem:$0x650];
	_ =	sdelay $0x4  }
0x16e: {  	[tilespmem:v3+s18+$0x0] =	vst.idx.add.f32.msk $0xffff, v2  }
0x16f: {  	v3 =	vor.u32 $0x200, v1;
	v2 =	vld [tilespmem:$0x750];
	_ =	sdelay $0x4  }
0x170: {  	[tilespmem:v3+s18+$0x0] =	vst.idx.add.f32.msk $0xffff, v2  }
0x171: {  	v3 =	vor.u32 $0x280, v1;
	v2 =	vld [tilespmem:$0x850];
	_ =	sdelay $0x4  }
0x172: {  	[tilespmem:v3+s18+$0x0] =	vst.idx.add.f32.msk $0xffff, v2  }
0x173: {  	v3 =	vor.u32 $0x300, v1;
	v2 =	vld [tilespmem:$0x950];
	_ =	sdelay $0x4  }
0x174: {  	[tilespmem:v3+s18+$0x0] =	vst.idx.add.f32.msk $0xffff, v2  }
0x175: {  	v1 =	vor.u32 $0x380, v1;
	v2 =	vld [tilespmem:$0xA50];
	_ =	sdelay $0x4  }
0x176: {  	[tilespmem:v1+s18+$0x0] =	vst.idx.add.f32.msk $0xffff, v2  }
0x177: {  	v1 =	vld [tilespmem:$0x60]  }
0x178: {  	v2 =	vld [tilespmem:$0x160];
	_ =	sdelay $0x2  }
0x179: {  	v3 =	vld [tilespmem:$0x260];
	_ =	sdelay $0x1  }
0x17a: {  	v1 =	vadd.f32 $1.000000000e+01, v1;
	v2 =	vadd.f32 $1.000000000e+01, v2;
	_ =	sdelay $0x1  }
0x17b: {  	v1 =	vadd.f32 $1.258291200e+07, v1;
	v2 =	vadd.f32 $1.258291200e+07, v2  }
0x17c: {  	v3 =	vadd.f32 $1.000000000e+01, v3  }
0x17d: {  	v1 =	vadd.f32 $-1.258291200e+07, v1;
	v2 =	vadd.f32 $-1.258291200e+07, v2;
	_ =	sdelay $0x1  }
0x17e: {  	v3 =	vadd.f32 $1.258291200e+07, v3;
	v14 =	vmax.f32 v1, $0.0e+00;
	v15 =	vmax.f32 v2, $0.0e+00  }
0x17f: {  	v4 =	vmin.f32 v14, $2.000000000e+01;
	v5 =	vmin.f32 v15, $2.000000000e+01  }
0x180: {  	v3 =	vadd.f32 $-1.258291200e+07, v3;
	v16 =	vmul.f32 $4.410000000e+02, v4;
	v17 =	vmul.f32 $2.100000000e+01, v5;
	_ =	sdelay $0x1  }
0x181: {  	v18 =	vmax.f32 v3, $0.0e+00;
	v6 =	vadd.f32 v17, v16  }
0x182: {  	v7 =	vmin.f32 v18, $2.000000000e+01  }
0x183: {  	v6 =	vadd.f32 v6, v7;
	_ =	sdelay $0x1  }
0x184: {  	vm10 =	veq.f32 v1, v4;
	vm11 =	veq.f32 v2, v5;
	v1 =	vtrunc.f32 v6  }
0x185: {  	vm12 =	veq.f32 v3, v7;
	vm0 =	vmand vm10, vm11;
	v1 =	vcvt.f32.s32 v1  }
0x186: {  	vm0 =	vmand vm0, vm12  }
0x187: {  	v1 =	vnsel vm0, $0x242D, v1  }
0x188: {  	v2 =	vshll.u32 v1, $0x3  }
0x189: {  	v1 =	vand.u32 $0x7F, v1;
	v2 =	vand.u32 $0xFFFFFC00, v2  }
0x18a: {  	v3 =	vld [tilespmem:$0x360];
	v1 =	vor.u32 v1, v2;
	_ =	sdelay $0x4  }
0x18b: {  	[tilespmem:v1+s18+$0x0] =	vst.idx.add.f32.msk $0xffff, v3  }
0x18c: {  	v3 =	vor.u32 $0x80, v1;
	v2 =	vld [tilespmem:$0x460];
	_ =	sdelay $0x4  }
0x18d: {  	[tilespmem:v3+s18+$0x0] =	vst.idx.add.f32.msk $0xffff, v2  }
0x18e: {  	v3 =	vor.u32 $0x100, v1;
	v2 =	vld [tilespmem:$0x560];
	_ =	sdelay $0x4  }
0x18f: {  	[tilespmem:v3+s18+$0x0] =	vst.idx.add.f32.msk $0xffff, v2  }
0x190: {  	v3 =	vor.u32 $0x180, v1;
	v2 =	vld [tilespmem:$0x660];
	_ =	sdelay $0x4  }
0x191: {  	[tilespmem:v3+s18+$0x0] =	vst.idx.add.f32.msk $0xffff, v2  }
0x192: {  	v3 =	vor.u32 $0x200, v1;
	v2 =	vld [tilespmem:$0x760];
	_ =	sdelay $0x4  }
0x193: {  	[tilespmem:v3+s18+$0x0] =	vst.idx.add.f32.msk $0xffff, v2  }
0x194: {  	v3 =	vor.u32 $0x280, v1;
	v2 =	vld [tilespmem:$0x860];
	_ =	sdelay $0x4  }
0x195: {  	[tilespmem:v3+s18+$0x0] =	vst.idx.add.f32.msk $0xffff, v2  }
0x196: {  	v3 =	vor.u32 $0x300, v1;
	v2 =	vld [tilespmem:$0x960];
	_ =	sdelay $0x4  }
0x197: {  	[tilespmem:v3+s18+$0x0] =	vst.idx.add.f32.msk $0xffff, v2  }
0x198: {  	v1 =	vor.u32 $0x380, v1;
	v2 =	vld [tilespmem:$0xA60];
	_ =	sdelay $0x4  }
0x199: {  	[tilespmem:v1+s18+$0x0] =	vst.idx.add.f32.msk $0xffff, v2  }
0x19a: {  	v1 =	vld [tilespmem:$0x70]  }
0x19b: {  	v2 =	vld [tilespmem:$0x170];
	_ =	sdelay $0x2  }
0x19c: {  	v3 =	vld [tilespmem:$0x270];
	_ =	sdelay $0x1  }
0x19d: {  	v1 =	vadd.f32 $1.000000000e+01, v1;
	v2 =	vadd.f32 $1.000000000e+01, v2;
	_ =	sdelay $0x1  }
0x19e: {  	v1 =	vadd.f32 $1.258291200e+07, v1;
	v2 =	vadd.f32 $1.258291200e+07, v2  }
0x19f: {  	v3 =	vadd.f32 $1.000000000e+01, v3  }
0x1a0: {  	v1 =	vadd.f32 $-1.258291200e+07, v1;
	v2 =	vadd.f32 $-1.258291200e+07, v2;
	_ =	sdelay $0x1  }
0x1a1: {  	v3 =	vadd.f32 $1.258291200e+07, v3;
	v19 =	vmax.f32 v1, $0.0e+00;
	v20 =	vmax.f32 v2, $0.0e+00  }
0x1a2: {  	v4 =	vmin.f32 v19, $2.000000000e+01;
	v5 =	vmin.f32 v20, $2.000000000e+01  }
0x1a3: {  	v3 =	vadd.f32 $-1.258291200e+07, v3;
	v21 =	vmul.f32 $4.410000000e+02, v4;
	v22 =	vmul.f32 $2.100000000e+01, v5;
	_ =	sdelay $0x1  }
0x1a4: {  	v23 =	vmax.f32 v3, $0.0e+00;
	v6 =	vadd.f32 v22, v21  }
0x1a5: {  	v7 =	vmin.f32 v23, $2.000000000e+01  }
0x1a6: {  	v6 =	vadd.f32 v6, v7;
	_ =	sdelay $0x1  }
0x1a7: {  	vm13 =	veq.f32 v1, v4;
	vm14 =	veq.f32 v2, v5;
	v1 =	vtrunc.f32 v6  }
0x1a8: {  	vm15 =	veq.f32 v3, v7;
	vm0 =	vmand vm13, vm14;
	v1 =	vcvt.f32.s32 v1  }
0x1a9: {  	vm0 =	vmand vm0, vm15  }
0x1aa: {  	v1 =	vnsel vm0, $0x242D, v1  }
0x1ab: {  	v2 =	vshll.u32 v1, $0x3  }
0x1ac: {  	v1 =	vand.u32 $0x7F, v1;
	v2 =	vand.u32 $0xFFFFFC00, v2  }
0x1ad: {  	v3 =	vld [tilespmem:$0x370];
	v1 =	vor.u32 v1, v2;
	_ =	sdelay $0x4  }
0x1ae: {  	[tilespmem:v1+s18+$0x0] =	vst.idx.add.f32.msk $0xffff, v3  }
0x1af: {  	v3 =	vor.u32 $0x80, v1;
	v2 =	vld [tilespmem:$0x470];
	_ =	sdelay $0x4  }
0x1b0: {  	[tilespmem:v3+s18+$0x0] =	vst.idx.add.f32.msk $0xffff, v2  }
0x1b1: {  	v3 =	vor.u32 $0x100, v1;
	v2 =	vld [tilespmem:$0x570];
	_ =	sdelay $0x4  }
0x1b2: {  	[tilespmem:v3+s18+$0x0] =	vst.idx.add.f32.msk $0xffff, v2  }
0x1b3: {  	v3 =	vor.u32 $0x180, v1;
	v2 =	vld [tilespmem:$0x670];
	_ =	sdelay $0x4  }
0x1b4: {  	[tilespmem:v3+s18+$0x0] =	vst.idx.add.f32.msk $0xffff, v2  }
0x1b5: {  	v3 =	vor.u32 $0x200, v1;
	v2 =	vld [tilespmem:$0x770];
	_ =	sdelay $0x4  }
0x1b6: {  	[tilespmem:v3+s18+$0x0] =	vst.idx.add.f32.msk $0xffff, v2  }
0x1b7: {  	v3 =	vor.u32 $0x280, v1;
	v2 =	vld [tilespmem:$0x870];
	_ =	sdelay $0x4  }
0x1b8: {  	[tilespmem:v3+s18+$0x0] =	vst.idx.add.f32.msk $0xffff, v2  }
0x1b9: {  	v3 =	vor.u32 $0x300, v1;
	v2 =	vld [tilespmem:$0x970];
	_ =	sdelay $0x4  }
0x1ba: {  	[tilespmem:v3+s18+$0x0] =	vst.idx.add.f32.msk $0xffff, v2  }
0x1bb: {  	v1 =	vor.u32 $0x380, v1;
	v2 =	vld [tilespmem:$0xA70];
	_ =	sdelay $0x4  }
0x1bc: {  	[tilespmem:v1+s18+$0x0] =	vst.idx.add.f32.msk $0xffff, v2  }
0x1bd: {  	v1 =	vld [tilespmem:$0x80]  }
0x1be: {  	v2 =	vld [tilespmem:$0x180];
	_ =	sdelay $0x2  }
0x1bf: {  	v3 =	vld [tilespmem:$0x280];
	_ =	sdelay $0x1  }
0x1c0: {  	v1 =	vadd.f32 $1.000000000e+01, v1;
	v2 =	vadd.f32 $1.000000000e+01, v2;
	_ =	sdelay $0x1  }
0x1c1: {  	v1 =	vadd.f32 $1.258291200e+07, v1;
	v2 =	vadd.f32 $1.258291200e+07, v2  }
0x1c2: {  	v3 =	vadd.f32 $1.000000000e+01, v3  }
0x1c3: {  	v1 =	vadd.f32 $-1.258291200e+07, v1;
	v2 =	vadd.f32 $-1.258291200e+07, v2;
	_ =	sdelay $0x1  }
0x1c4: {  	v3 =	vadd.f32 $1.258291200e+07, v3;
	v24 =	vmax.f32 v1, $0.0e+00;
	v25 =	vmax.f32 v2, $0.0e+00  }
0x1c5: {  	v4 =	vmin.f32 v24, $2.000000000e+01;
	v5 =	vmin.f32 v25, $2.000000000e+01  }
0x1c6: {  	v3 =	vadd.f32 $-1.258291200e+07, v3;
	v26 =	vmul.f32 $4.410000000e+02, v4;
	v27 =	vmul.f32 $2.100000000e+01, v5;
	_ =	sdelay $0x1  }
0x1c7: {  	v28 =	vmax.f32 v3, $0.0e+00;
	v6 =	vadd.f32 v27, v26  }
0x1c8: {  	v7 =	vmin.f32 v28, $2.000000000e+01  }
0x1c9: {  	v6 =	vadd.f32 v6, v7;
	_ =	sdelay $0x1  }
0x1ca: {  	vm4 =	veq.f32 v1, v4;
	vm5 =	veq.f32 v2, v5;
	v1 =	vtrunc.f32 v6  }
0x1cb: {  	vm6 =	veq.f32 v3, v7;
	vm0 =	vmand vm4, vm5;
	v1 =	vcvt.f32.s32 v1  }
0x1cc: {  	vm0 =	vmand vm0, vm6  }
0x1cd: {  	v1 =	vnsel vm0, $0x242D, v1  }
0x1ce: {  	v2 =	vshll.u32 v1, $0x3  }
0x1cf: {  	v1 =	vand.u32 $0x7F, v1;
	v2 =	vand.u32 $0xFFFFFC00, v2  }
0x1d0: {  	v3 =	vld [tilespmem:$0x380];
	v1 =	vor.u32 v1, v2;
	_ =	sdelay $0x4  }
0x1d1: {  	[tilespmem:v1+s18+$0x0] =	vst.idx.add.f32.msk $0xffff, v3  }
0x1d2: {  	v3 =	vor.u32 $0x80, v1;
	v2 =	vld [tilespmem:$0x480];
	_ =	sdelay $0x4  }
0x1d3: {  	[tilespmem:v3+s18+$0x0] =	vst.idx.add.f32.msk $0xffff, v2  }
0x1d4: {  	v3 =	vor.u32 $0x100, v1;
	v2 =	vld [tilespmem:$0x580];
	_ =	sdelay $0x4  }
0x1d5: {  	[tilespmem:v3+s18+$0x0] =	vst.idx.add.f32.msk $0xffff, v2  }
0x1d6: {  	v3 =	vor.u32 $0x180, v1;
	v2 =	vld [tilespmem:$0x680];
	_ =	sdelay $0x4  }
0x1d7: {  	[tilespmem:v3+s18+$0x0] =	vst.idx.add.f32.msk $0xffff, v2  }
0x1d8: {  	v3 =	vor.u32 $0x200, v1;
	v2 =	vld [tilespmem:$0x780];
	_ =	sdelay $0x4  }
0x1d9: {  	[tilespmem:v3+s18+$0x0] =	vst.idx.add.f32.msk $0xffff, v2  }
0x1da: {  	v3 =	vor.u32 $0x280, v1;
	v2 =	vld [tilespmem:$0x880];
	_ =	sdelay $0x4  }
0x1db: {  	[tilespmem:v3+s18+$0x0] =	vst.idx.add.f32.msk $0xffff, v2  }
0x1dc: {  	v3 =	vor.u32 $0x300, v1;
	v2 =	vld [tilespmem:$0x980];
	_ =	sdelay $0x4  }
0x1dd: {  	[tilespmem:v3+s18+$0x0] =	vst.idx.add.f32.msk $0xffff, v2  }
0x1de: {  	v1 =	vor.u32 $0x380, v1;
	v2 =	vld [tilespmem:$0xA80];
	_ =	sdelay $0x4  }
0x1df: {  	[tilespmem:v1+s18+$0x0] =	vst.idx.add.f32.msk $0xffff, v2  }
0x1e0: {  	v1 =	vld [tilespmem:$0x90]  }
0x1e1: {  	v2 =	vld [tilespmem:$0x190];
	_ =	sdelay $0x2  }
0x1e2: {  	v3 =	vld [tilespmem:$0x290];
	_ =	sdelay $0x1  }
0x1e3: {  	v1 =	vadd.f32 $1.000000000e+01, v1;
	v2 =	vadd.f32 $1.000000000e+01, v2;
	_ =	sdelay $0x1  }
0x1e4: {  	v1 =	vadd.f32 $1.258291200e+07, v1;
	v2 =	vadd.f32 $1.258291200e+07, v2  }
0x1e5: {  	v3 =	vadd.f32 $1.000000000e+01, v3  }
0x1e6: {  	v1 =	vadd.f32 $-1.258291200e+07, v1;
	v2 =	vadd.f32 $-1.258291200e+07, v2;
	_ =	sdelay $0x1  }
0x1e7: {  	v3 =	vadd.f32 $1.258291200e+07, v3;
	v29 =	vmax.f32 v1, $0.0e+00;
	v30 =	vmax.f32 v2, $0.0e+00  }
0x1e8: {  	v4 =	vmin.f32 v29, $2.000000000e+01;
	v5 =	vmin.f32 v30, $2.000000000e+01  }
0x1e9: {  	v3 =	vadd.f32 $-1.258291200e+07, v3;
	v31 =	vmul.f32 $4.410000000e+02, v4;
	v32 =	vmul.f32 $2.100000000e+01, v5;
	_ =	sdelay $0x1  }
0x1ea: {  	v33 =	vmax.f32 v3, $0.0e+00;
	v6 =	vadd.f32 v32, v31  }
0x1eb: {  	v7 =	vmin.f32 v33, $2.000000000e+01  }
0x1ec: {  	v6 =	vadd.f32 v6, v7;
	_ =	sdelay $0x1  }
0x1ed: {  	vm7 =	veq.f32 v1, v4;
	vm8 =	veq.f32 v2, v5;
	v1 =	vtrunc.f32 v6  }
0x1ee: {  	vm9 =	veq.f32 v3, v7;
	vm0 =	vmand vm7, vm8;
	v1 =	vcvt.f32.s32 v1  }
0x1ef: {  	vm0 =	vmand vm0, vm9  }
0x1f0: {  	v1 =	vnsel vm0, $0x242D, v1  }
0x1f1: {  	v2 =	vshll.u32 v1, $0x3  }
0x1f2: {  	v1 =	vand.u32 $0x7F, v1;
	v2 =	vand.u32 $0xFFFFFC00, v2  }
0x1f3: {  	v3 =	vld [tilespmem:$0x390];
	v1 =	vor.u32 v1, v2;
	_ =	sdelay $0x4  }
0x1f4: {  	[tilespmem:v1+s18+$0x0] =	vst.idx.add.f32.msk $0xffff, v3  }
0x1f5: {  	v3 =	vor.u32 $0x80, v1;
	v2 =	vld [tilespmem:$0x490];
	_ =	sdelay $0x4  }
0x1f6: {  	[tilespmem:v3+s18+$0x0] =	vst.idx.add.f32.msk $0xffff, v2  }
0x1f7: {  	v3 =	vor.u32 $0x100, v1;
	v2 =	vld [tilespmem:$0x590];
	_ =	sdelay $0x4  }
0x1f8: {  	[tilespmem:v3+s18+$0x0] =	vst.idx.add.f32.msk $0xffff, v2  }
0x1f9: {  	v3 =	vor.u32 $0x180, v1;
	v2 =	vld [tilespmem:$0x690];
	_ =	sdelay $0x4  }
0x1fa: {  	[tilespmem:v3+s18+$0x0] =	vst.idx.add.f32.msk $0xffff, v2  }
0x1fb: {  	v3 =	vor.u32 $0x200, v1;
	v2 =	vld [tilespmem:$0x790];
	_ =	sdelay $0x4  }
0x1fc: {  	[tilespmem:v3+s18+$0x0] =	vst.idx.add.f32.msk $0xffff, v2  }
0x1fd: {  	v3 =	vor.u32 $0x280, v1;
	v2 =	vld [tilespmem:$0x890];
	_ =	sdelay $0x4  }
0x1fe: {  	[tilespmem:v3+s18+$0x0] =	vst.idx.add.f32.msk $0xffff, v2  }
0x1ff: {  	v3 =	vor.u32 $0x300, v1;
	v2 =	vld [tilespmem:$0x990];
	_ =	sdelay $0x4  }
0x200: {  	[tilespmem:v3+s18+$0x0] =	vst.idx.add.f32.msk $0xffff, v2  }
0x201: {  	v1 =	vor.u32 $0x380, v1;
	v2 =	vld [tilespmem:$0xA90];
	_ =	sdelay $0x4  }
0x202: {  	[tilespmem:v1+s18+$0x0] =	vst.idx.add.f32.msk $0xffff, v2  }
0x203: {  	v1 =	vld [tilespmem:$0xA0]  }
0x204: {  	v2 =	vld [tilespmem:$0x1A0];
	_ =	sdelay $0x2  }
0x205: {  	v3 =	vld [tilespmem:$0x2A0];
	_ =	sdelay $0x1  }
0x206: {  	v1 =	vadd.f32 $1.000000000e+01, v1;
	v2 =	vadd.f32 $1.000000000e+01, v2;
	_ =	sdelay $0x1  }
0x207: {  	v1 =	vadd.f32 $1.258291200e+07, v1;
	v2 =	vadd.f32 $1.258291200e+07, v2  }
0x208: {  	v3 =	vadd.f32 $1.000000000e+01, v3  }
0x209: {  	v1 =	vadd.f32 $-1.258291200e+07, v1;
	v2 =	vadd.f32 $-1.258291200e+07, v2;
	_ =	sdelay $0x1  }
0x20a: {  	v3 =	vadd.f32 $1.258291200e+07, v3;
	v34 =	vmax.f32 v1, $0.0e+00;
	v35 =	vmax.f32 v2, $0.0e+00  }
0x20b: {  	v4 =	vmin.f32 v34, $2.000000000e+01;
	v5 =	vmin.f32 v35, $2.000000000e+01  }
0x20c: {  	v3 =	vadd.f32 $-1.258291200e+07, v3;
	v36 =	vmul.f32 $4.410000000e+02, v4;
	v37 =	vmul.f32 $2.100000000e+01, v5;
	_ =	sdelay $0x1  }
0x20d: {  	v38 =	vmax.f32 v3, $0.0e+00;
	v6 =	vadd.f32 v37, v36  }
0x20e: {  	v7 =	vmin.f32 v38, $2.000000000e+01  }
0x20f: {  	v6 =	vadd.f32 v6, v7;
	_ =	sdelay $0x1  }
0x210: {  	vm10 =	veq.f32 v1, v4;
	vm11 =	veq.f32 v2, v5;
	v1 =	vtrunc.f32 v6  }
0x211: {  	vm12 =	veq.f32 v3, v7;
	vm0 =	vmand vm10, vm11;
	v1 =	vcvt.f32.s32 v1  }
0x212: {  	vm0 =	vmand vm0, vm12  }
0x213: {  	v1 =	vnsel vm0, $0x242D, v1  }
0x214: {  	v2 =	vshll.u32 v1, $0x3  }
0x215: {  	v1 =	vand.u32 $0x7F, v1;
	v2 =	vand.u32 $0xFFFFFC00, v2  }
0x216: {  	v3 =	vld [tilespmem:$0x3A0];
	v1 =	vor.u32 v1, v2;
	_ =	sdelay $0x4  }
0x217: {  	[tilespmem:v1+s18+$0x0] =	vst.idx.add.f32.msk $0xffff, v3  }
0x218: {  	v3 =	vor.u32 $0x80, v1;
	v2 =	vld [tilespmem:$0x4A0];
	_ =	sdelay $0x4  }
0x219: {  	[tilespmem:v3+s18+$0x0] =	vst.idx.add.f32.msk $0xffff, v2  }
0x21a: {  	v3 =	vor.u32 $0x100, v1;
	v2 =	vld [tilespmem:$0x5A0];
	_ =	sdelay $0x4  }
0x21b: {  	[tilespmem:v3+s18+$0x0] =	vst.idx.add.f32.msk $0xffff, v2  }
0x21c: {  	v3 =	vor.u32 $0x180, v1;
	v2 =	vld [tilespmem:$0x6A0];
	_ =	sdelay $0x4  }
0x21d: {  	[tilespmem:v3+s18+$0x0] =	vst.idx.add.f32.msk $0xffff, v2  }
0x21e: {  	v3 =	vor.u32 $0x200, v1;
	v2 =	vld [tilespmem:$0x7A0];
	_ =	sdelay $0x4  }
0x21f: {  	[tilespmem:v3+s18+$0x0] =	vst.idx.add.f32.msk $0xffff, v2  }
0x220: {  	v3 =	vor.u32 $0x280, v1;
	v2 =	vld [tilespmem:$0x8A0];
	_ =	sdelay $0x4  }
0x221: {  	[tilespmem:v3+s18+$0x0] =	vst.idx.add.f32.msk $0xffff, v2  }
0x222: {  	v3 =	vor.u32 $0x300, v1;
	v2 =	vld [tilespmem:$0x9A0];
	_ =	sdelay $0x4  }
0x223: {  	[tilespmem:v3+s18+$0x0] =	vst.idx.add.f32.msk $0xffff, v2  }
0x224: {  	v1 =	vor.u32 $0x380, v1;
	v2 =	vld [tilespmem:$0xAA0];
	_ =	sdelay $0x4  }
0x225: {  	[tilespmem:v1+s18+$0x0] =	vst.idx.add.f32.msk $0xffff, v2  }
0x226: {  	v1 =	vld [tilespmem:$0xB0]  }
0x227: {  	v2 =	vld [tilespmem:$0x1B0];
	_ =	sdelay $0x2  }
0x228: {  	v3 =	vld [tilespmem:$0x2B0];
	_ =	sdelay $0x1  }
0x229: {  	v1 =	vadd.f32 $1.000000000e+01, v1;
	v2 =	vadd.f32 $1.000000000e+01, v2;
	_ =	sdelay $0x1  }
0x22a: {  	v1 =	vadd.f32 $1.258291200e+07, v1;
	v2 =	vadd.f32 $1.258291200e+07, v2  }
0x22b: {  	v3 =	vadd.f32 $1.000000000e+01, v3  }
0x22c: {  	v1 =	vadd.f32 $-1.258291200e+07, v1;
	v2 =	vadd.f32 $-1.258291200e+07, v2;
	_ =	sdelay $0x1  }
0x22d: {  	v3 =	vadd.f32 $1.258291200e+07, v3;
	v39 =	vmax.f32 v1, $0.0e+00;
	v40 =	vmax.f32 v2, $0.0e+00  }
0x22e: {  	v4 =	vmin.f32 v39, $2.000000000e+01;
	v5 =	vmin.f32 v40, $2.000000000e+01  }
0x22f: {  	v3 =	vadd.f32 $-1.258291200e+07, v3;
	v41 =	vmul.f32 $4.410000000e+02, v4;
	v42 =	vmul.f32 $2.100000000e+01, v5;
	_ =	sdelay $0x1  }
0x230: {  	v43 =	vmax.f32 v3, $0.0e+00;
	v6 =	vadd.f32 v42, v41  }
0x231: {  	v7 =	vmin.f32 v43, $2.000000000e+01  }
0x232: {  	v6 =	vadd.f32 v6, v7;
	_ =	sdelay $0x1  }
0x233: {  	vm13 =	veq.f32 v1, v4;
	vm14 =	veq.f32 v2, v5;
	v1 =	vtrunc.f32 v6  }
0x234: {  	vm15 =	veq.f32 v3, v7;
	vm0 =	vmand vm13, vm14;
	v1 =	vcvt.f32.s32 v1  }
0x235: {  	vm0 =	vmand vm0, vm15  }
0x236: {  	v1 =	vnsel vm0, $0x242D, v1  }
0x237: {  	v2 =	vshll.u32 v1, $0x3  }
0x238: {  	v1 =	vand.u32 $0x7F, v1;
	v2 =	vand.u32 $0xFFFFFC00, v2  }
0x239: {  	v3 =	vld [tilespmem:$0x3B0];
	v1 =	vor.u32 v1, v2;
	_ =	sdelay $0x4  }
0x23a: {  	[tilespmem:v1+s18+$0x0] =	vst.idx.add.f32.msk $0xffff, v3  }
0x23b: {  	v3 =	vor.u32 $0x80, v1;
	v2 =	vld [tilespmem:$0x4B0];
	_ =	sdelay $0x4  }
0x23c: {  	[tilespmem:v3+s18+$0x0] =	vst.idx.add.f32.msk $0xffff, v2  }
0x23d: {  	v3 =	vor.u32 $0x100, v1;
	v2 =	vld [tilespmem:$0x5B0];
	_ =	sdelay $0x4  }
0x23e: {  	[tilespmem:v3+s18+$0x0] =	vst.idx.add.f32.msk $0xffff, v2  }
0x23f: {  	v3 =	vor.u32 $0x180, v1;
	v2 =	vld [tilespmem:$0x6B0];
	_ =	sdelay $0x4  }
0x240: {  	[tilespmem:v3+s18+$0x0] =	vst.idx.add.f32.msk $0xffff, v2  }
0x241: {  	v3 =	vor.u32 $0x200, v1;
	v2 =	vld [tilespmem:$0x7B0];
	_ =	sdelay $0x4  }
0x242: {  	[tilespmem:v3+s18+$0x0] =	vst.idx.add.f32.msk $0xffff, v2  }
0x243: {  	v3 =	vor.u32 $0x280, v1;
	v2 =	vld [tilespmem:$0x8B0];
	_ =	sdelay $0x4  }
0x244: {  	[tilespmem:v3+s18+$0x0] =	vst.idx.add.f32.msk $0xffff, v2  }
0x245: {  	v3 =	vor.u32 $0x300, v1;
	v2 =	vld [tilespmem:$0x9B0];
	_ =	sdelay $0x4  }
0x246: {  	[tilespmem:v3+s18+$0x0] =	vst.idx.add.f32.msk $0xffff, v2  }
0x247: {  	v1 =	vor.u32 $0x380, v1;
	v2 =	vld [tilespmem:$0xAB0];
	_ =	sdelay $0x4  }
0x248: {  	[tilespmem:v1+s18+$0x0] =	vst.idx.add.f32.msk $0xffff, v2  }
0x249: {  	v1 =	vld [tilespmem:$0xC0]  }
0x24a: {  	v2 =	vld [tilespmem:$0x1C0];
	_ =	sdelay $0x2  }
0x24b: {  	v3 =	vld [tilespmem:$0x2C0];
	_ =	sdelay $0x1  }
0x24c: {  	v1 =	vadd.f32 $1.000000000e+01, v1;
	v2 =	vadd.f32 $1.000000000e+01, v2;
	_ =	sdelay $0x1  }
0x24d: {  	v1 =	vadd.f32 $1.258291200e+07, v1;
	v2 =	vadd.f32 $1.258291200e+07, v2  }
0x24e: {  	v3 =	vadd.f32 $1.000000000e+01, v3  }
0x24f: {  	v1 =	vadd.f32 $-1.258291200e+07, v1;
	v2 =	vadd.f32 $-1.258291200e+07, v2;
	_ =	sdelay $0x1  }
0x250: {  	v3 =	vadd.f32 $1.258291200e+07, v3;
	v44 =	vmax.f32 v1, $0.0e+00;
	v45 =	vmax.f32 v2, $0.0e+00  }
0x251: {  	v4 =	vmin.f32 v44, $2.000000000e+01;
	v5 =	vmin.f32 v45, $2.000000000e+01  }
0x252: {  	v3 =	vadd.f32 $-1.258291200e+07, v3;
	v46 =	vmul.f32 $4.410000000e+02, v4;
	v47 =	vmul.f32 $2.100000000e+01, v5;
	_ =	sdelay $0x1  }
0x253: {  	v48 =	vmax.f32 v3, $0.0e+00;
	v6 =	vadd.f32 v47, v46  }
0x254: {  	v7 =	vmin.f32 v48, $2.000000000e+01  }
0x255: {  	v6 =	vadd.f32 v6, v7;
	_ =	sdelay $0x1  }
0x256: {  	vm4 =	veq.f32 v1, v4;
	vm5 =	veq.f32 v2, v5;
	v1 =	vtrunc.f32 v6  }
0x257: {  	vm6 =	veq.f32 v3, v7;
	vm0 =	vmand vm4, vm5;
	v1 =	vcvt.f32.s32 v1  }
0x258: {  	vm0 =	vmand vm0, vm6  }
0x259: {  	v1 =	vnsel vm0, $0x242D, v1  }
0x25a: {  	v2 =	vshll.u32 v1, $0x3  }
0x25b: {  	v1 =	vand.u32 $0x7F, v1;
	v2 =	vand.u32 $0xFFFFFC00, v2  }
0x25c: {  	v3 =	vld [tilespmem:$0x3C0];
	v1 =	vor.u32 v1, v2;
	_ =	sdelay $0x4  }
0x25d: {  	[tilespmem:v1+s18+$0x0] =	vst.idx.add.f32.msk $0xffff, v3  }
0x25e: {  	v3 =	vor.u32 $0x80, v1;
	v2 =	vld [tilespmem:$0x4C0];
	_ =	sdelay $0x4  }
0x25f: {  	[tilespmem:v3+s18+$0x0] =	vst.idx.add.f32.msk $0xffff, v2  }
0x260: {  	v3 =	vor.u32 $0x100, v1;
	v2 =	vld [tilespmem:$0x5C0];
	_ =	sdelay $0x4  }
0x261: {  	[tilespmem:v3+s18+$0x0] =	vst.idx.add.f32.msk $0xffff, v2  }
0x262: {  	v3 =	vor.u32 $0x180, v1;
	v2 =	vld [tilespmem:$0x6C0];
	_ =	sdelay $0x4  }
0x263: {  	[tilespmem:v3+s18+$0x0] =	vst.idx.add.f32.msk $0xffff, v2  }
0x264: {  	v3 =	vor.u32 $0x200, v1;
	v2 =	vld [tilespmem:$0x7C0];
	_ =	sdelay $0x4  }
0x265: {  	[tilespmem:v3+s18+$0x0] =	vst.idx.add.f32.msk $0xffff, v2  }
0x266: {  	v3 =	vor.u32 $0x280, v1;
	v2 =	vld [tilespmem:$0x8C0];
	_ =	sdelay $0x4  }
0x267: {  	[tilespmem:v3+s18+$0x0] =	vst.idx.add.f32.msk $0xffff, v2  }
0x268: {  	v3 =	vor.u32 $0x300, v1;
	v2 =	vld [tilespmem:$0x9C0];
	_ =	sdelay $0x4  }
0x269: {  	[tilespmem:v3+s18+$0x0] =	vst.idx.add.f32.msk $0xffff, v2  }
0x26a: {  	v1 =	vor.u32 $0x380, v1;
	v2 =	vld [tilespmem:$0xAC0];
	_ =	sdelay $0x4  }
0x26b: {  	[tilespmem:v1+s18+$0x0] =	vst.idx.add.f32.msk $0xffff, v2  }
0x26c: {  	v1 =	vld [tilespmem:$0xD0]  }
0x26d: {  	v2 =	vld [tilespmem:$0x1D0];
	_ =	sdelay $0x2  }
0x26e: {  	v3 =	vld [tilespmem:$0x2D0];
	_ =	sdelay $0x1  }
0x26f: {  	v1 =	vadd.f32 $1.000000000e+01, v1;
	v2 =	vadd.f32 $1.000000000e+01, v2;
	_ =	sdelay $0x1  }
0x270: {  	v1 =	vadd.f32 $1.258291200e+07, v1;
	v2 =	vadd.f32 $1.258291200e+07, v2  }
0x271: {  	v3 =	vadd.f32 $1.000000000e+01, v3  }
0x272: {  	v1 =	vadd.f32 $-1.258291200e+07, v1;
	v2 =	vadd.f32 $-1.258291200e+07, v2;
	_ =	sdelay $0x1  }
0x273: {  	v3 =	vadd.f32 $1.258291200e+07, v3;
	v49 =	vmax.f32 v1, $0.0e+00;
	v50 =	vmax.f32 v2, $0.0e+00  }
0x274: {  	v4 =	vmin.f32 v49, $2.000000000e+01;
	v5 =	vmin.f32 v50, $2.000000000e+01  }
0x275: {  	v3 =	vadd.f32 $-1.258291200e+07, v3;
	v51 =	vmul.f32 $4.410000000e+02, v4;
	v52 =	vmul.f32 $2.100000000e+01, v5;
	_ =	sdelay $0x1  }
0x276: {  	v53 =	vmax.f32 v3, $0.0e+00;
	v6 =	vadd.f32 v52, v51  }
0x277: {  	v7 =	vmin.f32 v53, $2.000000000e+01  }
0x278: {  	v6 =	vadd.f32 v6, v7;
	_ =	sdelay $0x1  }
0x279: {  	vm7 =	veq.f32 v1, v4;
	vm8 =	veq.f32 v2, v5;
	v1 =	vtrunc.f32 v6  }
0x27a: {  	vm9 =	veq.f32 v3, v7;
	vm0 =	vmand vm7, vm8;
	v1 =	vcvt.f32.s32 v1  }
0x27b: {  	vm0 =	vmand vm0, vm9  }
0x27c: {  	v1 =	vnsel vm0, $0x242D, v1  }
0x27d: {  	v2 =	vshll.u32 v1, $0x3  }
0x27e: {  	v1 =	vand.u32 $0x7F, v1;
	v2 =	vand.u32 $0xFFFFFC00, v2  }
0x27f: {  	v3 =	vld [tilespmem:$0x3D0];
	v1 =	vor.u32 v1, v2;
	_ =	sdelay $0x4  }
0x280: {  	[tilespmem:v1+s18+$0x0] =	vst.idx.add.f32.msk $0xffff, v3  }
0x281: {  	v3 =	vor.u32 $0x80, v1;
	v2 =	vld [tilespmem:$0x4D0];
	_ =	sdelay $0x4  }
0x282: {  	[tilespmem:v3+s18+$0x0] =	vst.idx.add.f32.msk $0xffff, v2  }
0x283: {  	v3 =	vor.u32 $0x100, v1;
	v2 =	vld [tilespmem:$0x5D0];
	_ =	sdelay $0x4  }
0x284: {  	[tilespmem:v3+s18+$0x0] =	vst.idx.add.f32.msk $0xffff, v2  }
0x285: {  	v3 =	vor.u32 $0x180, v1;
	v2 =	vld [tilespmem:$0x6D0];
	_ =	sdelay $0x4  }
0x286: {  	[tilespmem:v3+s18+$0x0] =	vst.idx.add.f32.msk $0xffff, v2  }
0x287: {  	v3 =	vor.u32 $0x200, v1;
	v2 =	vld [tilespmem:$0x7D0];
	_ =	sdelay $0x4  }
0x288: {  	[tilespmem:v3+s18+$0x0] =	vst.idx.add.f32.msk $0xffff, v2  }
0x289: {  	v3 =	vor.u32 $0x280, v1;
	v2 =	vld [tilespmem:$0x8D0];
	_ =	sdelay $0x4  }
0x28a: {  	[tilespmem:v3+s18+$0x0] =	vst.idx.add.f32.msk $0xffff, v2  }
0x28b: {  	v3 =	vor.u32 $0x300, v1;
	v2 =	vld [tilespmem:$0x9D0];
	_ =	sdelay $0x4  }
0x28c: {  	[tilespmem:v3+s18+$0x0] =	vst.idx.add.f32.msk $0xffff, v2  }
0x28d: {  	v1 =	vor.u32 $0x380, v1;
	v2 =	vld [tilespmem:$0xAD0];
	_ =	sdelay $0x4  }
0x28e: {  	[tilespmem:v1+s18+$0x0] =	vst.idx.add.f32.msk $0xffff, v2  }
0x28f: {  	v1 =	vld [tilespmem:$0xE0]  }
0x290: {  	v2 =	vld [tilespmem:$0x1E0];
	_ =	sdelay $0x2  }
0x291: {  	v3 =	vld [tilespmem:$0x2E0];
	_ =	sdelay $0x1  }
0x292: {  	v1 =	vadd.f32 $1.000000000e+01, v1;
	v2 =	vadd.f32 $1.000000000e+01, v2;
	_ =	sdelay $0x1  }
0x293: {  	v1 =	vadd.f32 $1.258291200e+07, v1;
	v2 =	vadd.f32 $1.258291200e+07, v2  }
0x294: {  	v3 =	vadd.f32 $1.000000000e+01, v3  }
0x295: {  	v1 =	vadd.f32 $-1.258291200e+07, v1;
	v2 =	vadd.f32 $-1.258291200e+07, v2;
	_ =	sdelay $0x1  }
0x296: {  	v3 =	vadd.f32 $1.258291200e+07, v3;
	v54 =	vmax.f32 v1, $0.0e+00;
	v55 =	vmax.f32 v2, $0.0e+00  }
0x297: {  	v4 =	vmin.f32 v54, $2.000000000e+01;
	v5 =	vmin.f32 v55, $2.000000000e+01  }
0x298: {  	v3 =	vadd.f32 $-1.258291200e+07, v3;
	v56 =	vmul.f32 $4.410000000e+02, v4;
	v57 =	vmul.f32 $2.100000000e+01, v5;
	_ =	sdelay $0x1  }
0x299: {  	v58 =	vmax.f32 v3, $0.0e+00;
	v6 =	vadd.f32 v57, v56  }
0x29a: {  	v7 =	vmin.f32 v58, $2.000000000e+01  }
0x29b: {  	v6 =	vadd.f32 v6, v7;
	_ =	sdelay $0x1  }
0x29c: {  	vm10 =	veq.f32 v1, v4;
	vm11 =	veq.f32 v2, v5;
	v1 =	vtrunc.f32 v6  }
0x29d: {  	vm12 =	veq.f32 v3, v7;
	vm0 =	vmand vm10, vm11;
	v1 =	vcvt.f32.s32 v1  }
0x29e: {  	vm0 =	vmand vm0, vm12  }
0x29f: {  	v1 =	vnsel vm0, $0x242D, v1  }
0x2a0: {  	v2 =	vshll.u32 v1, $0x3  }
0x2a1: {  	v1 =	vand.u32 $0x7F, v1;
	v2 =	vand.u32 $0xFFFFFC00, v2  }
0x2a2: {  	v3 =	vld [tilespmem:$0x3E0];
	v1 =	vor.u32 v1, v2;
	_ =	sdelay $0x4  }
0x2a3: {  	[tilespmem:v1+s18+$0x0] =	vst.idx.add.f32.msk $0xffff, v3  }
0x2a4: {  	v3 =	vor.u32 $0x80, v1;
	v2 =	vld [tilespmem:$0x4E0];
	_ =	sdelay $0x4  }
0x2a5: {  	[tilespmem:v3+s18+$0x0] =	vst.idx.add.f32.msk $0xffff, v2  }
0x2a6: {  	v3 =	vor.u32 $0x100, v1;
	v2 =	vld [tilespmem:$0x5E0];
	_ =	sdelay $0x4  }
0x2a7: {  	[tilespmem:v3+s18+$0x0] =	vst.idx.add.f32.msk $0xffff, v2  }
0x2a8: {  	v3 =	vor.u32 $0x180, v1;
	v2 =	vld [tilespmem:$0x6E0];
	_ =	sdelay $0x4  }
0x2a9: {  	[tilespmem:v3+s18+$0x0] =	vst.idx.add.f32.msk $0xffff, v2  }
0x2aa: {  	v3 =	vor.u32 $0x200, v1;
	v2 =	vld [tilespmem:$0x7E0];
	_ =	sdelay $0x4  }
0x2ab: {  	[tilespmem:v3+s18+$0x0] =	vst.idx.add.f32.msk $0xffff, v2  }
0x2ac: {  	v3 =	vor.u32 $0x280, v1;
	v2 =	vld [tilespmem:$0x8E0];
	_ =	sdelay $0x4  }
0x2ad: {  	[tilespmem:v3+s18+$0x0] =	vst.idx.add.f32.msk $0xffff, v2  }
0x2ae: {  	v3 =	vor.u32 $0x300, v1;
	v2 =	vld [tilespmem:$0x9E0];
	_ =	sdelay $0x4  }
0x2af: {  	[tilespmem:v3+s18+$0x0] =	vst.idx.add.f32.msk $0xffff, v2  }
0x2b0: {  	v1 =	vor.u32 $0x380, v1;
	v2 =	vld [tilespmem:$0xAE0];
	_ =	sdelay $0x4  }
0x2b1: {  	[tilespmem:v1+s18+$0x0] =	vst.idx.add.f32.msk $0xffff, v2  }
0x2b2: {  	v1 =	vld [tilespmem:$0xF0]  }
0x2b3: {  	v2 =	vld [tilespmem:$0x1F0];
	_ =	sdelay $0x2  }
0x2b4: {  	v3 =	vld [tilespmem:$0x2F0];
	_ =	sdelay $0x1  }
0x2b5: {  	v1 =	vadd.f32 $1.000000000e+01, v1;
	v2 =	vadd.f32 $1.000000000e+01, v2;
	_ =	sdelay $0x1  }
0x2b6: {  	v1 =	vadd.f32 $1.258291200e+07, v1;
	v2 =	vadd.f32 $1.258291200e+07, v2  }
0x2b7: {  	v3 =	vadd.f32 $1.000000000e+01, v3  }
0x2b8: {  	v1 =	vadd.f32 $-1.258291200e+07, v1;
	v2 =	vadd.f32 $-1.258291200e+07, v2;
	_ =	sdelay $0x1  }
0x2b9: {  	v3 =	vadd.f32 $1.258291200e+07, v3;
	v59 =	vmax.f32 v1, $0.0e+00;
	v60 =	vmax.f32 v2, $0.0e+00  }
0x2ba: {  	v4 =	vmin.f32 v59, $2.000000000e+01;
	v5 =	vmin.f32 v60, $2.000000000e+01  }
0x2bb: {  	v3 =	vadd.f32 $-1.258291200e+07, v3;
	v61 =	vmul.f32 $4.410000000e+02, v4;
	v62 =	vmul.f32 $2.100000000e+01, v5;
	_ =	sdelay $0x1  }
0x2bc: {  	v63 =	vmax.f32 v3, $0.0e+00;
	v6 =	vadd.f32 v62, v61  }
0x2bd: {  	v7 =	vmin.f32 v63, $2.000000000e+01  }
0x2be: {  	v6 =	vadd.f32 v6, v7;
	_ =	sdelay $0x1  }
0x2bf: {  	vm13 =	veq.f32 v1, v4;
	vm14 =	veq.f32 v2, v5;
	v1 =	vtrunc.f32 v6  }
0x2c0: {  	vm15 =	veq.f32 v3, v7;
	vm0 =	vmand vm13, vm14;
	v1 =	vcvt.f32.s32 v1  }
0x2c1: {  	vm0 =	vmand vm0, vm15  }
0x2c2: {  	v1 =	vnsel vm0, $0x242D, v1  }
0x2c3: {  	v2 =	vshll.u32 v1, $0x3  }
0x2c4: {  	v1 =	vand.u32 $0x7F, v1;
	v2 =	vand.u32 $0xFFFFFC00, v2  }
0x2c5: {  	v3 =	vld [tilespmem:$0x3F0];
	v1 =	vor.u32 v1, v2;
	_ =	sdelay $0x4  }
0x2c6: {  	[tilespmem:v1+s18+$0x0] =	vst.idx.add.f32.msk $0xffff, v3  }
0x2c7: {  	v3 =	vor.u32 $0x80, v1;
	v2 =	vld [tilespmem:$0x4F0];
	_ =	sdelay $0x4  }
0x2c8: {  	[tilespmem:v3+s18+$0x0] =	vst.idx.add.f32.msk $0xffff, v2  }
0x2c9: {  	v3 =	vor.u32 $0x100, v1;
	v2 =	vld [tilespmem:$0x5F0];
	_ =	sdelay $0x4  }
0x2ca: {  	[tilespmem:v3+s18+$0x0] =	vst.idx.add.f32.msk $0xffff, v2  }
0x2cb: {  	v3 =	vor.u32 $0x180, v1;
	v2 =	vld [tilespmem:$0x6F0];
	_ =	sdelay $0x4  }
0x2cc: {  	[tilespmem:v3+s18+$0x0] =	vst.idx.add.f32.msk $0xffff, v2  }
0x2cd: {  	v3 =	vor.u32 $0x200, v1;
	v2 =	vld [tilespmem:$0x7F0];
	_ =	sdelay $0x4  }
0x2ce: {  	[tilespmem:v3+s18+$0x0] =	vst.idx.add.f32.msk $0xffff, v2  }
0x2cf: {  	v3 =	vor.u32 $0x280, v1;
	v2 =	vld [tilespmem:$0x8F0];
	_ =	sdelay $0x4  }
0x2d0: {  	[tilespmem:v3+s18+$0x0] =	vst.idx.add.f32.msk $0xffff, v2  }
0x2d1: {  	v3 =	vor.u32 $0x300, v1;
	v2 =	vld [tilespmem:$0x9F0];
	_ =	sdelay $0x4  }
0x2d2: {  	[tilespmem:v3+s18+$0x0] =	vst.idx.add.f32.msk $0xffff, v2  }
0x2d3: {  	v1 =	vor.u32 $0x380, v1;
	v2 =	vld [tilespmem:$0xAF0];
	_ =	sdelay $0x4  }
0x2d4: {  	[tilespmem:v1+s18+$0x0] =	vst.idx.add.f32.msk $0xffff, v2  }
.LBB2_6:
0x2d5: {  	s22 =	sadd.s32 $0x2, s22  }
0x2d6: {  	p2 =	sge.u32 s22, s6  }
0x2d7: {  	s3 =	sadd.s32 @!p2 s26, s7  }
0x2d8: {  	s8 =	simm.s32 @!p2 $0x0;
	s3 =	sadd.s32 @!p2 $0x200, s3  }
0x2d9: {  	[tilespmem:s8], [sflag:$0x1] =	stream.linear.gather @!p2 [hbm4b:s3+s8], $0x100, $0x38;
	[tilespmem:$0x13A00] =	vst v63  }
0x2da: {  	s3 =	sadd.s32 @!p2 s28, s7  }
0x2db: {  	s9 =	simm.s32 @!p2 $0x100;
	s3 =	sadd.s32 @!p2 $0x200, s3  }
0x2dc: {  	[tilespmem:s9], [sflag:$0x1] =	stream.linear.gather @!p2 [hbm4b:s3+s8], $0x100, $0x38;
	[tilespmem:$0x13A00] =	vst v63  }
0x2dd: {  	s3 =	sadd.s32 @!p2 s16, s7  }
0x2de: {  	s9 =	simm.s32 @!p2 $0x200;
	s3 =	sadd.s32 @!p2 $0x200, s3  }
0x2df: {  	[tilespmem:s9], [sflag:$0x1] =	stream.linear.gather @!p2 [hbm4b:s3+s8], $0x100, $0x38;
	[tilespmem:$0x13A00] =	vst v63  }
0x2e0: {  	s3 =	sadd.s32 @!p2 s17, s5  }
0x2e1: {  	s9 =	sadd.s32 @!p2 $0x1000, s3  }
0x2e2: {  	s9 =	sshrl.u32 @!p2 s9, $0x3  }
0x2e3: {  	s10 =	simm.s32 @!p2 $0x300;
	s9 =	sadd.s32 @!p2 s2, s9  }
0x2e4: {  	[tilespmem:s10], [sflag:$0x1] =	stream.linear.gather @!p2 [hbm4b:s9+s8], $0x100, $0x38;
	[tilespmem:$0x13A00] =	vst v63  }
0x2e5: {  	s9 =	sadd.s32 @!p2 $0xF5240, s3  }
0x2e6: {  	s9 =	sshrl.u32 @!p2 s9, $0x3  }
0x2e7: {  	s10 =	simm.s32 @!p2 $0x400;
	s9 =	sadd.s32 @!p2 s2, s9  }
0x2e8: {  	[tilespmem:s10], [sflag:$0x1] =	stream.linear.gather @!p2 [hbm4b:s9+s8], $0x100, $0x38;
	[tilespmem:$0x13A00] =	vst v63  }
0x2e9: {  	s9 =	sadd.s32 @!p2 $0x1E9480, s3  }
0x2ea: {  	s9 =	sshrl.u32 @!p2 s9, $0x3  }
0x2eb: {  	s10 =	simm.s32 @!p2 $0x500;
	s9 =	sadd.s32 @!p2 s2, s9  }
0x2ec: {  	[tilespmem:s10], [sflag:$0x1] =	stream.linear.gather @!p2 [hbm4b:s9+s8], $0x100, $0x38;
	[tilespmem:$0x13A00] =	vst v63  }
0x2ed: {  	s9 =	sadd.s32 @!p2 $0x2DD6C0, s3  }
0x2ee: {  	s9 =	sshrl.u32 @!p2 s9, $0x3  }
0x2ef: {  	s10 =	simm.s32 @!p2 $0x600;
	s9 =	sadd.s32 @!p2 s2, s9  }
0x2f0: {  	[tilespmem:s10], [sflag:$0x1] =	stream.linear.gather @!p2 [hbm4b:s9+s8], $0x100, $0x38;
	[tilespmem:$0x13A00] =	vst v63  }
0x2f1: {  	s9 =	sadd.s32 @!p2 $0x3D1900, s3  }
0x2f2: {  	s9 =	sshrl.u32 @!p2 s9, $0x3  }
0x2f3: {  	s10 =	simm.s32 @!p2 $0x700;
	s9 =	sadd.s32 @!p2 s2, s9  }
0x2f4: {  	[tilespmem:s10], [sflag:$0x1] =	stream.linear.gather @!p2 [hbm4b:s9+s8], $0x100, $0x38;
	[tilespmem:$0x13A00] =	vst v63  }
0x2f5: {  	s9 =	sadd.s32 @!p2 $0x4C5B40, s3  }
0x2f6: {  	s9 =	sshrl.u32 @!p2 s9, $0x3  }
0x2f7: {  	s10 =	simm.s32 @!p2 $0x800;
	s9 =	sadd.s32 @!p2 s2, s9  }
0x2f8: {  	[tilespmem:s10], [sflag:$0x1] =	stream.linear.gather @!p2 [hbm4b:s9+s8], $0x100, $0x38;
	[tilespmem:$0x13A00] =	vst v63  }
0x2f9: {  	s9 =	sadd.s32 @!p2 $0x5B9D80, s3  }
.Ltmp6:
0x2fa: {  	s3 =	sadd.s32 @!p2 $0x6ADFC0, s3;
	s9 =	sshrl.u32 @!p2 s9, $0x3;
	(pc) =	sbr.rel @p1 .LBB2_8-.Ltmp6, $4  }
0x2fb: {  	s10 =	simm.s32 @!p2 $0x900;
	s3 =	sshrl.u32 @!p2 s3, $0x3;
	s9 =	sadd.s32 @!p2 s2, s9  }
0x2fc: {  	[tilespmem:s10], [sflag:$0x1] =	stream.linear.gather @!p2 [hbm4b:s9+s8], $0x100, $0x38;
	[tilespmem:$0x13A00] =	vst v63  }
0x2fd: {  	s3 =	sadd.s32 @!p2 s2, s3;
	s9 =	simm.s32 @!p2 $0xA00  }
0x2fe: {  	[tilespmem:s9], [sflag:$0x1] =	stream.linear.gather @!p2 [hbm4b:s3+s8], $0x100, $0x38;
	[tilespmem:$0x13A00] =	vst v63  }
0x2ff: {  	_ =	swait.ge [sflag:s19], $0x100  }
0x300: {  	[sflag:s19] =	ssyncset.done $0x0  }
0x301: {  	[sflag:s19] =	ssyncadd.s32 $0xFFFFFF00  }
0x302: {  	_ =	swait.ge [sflag:s19], $0x100  }
0x303: {  	[sflag:s19] =	ssyncset.done $0x0  }
0x304: {  	[sflag:s19] =	ssyncadd.s32 $0xFFFFFF00  }
0x305: {  	_ =	swait.ge [sflag:s19], $0x100  }
0x306: {  	[sflag:s19] =	ssyncset.done $0x0  }
0x307: {  	[sflag:s19] =	ssyncadd.s32 $0xFFFFFF00  }
0x308: {  	_ =	swait.ge [sflag:s19], $0x100  }
0x309: {  	[sflag:s19] =	ssyncset.done $0x0  }
0x30a: {  	[sflag:s19] =	ssyncadd.s32 $0xFFFFFF00  }
0x30b: {  	_ =	swait.ge [sflag:s19], $0x100  }
0x30c: {  	[sflag:s19] =	ssyncset.done $0x0  }
0x30d: {  	[sflag:s19] =	ssyncadd.s32 $0xFFFFFF00  }
0x30e: {  	_ =	swait.ge [sflag:s19], $0x100  }
0x30f: {  	[sflag:s19] =	ssyncset.done $0x0  }
0x310: {  	[sflag:s19] =	ssyncadd.s32 $0xFFFFFF00  }
0x311: {  	_ =	swait.ge [sflag:s19], $0x100  }
0x312: {  	[sflag:s19] =	ssyncset.done $0x0  }
0x313: {  	[sflag:s19] =	ssyncadd.s32 $0xFFFFFF00  }
0x314: {  	_ =	swait.ge [sflag:s19], $0x100  }
0x315: {  	[sflag:s19] =	ssyncset.done $0x0  }
0x316: {  	[sflag:s19] =	ssyncadd.s32 $0xFFFFFF00  }
0x317: {  	_ =	swait.ge [sflag:s19], $0x100  }
0x318: {  	[sflag:s19] =	ssyncset.done $0x0  }
0x319: {  	[sflag:s19] =	ssyncadd.s32 $0xFFFFFF00  }
0x31a: {  	_ =	swait.ge [sflag:s19], $0x100  }
0x31b: {  	[sflag:s19] =	ssyncset.done $0x0  }
0x31c: {  	[sflag:s19] =	ssyncadd.s32 $0xFFFFFF00  }
0x31d: {  	_ =	swait.ge [sflag:s19], $0x100  }
0x31e: {  	[sflag:s19] =	ssyncset.done $0x0  }
0x31f: {  	[sflag:s19] =	ssyncadd.s32 $0xFFFFFF00  }
0x320: {  	v1 =	vld [tilespmem:$0xB00]  }
0x321: {  	v2 =	vld [tilespmem:$0xC00];
	_ =	sdelay $0x2  }
0x322: {  	v3 =	vld [tilespmem:$0xD00];
	_ =	sdelay $0x1  }
0x323: {  	v1 =	vadd.f32 $1.000000000e+01, v1;
	v2 =	vadd.f32 $1.000000000e+01, v2;
	_ =	sdelay $0x1  }
0x324: {  	v1 =	vadd.f32 $1.258291200e+07, v1;
	v2 =	vadd.f32 $1.258291200e+07, v2  }
0x325: {  	v3 =	vadd.f32 $1.000000000e+01, v3  }
0x326: {  	v1 =	vadd.f32 $-1.258291200e+07, v1;
	v2 =	vadd.f32 $-1.258291200e+07, v2;
	_ =	sdelay $0x1  }
0x327: {  	v3 =	vadd.f32 $1.258291200e+07, v3;
	v4 =	vmax.f32 v1, $0.0e+00;
	v5 =	vmax.f32 v2, $0.0e+00  }
0x328: {  	v4 =	vmin.f32 v4, $2.000000000e+01;
	v5 =	vmin.f32 v5, $2.000000000e+01  }
0x329: {  	v3 =	vadd.f32 $-1.258291200e+07, v3;
	v6 =	vmul.f32 $4.410000000e+02, v4;
	v7 =	vmul.f32 $2.100000000e+01, v5;
	_ =	sdelay $0x1  }
0x32a: {  	v43 =	vmax.f32 v3, $0.0e+00;
	v6 =	vadd.f32 v7, v6  }
0x32b: {  	v7 =	vmin.f32 v43, $2.000000000e+01  }
0x32c: {  	v6 =	vadd.f32 v6, v7;
	_ =	sdelay $0x1  }
0x32d: {  	vm0 =	veq.f32 v1, v4;
	vm1 =	veq.f32 v2, v5;
	v1 =	vtrunc.f32 v6  }
0x32e: {  	vm0 =	vmand vm0, vm1;
	vm6 =	veq.f32 v3, v7;
	v1 =	vcvt.f32.s32 v1  }
0x32f: {  	vm0 =	vmand vm0, vm6  }
0x330: {  	v1 =	vnsel vm0, $0x242D, v1  }
0x331: {  	v2 =	vshll.u32 v1, $0x3  }
0x332: {  	v1 =	vand.u32 $0x7F, v1;
	v2 =	vand.u32 $0xFFFFFC00, v2  }
0x333: {  	v3 =	vld [tilespmem:$0xE00];
	v1 =	vor.u32 v1, v2;
	_ =	sdelay $0x4  }
0x334: {  	[tilespmem:v1+s18+$0x0] =	vst.idx.add.f32.msk $0xffff, v3  }
0x335: {  	v3 =	vor.u32 $0x80, v1;
	v2 =	vld [tilespmem:$0xF00];
	_ =	sdelay $0x4  }
0x336: {  	[tilespmem:v3+s18+$0x0] =	vst.idx.add.f32.msk $0xffff, v2  }
0x337: {  	v3 =	vor.u32 $0x100, v1;
	v2 =	vld [tilespmem:$0x1000];
	_ =	sdelay $0x4  }
0x338: {  	[tilespmem:v3+s18+$0x0] =	vst.idx.add.f32.msk $0xffff, v2  }
0x339: {  	v3 =	vor.u32 $0x180, v1;
	v2 =	vld [tilespmem:$0x1100];
	_ =	sdelay $0x4  }
0x33a: {  	[tilespmem:v3+s18+$0x0] =	vst.idx.add.f32.msk $0xffff, v2  }
0x33b: {  	v3 =	vor.u32 $0x200, v1;
	v2 =	vld [tilespmem:$0x1200];
	_ =	sdelay $0x4  }
0x33c: {  	[tilespmem:v3+s18+$0x0] =	vst.idx.add.f32.msk $0xffff, v2  }
0x33d: {  	v3 =	vor.u32 $0x280, v1;
	v2 =	vld [tilespmem:$0x1300];
	_ =	sdelay $0x4  }
0x33e: {  	[tilespmem:v3+s18+$0x0] =	vst.idx.add.f32.msk $0xffff, v2  }
0x33f: {  	v3 =	vor.u32 $0x300, v1;
	v2 =	vld [tilespmem:$0x1400];
	_ =	sdelay $0x4  }
0x340: {  	[tilespmem:v3+s18+$0x0] =	vst.idx.add.f32.msk $0xffff, v2  }
0x341: {  	v1 =	vor.u32 $0x380, v1;
	v2 =	vld [tilespmem:$0x1500];
	_ =	sdelay $0x4  }
0x342: {  	[tilespmem:v1+s18+$0x0] =	vst.idx.add.f32.msk $0xffff, v2  }
0x343: {  	v1 =	vld [tilespmem:$0xB10]  }
0x344: {  	v2 =	vld [tilespmem:$0xC10];
	_ =	sdelay $0x2  }
0x345: {  	v3 =	vld [tilespmem:$0xD10];
	_ =	sdelay $0x1  }
0x346: {  	v1 =	vadd.f32 $1.000000000e+01, v1;
	v2 =	vadd.f32 $1.000000000e+01, v2;
	_ =	sdelay $0x1  }
0x347: {  	v1 =	vadd.f32 $1.258291200e+07, v1;
	v2 =	vadd.f32 $1.258291200e+07, v2  }
0x348: {  	v3 =	vadd.f32 $1.000000000e+01, v3  }
0x349: {  	v1 =	vadd.f32 $-1.258291200e+07, v1;
	v2 =	vadd.f32 $-1.258291200e+07, v2;
	_ =	sdelay $0x1  }
0x34a: {  	v3 =	vadd.f32 $1.258291200e+07, v3;
	v44 =	vmax.f32 v1, $0.0e+00;
	v45 =	vmax.f32 v2, $0.0e+00  }
0x34b: {  	v4 =	vmin.f32 v44, $2.000000000e+01;
	v5 =	vmin.f32 v45, $2.000000000e+01  }
0x34c: {  	v3 =	vadd.f32 $-1.258291200e+07, v3;
	v46 =	vmul.f32 $4.410000000e+02, v4;
	v47 =	vmul.f32 $2.100000000e+01, v5;
	_ =	sdelay $0x1  }
0x34d: {  	v48 =	vmax.f32 v3, $0.0e+00;
	v6 =	vadd.f32 v47, v46  }
0x34e: {  	v7 =	vmin.f32 v48, $2.000000000e+01  }
0x34f: {  	v6 =	vadd.f32 v6, v7;
	_ =	sdelay $0x1  }
0x350: {  	vm7 =	veq.f32 v1, v4;
	vm8 =	veq.f32 v2, v5;
	v1 =	vtrunc.f32 v6  }
0x351: {  	vm9 =	veq.f32 v3, v7;
	vm0 =	vmand vm7, vm8;
	v1 =	vcvt.f32.s32 v1  }
0x352: {  	vm0 =	vmand vm0, vm9  }
0x353: {  	v1 =	vnsel vm0, $0x242D, v1  }
0x354: {  	v2 =	vshll.u32 v1, $0x3  }
0x355: {  	v1 =	vand.u32 $0x7F, v1;
	v2 =	vand.u32 $0xFFFFFC00, v2  }
0x356: {  	v3 =	vld [tilespmem:$0xE10];
	v1 =	vor.u32 v1, v2;
	_ =	sdelay $0x4  }
0x357: {  	[tilespmem:v1+s18+$0x0] =	vst.idx.add.f32.msk $0xffff, v3  }
0x358: {  	v3 =	vor.u32 $0x80, v1;
	v2 =	vld [tilespmem:$0xF10];
	_ =	sdelay $0x4  }
0x359: {  	[tilespmem:v3+s18+$0x0] =	vst.idx.add.f32.msk $0xffff, v2  }
0x35a: {  	v3 =	vor.u32 $0x100, v1;
	v2 =	vld [tilespmem:$0x1010];
	_ =	sdelay $0x4  }
0x35b: {  	[tilespmem:v3+s18+$0x0] =	vst.idx.add.f32.msk $0xffff, v2  }
0x35c: {  	v3 =	vor.u32 $0x180, v1;
	v2 =	vld [tilespmem:$0x1110];
	_ =	sdelay $0x4  }
0x35d: {  	[tilespmem:v3+s18+$0x0] =	vst.idx.add.f32.msk $0xffff, v2  }
0x35e: {  	v3 =	vor.u32 $0x200, v1;
	v2 =	vld [tilespmem:$0x1210];
	_ =	sdelay $0x4  }
0x35f: {  	[tilespmem:v3+s18+$0x0] =	vst.idx.add.f32.msk $0xffff, v2  }
0x360: {  	v3 =	vor.u32 $0x280, v1;
	v2 =	vld [tilespmem:$0x1310];
	_ =	sdelay $0x4  }
0x361: {  	[tilespmem:v3+s18+$0x0] =	vst.idx.add.f32.msk $0xffff, v2  }
0x362: {  	v3 =	vor.u32 $0x300, v1;
	v2 =	vld [tilespmem:$0x1410];
	_ =	sdelay $0x4  }
0x363: {  	[tilespmem:v3+s18+$0x0] =	vst.idx.add.f32.msk $0xffff, v2  }
0x364: {  	v1 =	vor.u32 $0x380, v1;
	v2 =	vld [tilespmem:$0x1510];
	_ =	sdelay $0x4  }
0x365: {  	[tilespmem:v1+s18+$0x0] =	vst.idx.add.f32.msk $0xffff, v2  }
0x366: {  	v1 =	vld [tilespmem:$0xB20]  }
0x367: {  	v2 =	vld [tilespmem:$0xC20];
	_ =	sdelay $0x2  }
0x368: {  	v3 =	vld [tilespmem:$0xD20];
	_ =	sdelay $0x1  }
0x369: {  	v1 =	vadd.f32 $1.000000000e+01, v1;
	v2 =	vadd.f32 $1.000000000e+01, v2;
	_ =	sdelay $0x1  }
0x36a: {  	v1 =	vadd.f32 $1.258291200e+07, v1;
	v2 =	vadd.f32 $1.258291200e+07, v2  }
0x36b: {  	v3 =	vadd.f32 $1.000000000e+01, v3  }
0x36c: {  	v1 =	vadd.f32 $-1.258291200e+07, v1;
	v2 =	vadd.f32 $-1.258291200e+07, v2;
	_ =	sdelay $0x1  }
0x36d: {  	v3 =	vadd.f32 $1.258291200e+07, v3;
	v49 =	vmax.f32 v1, $0.0e+00;
	v50 =	vmax.f32 v2, $0.0e+00  }
0x36e: {  	v4 =	vmin.f32 v49, $2.000000000e+01;
	v5 =	vmin.f32 v50, $2.000000000e+01  }
0x36f: {  	v3 =	vadd.f32 $-1.258291200e+07, v3;
	v51 =	vmul.f32 $4.410000000e+02, v4;
	v52 =	vmul.f32 $2.100000000e+01, v5;
	_ =	sdelay $0x1  }
0x370: {  	v53 =	vmax.f32 v3, $0.0e+00;
	v6 =	vadd.f32 v52, v51  }
0x371: {  	v7 =	vmin.f32 v53, $2.000000000e+01  }
0x372: {  	v6 =	vadd.f32 v6, v7;
	_ =	sdelay $0x1  }
0x373: {  	vm10 =	veq.f32 v1, v4;
	vm11 =	veq.f32 v2, v5;
	v1 =	vtrunc.f32 v6  }
0x374: {  	vm12 =	veq.f32 v3, v7;
	vm0 =	vmand vm10, vm11;
	v1 =	vcvt.f32.s32 v1  }
0x375: {  	vm0 =	vmand vm0, vm12  }
0x376: {  	v1 =	vnsel vm0, $0x242D, v1  }
0x377: {  	v2 =	vshll.u32 v1, $0x3  }
0x378: {  	v1 =	vand.u32 $0x7F, v1;
	v2 =	vand.u32 $0xFFFFFC00, v2  }
0x379: {  	v3 =	vld [tilespmem:$0xE20];
	v1 =	vor.u32 v1, v2;
	_ =	sdelay $0x4  }
0x37a: {  	[tilespmem:v1+s18+$0x0] =	vst.idx.add.f32.msk $0xffff, v3  }
0x37b: {  	v3 =	vor.u32 $0x80, v1;
	v2 =	vld [tilespmem:$0xF20];
	_ =	sdelay $0x4  }
0x37c: {  	[tilespmem:v3+s18+$0x0] =	vst.idx.add.f32.msk $0xffff, v2  }
0x37d: {  	v3 =	vor.u32 $0x100, v1;
	v2 =	vld [tilespmem:$0x1020];
	_ =	sdelay $0x4  }
0x37e: {  	[tilespmem:v3+s18+$0x0] =	vst.idx.add.f32.msk $0xffff, v2  }
0x37f: {  	v3 =	vor.u32 $0x180, v1;
	v2 =	vld [tilespmem:$0x1120];
	_ =	sdelay $0x4  }
0x380: {  	[tilespmem:v3+s18+$0x0] =	vst.idx.add.f32.msk $0xffff, v2  }
0x381: {  	v3 =	vor.u32 $0x200, v1;
	v2 =	vld [tilespmem:$0x1220];
	_ =	sdelay $0x4  }
0x382: {  	[tilespmem:v3+s18+$0x0] =	vst.idx.add.f32.msk $0xffff, v2  }
0x383: {  	v3 =	vor.u32 $0x280, v1;
	v2 =	vld [tilespmem:$0x1320];
	_ =	sdelay $0x4  }
0x384: {  	[tilespmem:v3+s18+$0x0] =	vst.idx.add.f32.msk $0xffff, v2  }
0x385: {  	v3 =	vor.u32 $0x300, v1;
	v2 =	vld [tilespmem:$0x1420];
	_ =	sdelay $0x4  }
0x386: {  	[tilespmem:v3+s18+$0x0] =	vst.idx.add.f32.msk $0xffff, v2  }
0x387: {  	v1 =	vor.u32 $0x380, v1;
	v2 =	vld [tilespmem:$0x1520];
	_ =	sdelay $0x4  }
0x388: {  	[tilespmem:v1+s18+$0x0] =	vst.idx.add.f32.msk $0xffff, v2  }
0x389: {  	v1 =	vld [tilespmem:$0xB30]  }
0x38a: {  	v2 =	vld [tilespmem:$0xC30];
	_ =	sdelay $0x2  }
0x38b: {  	v3 =	vld [tilespmem:$0xD30];
	_ =	sdelay $0x1  }
0x38c: {  	v1 =	vadd.f32 $1.000000000e+01, v1;
	v2 =	vadd.f32 $1.000000000e+01, v2;
	_ =	sdelay $0x1  }
0x38d: {  	v1 =	vadd.f32 $1.258291200e+07, v1;
	v2 =	vadd.f32 $1.258291200e+07, v2  }
0x38e: {  	v3 =	vadd.f32 $1.000000000e+01, v3  }
0x38f: {  	v1 =	vadd.f32 $-1.258291200e+07, v1;
	v2 =	vadd.f32 $-1.258291200e+07, v2;
	_ =	sdelay $0x1  }
0x390: {  	v3 =	vadd.f32 $1.258291200e+07, v3;
	v54 =	vmax.f32 v1, $0.0e+00;
	v55 =	vmax.f32 v2, $0.0e+00  }
0x391: {  	v4 =	vmin.f32 v54, $2.000000000e+01;
	v5 =	vmin.f32 v55, $2.000000000e+01  }
0x392: {  	v3 =	vadd.f32 $-1.258291200e+07, v3;
	v56 =	vmul.f32 $4.410000000e+02, v4;
	v57 =	vmul.f32 $2.100000000e+01, v5;
	_ =	sdelay $0x1  }
0x393: {  	v58 =	vmax.f32 v3, $0.0e+00;
	v6 =	vadd.f32 v57, v56  }
0x394: {  	v7 =	vmin.f32 v58, $2.000000000e+01  }
0x395: {  	v6 =	vadd.f32 v6, v7;
	_ =	sdelay $0x1  }
0x396: {  	vm13 =	veq.f32 v1, v4;
	vm14 =	veq.f32 v2, v5;
	v1 =	vtrunc.f32 v6  }
0x397: {  	vm15 =	veq.f32 v3, v7;
	vm0 =	vmand vm13, vm14;
	v1 =	vcvt.f32.s32 v1  }
0x398: {  	vm0 =	vmand vm0, vm15  }
0x399: {  	v1 =	vnsel vm0, $0x242D, v1  }
0x39a: {  	v2 =	vshll.u32 v1, $0x3  }
0x39b: {  	v1 =	vand.u32 $0x7F, v1;
	v2 =	vand.u32 $0xFFFFFC00, v2  }
0x39c: {  	v3 =	vld [tilespmem:$0xE30];
	v1 =	vor.u32 v1, v2;
	_ =	sdelay $0x4  }
0x39d: {  	[tilespmem:v1+s18+$0x0] =	vst.idx.add.f32.msk $0xffff, v3  }
0x39e: {  	v3 =	vor.u32 $0x80, v1;
	v2 =	vld [tilespmem:$0xF30];
	_ =	sdelay $0x4  }
0x39f: {  	[tilespmem:v3+s18+$0x0] =	vst.idx.add.f32.msk $0xffff, v2  }
0x3a0: {  	v3 =	vor.u32 $0x100, v1;
	v2 =	vld [tilespmem:$0x1030];
	_ =	sdelay $0x4  }
0x3a1: {  	[tilespmem:v3+s18+$0x0] =	vst.idx.add.f32.msk $0xffff, v2  }
0x3a2: {  	v3 =	vor.u32 $0x180, v1;
	v2 =	vld [tilespmem:$0x1130];
	_ =	sdelay $0x4  }
0x3a3: {  	[tilespmem:v3+s18+$0x0] =	vst.idx.add.f32.msk $0xffff, v2  }
0x3a4: {  	v3 =	vor.u32 $0x200, v1;
	v2 =	vld [tilespmem:$0x1230];
	_ =	sdelay $0x4  }
0x3a5: {  	[tilespmem:v3+s18+$0x0] =	vst.idx.add.f32.msk $0xffff, v2  }
0x3a6: {  	v3 =	vor.u32 $0x280, v1;
	v2 =	vld [tilespmem:$0x1330];
	_ =	sdelay $0x4  }
0x3a7: {  	[tilespmem:v3+s18+$0x0] =	vst.idx.add.f32.msk $0xffff, v2  }
0x3a8: {  	v3 =	vor.u32 $0x300, v1;
	v2 =	vld [tilespmem:$0x1430];
	_ =	sdelay $0x4  }
0x3a9: {  	[tilespmem:v3+s18+$0x0] =	vst.idx.add.f32.msk $0xffff, v2  }
0x3aa: {  	v1 =	vor.u32 $0x380, v1;
	v2 =	vld [tilespmem:$0x1530];
	_ =	sdelay $0x4  }
0x3ab: {  	[tilespmem:v1+s18+$0x0] =	vst.idx.add.f32.msk $0xffff, v2  }
0x3ac: {  	v1 =	vld [tilespmem:$0xB40]  }
0x3ad: {  	v2 =	vld [tilespmem:$0xC40];
	_ =	sdelay $0x2  }
0x3ae: {  	v3 =	vld [tilespmem:$0xD40];
	_ =	sdelay $0x1  }
0x3af: {  	v1 =	vadd.f32 $1.000000000e+01, v1;
	v2 =	vadd.f32 $1.000000000e+01, v2;
	_ =	sdelay $0x1  }
0x3b0: {  	v1 =	vadd.f32 $1.258291200e+07, v1;
	v2 =	vadd.f32 $1.258291200e+07, v2  }
0x3b1: {  	v3 =	vadd.f32 $1.000000000e+01, v3  }
0x3b2: {  	v1 =	vadd.f32 $-1.258291200e+07, v1;
	v2 =	vadd.f32 $-1.258291200e+07, v2;
	_ =	sdelay $0x1  }
0x3b3: {  	v3 =	vadd.f32 $1.258291200e+07, v3;
	v59 =	vmax.f32 v1, $0.0e+00;
	v60 =	vmax.f32 v2, $0.0e+00  }
0x3b4: {  	v4 =	vmin.f32 v59, $2.000000000e+01;
	v5 =	vmin.f32 v60, $2.000000000e+01  }
0x3b5: {  	v3 =	vadd.f32 $-1.258291200e+07, v3;
	v61 =	vmul.f32 $4.410000000e+02, v4;
	v62 =	vmul.f32 $2.100000000e+01, v5;
	_ =	sdelay $0x1  }
0x3b6: {  	v63 =	vmax.f32 v3, $0.0e+00;
	v6 =	vadd.f32 v62, v61  }
0x3b7: {  	v7 =	vmin.f32 v63, $2.000000000e+01  }
0x3b8: {  	v6 =	vadd.f32 v6, v7;
	_ =	sdelay $0x1  }
0x3b9: {  	vm4 =	veq.f32 v1, v4;
	vm5 =	veq.f32 v2, v5;
	v1 =	vtrunc.f32 v6  }
0x3ba: {  	vm6 =	veq.f32 v3, v7;
	vm0 =	vmand vm4, vm5;
	v1 =	vcvt.f32.s32 v1  }
0x3bb: {  	vm0 =	vmand vm0, vm6  }
0x3bc: {  	v1 =	vnsel vm0, $0x242D, v1  }
0x3bd: {  	v2 =	vshll.u32 v1, $0x3  }
0x3be: {  	v1 =	vand.u32 $0x7F, v1;
	v2 =	vand.u32 $0xFFFFFC00, v2  }
0x3bf: {  	v3 =	vld [tilespmem:$0xE40];
	v1 =	vor.u32 v1, v2;
	_ =	sdelay $0x4  }
0x3c0: {  	[tilespmem:v1+s18+$0x0] =	vst.idx.add.f32.msk $0xffff, v3  }
0x3c1: {  	v3 =	vor.u32 $0x80, v1;
	v2 =	vld [tilespmem:$0xF40];
	_ =	sdelay $0x4  }
0x3c2: {  	[tilespmem:v3+s18+$0x0] =	vst.idx.add.f32.msk $0xffff, v2  }
0x3c3: {  	v3 =	vor.u32 $0x100, v1;
	v2 =	vld [tilespmem:$0x1040];
	_ =	sdelay $0x4  }
0x3c4: {  	[tilespmem:v3+s18+$0x0] =	vst.idx.add.f32.msk $0xffff, v2  }
0x3c5: {  	v3 =	vor.u32 $0x180, v1;
	v2 =	vld [tilespmem:$0x1140];
	_ =	sdelay $0x4  }
0x3c6: {  	[tilespmem:v3+s18+$0x0] =	vst.idx.add.f32.msk $0xffff, v2  }
0x3c7: {  	v3 =	vor.u32 $0x200, v1;
	v2 =	vld [tilespmem:$0x1240];
	_ =	sdelay $0x4  }
0x3c8: {  	[tilespmem:v3+s18+$0x0] =	vst.idx.add.f32.msk $0xffff, v2  }
0x3c9: {  	v3 =	vor.u32 $0x280, v1;
	v2 =	vld [tilespmem:$0x1340];
	_ =	sdelay $0x4  }
0x3ca: {  	[tilespmem:v3+s18+$0x0] =	vst.idx.add.f32.msk $0xffff, v2  }
0x3cb: {  	v3 =	vor.u32 $0x300, v1;
	v2 =	vld [tilespmem:$0x1440];
	_ =	sdelay $0x4  }
0x3cc: {  	[tilespmem:v3+s18+$0x0] =	vst.idx.add.f32.msk $0xffff, v2  }
0x3cd: {  	v1 =	vor.u32 $0x380, v1;
	v2 =	vld [tilespmem:$0x1540];
	_ =	sdelay $0x4  }
0x3ce: {  	[tilespmem:v1+s18+$0x0] =	vst.idx.add.f32.msk $0xffff, v2  }
0x3cf: {  	v1 =	vld [tilespmem:$0xB50]  }
0x3d0: {  	v2 =	vld [tilespmem:$0xC50];
	_ =	sdelay $0x2  }
0x3d1: {  	v3 =	vld [tilespmem:$0xD50];
	_ =	sdelay $0x1  }
0x3d2: {  	v1 =	vadd.f32 $1.000000000e+01, v1;
	v2 =	vadd.f32 $1.000000000e+01, v2;
	_ =	sdelay $0x1  }
0x3d3: {  	v1 =	vadd.f32 $1.258291200e+07, v1;
	v2 =	vadd.f32 $1.258291200e+07, v2  }
0x3d4: {  	v3 =	vadd.f32 $1.000000000e+01, v3  }
0x3d5: {  	v1 =	vadd.f32 $-1.258291200e+07, v1;
	v2 =	vadd.f32 $-1.258291200e+07, v2;
	_ =	sdelay $0x1  }
0x3d6: {  	v3 =	vadd.f32 $1.258291200e+07, v3;
	v9 =	vmax.f32 v1, $0.0e+00;
	v10 =	vmax.f32 v2, $0.0e+00  }
0x3d7: {  	v4 =	vmin.f32 v9, $2.000000000e+01;
	v5 =	vmin.f32 v10, $2.000000000e+01  }
0x3d8: {  	v3 =	vadd.f32 $-1.258291200e+07, v3;
	v11 =	vmul.f32 $4.410000000e+02, v4;
	v12 =	vmul.f32 $2.100000000e+01, v5;
	_ =	sdelay $0x1  }
0x3d9: {  	v13 =	vmax.f32 v3, $0.0e+00;
	v6 =	vadd.f32 v12, v11  }
0x3da: {  	v7 =	vmin.f32 v13, $2.000000000e+01  }
0x3db: {  	v6 =	vadd.f32 v6, v7;
	_ =	sdelay $0x1  }
0x3dc: {  	vm7 =	veq.f32 v1, v4;
	vm8 =	veq.f32 v2, v5;
	v1 =	vtrunc.f32 v6  }
0x3dd: {  	vm9 =	veq.f32 v3, v7;
	vm0 =	vmand vm7, vm8;
	v1 =	vcvt.f32.s32 v1  }
0x3de: {  	vm0 =	vmand vm0, vm9  }
0x3df: {  	v1 =	vnsel vm0, $0x242D, v1  }
0x3e0: {  	v2 =	vshll.u32 v1, $0x3  }
0x3e1: {  	v1 =	vand.u32 $0x7F, v1;
	v2 =	vand.u32 $0xFFFFFC00, v2  }
0x3e2: {  	v3 =	vld [tilespmem:$0xE50];
	v1 =	vor.u32 v1, v2;
	_ =	sdelay $0x4  }
0x3e3: {  	[tilespmem:v1+s18+$0x0] =	vst.idx.add.f32.msk $0xffff, v3  }
0x3e4: {  	v3 =	vor.u32 $0x80, v1;
	v2 =	vld [tilespmem:$0xF50];
	_ =	sdelay $0x4  }
0x3e5: {  	[tilespmem:v3+s18+$0x0] =	vst.idx.add.f32.msk $0xffff, v2  }
0x3e6: {  	v3 =	vor.u32 $0x100, v1;
	v2 =	vld [tilespmem:$0x1050];
	_ =	sdelay $0x4  }
0x3e7: {  	[tilespmem:v3+s18+$0x0] =	vst.idx.add.f32.msk $0xffff, v2  }
0x3e8: {  	v3 =	vor.u32 $0x180, v1;
	v2 =	vld [tilespmem:$0x1150];
	_ =	sdelay $0x4  }
0x3e9: {  	[tilespmem:v3+s18+$0x0] =	vst.idx.add.f32.msk $0xffff, v2  }
0x3ea: {  	v3 =	vor.u32 $0x200, v1;
	v2 =	vld [tilespmem:$0x1250];
	_ =	sdelay $0x4  }
0x3eb: {  	[tilespmem:v3+s18+$0x0] =	vst.idx.add.f32.msk $0xffff, v2  }
0x3ec: {  	v3 =	vor.u32 $0x280, v1;
	v2 =	vld [tilespmem:$0x1350];
	_ =	sdelay $0x4  }
0x3ed: {  	[tilespmem:v3+s18+$0x0] =	vst.idx.add.f32.msk $0xffff, v2  }
0x3ee: {  	v3 =	vor.u32 $0x300, v1;
	v2 =	vld [tilespmem:$0x1450];
	_ =	sdelay $0x4  }
0x3ef: {  	[tilespmem:v3+s18+$0x0] =	vst.idx.add.f32.msk $0xffff, v2  }
0x3f0: {  	v1 =	vor.u32 $0x380, v1;
	v2 =	vld [tilespmem:$0x1550];
	_ =	sdelay $0x4  }
0x3f1: {  	[tilespmem:v1+s18+$0x0] =	vst.idx.add.f32.msk $0xffff, v2  }
0x3f2: {  	v1 =	vld [tilespmem:$0xB60]  }
0x3f3: {  	v2 =	vld [tilespmem:$0xC60];
	_ =	sdelay $0x2  }
0x3f4: {  	v3 =	vld [tilespmem:$0xD60];
	_ =	sdelay $0x1  }
0x3f5: {  	v1 =	vadd.f32 $1.000000000e+01, v1;
	v2 =	vadd.f32 $1.000000000e+01, v2;
	_ =	sdelay $0x1  }
0x3f6: {  	v1 =	vadd.f32 $1.258291200e+07, v1;
	v2 =	vadd.f32 $1.258291200e+07, v2  }
0x3f7: {  	v3 =	vadd.f32 $1.000000000e+01, v3  }
0x3f8: {  	v1 =	vadd.f32 $-1.258291200e+07, v1;
	v2 =	vadd.f32 $-1.258291200e+07, v2;
	_ =	sdelay $0x1  }
0x3f9: {  	v3 =	vadd.f32 $1.258291200e+07, v3;
	v14 =	vmax.f32 v1, $0.0e+00;
	v15 =	vmax.f32 v2, $0.0e+00  }
0x3fa: {  	v4 =	vmin.f32 v14, $2.000000000e+01;
	v5 =	vmin.f32 v15, $2.000000000e+01  }
0x3fb: {  	v3 =	vadd.f32 $-1.258291200e+07, v3;
	v16 =	vmul.f32 $4.410000000e+02, v4;
	v17 =	vmul.f32 $2.100000000e+01, v5;
	_ =	sdelay $0x1  }
0x3fc: {  	v18 =	vmax.f32 v3, $0.0e+00;
	v6 =	vadd.f32 v17, v16  }
0x3fd: {  	v7 =	vmin.f32 v18, $2.000000000e+01  }
0x3fe: {  	v6 =	vadd.f32 v6, v7;
	_ =	sdelay $0x1  }
0x3ff: {  	vm10 =	veq.f32 v1, v4;
	vm11 =	veq.f32 v2, v5;
	v1 =	vtrunc.f32 v6  }
0x400: {  	vm12 =	veq.f32 v3, v7;
	vm0 =	vmand vm10, vm11;
	v1 =	vcvt.f32.s32 v1  }
0x401: {  	vm0 =	vmand vm0, vm12  }
0x402: {  	v1 =	vnsel vm0, $0x242D, v1  }
0x403: {  	v2 =	vshll.u32 v1, $0x3  }
0x404: {  	v1 =	vand.u32 $0x7F, v1;
	v2 =	vand.u32 $0xFFFFFC00, v2  }
0x405: {  	v3 =	vld [tilespmem:$0xE60];
	v1 =	vor.u32 v1, v2;
	_ =	sdelay $0x4  }
0x406: {  	[tilespmem:v1+s18+$0x0] =	vst.idx.add.f32.msk $0xffff, v3  }
0x407: {  	v3 =	vor.u32 $0x80, v1;
	v2 =	vld [tilespmem:$0xF60];
	_ =	sdelay $0x4  }
0x408: {  	[tilespmem:v3+s18+$0x0] =	vst.idx.add.f32.msk $0xffff, v2  }
0x409: {  	v3 =	vor.u32 $0x100, v1;
	v2 =	vld [tilespmem:$0x1060];
	_ =	sdelay $0x4  }
0x40a: {  	[tilespmem:v3+s18+$0x0] =	vst.idx.add.f32.msk $0xffff, v2  }
0x40b: {  	v3 =	vor.u32 $0x180, v1;
	v2 =	vld [tilespmem:$0x1160];
	_ =	sdelay $0x4  }
0x40c: {  	[tilespmem:v3+s18+$0x0] =	vst.idx.add.f32.msk $0xffff, v2  }
0x40d: {  	v3 =	vor.u32 $0x200, v1;
	v2 =	vld [tilespmem:$0x1260];
	_ =	sdelay $0x4  }
0x40e: {  	[tilespmem:v3+s18+$0x0] =	vst.idx.add.f32.msk $0xffff, v2  }
0x40f: {  	v3 =	vor.u32 $0x280, v1;
	v2 =	vld [tilespmem:$0x1360];
	_ =	sdelay $0x4  }
0x410: {  	[tilespmem:v3+s18+$0x0] =	vst.idx.add.f32.msk $0xffff, v2  }
0x411: {  	v3 =	vor.u32 $0x300, v1;
	v2 =	vld [tilespmem:$0x1460];
	_ =	sdelay $0x4  }
0x412: {  	[tilespmem:v3+s18+$0x0] =	vst.idx.add.f32.msk $0xffff, v2  }
0x413: {  	v1 =	vor.u32 $0x380, v1;
	v2 =	vld [tilespmem:$0x1560];
	_ =	sdelay $0x4  }
0x414: {  	[tilespmem:v1+s18+$0x0] =	vst.idx.add.f32.msk $0xffff, v2  }
0x415: {  	v1 =	vld [tilespmem:$0xB70]  }
0x416: {  	v2 =	vld [tilespmem:$0xC70];
	_ =	sdelay $0x2  }
0x417: {  	v3 =	vld [tilespmem:$0xD70];
	_ =	sdelay $0x1  }
0x418: {  	v1 =	vadd.f32 $1.000000000e+01, v1;
	v2 =	vadd.f32 $1.000000000e+01, v2;
	_ =	sdelay $0x1  }
0x419: {  	v1 =	vadd.f32 $1.258291200e+07, v1;
	v2 =	vadd.f32 $1.258291200e+07, v2  }
0x41a: {  	v3 =	vadd.f32 $1.000000000e+01, v3  }
0x41b: {  	v1 =	vadd.f32 $-1.258291200e+07, v1;
	v2 =	vadd.f32 $-1.258291200e+07, v2;
	_ =	sdelay $0x1  }
0x41c: {  	v3 =	vadd.f32 $1.258291200e+07, v3;
	v19 =	vmax.f32 v1, $0.0e+00;
	v20 =	vmax.f32 v2, $0.0e+00  }
0x41d: {  	v4 =	vmin.f32 v19, $2.000000000e+01;
	v5 =	vmin.f32 v20, $2.000000000e+01  }
0x41e: {  	v3 =	vadd.f32 $-1.258291200e+07, v3;
	v21 =	vmul.f32 $4.410000000e+02, v4;
	v22 =	vmul.f32 $2.100000000e+01, v5;
	_ =	sdelay $0x1  }
0x41f: {  	v23 =	vmax.f32 v3, $0.0e+00;
	v6 =	vadd.f32 v22, v21  }
0x420: {  	v7 =	vmin.f32 v23, $2.000000000e+01  }
0x421: {  	v6 =	vadd.f32 v6, v7;
	_ =	sdelay $0x1  }
0x422: {  	vm13 =	veq.f32 v1, v4;
	vm14 =	veq.f32 v2, v5;
	v1 =	vtrunc.f32 v6  }
0x423: {  	vm15 =	veq.f32 v3, v7;
	vm0 =	vmand vm13, vm14;
	v1 =	vcvt.f32.s32 v1  }
0x424: {  	vm0 =	vmand vm0, vm15  }
0x425: {  	v1 =	vnsel vm0, $0x242D, v1  }
0x426: {  	v2 =	vshll.u32 v1, $0x3  }
0x427: {  	v1 =	vand.u32 $0x7F, v1;
	v2 =	vand.u32 $0xFFFFFC00, v2  }
0x428: {  	v3 =	vld [tilespmem:$0xE70];
	v1 =	vor.u32 v1, v2;
	_ =	sdelay $0x4  }
0x429: {  	[tilespmem:v1+s18+$0x0] =	vst.idx.add.f32.msk $0xffff, v3  }
0x42a: {  	v3 =	vor.u32 $0x80, v1;
	v2 =	vld [tilespmem:$0xF70];
	_ =	sdelay $0x4  }
0x42b: {  	[tilespmem:v3+s18+$0x0] =	vst.idx.add.f32.msk $0xffff, v2  }
0x42c: {  	v3 =	vor.u32 $0x100, v1;
	v2 =	vld [tilespmem:$0x1070];
	_ =	sdelay $0x4  }
0x42d: {  	[tilespmem:v3+s18+$0x0] =	vst.idx.add.f32.msk $0xffff, v2  }
0x42e: {  	v3 =	vor.u32 $0x180, v1;
	v2 =	vld [tilespmem:$0x1170];
	_ =	sdelay $0x4  }
0x42f: {  	[tilespmem:v3+s18+$0x0] =	vst.idx.add.f32.msk $0xffff, v2  }
0x430: {  	v3 =	vor.u32 $0x200, v1;
	v2 =	vld [tilespmem:$0x1270];
	_ =	sdelay $0x4  }
0x431: {  	[tilespmem:v3+s18+$0x0] =	vst.idx.add.f32.msk $0xffff, v2  }
0x432: {  	v3 =	vor.u32 $0x280, v1;
	v2 =	vld [tilespmem:$0x1370];
	_ =	sdelay $0x4  }
0x433: {  	[tilespmem:v3+s18+$0x0] =	vst.idx.add.f32.msk $0xffff, v2  }
0x434: {  	v3 =	vor.u32 $0x300, v1;
	v2 =	vld [tilespmem:$0x1470];
	_ =	sdelay $0x4  }
0x435: {  	[tilespmem:v3+s18+$0x0] =	vst.idx.add.f32.msk $0xffff, v2  }
0x436: {  	v1 =	vor.u32 $0x380, v1;
	v2 =	vld [tilespmem:$0x1570];
	_ =	sdelay $0x4  }
0x437: {  	[tilespmem:v1+s18+$0x0] =	vst.idx.add.f32.msk $0xffff, v2  }
0x438: {  	v1 =	vld [tilespmem:$0xB80]  }
0x439: {  	v2 =	vld [tilespmem:$0xC80];
	_ =	sdelay $0x2  }
0x43a: {  	v3 =	vld [tilespmem:$0xD80];
	_ =	sdelay $0x1  }
0x43b: {  	v1 =	vadd.f32 $1.000000000e+01, v1;
	v2 =	vadd.f32 $1.000000000e+01, v2;
	_ =	sdelay $0x1  }
0x43c: {  	v1 =	vadd.f32 $1.258291200e+07, v1;
	v2 =	vadd.f32 $1.258291200e+07, v2  }
0x43d: {  	v3 =	vadd.f32 $1.000000000e+01, v3  }
0x43e: {  	v1 =	vadd.f32 $-1.258291200e+07, v1;
	v2 =	vadd.f32 $-1.258291200e+07, v2;
	_ =	sdelay $0x1  }
0x43f: {  	v3 =	vadd.f32 $1.258291200e+07, v3;
	v24 =	vmax.f32 v1, $0.0e+00;
	v25 =	vmax.f32 v2, $0.0e+00  }
0x440: {  	v4 =	vmin.f32 v24, $2.000000000e+01;
	v5 =	vmin.f32 v25, $2.000000000e+01  }
0x441: {  	v3 =	vadd.f32 $-1.258291200e+07, v3;
	v26 =	vmul.f32 $4.410000000e+02, v4;
	v27 =	vmul.f32 $2.100000000e+01, v5;
	_ =	sdelay $0x1  }
0x442: {  	v28 =	vmax.f32 v3, $0.0e+00;
	v6 =	vadd.f32 v27, v26  }
0x443: {  	v7 =	vmin.f32 v28, $2.000000000e+01  }
0x444: {  	v6 =	vadd.f32 v6, v7;
	_ =	sdelay $0x1  }
0x445: {  	vm4 =	veq.f32 v1, v4;
	vm5 =	veq.f32 v2, v5;
	v1 =	vtrunc.f32 v6  }
0x446: {  	vm6 =	veq.f32 v3, v7;
	vm0 =	vmand vm4, vm5;
	v1 =	vcvt.f32.s32 v1  }
0x447: {  	vm0 =	vmand vm0, vm6  }
0x448: {  	v1 =	vnsel vm0, $0x242D, v1  }
0x449: {  	v2 =	vshll.u32 v1, $0x3  }
0x44a: {  	v1 =	vand.u32 $0x7F, v1;
	v2 =	vand.u32 $0xFFFFFC00, v2  }
0x44b: {  	v3 =	vld [tilespmem:$0xE80];
	v1 =	vor.u32 v1, v2;
	_ =	sdelay $0x4  }
0x44c: {  	[tilespmem:v1+s18+$0x0] =	vst.idx.add.f32.msk $0xffff, v3  }
0x44d: {  	v3 =	vor.u32 $0x80, v1;
	v2 =	vld [tilespmem:$0xF80];
	_ =	sdelay $0x4  }
0x44e: {  	[tilespmem:v3+s18+$0x0] =	vst.idx.add.f32.msk $0xffff, v2  }
0x44f: {  	v3 =	vor.u32 $0x100, v1;
	v2 =	vld [tilespmem:$0x1080];
	_ =	sdelay $0x4  }
0x450: {  	[tilespmem:v3+s18+$0x0] =	vst.idx.add.f32.msk $0xffff, v2  }
0x451: {  	v3 =	vor.u32 $0x180, v1;
	v2 =	vld [tilespmem:$0x1180];
	_ =	sdelay $0x4  }
0x452: {  	[tilespmem:v3+s18+$0x0] =	vst.idx.add.f32.msk $0xffff, v2  }
0x453: {  	v3 =	vor.u32 $0x200, v1;
	v2 =	vld [tilespmem:$0x1280];
	_ =	sdelay $0x4  }
0x454: {  	[tilespmem:v3+s18+$0x0] =	vst.idx.add.f32.msk $0xffff, v2  }
0x455: {  	v3 =	vor.u32 $0x280, v1;
	v2 =	vld [tilespmem:$0x1380];
	_ =	sdelay $0x4  }
0x456: {  	[tilespmem:v3+s18+$0x0] =	vst.idx.add.f32.msk $0xffff, v2  }
0x457: {  	v3 =	vor.u32 $0x300, v1;
	v2 =	vld [tilespmem:$0x1480];
	_ =	sdelay $0x4  }
0x458: {  	[tilespmem:v3+s18+$0x0] =	vst.idx.add.f32.msk $0xffff, v2  }
0x459: {  	v1 =	vor.u32 $0x380, v1;
	v2 =	vld [tilespmem:$0x1580];
	_ =	sdelay $0x4  }
0x45a: {  	[tilespmem:v1+s18+$0x0] =	vst.idx.add.f32.msk $0xffff, v2  }
0x45b: {  	v1 =	vld [tilespmem:$0xB90]  }
0x45c: {  	v2 =	vld [tilespmem:$0xC90];
	_ =	sdelay $0x2  }
0x45d: {  	v3 =	vld [tilespmem:$0xD90];
	_ =	sdelay $0x1  }
0x45e: {  	v1 =	vadd.f32 $1.000000000e+01, v1;
	v2 =	vadd.f32 $1.000000000e+01, v2;
	_ =	sdelay $0x1  }
0x45f: {  	v1 =	vadd.f32 $1.258291200e+07, v1;
	v2 =	vadd.f32 $1.258291200e+07, v2  }
0x460: {  	v3 =	vadd.f32 $1.000000000e+01, v3  }
0x461: {  	v1 =	vadd.f32 $-1.258291200e+07, v1;
	v2 =	vadd.f32 $-1.258291200e+07, v2;
	_ =	sdelay $0x1  }
0x462: {  	v3 =	vadd.f32 $1.258291200e+07, v3;
	v29 =	vmax.f32 v1, $0.0e+00;
	v30 =	vmax.f32 v2, $0.0e+00  }
0x463: {  	v4 =	vmin.f32 v29, $2.000000000e+01;
	v5 =	vmin.f32 v30, $2.000000000e+01  }
0x464: {  	v3 =	vadd.f32 $-1.258291200e+07, v3;
	v31 =	vmul.f32 $4.410000000e+02, v4;
	v32 =	vmul.f32 $2.100000000e+01, v5;
	_ =	sdelay $0x1  }
0x465: {  	v33 =	vmax.f32 v3, $0.0e+00;
	v6 =	vadd.f32 v32, v31  }
0x466: {  	v7 =	vmin.f32 v33, $2.000000000e+01  }
0x467: {  	v6 =	vadd.f32 v6, v7;
	_ =	sdelay $0x1  }
0x468: {  	vm7 =	veq.f32 v1, v4;
	vm8 =	veq.f32 v2, v5;
	v1 =	vtrunc.f32 v6  }
0x469: {  	vm9 =	veq.f32 v3, v7;
	vm0 =	vmand vm7, vm8;
	v1 =	vcvt.f32.s32 v1  }
0x46a: {  	vm0 =	vmand vm0, vm9  }
0x46b: {  	v1 =	vnsel vm0, $0x242D, v1  }
0x46c: {  	v2 =	vshll.u32 v1, $0x3  }
0x46d: {  	v1 =	vand.u32 $0x7F, v1;
	v2 =	vand.u32 $0xFFFFFC00, v2  }
0x46e: {  	v3 =	vld [tilespmem:$0xE90];
	v1 =	vor.u32 v1, v2;
	_ =	sdelay $0x4  }
0x46f: {  	[tilespmem:v1+s18+$0x0] =	vst.idx.add.f32.msk $0xffff, v3  }
0x470: {  	v3 =	vor.u32 $0x80, v1;
	v2 =	vld [tilespmem:$0xF90];
	_ =	sdelay $0x4  }
0x471: {  	[tilespmem:v3+s18+$0x0] =	vst.idx.add.f32.msk $0xffff, v2  }
0x472: {  	v3 =	vor.u32 $0x100, v1;
	v2 =	vld [tilespmem:$0x1090];
	_ =	sdelay $0x4  }
0x473: {  	[tilespmem:v3+s18+$0x0] =	vst.idx.add.f32.msk $0xffff, v2  }
0x474: {  	v3 =	vor.u32 $0x180, v1;
	v2 =	vld [tilespmem:$0x1190];
	_ =	sdelay $0x4  }
0x475: {  	[tilespmem:v3+s18+$0x0] =	vst.idx.add.f32.msk $0xffff, v2  }
0x476: {  	v3 =	vor.u32 $0x200, v1;
	v2 =	vld [tilespmem:$0x1290];
	_ =	sdelay $0x4  }
0x477: {  	[tilespmem:v3+s18+$0x0] =	vst.idx.add.f32.msk $0xffff, v2  }
0x478: {  	v3 =	vor.u32 $0x280, v1;
	v2 =	vld [tilespmem:$0x1390];
	_ =	sdelay $0x4  }
0x479: {  	[tilespmem:v3+s18+$0x0] =	vst.idx.add.f32.msk $0xffff, v2  }
0x47a: {  	v3 =	vor.u32 $0x300, v1;
	v2 =	vld [tilespmem:$0x1490];
	_ =	sdelay $0x4  }
0x47b: {  	[tilespmem:v3+s18+$0x0] =	vst.idx.add.f32.msk $0xffff, v2  }
0x47c: {  	v1 =	vor.u32 $0x380, v1;
	v2 =	vld [tilespmem:$0x1590];
	_ =	sdelay $0x4  }
0x47d: {  	[tilespmem:v1+s18+$0x0] =	vst.idx.add.f32.msk $0xffff, v2  }
0x47e: {  	v1 =	vld [tilespmem:$0xBA0]  }
0x47f: {  	v2 =	vld [tilespmem:$0xCA0];
	_ =	sdelay $0x2  }
0x480: {  	v3 =	vld [tilespmem:$0xDA0];
	_ =	sdelay $0x1  }
0x481: {  	v1 =	vadd.f32 $1.000000000e+01, v1;
	v2 =	vadd.f32 $1.000000000e+01, v2;
	_ =	sdelay $0x1  }
0x482: {  	v1 =	vadd.f32 $1.258291200e+07, v1;
	v2 =	vadd.f32 $1.258291200e+07, v2  }
0x483: {  	v3 =	vadd.f32 $1.000000000e+01, v3  }
0x484: {  	v1 =	vadd.f32 $-1.258291200e+07, v1;
	v2 =	vadd.f32 $-1.258291200e+07, v2;
	_ =	sdelay $0x1  }
0x485: {  	v3 =	vadd.f32 $1.258291200e+07, v3;
	v34 =	vmax.f32 v1, $0.0e+00;
	v35 =	vmax.f32 v2, $0.0e+00  }
0x486: {  	v4 =	vmin.f32 v34, $2.000000000e+01;
	v5 =	vmin.f32 v35, $2.000000000e+01  }
0x487: {  	v3 =	vadd.f32 $-1.258291200e+07, v3;
	v36 =	vmul.f32 $4.410000000e+02, v4;
	v37 =	vmul.f32 $2.100000000e+01, v5;
	_ =	sdelay $0x1  }
0x488: {  	v38 =	vmax.f32 v3, $0.0e+00;
	v6 =	vadd.f32 v37, v36  }
0x489: {  	v7 =	vmin.f32 v38, $2.000000000e+01  }
0x48a: {  	v6 =	vadd.f32 v6, v7;
	_ =	sdelay $0x1  }
0x48b: {  	vm10 =	veq.f32 v1, v4;
	vm11 =	veq.f32 v2, v5;
	v1 =	vtrunc.f32 v6  }
0x48c: {  	vm12 =	veq.f32 v3, v7;
	vm0 =	vmand vm10, vm11;
	v1 =	vcvt.f32.s32 v1  }
0x48d: {  	vm0 =	vmand vm0, vm12  }
0x48e: {  	v1 =	vnsel vm0, $0x242D, v1  }
0x48f: {  	v2 =	vshll.u32 v1, $0x3  }
0x490: {  	v1 =	vand.u32 $0x7F, v1;
	v2 =	vand.u32 $0xFFFFFC00, v2  }
0x491: {  	v3 =	vld [tilespmem:$0xEA0];
	v1 =	vor.u32 v1, v2;
	_ =	sdelay $0x4  }
0x492: {  	[tilespmem:v1+s18+$0x0] =	vst.idx.add.f32.msk $0xffff, v3  }
0x493: {  	v3 =	vor.u32 $0x80, v1;
	v2 =	vld [tilespmem:$0xFA0];
	_ =	sdelay $0x4  }
0x494: {  	[tilespmem:v3+s18+$0x0] =	vst.idx.add.f32.msk $0xffff, v2  }
0x495: {  	v3 =	vor.u32 $0x100, v1;
	v2 =	vld [tilespmem:$0x10A0];
	_ =	sdelay $0x4  }
0x496: {  	[tilespmem:v3+s18+$0x0] =	vst.idx.add.f32.msk $0xffff, v2  }
0x497: {  	v3 =	vor.u32 $0x180, v1;
	v2 =	vld [tilespmem:$0x11A0];
	_ =	sdelay $0x4  }
0x498: {  	[tilespmem:v3+s18+$0x0] =	vst.idx.add.f32.msk $0xffff, v2  }
0x499: {  	v3 =	vor.u32 $0x200, v1;
	v2 =	vld [tilespmem:$0x12A0];
	_ =	sdelay $0x4  }
0x49a: {  	[tilespmem:v3+s18+$0x0] =	vst.idx.add.f32.msk $0xffff, v2  }
0x49b: {  	v3 =	vor.u32 $0x280, v1;
	v2 =	vld [tilespmem:$0x13A0];
	_ =	sdelay $0x4  }
0x49c: {  	[tilespmem:v3+s18+$0x0] =	vst.idx.add.f32.msk $0xffff, v2  }
0x49d: {  	v3 =	vor.u32 $0x300, v1;
	v2 =	vld [tilespmem:$0x14A0];
	_ =	sdelay $0x4  }
0x49e: {  	[tilespmem:v3+s18+$0x0] =	vst.idx.add.f32.msk $0xffff, v2  }
0x49f: {  	v1 =	vor.u32 $0x380, v1;
	v2 =	vld [tilespmem:$0x15A0];
	_ =	sdelay $0x4  }
0x4a0: {  	[tilespmem:v1+s18+$0x0] =	vst.idx.add.f32.msk $0xffff, v2  }
0x4a1: {  	v1 =	vld [tilespmem:$0xBB0]  }
0x4a2: {  	v2 =	vld [tilespmem:$0xCB0];
	_ =	sdelay $0x2  }
0x4a3: {  	v3 =	vld [tilespmem:$0xDB0];
	_ =	sdelay $0x1  }
0x4a4: {  	v1 =	vadd.f32 $1.000000000e+01, v1;
	v2 =	vadd.f32 $1.000000000e+01, v2;
	_ =	sdelay $0x1  }
0x4a5: {  	v1 =	vadd.f32 $1.258291200e+07, v1;
	v2 =	vadd.f32 $1.258291200e+07, v2  }
0x4a6: {  	v3 =	vadd.f32 $1.000000000e+01, v3  }
0x4a7: {  	v1 =	vadd.f32 $-1.258291200e+07, v1;
	v2 =	vadd.f32 $-1.258291200e+07, v2;
	_ =	sdelay $0x1  }
0x4a8: {  	v3 =	vadd.f32 $1.258291200e+07, v3;
	v39 =	vmax.f32 v1, $0.0e+00;
	v40 =	vmax.f32 v2, $0.0e+00  }
0x4a9: {  	v4 =	vmin.f32 v39, $2.000000000e+01;
	v5 =	vmin.f32 v40, $2.000000000e+01  }
0x4aa: {  	v3 =	vadd.f32 $-1.258291200e+07, v3;
	v41 =	vmul.f32 $4.410000000e+02, v4;
	v42 =	vmul.f32 $2.100000000e+01, v5;
	_ =	sdelay $0x1  }
0x4ab: {  	v43 =	vmax.f32 v3, $0.0e+00;
	v6 =	vadd.f32 v42, v41  }
0x4ac: {  	v7 =	vmin.f32 v43, $2.000000000e+01  }
0x4ad: {  	v6 =	vadd.f32 v6, v7;
	_ =	sdelay $0x1  }
0x4ae: {  	vm13 =	veq.f32 v1, v4;
	vm14 =	veq.f32 v2, v5;
	v1 =	vtrunc.f32 v6  }
0x4af: {  	vm15 =	veq.f32 v3, v7;
	vm0 =	vmand vm13, vm14;
	v1 =	vcvt.f32.s32 v1  }
0x4b0: {  	vm0 =	vmand vm0, vm15  }
0x4b1: {  	v1 =	vnsel vm0, $0x242D, v1  }
0x4b2: {  	v2 =	vshll.u32 v1, $0x3  }
0x4b3: {  	v1 =	vand.u32 $0x7F, v1;
	v2 =	vand.u32 $0xFFFFFC00, v2  }
0x4b4: {  	v3 =	vld [tilespmem:$0xEB0];
	v1 =	vor.u32 v1, v2;
	_ =	sdelay $0x4  }
0x4b5: {  	[tilespmem:v1+s18+$0x0] =	vst.idx.add.f32.msk $0xffff, v3  }
0x4b6: {  	v3 =	vor.u32 $0x80, v1;
	v2 =	vld [tilespmem:$0xFB0];
	_ =	sdelay $0x4  }
0x4b7: {  	[tilespmem:v3+s18+$0x0] =	vst.idx.add.f32.msk $0xffff, v2  }
0x4b8: {  	v3 =	vor.u32 $0x100, v1;
	v2 =	vld [tilespmem:$0x10B0];
	_ =	sdelay $0x4  }
0x4b9: {  	[tilespmem:v3+s18+$0x0] =	vst.idx.add.f32.msk $0xffff, v2  }
0x4ba: {  	v3 =	vor.u32 $0x180, v1;
	v2 =	vld [tilespmem:$0x11B0];
	_ =	sdelay $0x4  }
0x4bb: {  	[tilespmem:v3+s18+$0x0] =	vst.idx.add.f32.msk $0xffff, v2  }
0x4bc: {  	v3 =	vor.u32 $0x200, v1;
	v2 =	vld [tilespmem:$0x12B0];
	_ =	sdelay $0x4  }
0x4bd: {  	[tilespmem:v3+s18+$0x0] =	vst.idx.add.f32.msk $0xffff, v2  }
0x4be: {  	v3 =	vor.u32 $0x280, v1;
	v2 =	vld [tilespmem:$0x13B0];
	_ =	sdelay $0x4  }
0x4bf: {  	[tilespmem:v3+s18+$0x0] =	vst.idx.add.f32.msk $0xffff, v2  }
0x4c0: {  	v3 =	vor.u32 $0x300, v1;
	v2 =	vld [tilespmem:$0x14B0];
	_ =	sdelay $0x4  }
0x4c1: {  	[tilespmem:v3+s18+$0x0] =	vst.idx.add.f32.msk $0xffff, v2  }
0x4c2: {  	v1 =	vor.u32 $0x380, v1;
	v2 =	vld [tilespmem:$0x15B0];
	_ =	sdelay $0x4  }
0x4c3: {  	[tilespmem:v1+s18+$0x0] =	vst.idx.add.f32.msk $0xffff, v2  }
0x4c4: {  	v1 =	vld [tilespmem:$0xBC0]  }
0x4c5: {  	v2 =	vld [tilespmem:$0xCC0];
	_ =	sdelay $0x2  }
0x4c6: {  	v3 =	vld [tilespmem:$0xDC0];
	_ =	sdelay $0x1  }
0x4c7: {  	v1 =	vadd.f32 $1.000000000e+01, v1;
	v2 =	vadd.f32 $1.000000000e+01, v2;
	_ =	sdelay $0x1  }
0x4c8: {  	v1 =	vadd.f32 $1.258291200e+07, v1;
	v2 =	vadd.f32 $1.258291200e+07, v2  }
0x4c9: {  	v3 =	vadd.f32 $1.000000000e+01, v3  }
0x4ca: {  	v1 =	vadd.f32 $-1.258291200e+07, v1;
	v2 =	vadd.f32 $-1.258291200e+07, v2;
	_ =	sdelay $0x1  }
0x4cb: {  	v3 =	vadd.f32 $1.258291200e+07, v3;
	v44 =	vmax.f32 v1, $0.0e+00;
	v45 =	vmax.f32 v2, $0.0e+00  }
0x4cc: {  	v4 =	vmin.f32 v44, $2.000000000e+01;
	v5 =	vmin.f32 v45, $2.000000000e+01  }
0x4cd: {  	v3 =	vadd.f32 $-1.258291200e+07, v3;
	v46 =	vmul.f32 $4.410000000e+02, v4;
	v47 =	vmul.f32 $2.100000000e+01, v5;
	_ =	sdelay $0x1  }
0x4ce: {  	v48 =	vmax.f32 v3, $0.0e+00;
	v6 =	vadd.f32 v47, v46  }
0x4cf: {  	v7 =	vmin.f32 v48, $2.000000000e+01  }
0x4d0: {  	v6 =	vadd.f32 v6, v7;
	_ =	sdelay $0x1  }
0x4d1: {  	vm4 =	veq.f32 v1, v4;
	vm5 =	veq.f32 v2, v5;
	v1 =	vtrunc.f32 v6  }
0x4d2: {  	vm6 =	veq.f32 v3, v7;
	vm0 =	vmand vm4, vm5;
	v1 =	vcvt.f32.s32 v1  }
0x4d3: {  	vm0 =	vmand vm0, vm6  }
0x4d4: {  	v1 =	vnsel vm0, $0x242D, v1  }
0x4d5: {  	v2 =	vshll.u32 v1, $0x3  }
0x4d6: {  	v1 =	vand.u32 $0x7F, v1;
	v2 =	vand.u32 $0xFFFFFC00, v2  }
0x4d7: {  	v3 =	vld [tilespmem:$0xEC0];
	v1 =	vor.u32 v1, v2;
	_ =	sdelay $0x4  }
0x4d8: {  	[tilespmem:v1+s18+$0x0] =	vst.idx.add.f32.msk $0xffff, v3  }
0x4d9: {  	v3 =	vor.u32 $0x80, v1;
	v2 =	vld [tilespmem:$0xFC0];
	_ =	sdelay $0x4  }
0x4da: {  	[tilespmem:v3+s18+$0x0] =	vst.idx.add.f32.msk $0xffff, v2  }
0x4db: {  	v3 =	vor.u32 $0x100, v1;
	v2 =	vld [tilespmem:$0x10C0];
	_ =	sdelay $0x4  }
0x4dc: {  	[tilespmem:v3+s18+$0x0] =	vst.idx.add.f32.msk $0xffff, v2  }
0x4dd: {  	v3 =	vor.u32 $0x180, v1;
	v2 =	vld [tilespmem:$0x11C0];
	_ =	sdelay $0x4  }
0x4de: {  	[tilespmem:v3+s18+$0x0] =	vst.idx.add.f32.msk $0xffff, v2  }
0x4df: {  	v3 =	vor.u32 $0x200, v1;
	v2 =	vld [tilespmem:$0x12C0];
	_ =	sdelay $0x4  }
0x4e0: {  	[tilespmem:v3+s18+$0x0] =	vst.idx.add.f32.msk $0xffff, v2  }
0x4e1: {  	v3 =	vor.u32 $0x280, v1;
	v2 =	vld [tilespmem:$0x13C0];
	_ =	sdelay $0x4  }
0x4e2: {  	[tilespmem:v3+s18+$0x0] =	vst.idx.add.f32.msk $0xffff, v2  }
0x4e3: {  	v3 =	vor.u32 $0x300, v1;
	v2 =	vld [tilespmem:$0x14C0];
	_ =	sdelay $0x4  }
0x4e4: {  	[tilespmem:v3+s18+$0x0] =	vst.idx.add.f32.msk $0xffff, v2  }
0x4e5: {  	v1 =	vor.u32 $0x380, v1;
	v2 =	vld [tilespmem:$0x15C0];
	_ =	sdelay $0x4  }
0x4e6: {  	[tilespmem:v1+s18+$0x0] =	vst.idx.add.f32.msk $0xffff, v2  }
0x4e7: {  	v1 =	vld [tilespmem:$0xBD0]  }
0x4e8: {  	v2 =	vld [tilespmem:$0xCD0];
	_ =	sdelay $0x2  }
0x4e9: {  	v3 =	vld [tilespmem:$0xDD0];
	_ =	sdelay $0x1  }
0x4ea: {  	v1 =	vadd.f32 $1.000000000e+01, v1;
	v2 =	vadd.f32 $1.000000000e+01, v2;
	_ =	sdelay $0x1  }
0x4eb: {  	v1 =	vadd.f32 $1.258291200e+07, v1;
	v2 =	vadd.f32 $1.258291200e+07, v2  }
0x4ec: {  	v3 =	vadd.f32 $1.000000000e+01, v3  }
0x4ed: {  	v1 =	vadd.f32 $-1.258291200e+07, v1;
	v2 =	vadd.f32 $-1.258291200e+07, v2;
	_ =	sdelay $0x1  }
0x4ee: {  	v3 =	vadd.f32 $1.258291200e+07, v3;
	v49 =	vmax.f32 v1, $0.0e+00;
	v50 =	vmax.f32 v2, $0.0e+00  }
0x4ef: {  	v4 =	vmin.f32 v49, $2.000000000e+01;
	v5 =	vmin.f32 v50, $2.000000000e+01  }
0x4f0: {  	v3 =	vadd.f32 $-1.258291200e+07, v3;
	v51 =	vmul.f32 $4.410000000e+02, v4;
	v52 =	vmul.f32 $2.100000000e+01, v5;
	_ =	sdelay $0x1  }
0x4f1: {  	v53 =	vmax.f32 v3, $0.0e+00;
	v6 =	vadd.f32 v52, v51  }
0x4f2: {  	v7 =	vmin.f32 v53, $2.000000000e+01  }
0x4f3: {  	v6 =	vadd.f32 v6, v7;
	_ =	sdelay $0x1  }
0x4f4: {  	vm7 =	veq.f32 v1, v4;
	vm8 =	veq.f32 v2, v5;
	v1 =	vtrunc.f32 v6  }
0x4f5: {  	vm9 =	veq.f32 v3, v7;
	vm0 =	vmand vm7, vm8;
	v1 =	vcvt.f32.s32 v1  }
0x4f6: {  	vm0 =	vmand vm0, vm9  }
0x4f7: {  	v1 =	vnsel vm0, $0x242D, v1  }
0x4f8: {  	v2 =	vshll.u32 v1, $0x3  }
0x4f9: {  	v1 =	vand.u32 $0x7F, v1;
	v2 =	vand.u32 $0xFFFFFC00, v2  }
0x4fa: {  	v3 =	vld [tilespmem:$0xED0];
	v1 =	vor.u32 v1, v2;
	_ =	sdelay $0x4  }
0x4fb: {  	[tilespmem:v1+s18+$0x0] =	vst.idx.add.f32.msk $0xffff, v3  }
0x4fc: {  	v3 =	vor.u32 $0x80, v1;
	v2 =	vld [tilespmem:$0xFD0];
	_ =	sdelay $0x4  }
0x4fd: {  	[tilespmem:v3+s18+$0x0] =	vst.idx.add.f32.msk $0xffff, v2  }
0x4fe: {  	v3 =	vor.u32 $0x100, v1;
	v2 =	vld [tilespmem:$0x10D0];
	_ =	sdelay $0x4  }
0x4ff: {  	[tilespmem:v3+s18+$0x0] =	vst.idx.add.f32.msk $0xffff, v2  }
0x500: {  	v3 =	vor.u32 $0x180, v1;
	v2 =	vld [tilespmem:$0x11D0];
	_ =	sdelay $0x4  }
0x501: {  	[tilespmem:v3+s18+$0x0] =	vst.idx.add.f32.msk $0xffff, v2  }
0x502: {  	v3 =	vor.u32 $0x200, v1;
	v2 =	vld [tilespmem:$0x12D0];
	_ =	sdelay $0x4  }
0x503: {  	[tilespmem:v3+s18+$0x0] =	vst.idx.add.f32.msk $0xffff, v2  }
0x504: {  	v3 =	vor.u32 $0x280, v1;
	v2 =	vld [tilespmem:$0x13D0];
	_ =	sdelay $0x4  }
0x505: {  	[tilespmem:v3+s18+$0x0] =	vst.idx.add.f32.msk $0xffff, v2  }
0x506: {  	v3 =	vor.u32 $0x300, v1;
	v2 =	vld [tilespmem:$0x14D0];
	_ =	sdelay $0x4  }
0x507: {  	[tilespmem:v3+s18+$0x0] =	vst.idx.add.f32.msk $0xffff, v2  }
0x508: {  	v1 =	vor.u32 $0x380, v1;
	v2 =	vld [tilespmem:$0x15D0];
	_ =	sdelay $0x4  }
0x509: {  	[tilespmem:v1+s18+$0x0] =	vst.idx.add.f32.msk $0xffff, v2  }
0x50a: {  	v1 =	vld [tilespmem:$0xBE0]  }
0x50b: {  	v2 =	vld [tilespmem:$0xCE0];
	_ =	sdelay $0x2  }
0x50c: {  	v3 =	vld [tilespmem:$0xDE0];
	_ =	sdelay $0x1  }
0x50d: {  	v1 =	vadd.f32 $1.000000000e+01, v1;
	v2 =	vadd.f32 $1.000000000e+01, v2;
	_ =	sdelay $0x1  }
0x50e: {  	v1 =	vadd.f32 $1.258291200e+07, v1;
	v2 =	vadd.f32 $1.258291200e+07, v2  }
0x50f: {  	v3 =	vadd.f32 $1.000000000e+01, v3  }
0x510: {  	v1 =	vadd.f32 $-1.258291200e+07, v1;
	v2 =	vadd.f32 $-1.258291200e+07, v2;
	_ =	sdelay $0x1  }
0x511: {  	v3 =	vadd.f32 $1.258291200e+07, v3;
	v54 =	vmax.f32 v1, $0.0e+00;
	v55 =	vmax.f32 v2, $0.0e+00  }
0x512: {  	v4 =	vmin.f32 v54, $2.000000000e+01;
	v5 =	vmin.f32 v55, $2.000000000e+01  }
0x513: {  	v3 =	vadd.f32 $-1.258291200e+07, v3;
	v56 =	vmul.f32 $4.410000000e+02, v4;
	v57 =	vmul.f32 $2.100000000e+01, v5;
	_ =	sdelay $0x1  }
0x514: {  	v58 =	vmax.f32 v3, $0.0e+00;
	v6 =	vadd.f32 v57, v56  }
0x515: {  	v7 =	vmin.f32 v58, $2.000000000e+01  }
0x516: {  	v6 =	vadd.f32 v6, v7;
	_ =	sdelay $0x1  }
0x517: {  	vm10 =	veq.f32 v1, v4;
	vm11 =	veq.f32 v2, v5;
	v1 =	vtrunc.f32 v6  }
0x518: {  	vm12 =	veq.f32 v3, v7;
	vm0 =	vmand vm10, vm11;
	v1 =	vcvt.f32.s32 v1  }
0x519: {  	vm0 =	vmand vm0, vm12  }
0x51a: {  	v1 =	vnsel vm0, $0x242D, v1  }
0x51b: {  	v2 =	vshll.u32 v1, $0x3  }
0x51c: {  	v1 =	vand.u32 $0x7F, v1;
	v2 =	vand.u32 $0xFFFFFC00, v2  }
0x51d: {  	v3 =	vld [tilespmem:$0xEE0];
	v1 =	vor.u32 v1, v2;
	_ =	sdelay $0x4  }
0x51e: {  	[tilespmem:v1+s18+$0x0] =	vst.idx.add.f32.msk $0xffff, v3  }
0x51f: {  	v3 =	vor.u32 $0x80, v1;
	v2 =	vld [tilespmem:$0xFE0];
	_ =	sdelay $0x4  }
0x520: {  	[tilespmem:v3+s18+$0x0] =	vst.idx.add.f32.msk $0xffff, v2  }
0x521: {  	v3 =	vor.u32 $0x100, v1;
	v2 =	vld [tilespmem:$0x10E0];
	_ =	sdelay $0x4  }
0x522: {  	[tilespmem:v3+s18+$0x0] =	vst.idx.add.f32.msk $0xffff, v2  }
0x523: {  	v3 =	vor.u32 $0x180, v1;
	v2 =	vld [tilespmem:$0x11E0];
	_ =	sdelay $0x4  }
0x524: {  	[tilespmem:v3+s18+$0x0] =	vst.idx.add.f32.msk $0xffff, v2  }
0x525: {  	v3 =	vor.u32 $0x200, v1;
	v2 =	vld [tilespmem:$0x12E0];
	_ =	sdelay $0x4  }
0x526: {  	[tilespmem:v3+s18+$0x0] =	vst.idx.add.f32.msk $0xffff, v2  }
0x527: {  	v3 =	vor.u32 $0x280, v1;
	v2 =	vld [tilespmem:$0x13E0];
	_ =	sdelay $0x4  }
0x528: {  	[tilespmem:v3+s18+$0x0] =	vst.idx.add.f32.msk $0xffff, v2  }
0x529: {  	v3 =	vor.u32 $0x300, v1;
	v2 =	vld [tilespmem:$0x14E0];
	_ =	sdelay $0x4  }
0x52a: {  	[tilespmem:v3+s18+$0x0] =	vst.idx.add.f32.msk $0xffff, v2  }
0x52b: {  	v1 =	vor.u32 $0x380, v1;
	v2 =	vld [tilespmem:$0x15E0];
	_ =	sdelay $0x4  }
0x52c: {  	[tilespmem:v1+s18+$0x0] =	vst.idx.add.f32.msk $0xffff, v2  }
0x52d: {  	v1 =	vld [tilespmem:$0xBF0]  }
0x52e: {  	v2 =	vld [tilespmem:$0xCF0];
	_ =	sdelay $0x2  }
0x52f: {  	v3 =	vld [tilespmem:$0xDF0];
	_ =	sdelay $0x1  }
0x530: {  	v1 =	vadd.f32 $1.000000000e+01, v1;
	v2 =	vadd.f32 $1.000000000e+01, v2;
	_ =	sdelay $0x1  }
0x531: {  	v1 =	vadd.f32 $1.258291200e+07, v1;
	v2 =	vadd.f32 $1.258291200e+07, v2  }
0x532: {  	v3 =	vadd.f32 $1.000000000e+01, v3  }
0x533: {  	v1 =	vadd.f32 $-1.258291200e+07, v1;
	v2 =	vadd.f32 $-1.258291200e+07, v2;
	_ =	sdelay $0x1  }
0x534: {  	v3 =	vadd.f32 $1.258291200e+07, v3;
	v59 =	vmax.f32 v1, $0.0e+00;
	v60 =	vmax.f32 v2, $0.0e+00  }
0x535: {  	v4 =	vmin.f32 v59, $2.000000000e+01;
	v5 =	vmin.f32 v60, $2.000000000e+01  }
0x536: {  	v3 =	vadd.f32 $-1.258291200e+07, v3;
	v61 =	vmul.f32 $4.410000000e+02, v4;
	v62 =	vmul.f32 $2.100000000e+01, v5;
	_ =	sdelay $0x1  }
0x537: {  	v63 =	vmax.f32 v3, $0.0e+00;
	v6 =	vadd.f32 v62, v61  }
0x538: {  	v7 =	vmin.f32 v63, $2.000000000e+01  }
0x539: {  	v6 =	vadd.f32 v6, v7;
	_ =	sdelay $0x1  }
0x53a: {  	vm13 =	veq.f32 v1, v4;
	vm14 =	veq.f32 v2, v5;
	v1 =	vtrunc.f32 v6  }
0x53b: {  	vm15 =	veq.f32 v3, v7;
	vm0 =	vmand vm13, vm14;
	v1 =	vcvt.f32.s32 v1  }
0x53c: {  	vm0 =	vmand vm0, vm15  }
0x53d: {  	v1 =	vnsel vm0, $0x242D, v1  }
0x53e: {  	v2 =	vshll.u32 v1, $0x3  }
0x53f: {  	v1 =	vand.u32 $0x7F, v1;
	v2 =	vand.u32 $0xFFFFFC00, v2  }
0x540: {  	v3 =	vld [tilespmem:$0xEF0];
	v1 =	vor.u32 v1, v2;
	_ =	sdelay $0x4  }
0x541: {  	[tilespmem:v1+s18+$0x0] =	vst.idx.add.f32.msk $0xffff, v3  }
0x542: {  	v3 =	vor.u32 $0x80, v1;
	v2 =	vld [tilespmem:$0xFF0];
	_ =	sdelay $0x4  }
0x543: {  	[tilespmem:v3+s18+$0x0] =	vst.idx.add.f32.msk $0xffff, v2  }
0x544: {  	v3 =	vor.u32 $0x100, v1;
	v2 =	vld [tilespmem:$0x10F0];
	_ =	sdelay $0x4  }
0x545: {  	[tilespmem:v3+s18+$0x0] =	vst.idx.add.f32.msk $0xffff, v2  }
0x546: {  	v3 =	vor.u32 $0x180, v1;
	v2 =	vld [tilespmem:$0x11F0];
	_ =	sdelay $0x4  }
0x547: {  	[tilespmem:v3+s18+$0x0] =	vst.idx.add.f32.msk $0xffff, v2  }
0x548: {  	v3 =	vor.u32 $0x200, v1;
	v2 =	vld [tilespmem:$0x12F0];
	_ =	sdelay $0x4  }
0x549: {  	[tilespmem:v3+s18+$0x0] =	vst.idx.add.f32.msk $0xffff, v2  }
0x54a: {  	v3 =	vor.u32 $0x280, v1;
	v2 =	vld [tilespmem:$0x13F0];
	_ =	sdelay $0x4  }
0x54b: {  	[tilespmem:v3+s18+$0x0] =	vst.idx.add.f32.msk $0xffff, v2  }
0x54c: {  	v3 =	vor.u32 $0x300, v1;
	v2 =	vld [tilespmem:$0x14F0];
	_ =	sdelay $0x4  }
0x54d: {  	[tilespmem:v3+s18+$0x0] =	vst.idx.add.f32.msk $0xffff, v2  }
0x54e: {  	v1 =	vor.u32 $0x380, v1;
	v2 =	vld [tilespmem:$0x15F0]  }
.Ltmp7:
0x54f: {  	_ = 	snop;
	(pc) =	sbr.rel .LBB2_8-.Ltmp7, $2  }
0x550: {  	_ =	sdelay $0x2  }
0x551: {  	[tilespmem:v1+s18+$0x0] =	vst.idx.add.f32.msk $0xffff, v2  }
.LBB2_9:
.Ltmp8:
0x552: {  	(pc) =	sbr.rel @p0 .LBB2_11-.Ltmp8, $1  }
0x553: {  	_ =	sdelay $0x3  }
0x554: {  	s3 =	rddreg [dreg:$0xe]  }
0x555: {  	[tilespmem:s4], [sflag:$0x3] =	stream.linear.gather [hbm4b:s3+s4], $0x100, $0x38;
	[tilespmem:$0x13A00] =	vst v63  }
0x556: {  	_ =	swait.ge [sflag:s20], $0x100  }
0x557: {  	[sflag:s20] =	ssyncset.done $0x0  }
0x558: {  	s8 =	simm.s32 $0x100;
	s22 =	rddreg [dreg:$0xf];
	[sflag:s20] =	ssyncadd.s32 $0xFFFFFF00  }
0x559: {  	[tilespmem:s8], [sflag:$0x3] =	stream.linear.gather [hbm4b:s22+s4], $0x100, $0x38;
	[tilespmem:$0x13A00] =	vst v63  }
0x55a: {  	_ =	swait.ge [sflag:s20], $0x100  }
0x55b: {  	[sflag:s20] =	ssyncset.done $0x0  }
0x55c: {  	s28 =	simm.s32 $0x200;
	s26 =	rddreg [dreg:$0x10];
	[sflag:s20] =	ssyncadd.s32 $0xFFFFFF00  }
0x55d: {  	[tilespmem:s28], [sflag:$0x3] =	stream.linear.gather [hbm4b:s26+s4], $0x100, $0x38;
	[tilespmem:$0x13A00] =	vst v63  }
0x55e: {  	_ =	swait.ge [sflag:s20], $0x100  }
0x55f: {  	[sflag:s20] =	ssyncset.done $0x0  }
0x560: {  	s9 =	simm.s32 $0x300;
	s8 =	rddreg [dreg:$0x6];
	[sflag:s20] =	ssyncadd.s32 $0xFFFFFF00  }
0x561: {  	[tilespmem:s9], [sflag:$0x3] =	stream.linear.gather [hbm4b:s8+s4], $0x100, $0x38;
	[tilespmem:$0x13A00] =	vst v63  }
0x562: {  	_ =	swait.ge [sflag:s20], $0x100  }
0x563: {  	[sflag:s20] =	ssyncset.done $0x0  }
0x564: {  	s16 =	simm.s32 $0x400;
	s10 =	rddreg [dreg:$0x7];
	[sflag:s20] =	ssyncadd.s32 $0xFFFFFF00  }
0x565: {  	[tilespmem:s16], [sflag:$0x3] =	stream.linear.gather [hbm4b:s10+s4], $0x100, $0x38;
	[tilespmem:$0x13A00] =	vst v63  }
0x566: {  	_ =	swait.ge [sflag:s20], $0x100  }
0x567: {  	[sflag:s20] =	ssyncset.done $0x0  }
0x568: {  	s22 =	simm.s32 $0x500;
	s17 =	rddreg [dreg:$0x8];
	[sflag:s20] =	ssyncadd.s32 $0xFFFFFF00  }
0x569: {  	[tilespmem:s22], [sflag:$0x3] =	stream.linear.gather [hbm4b:s17+s4], $0x100, $0x38;
	[tilespmem:$0x13A00] =	vst v63  }
0x56a: {  	_ =	swait.ge [sflag:s20], $0x100  }
0x56b: {  	[sflag:s20] =	ssyncset.done $0x0  }
0x56c: {  	s28 =	simm.s32 $0x600;
	s26 =	rddreg [dreg:$0x9];
	[sflag:s20] =	ssyncadd.s32 $0xFFFFFF00  }
0x56d: {  	[tilespmem:s28], [sflag:$0x3] =	stream.linear.gather [hbm4b:s26+s4], $0x100, $0x38;
	[tilespmem:$0x13A00] =	vst v63  }
0x56e: {  	_ =	swait.ge [sflag:s20], $0x100  }
0x56f: {  	[sflag:s20] =	ssyncset.done $0x0  }
0x570: {  	s9 =	simm.s32 $0x700;
	s8 =	rddreg [dreg:$0xa];
	[sflag:s20] =	ssyncadd.s32 $0xFFFFFF00  }
0x571: {  	[tilespmem:s9], [sflag:$0x3] =	stream.linear.gather [hbm4b:s8+s4], $0x100, $0x38;
	[tilespmem:$0x13A00] =	vst v63  }
0x572: {  	_ =	swait.ge [sflag:s20], $0x100  }
0x573: {  	[sflag:s20] =	ssyncset.done $0x0  }
0x574: {  	s16 =	simm.s32 $0x800;
	s10 =	rddreg [dreg:$0xb];
	[sflag:s20] =	ssyncadd.s32 $0xFFFFFF00  }
0x575: {  	[tilespmem:s16], [sflag:$0x3] =	stream.linear.gather [hbm4b:s10+s4], $0x100, $0x38;
	[tilespmem:$0x13A00] =	vst v63  }
0x576: {  	_ =	swait.ge [sflag:s20], $0x100  }
0x577: {  	[sflag:s20] =	ssyncset.done $0x0  }
0x578: {  	s22 =	simm.s32 $0x900;
	s17 =	rddreg [dreg:$0xc];
	[sflag:s20] =	ssyncadd.s32 $0xFFFFFF00  }
0x579: {  	[tilespmem:s22], [sflag:$0x3] =	stream.linear.gather [hbm4b:s17+s4], $0x100, $0x38;
	[tilespmem:$0x13A00] =	vst v63  }
0x57a: {  	_ =	swait.ge [sflag:s20], $0x100  }
0x57b: {  	[sflag:s20] =	ssyncset.done $0x0  }
0x57c: {  	s28 =	simm.s32 $0xA00;
	s26 =	rddreg [dreg:$0xd];
	[sflag:s20] =	ssyncadd.s32 $0xFFFFFF00  }
0x57d: {  	[tilespmem:s28], [sflag:$0x3] =	stream.linear.gather [hbm4b:s26+s4], $0x100, $0x38;
	[tilespmem:$0x13A00] =	vst v63  }
0x57e: {  	_ =	swait.ge [sflag:s20], $0x100  }
0x57f: {  	[sflag:s20] =	ssyncset.done $0x0  }
0x580: {  	[sflag:s20] =	ssyncadd.s32 $0xFFFFFF00  }
0x581: {  	v1 =	vld [tilespmem:$0xC0]  }
0x582: {  	v2 =	vld [tilespmem:$0x1C0];
	_ =	sdelay $0x2  }
0x583: {  	v3 =	vld [tilespmem:$0x2C0];
	_ =	sdelay $0x1  }
0x584: {  	v1 =	vadd.f32 $1.000000000e+01, v1;
	v2 =	vadd.f32 $1.000000000e+01, v2;
	_ =	sdelay $0x1  }
0x585: {  	v1 =	vadd.f32 $1.258291200e+07, v1;
	v2 =	vadd.f32 $1.258291200e+07, v2  }
0x586: {  	v3 =	vadd.f32 $1.000000000e+01, v3  }
0x587: {  	v1 =	vadd.f32 $-1.258291200e+07, v1;
	v2 =	vadd.f32 $-1.258291200e+07, v2;
	_ =	sdelay $0x1  }
0x588: {  	v3 =	vadd.f32 $1.258291200e+07, v3;
	v4 =	vmax.f32 v1, $0.0e+00;
	v5 =	vmax.f32 v2, $0.0e+00  }
0x589: {  	v4 =	vmin.f32 v4, $2.000000000e+01;
	v5 =	vmin.f32 v5, $2.000000000e+01  }
0x58a: {  	v3 =	vadd.f32 $-1.258291200e+07, v3;
	v6 =	vmul.f32 $4.410000000e+02, v4;
	v7 =	vmul.f32 $2.100000000e+01, v5;
	_ =	sdelay $0x1  }
0x58b: {  	v48 =	vmax.f32 v3, $0.0e+00;
	v6 =	vadd.f32 v7, v6  }
0x58c: {  	v7 =	vmin.f32 v48, $2.000000000e+01  }
0x58d: {  	v6 =	vadd.f32 v6, v7;
	_ =	sdelay $0x1  }
0x58e: {  	vm0 =	veq.f32 v1, v4;
	vm1 =	veq.f32 v2, v5;
	v1 =	vtrunc.f32 v6  }
0x58f: {  	vm0 =	vmand vm0, vm1;
	vm6 =	veq.f32 v3, v7;
	v1 =	vcvt.f32.s32 v1  }
0x590: {  	vm0 =	vmand vm0, vm6  }
0x591: {  	v1 =	vnsel vm0, $0x242D, v1  }
0x592: {  	v2 =	vshll.u32 v1, $0x3  }
0x593: {  	v1 =	vand.u32 $0x7F, v1;
	v2 =	vand.u32 $0xFFFFFC00, v2  }
0x594: {  	v3 =	vld [tilespmem:$0x3C0];
	v1 =	vor.u32 v1, v2;
	_ =	sdelay $0x4  }
0x595: {  	[tilespmem:v1+s18+$0x0] =	vst.idx.add.f32.msk $0xffff, v3  }
0x596: {  	v3 =	vor.u32 $0x80, v1;
	v2 =	vld [tilespmem:$0x4C0];
	_ =	sdelay $0x4  }
0x597: {  	[tilespmem:v3+s18+$0x0] =	vst.idx.add.f32.msk $0xffff, v2  }
0x598: {  	v3 =	vor.u32 $0x100, v1;
	v2 =	vld [tilespmem:$0x5C0];
	_ =	sdelay $0x4  }
0x599: {  	[tilespmem:v3+s18+$0x0] =	vst.idx.add.f32.msk $0xffff, v2  }
0x59a: {  	v3 =	vor.u32 $0x180, v1;
	v2 =	vld [tilespmem:$0x6C0];
	_ =	sdelay $0x4  }
0x59b: {  	[tilespmem:v3+s18+$0x0] =	vst.idx.add.f32.msk $0xffff, v2  }
0x59c: {  	v3 =	vor.u32 $0x200, v1;
	v2 =	vld [tilespmem:$0x7C0];
	_ =	sdelay $0x4  }
0x59d: {  	[tilespmem:v3+s18+$0x0] =	vst.idx.add.f32.msk $0xffff, v2  }
0x59e: {  	v3 =	vor.u32 $0x280, v1;
	v2 =	vld [tilespmem:$0x8C0];
	_ =	sdelay $0x4  }
0x59f: {  	[tilespmem:v3+s18+$0x0] =	vst.idx.add.f32.msk $0xffff, v2  }
0x5a0: {  	v3 =	vor.u32 $0x300, v1;
	v2 =	vld [tilespmem:$0x9C0];
	_ =	sdelay $0x4  }
0x5a1: {  	[tilespmem:v3+s18+$0x0] =	vst.idx.add.f32.msk $0xffff, v2  }
0x5a2: {  	v1 =	vor.u32 $0x380, v1;
	v2 =	vld [tilespmem:$0xAC0];
	_ =	sdelay $0x4  }
0x5a3: {  	[tilespmem:v1+s18+$0x0] =	vst.idx.add.f32.msk $0xffff, v2  }
0x5a4: {  	v1 =	vld [tilespmem:$0xD0]  }
0x5a5: {  	v2 =	vld [tilespmem:$0x1D0];
	_ =	sdelay $0x2  }
0x5a6: {  	v3 =	vld [tilespmem:$0x2D0];
	_ =	sdelay $0x1  }
0x5a7: {  	v1 =	vadd.f32 $1.000000000e+01, v1;
	v2 =	vadd.f32 $1.000000000e+01, v2;
	_ =	sdelay $0x1  }
0x5a8: {  	v1 =	vadd.f32 $1.258291200e+07, v1;
	v2 =	vadd.f32 $1.258291200e+07, v2  }
0x5a9: {  	v3 =	vadd.f32 $1.000000000e+01, v3  }
0x5aa: {  	v1 =	vadd.f32 $-1.258291200e+07, v1;
	v2 =	vadd.f32 $-1.258291200e+07, v2;
	_ =	sdelay $0x1  }
0x5ab: {  	v3 =	vadd.f32 $1.258291200e+07, v3;
	v49 =	vmax.f32 v1, $0.0e+00;
	v50 =	vmax.f32 v2, $0.0e+00  }
0x5ac: {  	v4 =	vmin.f32 v49, $2.000000000e+01;
	v5 =	vmin.f32 v50, $2.000000000e+01  }
0x5ad: {  	v3 =	vadd.f32 $-1.258291200e+07, v3;
	v51 =	vmul.f32 $4.410000000e+02, v4;
	v52 =	vmul.f32 $2.100000000e+01, v5;
	_ =	sdelay $0x1  }
0x5ae: {  	v53 =	vmax.f32 v3, $0.0e+00;
	v6 =	vadd.f32 v52, v51  }
0x5af: {  	v7 =	vmin.f32 v53, $2.000000000e+01  }
0x5b0: {  	v6 =	vadd.f32 v6, v7;
	_ =	sdelay $0x1  }
0x5b1: {  	vm7 =	veq.f32 v1, v4;
	vm8 =	veq.f32 v2, v5;
	v1 =	vtrunc.f32 v6  }
0x5b2: {  	vm9 =	veq.f32 v3, v7;
	vm0 =	vmand vm7, vm8;
	v1 =	vcvt.f32.s32 v1  }
0x5b3: {  	vm0 =	vmand vm0, vm9  }
0x5b4: {  	v1 =	vnsel vm0, $0x242D, v1  }
0x5b5: {  	v2 =	vshll.u32 v1, $0x3  }
0x5b6: {  	v1 =	vand.u32 $0x7F, v1;
	v2 =	vand.u32 $0xFFFFFC00, v2  }
0x5b7: {  	v3 =	vld [tilespmem:$0x3D0];
	v1 =	vor.u32 v1, v2;
	_ =	sdelay $0x4  }
0x5b8: {  	[tilespmem:v1+s18+$0x0] =	vst.idx.add.f32.msk $0xffff, v3  }
0x5b9: {  	v3 =	vor.u32 $0x80, v1;
	v2 =	vld [tilespmem:$0x4D0];
	_ =	sdelay $0x4  }
0x5ba: {  	[tilespmem:v3+s18+$0x0] =	vst.idx.add.f32.msk $0xffff, v2  }
0x5bb: {  	v3 =	vor.u32 $0x100, v1;
	v2 =	vld [tilespmem:$0x5D0];
	_ =	sdelay $0x4  }
0x5bc: {  	[tilespmem:v3+s18+$0x0] =	vst.idx.add.f32.msk $0xffff, v2  }
0x5bd: {  	v3 =	vor.u32 $0x180, v1;
	v2 =	vld [tilespmem:$0x6D0];
	_ =	sdelay $0x4  }
0x5be: {  	[tilespmem:v3+s18+$0x0] =	vst.idx.add.f32.msk $0xffff, v2  }
0x5bf: {  	v3 =	vor.u32 $0x200, v1;
	v2 =	vld [tilespmem:$0x7D0];
	_ =	sdelay $0x4  }
0x5c0: {  	[tilespmem:v3+s18+$0x0] =	vst.idx.add.f32.msk $0xffff, v2  }
0x5c1: {  	v3 =	vor.u32 $0x280, v1;
	v2 =	vld [tilespmem:$0x8D0];
	_ =	sdelay $0x4  }
0x5c2: {  	[tilespmem:v3+s18+$0x0] =	vst.idx.add.f32.msk $0xffff, v2  }
0x5c3: {  	v3 =	vor.u32 $0x300, v1;
	v2 =	vld [tilespmem:$0x9D0];
	_ =	sdelay $0x4  }
0x5c4: {  	[tilespmem:v3+s18+$0x0] =	vst.idx.add.f32.msk $0xffff, v2  }
0x5c5: {  	v1 =	vor.u32 $0x380, v1;
	v2 =	vld [tilespmem:$0xAD0];
	_ =	sdelay $0x4  }
0x5c6: {  	[tilespmem:v1+s18+$0x0] =	vst.idx.add.f32.msk $0xffff, v2  }
0x5c7: {  	v1 =	vld [tilespmem:$0xE0]  }
0x5c8: {  	v2 =	vld [tilespmem:$0x1E0];
	_ =	sdelay $0x2  }
0x5c9: {  	v3 =	vld [tilespmem:$0x2E0];
	_ =	sdelay $0x1  }
0x5ca: {  	v1 =	vadd.f32 $1.000000000e+01, v1;
	v2 =	vadd.f32 $1.000000000e+01, v2;
	_ =	sdelay $0x1  }
0x5cb: {  	v1 =	vadd.f32 $1.258291200e+07, v1;
	v2 =	vadd.f32 $1.258291200e+07, v2  }
0x5cc: {  	v3 =	vadd.f32 $1.000000000e+01, v3  }
0x5cd: {  	v1 =	vadd.f32 $-1.258291200e+07, v1;
	v2 =	vadd.f32 $-1.258291200e+07, v2;
	_ =	sdelay $0x1  }
0x5ce: {  	v3 =	vadd.f32 $1.258291200e+07, v3;
	v54 =	vmax.f32 v1, $0.0e+00;
	v55 =	vmax.f32 v2, $0.0e+00  }
0x5cf: {  	v4 =	vmin.f32 v54, $2.000000000e+01;
	v5 =	vmin.f32 v55, $2.000000000e+01  }
0x5d0: {  	v3 =	vadd.f32 $-1.258291200e+07, v3;
	v56 =	vmul.f32 $4.410000000e+02, v4;
	v57 =	vmul.f32 $2.100000000e+01, v5;
	_ =	sdelay $0x1  }
0x5d1: {  	v58 =	vmax.f32 v3, $0.0e+00;
	v6 =	vadd.f32 v57, v56  }
0x5d2: {  	v7 =	vmin.f32 v58, $2.000000000e+01  }
0x5d3: {  	v6 =	vadd.f32 v6, v7;
	_ =	sdelay $0x1  }
0x5d4: {  	vm10 =	veq.f32 v1, v4;
	vm11 =	veq.f32 v2, v5;
	v1 =	vtrunc.f32 v6  }
0x5d5: {  	vm12 =	veq.f32 v3, v7;
	vm0 =	vmand vm10, vm11;
	v1 =	vcvt.f32.s32 v1  }
0x5d6: {  	vm0 =	vmand vm0, vm12  }
0x5d7: {  	v1 =	vnsel vm0, $0x242D, v1  }
0x5d8: {  	v2 =	vshll.u32 v1, $0x3  }
0x5d9: {  	v1 =	vand.u32 $0x7F, v1;
	v2 =	vand.u32 $0xFFFFFC00, v2  }
0x5da: {  	v3 =	vld [tilespmem:$0x3E0];
	v1 =	vor.u32 v1, v2;
	_ =	sdelay $0x4  }
0x5db: {  	[tilespmem:v1+s18+$0x0] =	vst.idx.add.f32.msk $0xffff, v3  }
0x5dc: {  	v3 =	vor.u32 $0x80, v1;
	v2 =	vld [tilespmem:$0x4E0];
	_ =	sdelay $0x4  }
0x5dd: {  	[tilespmem:v3+s18+$0x0] =	vst.idx.add.f32.msk $0xffff, v2  }
0x5de: {  	v3 =	vor.u32 $0x100, v1;
	v2 =	vld [tilespmem:$0x5E0];
	_ =	sdelay $0x4  }
0x5df: {  	[tilespmem:v3+s18+$0x0] =	vst.idx.add.f32.msk $0xffff, v2  }
0x5e0: {  	v3 =	vor.u32 $0x180, v1;
	v2 =	vld [tilespmem:$0x6E0];
	_ =	sdelay $0x4  }
0x5e1: {  	[tilespmem:v3+s18+$0x0] =	vst.idx.add.f32.msk $0xffff, v2  }
0x5e2: {  	v3 =	vor.u32 $0x200, v1;
	v2 =	vld [tilespmem:$0x7E0];
	_ =	sdelay $0x4  }
0x5e3: {  	[tilespmem:v3+s18+$0x0] =	vst.idx.add.f32.msk $0xffff, v2  }
0x5e4: {  	v3 =	vor.u32 $0x280, v1;
	v2 =	vld [tilespmem:$0x8E0];
	_ =	sdelay $0x4  }
0x5e5: {  	[tilespmem:v3+s18+$0x0] =	vst.idx.add.f32.msk $0xffff, v2  }
0x5e6: {  	v3 =	vor.u32 $0x300, v1;
	v2 =	vld [tilespmem:$0x9E0];
	_ =	sdelay $0x4  }
0x5e7: {  	[tilespmem:v3+s18+$0x0] =	vst.idx.add.f32.msk $0xffff, v2  }
0x5e8: {  	v1 =	vor.u32 $0x380, v1;
	v2 =	vld [tilespmem:$0xAE0];
	_ =	sdelay $0x4  }
0x5e9: {  	[tilespmem:v1+s18+$0x0] =	vst.idx.add.f32.msk $0xffff, v2  }
0x5ea: {  	v1 =	vld [tilespmem:$0xF0]  }
0x5eb: {  	v2 =	vld [tilespmem:$0x1F0];
	_ =	sdelay $0x2  }
0x5ec: {  	v3 =	vld [tilespmem:$0x2F0];
	_ =	sdelay $0x1  }
0x5ed: {  	v1 =	vadd.f32 $1.000000000e+01, v1;
	v2 =	vadd.f32 $1.000000000e+01, v2;
	_ =	sdelay $0x1  }
0x5ee: {  	v1 =	vadd.f32 $1.258291200e+07, v1;
	v2 =	vadd.f32 $1.258291200e+07, v2  }
0x5ef: {  	v3 =	vadd.f32 $1.000000000e+01, v3  }
0x5f0: {  	v1 =	vadd.f32 $-1.258291200e+07, v1;
	v2 =	vadd.f32 $-1.258291200e+07, v2;
	_ =	sdelay $0x1  }
0x5f1: {  	v3 =	vadd.f32 $1.258291200e+07, v3;
	v59 =	vmax.f32 v1, $0.0e+00;
	v60 =	vmax.f32 v2, $0.0e+00  }
0x5f2: {  	v4 =	vmin.f32 v59, $2.000000000e+01;
	v5 =	vmin.f32 v60, $2.000000000e+01  }
0x5f3: {  	v3 =	vadd.f32 $-1.258291200e+07, v3;
	v61 =	vmul.f32 $4.410000000e+02, v4;
	v62 =	vmul.f32 $2.100000000e+01, v5;
	_ =	sdelay $0x1  }
0x5f4: {  	v63 =	vmax.f32 v3, $0.0e+00;
	v6 =	vadd.f32 v62, v61  }
0x5f5: {  	v7 =	vmin.f32 v63, $2.000000000e+01  }
0x5f6: {  	v6 =	vadd.f32 v6, v7;
	_ =	sdelay $0x1  }
0x5f7: {  	vm13 =	veq.f32 v1, v4;
	vm14 =	veq.f32 v2, v5;
	v1 =	vtrunc.f32 v6  }
0x5f8: {  	vm15 =	veq.f32 v3, v7;
	vm0 =	vmand vm13, vm14;
	v1 =	vcvt.f32.s32 v1  }
0x5f9: {  	vm0 =	vmand vm0, vm15  }
0x5fa: {  	v1 =	vnsel vm0, $0x242D, v1  }
0x5fb: {  	v2 =	vshll.u32 v1, $0x3  }
0x5fc: {  	v1 =	vand.u32 $0x7F, v1;
	v2 =	vand.u32 $0xFFFFFC00, v2  }
0x5fd: {  	v3 =	vld [tilespmem:$0x3F0];
	v1 =	vor.u32 v1, v2;
	_ =	sdelay $0x4  }
0x5fe: {  	[tilespmem:v1+s18+$0x0] =	vst.idx.add.f32.msk $0xffff, v3  }
0x5ff: {  	v3 =	vor.u32 $0x80, v1;
	v2 =	vld [tilespmem:$0x4F0];
	_ =	sdelay $0x4  }
0x600: {  	[tilespmem:v3+s18+$0x0] =	vst.idx.add.f32.msk $0xffff, v2  }
0x601: {  	v3 =	vor.u32 $0x100, v1;
	v2 =	vld [tilespmem:$0x5F0];
	_ =	sdelay $0x4  }
0x602: {  	[tilespmem:v3+s18+$0x0] =	vst.idx.add.f32.msk $0xffff, v2  }
0x603: {  	v3 =	vor.u32 $0x180, v1;
	v2 =	vld [tilespmem:$0x6F0];
	_ =	sdelay $0x4  }
0x604: {  	[tilespmem:v3+s18+$0x0] =	vst.idx.add.f32.msk $0xffff, v2  }
0x605: {  	v3 =	vor.u32 $0x200, v1;
	v2 =	vld [tilespmem:$0x7F0];
	_ =	sdelay $0x4  }
0x606: {  	[tilespmem:v3+s18+$0x0] =	vst.idx.add.f32.msk $0xffff, v2  }
0x607: {  	v3 =	vor.u32 $0x280, v1;
	v2 =	vld [tilespmem:$0x8F0];
	_ =	sdelay $0x4  }
0x608: {  	[tilespmem:v3+s18+$0x0] =	vst.idx.add.f32.msk $0xffff, v2  }
0x609: {  	v3 =	vor.u32 $0x300, v1;
	v2 =	vld [tilespmem:$0x9F0];
	_ =	sdelay $0x4  }
0x60a: {  	[tilespmem:v3+s18+$0x0] =	vst.idx.add.f32.msk $0xffff, v2  }
0x60b: {  	v1 =	vor.u32 $0x380, v1;
	v2 =	vld [tilespmem:$0xAF0]  }
.Ltmp9:
0x60c: {  	_ = 	snop;
	(pc) =	sbr.rel .LBB2_11-.Ltmp9, $2  }
0x60d: {  	_ =	sdelay $0x2  }
0x60e: {  	[tilespmem:v1+s18+$0x0] =	vst.idx.add.f32.msk $0xffff, v2  }
.LBB2_12:
0x60f: {  	_ =	sfence.sel $0x180000  }
0x610: {  	[bflag:$0x0] =	sbarrier.arrive $0xFFFF  }
0x611: {  	_ =	strace $0x90000047  }
0x612: {  	s0 =	stileid.u32;
	[bflag:$0x2] =	sbarrier.arrive $0xFFFF  }
0x613: {  	p0 =	sne.s32 s0, $0x0;
	s0 =	rddreg [dreg:$0x2]  }
0x614: {  	s0 =	sadd.s32 @!p0 $0x100000, s0  }
0x615: {  	[sflag:s0] =	ssyncadd.tile.s32 @!p0 $0x1;
	_ =	shalt  }
.Lfunc_end2:
_tile_overlayer_lowered:
.L_overlay_start_2:
0x616: {  	(tag) =	ssettag $0x2  }
0x617: {  	s0 =	rddreg [dreg:$0x0];
	s2 =	stileid.u32  }
0x618: {  	s1 =	rddreg [dreg:$0x1];
	p0 =	sne.s32 s2, $0x0  }
0x619: {  	s3 =	rddreg [dreg:$0x2];
	[bflag:$0x3] =	sbarrier.arrive $0xFFFF;
	s2 =	simm.s32 @!p0 $0x1C03  }
0x61a: {  	[timem:s3], [sflag:s2] =	dma.local @!p0 [hbm:s0], s1  }
0x61b: {  	s0 =	simm.s32 @!p0 $0x3  }
0x61c: {  	_ =	swait.ge @!p0 [sflag:s0], s1  }
0x61d: {  	s1 =	ssub.s32 @!p0 $0x0, s1;
	[sflag:s0] =	ssyncset.done @!p0 $0x0  }
0x61e: {  	[sflag:s0] =	ssyncadd.s32 @!p0 s1  }
0x61f: {  	[bflag:$0x3] =	sbarrier.arrive $0xFFFF  }
0x620: {  	_ =	shalt  }

</sc_bundles>
